<compile_context>
chip_gen: v7x
topology: tpu7x:2x2x1
jax: 0.10.2.dev20260603
libtpu: 0.0.44.dev20260713+nightly
codegen_flags: <defaults>
</compile_context>

<pallas_src>
import functools

import jax
import jax.numpy as jnp
from jax import lax
from jax.experimental import pallas as pl
from jax.experimental.pallas import tpu as pltpu
from jax.experimental.pallas import tpu_sc as plsc

NC = 2
NS = 16
L = 16
NW = NC * NS


def _phase_a_body(x_ref, g_ref, b_ref, w_ref, root_ref, bias_ref,
                  src_ref, dst_ref, typ_ref,
                  z_ref, outroot_ref, zidx_ref, widx_ref):
    @pl.when(pl.program_id(0) == 0)
    def _():
        t = typ_ref[...]
        rr = w_ref.shape[0]
        zidx_ref[...] = src_ref[...] * rr + t
        widx_ref[...] = dst_ref[...] * rr + t

    xb = x_ref[...]
    m = jnp.mean(xb, axis=1, keepdims=True)
    v = jnp.mean((xb - m) * (xb - m), axis=1, keepdims=True)
    xf = (xb - m) * lax.rsqrt(v + 1e-5) * g_ref[...] + b_ref[...]
    outroot_ref[...] = (
        jnp.dot(xf, root_ref[...], preferred_element_type=jnp.float32,
                precision=lax.Precision.HIGHEST)
        + bias_ref[...])
    r = w_ref.shape[0]
    c = xb.shape[1]
    for i in range(r):
        z_ref[:, i * c:(i + 1) * c] = jnp.dot(
            xf, w_ref[i], preferred_element_type=jnp.float32,
            precision=lax.Precision.HIGHEST)


def _phase_a(xf2, g, b, w, root, bias, src, dst, typ):
    m, c = xf2.shape
    r = w.shape[0]
    e = src.shape[0]
    bm = 1000
    grid = m // bm
    er = e // 128
    eb = er // grid
    esh = (er, 128)
    z, outroot, zidx, widx = pl.pallas_call(
        _phase_a_body,
        grid=(grid,),
        in_specs=[
            pl.BlockSpec((bm, c), lambda i: (i, 0)),
            pl.BlockSpec((1, c), lambda i: (0, 0)),
            pl.BlockSpec((1, c), lambda i: (0, 0)),
            pl.BlockSpec((r, c, c), lambda i: (0, 0, 0)),
            pl.BlockSpec((c, c), lambda i: (0, 0)),
            pl.BlockSpec((1, c), lambda i: (0, 0)),
            pl.BlockSpec((er, 128), lambda i: (0, 0)),
            pl.BlockSpec((er, 128), lambda i: (0, 0)),
            pl.BlockSpec((er, 128), lambda i: (0, 0)),
        ],
        out_specs=[
            pl.BlockSpec((bm, r * c), lambda i: (i, 0)),
            pl.BlockSpec((bm, c), lambda i: (i, 0)),
            pl.BlockSpec((er, 128), lambda i: (0, 0)),
            pl.BlockSpec((er, 128), lambda i: (0, 0)),
        ],
        out_shape=[
            jax.ShapeDtypeStruct((m, r * c), jnp.float32),
            jax.ShapeDtypeStruct((m, c), jnp.float32),
            jax.ShapeDtypeStruct(esh, jnp.int32),
            jax.ShapeDtypeStruct(esh, jnp.int32),
        ],
    )(xf2, g.reshape(1, c), b.reshape(1, c), w, root, bias.reshape(1, c),
      src.reshape(esh), dst.reshape(esh), typ.reshape(esh))
    return z, outroot, zidx.reshape(e), widx.reshape(e)


def _make_count_kernel(m_nodes, r_rel, e_total):
    nrow = 640
    rpt = nrow // NS
    e_per_t = e_total // NS
    mesh = plsc.VectorSubcoreMesh(core_axis_name="c", subcore_axis_name="s")

    @functools.partial(
        pl.kernel,
        out_type=jax.ShapeDtypeStruct((NC, nrow, 128), jnp.float32),
        mesh=mesh,
        scratch_types=[
            pltpu.VMEM((e_per_t,), jnp.int32),
            pltpu.VMEM((nrow, 128), jnp.float32),
            pltpu.VMEM((rpt, 128), jnp.float32),
            [pltpu.VMEM((128,), jnp.int32) for _ in range(5)],
            pltpu.VMEM_SHARED((nrow, 128), jnp.float32),
        ],
        compiler_params=pltpu.CompilerParams(needs_layout_passes=False),
    )
    def count_kernel(widx_hbm, out_hbm, wixall, cnt, stage, idrows, cnt_sh):
        cidx = lax.axis_index("c")
        sidx = lax.axis_index("s")
        base = sidx * e_per_t

        pltpu.sync_copy(widx_hbm.at[pl.ds(base, e_per_t)], wixall)

        for k in range(5):
            for g in range(8):
                idrows[k][pl.ds(g * L, L)] = (
                    lax.iota(jnp.int32, L) + k * 128 + g * L)

        def zrow(i, carry):
            for j in range(8):
                cnt[i, pl.ds(j * L, L)] = jnp.zeros((L,), jnp.float32)
            return carry

        lax.fori_loop(0, nrow, zrow, 0)
        pltpu.sync_copy(cnt.at[pl.ds(0, rpt)],
                        cnt_sh.at[pl.ds(sidx * rpt, rpt)])
        plsc.subcore_barrier()

        def acc(g, carry):
            wv = wixall[pl.ds(g * L, L)]
            row = lax.shift_right_logical(wv, 7)
            col = lax.bitwise_and(wv, 127)
            plsc.addupdate_scatter(cnt, [row, col],
                                   jnp.ones((L,), jnp.float32))
            return carry

        lax.fori_loop(0, e_per_t // L, acc, 0)

        for k in range(5):
            pltpu.sync_copy(cnt.at[pl.ds(k * 128, 128)],
                            cnt_sh.at[idrows[k]], add=True)
        plsc.subcore_barrier()

        pltpu.sync_copy(cnt_sh.at[pl.ds(sidx * rpt, rpt)], stage)
        pltpu.sync_copy(stage, out_hbm.at[cidx, pl.ds(sidx * rpt, rpt)])

    return count_kernel


def _make_edge_kernel(m_nodes, c_dim, r_rel, e_per_w, kc, nseg):
    nchunk = m_nodes // kc
    iters = -(-nchunk // NS)
    ng = e_per_w // kc
    mesh = plsc.VectorSubcoreMesh(core_axis_name="c", subcore_axis_name="s")

    @functools.partial(
        pl.kernel,
        out_type=jax.ShapeDtypeStruct((NC, m_nodes, c_dim), jnp.float32),
        mesh=mesh,
        scratch_types=[
            pltpu.VMEM((e_per_w,), jnp.int32),
            pltpu.VMEM((e_per_w,), jnp.int32),
            pltpu.VMEM((kc,), jnp.int32),
            pltpu.VMEM((kc,), jnp.int32),
            pltpu.VMEM((kc,), jnp.int32),
            pltpu.VMEM((kc,), jnp.int32),
            pltpu.VMEM((kc,), jnp.int32),
            pltpu.VMEM((kc,), jnp.int32),
            pltpu.VMEM((kc,), jnp.float32),
            pltpu.VMEM((kc,), jnp.float32),
            pltpu.VMEM((kc, c_dim), jnp.float32),
            pltpu.VMEM((kc, c_dim), jnp.float32),
            pltpu.VMEM_SHARED((nseg,), jnp.float32),
            pltpu.VMEM_SHARED((m_nodes, c_dim), jnp.float32),
            pltpu.SemaphoreType.DMA,
            pltpu.SemaphoreType.DMA,
            pltpu.SemaphoreType.DMA,
            pltpu.SemaphoreType.DMA,
        ],
        compiler_params=pltpu.CompilerParams(needs_layout_passes=False),
    )
    def edge_kernel(zidx_hbm, widx_hbm, cnt_hbm, z_hbm, out_hbm,
                    zixall, wixall, zb0, zb1, wib0, wib1, db0, db1,
                    wb0, wb1, zr0, zr1, invw_sh, acc_sh, sem0, sem1,
                    ssem0, ssem1):
        cidx = lax.axis_index("c")
        sidx = lax.axis_index("s")
        wid = sidx * NC + cidx
        base = wid * e_per_w

        @pl.when(sidx == 0)
        def _():
            pltpu.sync_copy(cnt_hbm.at[cidx], invw_sh)
        pltpu.sync_copy(zidx_hbm.at[pl.ds(base, e_per_w)], zixall)
        pltpu.sync_copy(widx_hbm.at[pl.ds(base, e_per_w)], wixall)

        def zrow(i, carry):
            for j in range(c_dim // L):
                zr0[i, pl.ds(j * L, L)] = jnp.zeros((L,), jnp.float32)
            return carry

        lax.fori_loop(0, kc, zrow, 0)
        for t in range(iters):
            ch = sidx + t * NS

            @pl.when(ch < nchunk)
            def _():
                pltpu.sync_copy(zr0, acc_sh.at[pl.ds(ch * kc, kc)])
        plsc.subcore_barrier()

        bufs = ((zb0, wib0, db0, wb0, zr0, sem0, ssem0),
                (zb1, wib1, db1, wb1, zr1, sem1, ssem1))

        def prepare(g, zb, wib, db, wb, zr, sem, ssem):
            @pl.when(g >= 2)
            def _():
                pltpu.make_async_copy(zr, acc_sh.at[db], ssem).wait()
            qb = g * kc
            for j in range(kc // L):
                zv = zixall[pl.ds(qb + j * L, L)]
                wv = wixall[pl.ds(qb + j * L, L)]
                zb[pl.ds(j * L, L)] = zv
                wib[pl.ds(j * L, L)] = wv
                db[pl.ds(j * L, L)] = lax.shift_right_logical(wv, 3)
            pltpu.sync_copy(invw_sh.at[wib], wb)
            pltpu.async_copy(z_hbm.at[zb], zr, sem)

        def drain(zb, wib, db, wb, zr, sem, ssem):
            pltpu.make_async_copy(z_hbm.at[zb], zr, sem).wait()

            def scale(g2, carry2):
                wv = 1.0 / jnp.maximum(wb[pl.ds(g2 * L, L)], 1.0)
                for e2 in range(L):
                    ws = wv[e2]
                    row = g2 * L + e2
                    for j in range(c_dim // L):
                        zr[row, pl.ds(j * L, L)] = (
                            zr[row, pl.ds(j * L, L)] * ws)
                return carry2

            lax.fori_loop(0, kc // L, scale, 0)
            pltpu.async_copy(zr, acc_sh.at[db], ssem, add=True)

        def step(g, carry):
            par = lax.rem(g, 2)

            @pl.when((g < ng) & (par == 0))
            def _():
                prepare(g, *bufs[0])

            @pl.when((g < ng) & (par == 1))
            def _():
                prepare(g, *bufs[1])

            @pl.when((g > 0) & (par == 1))
            def _():
                drain(*bufs[0])

            @pl.when((g > 0) & (par == 0))
            def _():
                drain(*bufs[1])

            return carry

        lax.fori_loop(0, ng + 1, step, 0)
        pltpu.make_async_copy(zr0, acc_sh.at[db0], ssem0).wait()
        pltpu.make_async_copy(zr1, acc_sh.at[db1], ssem1).wait()
        plsc.subcore_barrier()
        for t in range(iters):
            ch = sidx + t * NS

            @pl.when(ch < nchunk)
            def _():
                pltpu.sync_copy(acc_sh.at[pl.ds(ch * kc, kc)], zr0)
                pltpu.sync_copy(zr0, out_hbm.at[cidx, pl.ds(ch * kc, kc)])

    return edge_kernel


def _phase_c_body(outroot_ref, part_ref, g_ref, b_ref, hw_ref, hb_ref,
                  out_ref):
    ob = outroot_ref[...] + part_ref[0] + part_ref[1]
    m = jnp.mean(ob, axis=1, keepdims=True)
    v = jnp.mean((ob - m) * (ob - m), axis=1, keepdims=True)
    h2 = (ob - m) * lax.rsqrt(v + 1e-5) * g_ref[...] + b_ref[...]
    h2 = jnp.maximum(h2, 0.0)
    pooled = jnp.mean(h2, axis=0, keepdims=True)
    i = pl.program_id(0)
    out_ref[pl.ds(i, 1), :] = (
        jnp.dot(pooled, hw_ref[...], preferred_element_type=jnp.float32,
                precision=lax.Precision.HIGHEST)
        + hb_ref[...])


def _phase_c(outroot, partials, g, b, head_w_pad, head_b_pad, bsz, n):
    c = outroot.shape[1]
    cp = head_w_pad.shape[1]
    return pl.pallas_call(
        _phase_c_body,
        grid=(bsz,),
        in_specs=[
            pl.BlockSpec((n, c), lambda i: (i, 0)),
            pl.BlockSpec((NC, n, c), lambda i: (0, i, 0)),
            pl.BlockSpec((1, c), lambda i: (0, 0)),
            pl.BlockSpec((1, c), lambda i: (0, 0)),
            pl.BlockSpec((c, cp), lambda i: (0, 0)),
            pl.BlockSpec((1, cp), lambda i: (0, 0)),
        ],
        out_specs=pl.BlockSpec((bsz, cp), lambda i: (0, 0)),
        out_shape=jax.ShapeDtypeStruct((bsz, cp), jnp.float32),
    )(outroot, partials, g.reshape(1, c), b.reshape(1, c), head_w_pad,
      head_b_pad)


def kernel(x, batch_edge_index, batch_edge_types, ln1_g, ln1_b, W, root,
           bias, ln2_g, ln2_b, head_w, head_b):
    bsz, n, c = x.shape
    r = W.shape[0]
    s_out = head_w.shape[1]
    e = batch_edge_types.shape[0]
    m = bsz * n
    e_per_w = e // NW
    kc = 80

    xf2 = x.reshape(m, c)
    src = batch_edge_index[0]
    dst = batch_edge_index[1]
    typ = batch_edge_types

    z, outroot, zidx, widx = _phase_a(xf2, ln1_g, ln1_b, W, root, bias,
                                      src, dst, typ)
    cnt2 = _make_count_kernel(m, r, e)(widx)
    cntflat = cnt2.reshape(NC, -1)
    partials = _make_edge_kernel(m, c, r, e_per_w, kc, cntflat.shape[1])(
        zidx, widx, cntflat, z.reshape(m * r, c))

    cp = 128
    head_w_pad = jnp.pad(head_w, ((0, 0), (0, cp - s_out)))
    head_b_pad = jnp.pad(head_b, (0, cp - s_out)).reshape(1, cp)
    outpad = _phase_c(outroot, partials, ln2_g, ln2_b, head_w_pad,
                      head_b_pad, bsz, n)
    return outpad[:, :s_out]

# --- scband reference (transcript-rebuilt; emitter-appended) ---
"""Pipeline reference for scband-mod-fusion-7310034338274 (READ-ONLY COPY).

The authoritative reference and input builder live on the scoring server;
editing this copy changes nothing except your own understanding.
"""

import jax, jax.numpy as jnp
import numpy as np


def _layernorm(x, g, b, eps=1e-5):
    m = jnp.mean(x, axis=-1, keepdims=True)
    v = jnp.var(x, axis=-1, keepdims=True)
    return (x - m) / jnp.sqrt(v + eps) * g + b


def setup_inputs(seed: int = 0):
    key = jax.random.key(seed)
    ks = jax.random.split(key, 8)
    B, N, C = 5, 2000, 128
    E = 320000
    R = 8
    S = 20
    x = jax.random.normal(ks[0], (B, N, C), dtype=jnp.float32)
    batch_edge_index = jax.random.randint(ks[1], (2, E), 0, B * N, dtype=jnp.int32)
    batch_edge_types = jax.random.randint(ks[2], (E,), 0, R, dtype=jnp.int32)
    ln1_g = jnp.ones((C,), dtype=jnp.float32)
    ln1_b = jnp.zeros((C,), dtype=jnp.float32)
    W = jax.random.normal(ks[3], (R, C, C), dtype=jnp.float32) * 0.05
    root = jax.random.normal(ks[4], (C, C), dtype=jnp.float32) * 0.05
    bias = jnp.zeros((C,), dtype=jnp.float32)
    ln2_g = jnp.ones((C,), dtype=jnp.float32)
    ln2_b = jnp.zeros((C,), dtype=jnp.float32)
    head_w = jax.random.normal(ks[5], (C, S), dtype=jnp.float32) * 0.05
    head_b = jnp.zeros((S,), dtype=jnp.float32)
    return {"x": x, "batch_edge_index": batch_edge_index, "batch_edge_types": batch_edge_types,
            "ln1_g": ln1_g, "ln1_b": ln1_b, "W": W, "root": root, "bias": bias,
            "ln2_g": ln2_g, "ln2_b": ln2_b, "head_w": head_w, "head_b": head_b}


def reference(x, batch_edge_index, batch_edge_types, ln1_g, ln1_b, W, root, bias, ln2_g, ln2_b, head_w, head_b):
    # norm_before_rgcn: LayerNorm over channel dim
    B, N, C = x.shape
    R = W.shape[0]
    h = _layernorm(x, ln1_g, ln1_b)
    xf = h.reshape(-1, C)
    M = xf.shape[0]
    src = batch_edge_index[0]
    dst = batch_edge_index[1]
    msg = xf[src]  # gather source node features [E, C]
    # RGCNConv (PyG, aggr='mean'): root transform + per-relation mean aggregation
    out = xf @ root + bias
    for r in range(R):
        mask = (batch_edge_types == r).astype(xf.dtype)
        sums = jax.ops.segment_sum(msg * mask[:, None], dst, num_segments=M)
        cnts = jax.ops.segment_sum(mask, dst, num_segments=M)
        mean = sums / jnp.clip(cnts, 1.0, None)[:, None]
        out = out + mean @ W[r]
    # norm_after_rgcn + relu
    h2 = jax.nn.relu(_layernorm(out.reshape(B, N, C), ln2_g, ln2_b))
    # graph readout: mean over nodes; dropout(p=0.0) is identity
    pooled = jnp.mean(h2, axis=1)
    super_class_logits = pooled @ head_w + head_b
    return super_class_logits

if __name__ == "__main__":
    import jax
    _d = setup_inputs()
    print(jax.jit(kernel)(*tuple(_d.values())))

</pallas_src>

<mosaic_0001>
#map = affine_map<(d0, d1) -> (0)>
#map1 = affine_map<(d0, d1) -> (0, 0, 0)>
module attributes {stable_mosaic.version = 14 : i64} {
  func.func @count_kernel(%arg0: i32, %arg1: i32, %arg2: memref<320000xi32, #tpu.memory_space<hbm>>, %arg3: memref<2x640x128xf32, #tpu.memory_space<hbm>>, %arg4: memref<20000xi32, #tpu.memory_space<vmem>>, %arg5: memref<640x128xf32, #tpu.memory_space<vmem>>, %arg6: memref<40x128xf32, #tpu.memory_space<vmem>>, %arg7: memref<128xi32, #tpu.memory_space<vmem>>, %arg8: memref<128xi32, #tpu.memory_space<vmem>>, %arg9: memref<128xi32, #tpu.memory_space<vmem>>, %arg10: memref<128xi32, #tpu.memory_space<vmem>>, %arg11: memref<128xi32, #tpu.memory_space<vmem>>, %arg12: memref<640x128xf32, #tpu.memory_space<vmem_shared>>) attributes {dimension_semantics = [#tpu.dimension_semantics<core_parallel>, #tpu.dimension_semantics<subcore_parallel>], iteration_bounds = array<i64: 2, 16>, scalar_prefetch = 0 : i64, scratch_operands = 9 : i64, tpu.core_type = #tpu.core_type<sc_vector_subcore>, window_params = [{transform_indices = #map}, {transform_indices = #map1}]} {
    %mul3A = arith.constant 20000 : i32
    %mul3A_0 = arith.muli %arg1, %mul3A : i32
    "tpu.region"() ({
      %run_scoped3A = tpu.sem_alloc : memref<!tpu.dma_semaphore, #tpu.memory_space<semaphore_mem>>
      %dma_start3A = tpu.memref_slice %arg2[%mul3A_0] : memref<320000xi32, #tpu.memory_space<hbm>> -> memref<20000xi32, #tpu.memory_space<hbm>>
      %dma_start3A_376 = tpu.memref_slice %arg2[%mul3A_0] : memref<320000xi32, #tpu.memory_space<hbm>> -> memref<20000xi32, #tpu.memory_space<hbm>>
      tpu.enqueue_dma source(%dma_start3A_376 : memref<20000xi32, #tpu.memory_space<hbm>>) target(%arg4 : memref<20000xi32, #tpu.memory_space<vmem>>) target_semaphore(%run_scoped3A : memref<!tpu.dma_semaphore, #tpu.memory_space<semaphore_mem>>)
      %dma_wait3A = tpu.memref_slice %arg2[%mul3A_0] : memref<320000xi32, #tpu.memory_space<hbm>> -> memref<20000xi32, #tpu.memory_space<hbm>>
      %dma_wait3A_377 = tpu.memref_slice %arg2[%mul3A_0] : memref<320000xi32, #tpu.memory_space<hbm>> -> memref<20000xi32, #tpu.memory_space<hbm>>
      tpu.wait_dma2 semaphore(%run_scoped3A : memref<!tpu.dma_semaphore, #tpu.memory_space<semaphore_mem>>) src(%dma_wait3A_377 : memref<20000xi32, #tpu.memory_space<hbm>>) dst(%arg4 : memref<20000xi32, #tpu.memory_space<vmem>>)
      tpu.yield
    }) : () -> ()
    %iota3A = tpu.iota {dimensions = array<i32: 0>} : vector<16xi32>
    %add3A = arith.constant 0 : i32
    %add3A_1 = vector.broadcast %add3A : i32 to vector<16xi32>
    %add3A_2 = arith.addi %iota3A, %add3A_1 : vector<16xi32>
    %add3A_3 = arith.constant 0 : i32
    %add3A_4 = vector.broadcast %add3A_3 : i32 to vector<16xi32>
    %add3A_5 = arith.addi %add3A_2, %add3A_4 : vector<16xi32>
    %swap3A = arith.constant 0 : index
    %swap3A_6 = tpu.vector_load %arg7[%swap3A] {strides = array<i32>} : memref<128xi32, #tpu.memory_space<vmem>>, vector<16xi32>,
    tpu.vector_store %arg7[%swap3A], %add3A_5 {strides = array<i32>} : memref<128xi32, #tpu.memory_space<vmem>>, vector<16xi32>,
    %iota3A_7 = tpu.iota {dimensions = array<i32: 0>} : vector<16xi32>
    %add3A_8 = arith.constant 0 : i32
    %add3A_9 = vector.broadcast %add3A_8 : i32 to vector<16xi32>
    %add3A_10 = arith.addi %iota3A_7, %add3A_9 : vector<16xi32>
    %add3A_11 = arith.constant 16 : i32
    %add3A_12 = vector.broadcast %add3A_11 : i32 to vector<16xi32>
    %add3A_13 = arith.addi %add3A_10, %add3A_12 : vector<16xi32>
    %swap3A_14 = arith.constant 16 : index
    %swap3A_15 = tpu.vector_load %arg7[%swap3A_14] {strides = array<i32>} : memref<128xi32, #tpu.memory_space<vmem>>, vector<16xi32>,
    tpu.vector_store %arg7[%swap3A_14], %add3A_13 {strides = array<i32>} : memref<128xi32, #tpu.memory_space<vmem>>, vector<16xi32>,
    %iota3A_16 = tpu.iota {dimensions = array<i32: 0>} : vector<16xi32>
    %add3A_17 = arith.constant 0 : i32
    %add3A_18 = vector.broadcast %add3A_17 : i32 to vector<16xi32>
    %add3A_19 = arith.addi %iota3A_16, %add3A_18 : vector<16xi32>
    %add3A_20 = arith.constant 32 : i32
    %add3A_21 = vector.broadcast %add3A_20 : i32 to vector<16xi32>
    %add3A_22 = arith.addi %add3A_19, %add3A_21 : vector<16xi32>
    %swap3A_23 = arith.constant 32 : index
    %swap3A_24 = tpu.vector_load %arg7[%swap3A_23] {strides = array<i32>} : memref<128xi32, #tpu.memory_space<vmem>>, vector<16xi32>,
    tpu.vector_store %arg7[%swap3A_23], %add3A_22 {strides = array<i32>} : memref<128xi32, #tpu.memory_space<vmem>>, vector<16xi32>,
    %iota3A_25 = tpu.iota {dimensions = array<i32: 0>} : vector<16xi32>
    %add3A_26 = arith.constant 0 : i32
    %add3A_27 = vector.broadcast %add3A_26 : i32 to vector<16xi32>
    %add3A_28 = arith.addi %iota3A_25, %add3A_27 : vector<16xi32>
    %add3A_29 = arith.constant 48 : i32
    %add3A_30 = vector.broadcast %add3A_29 : i32 to vector<16xi32>
    %add3A_31 = arith.addi %add3A_28, %add3A_30 : vector<16xi32>
    %swap3A_32 = arith.constant 48 : index
    %swap3A_33 = tpu.vector_load %arg7[%swap3A_32] {strides = array<i32>} : memref<128xi32, #tpu.memory_space<vmem>>, vector<16xi32>,
    tpu.vector_store %arg7[%swap3A_32], %add3A_31 {strides = array<i32>} : memref<128xi32, #tpu.memory_space<vmem>>, vector<16xi32>,
    %iota3A_34 = tpu.iota {dimensions = array<i32: 0>} : vector<16xi32>
    %add3A_35 = arith.constant 0 : i32
    %add3A_36 = vector.broadcast %add3A_35 : i32 to vector<16xi32>
    %add3A_37 = arith.addi %iota3A_34, %add3A_36 : vector<16xi32>
    %add3A_38 = arith.constant 64 : i32
    %add3A_39 = vector.broadcast %add3A_38 : i32 to vector<16xi32>
    %add3A_40 = arith.addi %add3A_37, %add3A_39 : vector<16xi32>
    %swap3A_41 = arith.constant 64 : index
    %swap3A_42 = tpu.vector_load %arg7[%swap3A_41] {strides = array<i32>} : memref<128xi32, #tpu.memory_space<vmem>>, vector<16xi32>,
    tpu.vector_store %arg7[%swap3A_41], %add3A_40 {strides = array<i32>} : memref<128xi32, #tpu.memory_space<vmem>>, vector<16xi32>,
    %iota3A_43 = tpu.iota {dimensions = array<i32: 0>} : vector<16xi32>
    %add3A_44 = arith.constant 0 : i32
    %add3A_45 = vector.broadcast %add3A_44 : i32 to vector<16xi32>
    %add3A_46 = arith.addi %iota3A_43, %add3A_45 : vector<16xi32>
    %add3A_47 = arith.constant 80 : i32
    %add3A_48 = vector.broadcast %add3A_47 : i32 to vector<16xi32>
    %add3A_49 = arith.addi %add3A_46, %add3A_48 : vector<16xi32>
    %swap3A_50 = arith.constant 80 : index
    %swap3A_51 = tpu.vector_load %arg7[%swap3A_50] {strides = array<i32>} : memref<128xi32, #tpu.memory_space<vmem>>, vector<16xi32>,
    tpu.vector_store %arg7[%swap3A_50], %add3A_49 {strides = array<i32>} : memref<128xi32, #tpu.memory_space<vmem>>, vector<16xi32>,
    %iota3A_52 = tpu.iota {dimensions = array<i32: 0>} : vector<16xi32>
    %add3A_53 = arith.constant 0 : i32
    %add3A_54 = vector.broadcast %add3A_53 : i32 to vector<16xi32>
    %add3A_55 = arith.addi %iota3A_52, %add3A_54 : vector<16xi32>
    %add3A_56 = arith.constant 96 : i32
    %add3A_57 = vector.broadcast %add3A_56 : i32 to vector<16xi32>
    %add3A_58 = arith.addi %add3A_55, %add3A_57 : vector<16xi32>
    %swap3A_59 = arith.constant 96 : index
    %swap3A_60 = tpu.vector_load %arg7[%swap3A_59] {strides = array<i32>} : memref<128xi32, #tpu.memory_space<vmem>>, vector<16xi32>,
    tpu.vector_store %arg7[%swap3A_59], %add3A_58 {strides = array<i32>} : memref<128xi32, #tpu.memory_space<vmem>>, vector<16xi32>,
    %iota3A_61 = tpu.iota {dimensions = array<i32: 0>} : vector<16xi32>
    %add3A_62 = arith.constant 0 : i32
    %add3A_63 = vector.broadcast %add3A_62 : i32 to vector<16xi32>
    %add3A_64 = arith.addi %iota3A_61, %add3A_63 : vector<16xi32>
    %add3A_65 = arith.constant 112 : i32
    %add3A_66 = vector.broadcast %add3A_65 : i32 to vector<16xi32>
    %add3A_67 = arith.addi %add3A_64, %add3A_66 : vector<16xi32>
    %swap3A_68 = arith.constant 112 : index
    %swap3A_69 = tpu.vector_load %arg7[%swap3A_68] {strides = array<i32>} : memref<128xi32, #tpu.memory_space<vmem>>, vector<16xi32>,
    tpu.vector_store %arg7[%swap3A_68], %add3A_67 {strides = array<i32>} : memref<128xi32, #tpu.memory_space<vmem>>, vector<16xi32>,
    %iota3A_70 = tpu.iota {dimensions = array<i32: 0>} : vector<16xi32>
    %add3A_71 = arith.constant 128 : i32
    %add3A_72 = vector.broadcast %add3A_71 : i32 to vector<16xi32>
    %add3A_73 = arith.addi %iota3A_70, %add3A_72 : vector<16xi32>
    %add3A_74 = arith.constant 0 : i32
    %add3A_75 = vector.broadcast %add3A_74 : i32 to vector<16xi32>
    %add3A_76 = arith.addi %add3A_73, %add3A_75 : vector<16xi32>
    %swap3A_77 = arith.constant 0 : index
    %swap3A_78 = tpu.vector_load %arg8[%swap3A_77] {strides = array<i32>} : memref<128xi32, #tpu.memory_space<vmem>>, vector<16xi32>,
    tpu.vector_store %arg8[%swap3A_77], %add3A_76 {strides = array<i32>} : memref<128xi32, #tpu.memory_space<vmem>>, vector<16xi32>,
    %iota3A_79 = tpu.iota {dimensions = array<i32: 0>} : vector<16xi32>
    %add3A_80 = arith.constant 128 : i32
    %add3A_81 = vector.broadcast %add3A_80 : i32 to vector<16xi32>
    %add3A_82 = arith.addi %iota3A_79, %add3A_81 : vector<16xi32>
    %add3A_83 = arith.constant 16 : i32
    %add3A_84 = vector.broadcast %add3A_83 : i32 to vector<16xi32>
    %add3A_85 = arith.addi %add3A_82, %add3A_84 : vector<16xi32>
    %swap3A_86 = arith.constant 16 : index
    %swap3A_87 = tpu.vector_load %arg8[%swap3A_86] {strides = array<i32>} : memref<128xi32, #tpu.memory_space<vmem>>, vector<16xi32>,
    tpu.vector_store %arg8[%swap3A_86], %add3A_85 {strides = array<i32>} : memref<128xi32, #tpu.memory_space<vmem>>, vector<16xi32>,
    %iota3A_88 = tpu.iota {dimensions = array<i32: 0>} : vector<16xi32>
    %add3A_89 = arith.constant 128 : i32
    %add3A_90 = vector.broadcast %add3A_89 : i32 to vector<16xi32>
    %add3A_91 = arith.addi %iota3A_88, %add3A_90 : vector<16xi32>
    %add3A_92 = arith.constant 32 : i32
    %add3A_93 = vector.broadcast %add3A_92 : i32 to vector<16xi32>
    %add3A_94 = arith.addi %add3A_91, %add3A_93 : vector<16xi32>
    %swap3A_95 = arith.constant 32 : index
    %swap3A_96 = tpu.vector_load %arg8[%swap3A_95] {strides = array<i32>} : memref<128xi32, #tpu.memory_space<vmem>>, vector<16xi32>,
    tpu.vector_store %arg8[%swap3A_95], %add3A_94 {strides = array<i32>} : memref<128xi32, #tpu.memory_space<vmem>>, vector<16xi32>,
    %iota3A_97 = tpu.iota {dimensions = array<i32: 0>} : vector<16xi32>
    %add3A_98 = arith.constant 128 : i32
    %add3A_99 = vector.broadcast %add3A_98 : i32 to vector<16xi32>
    %add3A_100 = arith.addi %iota3A_97, %add3A_99 : vector<16xi32>
    %add3A_101 = arith.constant 48 : i32
    %add3A_102 = vector.broadcast %add3A_101 : i32 to vector<16xi32>
    %add3A_103 = arith.addi %add3A_100, %add3A_102 : vector<16xi32>
    %swap3A_104 = arith.constant 48 : index
    %swap3A_105 = tpu.vector_load %arg8[%swap3A_104] {strides = array<i32>} : memref<128xi32, #tpu.memory_space<vmem>>, vector<16xi32>,
    tpu.vector_store %arg8[%swap3A_104], %add3A_103 {strides = array<i32>} : memref<128xi32, #tpu.memory_space<vmem>>, vector<16xi32>,
    %iota3A_106 = tpu.iota {dimensions = array<i32: 0>} : vector<16xi32>
    %add3A_107 = arith.constant 128 : i32
    %add3A_108 = vector.broadcast %add3A_107 : i32 to vector<16xi32>
    %add3A_109 = arith.addi %iota3A_106, %add3A_108 : vector<16xi32>
    %add3A_110 = arith.constant 64 : i32
    %add3A_111 = vector.broadcast %add3A_110 : i32 to vector<16xi32>
    %add3A_112 = arith.addi %add3A_109, %add3A_111 : vector<16xi32>
    %swap3A_113 = arith.constant 64 : index
    %swap3A_114 = tpu.vector_load %arg8[%swap3A_113] {strides = array<i32>} : memref<128xi32, #tpu.memory_space<vmem>>, vector<16xi32>,
    tpu.vector_store %arg8[%swap3A_113], %add3A_112 {strides = array<i32>} : memref<128xi32, #tpu.memory_space<vmem>>, vector<16xi32>,
    %iota3A_115 = tpu.iota {dimensions = array<i32: 0>} : vector<16xi32>
    %add3A_116 = arith.constant 128 : i32
    %add3A_117 = vector.broadcast %add3A_116 : i32 to vector<16xi32>
    %add3A_118 = arith.addi %iota3A_115, %add3A_117 : vector<16xi32>
    %add3A_119 = arith.constant 80 : i32
    %add3A_120 = vector.broadcast %add3A_119 : i32 to vector<16xi32>
    %add3A_121 = arith.addi %add3A_118, %add3A_120 : vector<16xi32>
    %swap3A_122 = arith.constant 80 : index
    %swap3A_123 = tpu.vector_load %arg8[%swap3A_122] {strides = array<i32>} : memref<128xi32, #tpu.memory_space<vmem>>, vector<16xi32>,
    tpu.vector_store %arg8[%swap3A_122], %add3A_121 {strides = array<i32>} : memref<128xi32, #tpu.memory_space<vmem>>, vector<16xi32>,
    %iota3A_124 = tpu.iota {dimensions = array<i32: 0>} : vector<16xi32>
    %add3A_125 = arith.constant 128 : i32
    %add3A_126 = vector.broadcast %add3A_125 : i32 to vector<16xi32>
    %add3A_127 = arith.addi %iota3A_124, %add3A_126 : vector<16xi32>
    %add3A_128 = arith.constant 96 : i32
    %add3A_129 = vector.broadcast %add3A_128 : i32 to vector<16xi32>
    %add3A_130 = arith.addi %add3A_127, %add3A_129 : vector<16xi32>
    %swap3A_131 = arith.constant 96 : index
    %swap3A_132 = tpu.vector_load %arg8[%swap3A_131] {strides = array<i32>} : memref<128xi32, #tpu.memory_space<vmem>>, vector<16xi32>,
    tpu.vector_store %arg8[%swap3A_131], %add3A_130 {strides = array<i32>} : memref<128xi32, #tpu.memory_space<vmem>>, vector<16xi32>,
    %iota3A_133 = tpu.iota {dimensions = array<i32: 0>} : vector<16xi32>
    %add3A_134 = arith.constant 128 : i32
    %add3A_135 = vector.broadcast %add3A_134 : i32 to vector<16xi32>
    %add3A_136 = arith.addi %iota3A_133, %add3A_135 : vector<16xi32>
    %add3A_137 = arith.constant 112 : i32
    %add3A_138 = vector.broadcast %add3A_137 : i32 to vector<16xi32>
    %add3A_139 = arith.addi %add3A_136, %add3A_138 : vector<16xi32>
    %swap3A_140 = arith.constant 112 : index
    %swap3A_141 = tpu.vector_load %arg8[%swap3A_140] {strides = array<i32>} : memref<128xi32, #tpu.memory_space<vmem>>, vector<16xi32>,
    tpu.vector_store %arg8[%swap3A_140], %add3A_139 {strides = array<i32>} : memref<128xi32, #tpu.memory_space<vmem>>, vector<16xi32>,
    %iota3A_142 = tpu.iota {dimensions = array<i32: 0>} : vector<16xi32>
    %add3A_143 = arith.constant 256 : i32
    %add3A_144 = vector.broadcast %add3A_143 : i32 to vector<16xi32>
    %add3A_145 = arith.addi %iota3A_142, %add3A_144 : vector<16xi32>
    %add3A_146 = arith.constant 0 : i32
    %add3A_147 = vector.broadcast %add3A_146 : i32 to vector<16xi32>
    %add3A_148 = arith.addi %add3A_145, %add3A_147 : vector<16xi32>
    %swap3A_149 = arith.constant 0 : index
    %swap3A_150 = tpu.vector_load %arg9[%swap3A_149] {strides = array<i32>} : memref<128xi32, #tpu.memory_space<vmem>>, vector<16xi32>,
    tpu.vector_store %arg9[%swap3A_149], %add3A_148 {strides = array<i32>} : memref<128xi32, #tpu.memory_space<vmem>>, vector<16xi32>,
    %iota3A_151 = tpu.iota {dimensions = array<i32: 0>} : vector<16xi32>
    %add3A_152 = arith.constant 256 : i32
    %add3A_153 = vector.broadcast %add3A_152 : i32 to vector<16xi32>
    %add3A_154 = arith.addi %iota3A_151, %add3A_153 : vector<16xi32>
    %add3A_155 = arith.constant 16 : i32
    %add3A_156 = vector.broadcast %add3A_155 : i32 to vector<16xi32>
    %add3A_157 = arith.addi %add3A_154, %add3A_156 : vector<16xi32>
    %swap3A_158 = arith.constant 16 : index
    %swap3A_159 = tpu.vector_load %arg9[%swap3A_158] {strides = array<i32>} : memref<128xi32, #tpu.memory_space<vmem>>, vector<16xi32>,
    tpu.vector_store %arg9[%swap3A_158], %add3A_157 {strides = array<i32>} : memref<128xi32, #tpu.memory_space<vmem>>, vector<16xi32>,
    %iota3A_160 = tpu.iota {dimensions = array<i32: 0>} : vector<16xi32>
    %add3A_161 = arith.constant 256 : i32
    %add3A_162 = vector.broadcast %add3A_161 : i32 to vector<16xi32>
    %add3A_163 = arith.addi %iota3A_160, %add3A_162 : vector<16xi32>
    %add3A_164 = arith.constant 32 : i32
    %add3A_165 = vector.broadcast %add3A_164 : i32 to vector<16xi32>
    %add3A_166 = arith.addi %add3A_163, %add3A_165 : vector<16xi32>
    %swap3A_167 = arith.constant 32 : index
    %swap3A_168 = tpu.vector_load %arg9[%swap3A_167] {strides = array<i32>} : memref<128xi32, #tpu.memory_space<vmem>>, vector<16xi32>,
    tpu.vector_store %arg9[%swap3A_167], %add3A_166 {strides = array<i32>} : memref<128xi32, #tpu.memory_space<vmem>>, vector<16xi32>,
    %iota3A_169 = tpu.iota {dimensions = array<i32: 0>} : vector<16xi32>
    %add3A_170 = arith.constant 256 : i32
    %add3A_171 = vector.broadcast %add3A_170 : i32 to vector<16xi32>
    %add3A_172 = arith.addi %iota3A_169, %add3A_171 : vector<16xi32>
    %add3A_173 = arith.constant 48 : i32
    %add3A_174 = vector.broadcast %add3A_173 : i32 to vector<16xi32>
    %add3A_175 = arith.addi %add3A_172, %add3A_174 : vector<16xi32>
    %swap3A_176 = arith.constant 48 : index
    %swap3A_177 = tpu.vector_load %arg9[%swap3A_176] {strides = array<i32>} : memref<128xi32, #tpu.memory_space<vmem>>, vector<16xi32>,
    tpu.vector_store %arg9[%swap3A_176], %add3A_175 {strides = array<i32>} : memref<128xi32, #tpu.memory_space<vmem>>, vector<16xi32>,
    %iota3A_178 = tpu.iota {dimensions = array<i32: 0>} : vector<16xi32>
    %add3A_179 = arith.constant 256 : i32
    %add3A_180 = vector.broadcast %add3A_179 : i32 to vector<16xi32>
    %add3A_181 = arith.addi %iota3A_178, %add3A_180 : vector<16xi32>
    %add3A_182 = arith.constant 64 : i32
    %add3A_183 = vector.broadcast %add3A_182 : i32 to vector<16xi32>
    %add3A_184 = arith.addi %add3A_181, %add3A_183 : vector<16xi32>
    %swap3A_185 = arith.constant 64 : index
    %swap3A_186 = tpu.vector_load %arg9[%swap3A_185] {strides = array<i32>} : memref<128xi32, #tpu.memory_space<vmem>>, vector<16xi32>,
    tpu.vector_store %arg9[%swap3A_185], %add3A_184 {strides = array<i32>} : memref<128xi32, #tpu.memory_space<vmem>>, vector<16xi32>,
    %iota3A_187 = tpu.iota {dimensions = array<i32: 0>} : vector<16xi32>
    %add3A_188 = arith.constant 256 : i32
    %add3A_189 = vector.broadcast %add3A_188 : i32 to vector<16xi32>
    %add3A_190 = arith.addi %iota3A_187, %add3A_189 : vector<16xi32>
    %add3A_191 = arith.constant 80 : i32
    %add3A_192 = vector.broadcast %add3A_191 : i32 to vector<16xi32>
    %add3A_193 = arith.addi %add3A_190, %add3A_192 : vector<16xi32>
    %swap3A_194 = arith.constant 80 : index
    %swap3A_195 = tpu.vector_load %arg9[%swap3A_194] {strides = array<i32>} : memref<128xi32, #tpu.memory_space<vmem>>, vector<16xi32>,
    tpu.vector_store %arg9[%swap3A_194], %add3A_193 {strides = array<i32>} : memref<128xi32, #tpu.memory_space<vmem>>, vector<16xi32>,
    %iota3A_196 = tpu.iota {dimensions = array<i32: 0>} : vector<16xi32>
    %add3A_197 = arith.constant 256 : i32
    %add3A_198 = vector.broadcast %add3A_197 : i32 to vector<16xi32>
    %add3A_199 = arith.addi %iota3A_196, %add3A_198 : vector<16xi32>
    %add3A_200 = arith.constant 96 : i32
    %add3A_201 = vector.broadcast %add3A_200 : i32 to vector<16xi32>
    %add3A_202 = arith.addi %add3A_199, %add3A_201 : vector<16xi32>
    %swap3A_203 = arith.constant 96 : index
    %swap3A_204 = tpu.vector_load %arg9[%swap3A_203] {strides = array<i32>} : memref<128xi32, #tpu.memory_space<vmem>>, vector<16xi32>,
    tpu.vector_store %arg9[%swap3A_203], %add3A_202 {strides = array<i32>} : memref<128xi32, #tpu.memory_space<vmem>>, vector<16xi32>,
    %iota3A_205 = tpu.iota {dimensions = array<i32: 0>} : vector<16xi32>
    %add3A_206 = arith.constant 256 : i32
    %add3A_207 = vector.broadcast %add3A_206 : i32 to vector<16xi32>
    %add3A_208 = arith.addi %iota3A_205, %add3A_207 : vector<16xi32>
    %add3A_209 = arith.constant 112 : i32
    %add3A_210 = vector.broadcast %add3A_209 : i32 to vector<16xi32>
    %add3A_211 = arith.addi %add3A_208, %add3A_210 : vector<16xi32>
    %swap3A_212 = arith.constant 112 : index
    %swap3A_213 = tpu.vector_load %arg9[%swap3A_212] {strides = array<i32>} : memref<128xi32, #tpu.memory_space<vmem>>, vector<16xi32>,
    tpu.vector_store %arg9[%swap3A_212], %add3A_211 {strides = array<i32>} : memref<128xi32, #tpu.memory_space<vmem>>, vector<16xi32>,
    %iota3A_214 = tpu.iota {dimensions = array<i32: 0>} : vector<16xi32>
    %add3A_215 = arith.constant 384 : i32
    %add3A_216 = vector.broadcast %add3A_215 : i32 to vector<16xi32>
    %add3A_217 = arith.addi %iota3A_214, %add3A_216 : vector<16xi32>
    %add3A_218 = arith.constant 0 : i32
    %add3A_219 = vector.broadcast %add3A_218 : i32 to vector<16xi32>
    %add3A_220 = arith.addi %add3A_217, %add3A_219 : vector<16xi32>
    %swap3A_221 = arith.constant 0 : index
    %swap3A_222 = tpu.vector_load %arg10[%swap3A_221] {strides = array<i32>} : memref<128xi32, #tpu.memory_space<vmem>>, vector<16xi32>,
    tpu.vector_store %arg10[%swap3A_221], %add3A_220 {strides = array<i32>} : memref<128xi32, #tpu.memory_space<vmem>>, vector<16xi32>,
    %iota3A_223 = tpu.iota {dimensions = array<i32: 0>} : vector<16xi32>
    %add3A_224 = arith.constant 384 : i32
    %add3A_225 = vector.broadcast %add3A_224 : i32 to vector<16xi32>
    %add3A_226 = arith.addi %iota3A_223, %add3A_225 : vector<16xi32>
    %add3A_227 = arith.constant 16 : i32
    %add3A_228 = vector.broadcast %add3A_227 : i32 to vector<16xi32>
    %add3A_229 = arith.addi %add3A_226, %add3A_228 : vector<16xi32>
    %swap3A_230 = arith.constant 16 : index
    %swap3A_231 = tpu.vector_load %arg10[%swap3A_230] {strides = array<i32>} : memref<128xi32, #tpu.memory_space<vmem>>, vector<16xi32>,
    tpu.vector_store %arg10[%swap3A_230], %add3A_229 {strides = array<i32>} : memref<128xi32, #tpu.memory_space<vmem>>, vector<16xi32>,
    %iota3A_232 = tpu.iota {dimensions = array<i32: 0>} : vector<16xi32>
    %add3A_233 = arith.constant 384 : i32
    %add3A_234 = vector.broadcast %add3A_233 : i32 to vector<16xi32>
    %add3A_235 = arith.addi %iota3A_232, %add3A_234 : vector<16xi32>
    %add3A_236 = arith.constant 32 : i32
    %add3A_237 = vector.broadcast %add3A_236 : i32 to vector<16xi32>
    %add3A_238 = arith.addi %add3A_235, %add3A_237 : vector<16xi32>
    %swap3A_239 = arith.constant 32 : index
    %swap3A_240 = tpu.vector_load %arg10[%swap3A_239] {strides = array<i32>} : memref<128xi32, #tpu.memory_space<vmem>>, vector<16xi32>,
    tpu.vector_store %arg10[%swap3A_239], %add3A_238 {strides = array<i32>} : memref<128xi32, #tpu.memory_space<vmem>>, vector<16xi32>,
    %iota3A_241 = tpu.iota {dimensions = array<i32: 0>} : vector<16xi32>
    %add3A_242 = arith.constant 384 : i32
    %add3A_243 = vector.broadcast %add3A_242 : i32 to vector<16xi32>
    %add3A_244 = arith.addi %iota3A_241, %add3A_243 : vector<16xi32>
    %add3A_245 = arith.constant 48 : i32
    %add3A_246 = vector.broadcast %add3A_245 : i32 to vector<16xi32>
    %add3A_247 = arith.addi %add3A_244, %add3A_246 : vector<16xi32>
    %swap3A_248 = arith.constant 48 : index
    %swap3A_249 = tpu.vector_load %arg10[%swap3A_248] {strides = array<i32>} : memref<128xi32, #tpu.memory_space<vmem>>, vector<16xi32>,
    tpu.vector_store %arg10[%swap3A_248], %add3A_247 {strides = array<i32>} : memref<128xi32, #tpu.memory_space<vmem>>, vector<16xi32>,
    %iota3A_250 = tpu.iota {dimensions = array<i32: 0>} : vector<16xi32>
    %add3A_251 = arith.constant 384 : i32
    %add3A_252 = vector.broadcast %add3A_251 : i32 to vector<16xi32>
    %add3A_253 = arith.addi %iota3A_250, %add3A_252 : vector<16xi32>
    %add3A_254 = arith.constant 64 : i32
    %add3A_255 = vector.broadcast %add3A_254 : i32 to vector<16xi32>
    %add3A_256 = arith.addi %add3A_253, %add3A_255 : vector<16xi32>
    %swap3A_257 = arith.constant 64 : index
    %swap3A_258 = tpu.vector_load %arg10[%swap3A_257] {strides = array<i32>} : memref<128xi32, #tpu.memory_space<vmem>>, vector<16xi32>,
    tpu.vector_store %arg10[%swap3A_257], %add3A_256 {strides = array<i32>} : memref<128xi32, #tpu.memory_space<vmem>>, vector<16xi32>,
    %iota3A_259 = tpu.iota {dimensions = array<i32: 0>} : vector<16xi32>
    %add3A_260 = arith.constant 384 : i32
    %add3A_261 = vector.broadcast %add3A_260 : i32 to vector<16xi32>
    %add3A_262 = arith.addi %iota3A_259, %add3A_261 : vector<16xi32>
    %add3A_263 = arith.constant 80 : i32
    %add3A_264 = vector.broadcast %add3A_263 : i32 to vector<16xi32>
    %add3A_265 = arith.addi %add3A_262, %add3A_264 : vector<16xi32>
    %swap3A_266 = arith.constant 80 : index
    %swap3A_267 = tpu.vector_load %arg10[%swap3A_266] {strides = array<i32>} : memref<128xi32, #tpu.memory_space<vmem>>, vector<16xi32>,
    tpu.vector_store %arg10[%swap3A_266], %add3A_265 {strides = array<i32>} : memref<128xi32, #tpu.memory_space<vmem>>, vector<16xi32>,
    %iota3A_268 = tpu.iota {dimensions = array<i32: 0>} : vector<16xi32>
    %add3A_269 = arith.constant 384 : i32
    %add3A_270 = vector.broadcast %add3A_269 : i32 to vector<16xi32>
    %add3A_271 = arith.addi %iota3A_268, %add3A_270 : vector<16xi32>
    %add3A_272 = arith.constant 96 : i32
    %add3A_273 = vector.broadcast %add3A_272 : i32 to vector<16xi32>
    %add3A_274 = arith.addi %add3A_271, %add3A_273 : vector<16xi32>
    %swap3A_275 = arith.constant 96 : index
    %swap3A_276 = tpu.vector_load %arg10[%swap3A_275] {strides = array<i32>} : memref<128xi32, #tpu.memory_space<vmem>>, vector<16xi32>,
    tpu.vector_store %arg10[%swap3A_275], %add3A_274 {strides = array<i32>} : memref<128xi32, #tpu.memory_space<vmem>>, vector<16xi32>,
    %iota3A_277 = tpu.iota {dimensions = array<i32: 0>} : vector<16xi32>
    %add3A_278 = arith.constant 384 : i32
    %add3A_279 = vector.broadcast %add3A_278 : i32 to vector<16xi32>
    %add3A_280 = arith.addi %iota3A_277, %add3A_279 : vector<16xi32>
    %add3A_281 = arith.constant 112 : i32
    %add3A_282 = vector.broadcast %add3A_281 : i32 to vector<16xi32>
    %add3A_283 = arith.addi %add3A_280, %add3A_282 : vector<16xi32>
    %swap3A_284 = arith.constant 112 : index
    %swap3A_285 = tpu.vector_load %arg10[%swap3A_284] {strides = array<i32>} : memref<128xi32, #tpu.memory_space<vmem>>, vector<16xi32>,
    tpu.vector_store %arg10[%swap3A_284], %add3A_283 {strides = array<i32>} : memref<128xi32, #tpu.memory_space<vmem>>, vector<16xi32>,
    %iota3A_286 = tpu.iota {dimensions = array<i32: 0>} : vector<16xi32>
    %add3A_287 = arith.constant 512 : i32
    %add3A_288 = vector.broadcast %add3A_287 : i32 to vector<16xi32>
    %add3A_289 = arith.addi %iota3A_286, %add3A_288 : vector<16xi32>
    %add3A_290 = arith.constant 0 : i32
    %add3A_291 = vector.broadcast %add3A_290 : i32 to vector<16xi32>
    %add3A_292 = arith.addi %add3A_289, %add3A_291 : vector<16xi32>
    %swap3A_293 = arith.constant 0 : index
    %swap3A_294 = tpu.vector_load %arg11[%swap3A_293] {strides = array<i32>} : memref<128xi32, #tpu.memory_space<vmem>>, vector<16xi32>,
    tpu.vector_store %arg11[%swap3A_293], %add3A_292 {strides = array<i32>} : memref<128xi32, #tpu.memory_space<vmem>>, vector<16xi32>,
    %iota3A_295 = tpu.iota {dimensions = array<i32: 0>} : vector<16xi32>
    %add3A_296 = arith.constant 512 : i32
    %add3A_297 = vector.broadcast %add3A_296 : i32 to vector<16xi32>
    %add3A_298 = arith.addi %iota3A_295, %add3A_297 : vector<16xi32>
    %add3A_299 = arith.constant 16 : i32
    %add3A_300 = vector.broadcast %add3A_299 : i32 to vector<16xi32>
    %add3A_301 = arith.addi %add3A_298, %add3A_300 : vector<16xi32>
    %swap3A_302 = arith.constant 16 : index
    %swap3A_303 = tpu.vector_load %arg11[%swap3A_302] {strides = array<i32>} : memref<128xi32, #tpu.memory_space<vmem>>, vector<16xi32>,
    tpu.vector_store %arg11[%swap3A_302], %add3A_301 {strides = array<i32>} : memref<128xi32, #tpu.memory_space<vmem>>, vector<16xi32>,
    %iota3A_304 = tpu.iota {dimensions = array<i32: 0>} : vector<16xi32>
    %add3A_305 = arith.constant 512 : i32
    %add3A_306 = vector.broadcast %add3A_305 : i32 to vector<16xi32>
    %add3A_307 = arith.addi %iota3A_304, %add3A_306 : vector<16xi32>
    %add3A_308 = arith.constant 32 : i32
    %add3A_309 = vector.broadcast %add3A_308 : i32 to vector<16xi32>
    %add3A_310 = arith.addi %add3A_307, %add3A_309 : vector<16xi32>
    %swap3A_311 = arith.constant 32 : index
    %swap3A_312 = tpu.vector_load %arg11[%swap3A_311] {strides = array<i32>} : memref<128xi32, #tpu.memory_space<vmem>>, vector<16xi32>,
    tpu.vector_store %arg11[%swap3A_311], %add3A_310 {strides = array<i32>} : memref<128xi32, #tpu.memory_space<vmem>>, vector<16xi32>,
    %iota3A_313 = tpu.iota {dimensions = array<i32: 0>} : vector<16xi32>
    %add3A_314 = arith.constant 512 : i32
    %add3A_315 = vector.broadcast %add3A_314 : i32 to vector<16xi32>
    %add3A_316 = arith.addi %iota3A_313, %add3A_315 : vector<16xi32>
    %add3A_317 = arith.constant 48 : i32
    %add3A_318 = vector.broadcast %add3A_317 : i32 to vector<16xi32>
    %add3A_319 = arith.addi %add3A_316, %add3A_318 : vector<16xi32>
    %swap3A_320 = arith.constant 48 : index
    %swap3A_321 = tpu.vector_load %arg11[%swap3A_320] {strides = array<i32>} : memref<128xi32, #tpu.memory_space<vmem>>, vector<16xi32>,
    tpu.vector_store %arg11[%swap3A_320], %add3A_319 {strides = array<i32>} : memref<128xi32, #tpu.memory_space<vmem>>, vector<16xi32>,
    %iota3A_322 = tpu.iota {dimensions = array<i32: 0>} : vector<16xi32>
    %add3A_323 = arith.constant 512 : i32
    %add3A_324 = vector.broadcast %add3A_323 : i32 to vector<16xi32>
    %add3A_325 = arith.addi %iota3A_322, %add3A_324 : vector<16xi32>
    %add3A_326 = arith.constant 64 : i32
    %add3A_327 = vector.broadcast %add3A_326 : i32 to vector<16xi32>
    %add3A_328 = arith.addi %add3A_325, %add3A_327 : vector<16xi32>
    %swap3A_329 = arith.constant 64 : index
    %swap3A_330 = tpu.vector_load %arg11[%swap3A_329] {strides = array<i32>} : memref<128xi32, #tpu.memory_space<vmem>>, vector<16xi32>,
    tpu.vector_store %arg11[%swap3A_329], %add3A_328 {strides = array<i32>} : memref<128xi32, #tpu.memory_space<vmem>>, vector<16xi32>,
    %iota3A_331 = tpu.iota {dimensions = array<i32: 0>} : vector<16xi32>
    %add3A_332 = arith.constant 512 : i32
    %add3A_333 = vector.broadcast %add3A_332 : i32 to vector<16xi32>
    %add3A_334 = arith.addi %iota3A_331, %add3A_333 : vector<16xi32>
    %add3A_335 = arith.constant 80 : i32
    %add3A_336 = vector.broadcast %add3A_335 : i32 to vector<16xi32>
    %add3A_337 = arith.addi %add3A_334, %add3A_336 : vector<16xi32>
    %swap3A_338 = arith.constant 80 : index
    %swap3A_339 = tpu.vector_load %arg11[%swap3A_338] {strides = array<i32>} : memref<128xi32, #tpu.memory_space<vmem>>, vector<16xi32>,
    tpu.vector_store %arg11[%swap3A_338], %add3A_337 {strides = array<i32>} : memref<128xi32, #tpu.memory_space<vmem>>, vector<16xi32>,
    %iota3A_340 = tpu.iota {dimensions = array<i32: 0>} : vector<16xi32>
    %add3A_341 = arith.constant 512 : i32
    %add3A_342 = vector.broadcast %add3A_341 : i32 to vector<16xi32>
    %add3A_343 = arith.addi %iota3A_340, %add3A_342 : vector<16xi32>
    %add3A_344 = arith.constant 96 : i32
    %add3A_345 = vector.broadcast %add3A_344 : i32 to vector<16xi32>
    %add3A_346 = arith.addi %add3A_343, %add3A_345 : vector<16xi32>
    %swap3A_347 = arith.constant 96 : index
    %swap3A_348 = tpu.vector_load %arg11[%swap3A_347] {strides = array<i32>} : memref<128xi32, #tpu.memory_space<vmem>>, vector<16xi32>,
    tpu.vector_store %arg11[%swap3A_347], %add3A_346 {strides = array<i32>} : memref<128xi32, #tpu.memory_space<vmem>>, vector<16xi32>,
    %iota3A_349 = tpu.iota {dimensions = array<i32: 0>} : vector<16xi32>
    %add3A_350 = arith.constant 512 : i32
    %add3A_351 = vector.broadcast %add3A_350 : i32 to vector<16xi32>
    %add3A_352 = arith.addi %iota3A_349, %add3A_351 : vector<16xi32>
    %add3A_353 = arith.constant 112 : i32
    %add3A_354 = vector.broadcast %add3A_353 : i32 to vector<16xi32>
    %add3A_355 = arith.addi %add3A_352, %add3A_354 : vector<16xi32>
    %swap3A_356 = arith.constant 112 : index
    %swap3A_357 = tpu.vector_load %arg11[%swap3A_356] {strides = array<i32>} : memref<128xi32, #tpu.memory_space<vmem>>, vector<16xi32>,
    tpu.vector_store %arg11[%swap3A_356], %add3A_355 {strides = array<i32>} : memref<128xi32, #tpu.memory_space<vmem>>, vector<16xi32>,
    %scan3A = arith.constant 0 : i32
    %scan3A_358 = arith.constant 0 : i32
    %scan3A_359 = arith.constant 640 : i32
    %scan3A_360 = arith.addi %scan3A_358, %scan3A_359 : i32
    %scan3A_361 = arith.constant 1 : i32
    scf.for %scan3A_376 = %scan3A_358 to %scan3A_360 step %scan3A_361  : i32 {
      %broadcast_in_dim3A = arith.constant 0.000000e+00 : f32
      %broadcast_in_dim3A_377 = vector.broadcast %broadcast_in_dim3A : f32 to vector<16xf32>
      %swap3A_378 = arith.index_cast %scan3A_376 : i32 to index
      %swap3A_379 = arith.constant 0 : index
      %swap3A_380 = tpu.vector_load %arg5[%swap3A_378, %swap3A_379] {strides = array<i32>} : memref<640x128xf32, #tpu.memory_space<vmem>>, vector<16xf32>,
      tpu.vector_store %arg5[%swap3A_378, %swap3A_379], %broadcast_in_dim3A_377 {strides = array<i32>} : memref<640x128xf32, #tpu.memory_space<vmem>>, vector<16xf32>,
      %broadcast_in_dim3A_381 = arith.constant 0.000000e+00 : f32
      %broadcast_in_dim3A_382 = vector.broadcast %broadcast_in_dim3A_381 : f32 to vector<16xf32>
      %swap3A_383 = arith.index_cast %scan3A_376 : i32 to index
      %swap3A_384 = arith.constant 16 : index
      %swap3A_385 = tpu.vector_load %arg5[%swap3A_383, %swap3A_384] {strides = array<i32>} : memref<640x128xf32, #tpu.memory_space<vmem>>, vector<16xf32>,
      tpu.vector_store %arg5[%swap3A_383, %swap3A_384], %broadcast_in_dim3A_382 {strides = array<i32>} : memref<640x128xf32, #tpu.memory_space<vmem>>, vector<16xf32>,
      %broadcast_in_dim3A_386 = arith.constant 0.000000e+00 : f32
      %broadcast_in_dim3A_387 = vector.broadcast %broadcast_in_dim3A_386 : f32 to vector<16xf32>
      %swap3A_388 = arith.index_cast %scan3A_376 : i32 to index
      %swap3A_389 = arith.constant 32 : index
      %swap3A_390 = tpu.vector_load %arg5[%swap3A_388, %swap3A_389] {strides = array<i32>} : memref<640x128xf32, #tpu.memory_space<vmem>>, vector<16xf32>,
      tpu.vector_store %arg5[%swap3A_388, %swap3A_389], %broadcast_in_dim3A_387 {strides = array<i32>} : memref<640x128xf32, #tpu.memory_space<vmem>>, vector<16xf32>,
      %broadcast_in_dim3A_391 = arith.constant 0.000000e+00 : f32
      %broadcast_in_dim3A_392 = vector.broadcast %broadcast_in_dim3A_391 : f32 to vector<16xf32>
      %swap3A_393 = arith.index_cast %scan3A_376 : i32 to index
      %swap3A_394 = arith.constant 48 : index
      %swap3A_395 = tpu.vector_load %arg5[%swap3A_393, %swap3A_394] {strides = array<i32>} : memref<640x128xf32, #tpu.memory_space<vmem>>, vector<16xf32>,
      tpu.vector_store %arg5[%swap3A_393, %swap3A_394], %broadcast_in_dim3A_392 {strides = array<i32>} : memref<640x128xf32, #tpu.memory_space<vmem>>, vector<16xf32>,
      %broadcast_in_dim3A_396 = arith.constant 0.000000e+00 : f32
      %broadcast_in_dim3A_397 = vector.broadcast %broadcast_in_dim3A_396 : f32 to vector<16xf32>
      %swap3A_398 = arith.index_cast %scan3A_376 : i32 to index
      %swap3A_399 = arith.constant 64 : index
      %swap3A_400 = tpu.vector_load %arg5[%swap3A_398, %swap3A_399] {strides = array<i32>} : memref<640x128xf32, #tpu.memory_space<vmem>>, vector<16xf32>,
      tpu.vector_store %arg5[%swap3A_398, %swap3A_399], %broadcast_in_dim3A_397 {strides = array<i32>} : memref<640x128xf32, #tpu.memory_space<vmem>>, vector<16xf32>,
      %broadcast_in_dim3A_401 = arith.constant 0.000000e+00 : f32
      %broadcast_in_dim3A_402 = vector.broadcast %broadcast_in_dim3A_401 : f32 to vector<16xf32>
      %swap3A_403 = arith.index_cast %scan3A_376 : i32 to index
      %swap3A_404 = arith.constant 80 : index
      %swap3A_405 = tpu.vector_load %arg5[%swap3A_403, %swap3A_404] {strides = array<i32>} : memref<640x128xf32, #tpu.memory_space<vmem>>, vector<16xf32>,
      tpu.vector_store %arg5[%swap3A_403, %swap3A_404], %broadcast_in_dim3A_402 {strides = array<i32>} : memref<640x128xf32, #tpu.memory_space<vmem>>, vector<16xf32>,
      %broadcast_in_dim3A_406 = arith.constant 0.000000e+00 : f32
      %broadcast_in_dim3A_407 = vector.broadcast %broadcast_in_dim3A_406 : f32 to vector<16xf32>
      %swap3A_408 = arith.index_cast %scan3A_376 : i32 to index
      %swap3A_409 = arith.constant 96 : index
      %swap3A_410 = tpu.vector_load %arg5[%swap3A_408, %swap3A_409] {strides = array<i32>} : memref<640x128xf32, #tpu.memory_space<vmem>>, vector<16xf32>,
      tpu.vector_store %arg5[%swap3A_408, %swap3A_409], %broadcast_in_dim3A_407 {strides = array<i32>} : memref<640x128xf32, #tpu.memory_space<vmem>>, vector<16xf32>,
      %broadcast_in_dim3A_411 = arith.constant 0.000000e+00 : f32
      %broadcast_in_dim3A_412 = vector.broadcast %broadcast_in_dim3A_411 : f32 to vector<16xf32>
      %swap3A_413 = arith.index_cast %scan3A_376 : i32 to index
      %swap3A_414 = arith.constant 112 : index
      %swap3A_415 = tpu.vector_load %arg5[%swap3A_413, %swap3A_414] {strides = array<i32>} : memref<640x128xf32, #tpu.memory_space<vmem>>, vector<16xf32>,
      tpu.vector_store %arg5[%swap3A_413, %swap3A_414], %broadcast_in_dim3A_412 {strides = array<i32>} : memref<640x128xf32, #tpu.memory_space<vmem>>, vector<16xf32>,
    }
    %scan3A_362 = arith.constant 640 : i32
    %mul3A_363 = arith.constant 40 : i32
    %mul3A_364 = arith.muli %arg1, %mul3A_363 : i32
    "tpu.region"() ({
      %run_scoped3A = tpu.sem_alloc : memref<!tpu.dma_semaphore, #tpu.memory_space<semaphore_mem>>
      %dma_start3A = arith.constant 0 : i32
      %dma_start3A_376 = arith.constant 0 : i32
      %dma_start3A_377 = tpu.memref_slice %arg5[%dma_start3A, %dma_start3A_376] : memref<640x128xf32, #tpu.memory_space<vmem>> -> memref<40x128xf32, #tpu.memory_space<vmem>>
      %dma_start3A_378 = arith.constant 0 : i32
      %dma_start3A_379 = tpu.memref_slice %arg12[%mul3A_364, %dma_start3A_378] : memref<640x128xf32, #tpu.memory_space<vmem_shared>> -> memref<40x128xf32, #tpu.memory_space<vmem_shared>>
      %dma_start3A_380 = arith.constant 0 : i32
      %dma_start3A_381 = tpu.memref_slice %arg12[%mul3A_364, %dma_start3A_380] : memref<640x128xf32, #tpu.memory_space<vmem_shared>> -> memref<40x128xf32, #tpu.memory_space<vmem_shared>>
      %dma_start3A_382 = arith.constant 0 : i32
      %dma_start3A_383 = arith.constant 0 : i32
      %dma_start3A_384 = tpu.memref_slice %arg5[%dma_start3A_382, %dma_start3A_383] : memref<640x128xf32, #tpu.memory_space<vmem>> -> memref<40x128xf32, #tpu.memory_space<vmem>>
      tpu.enqueue_dma source(%dma_start3A_384 : memref<40x128xf32, #tpu.memory_space<vmem>>) target(%dma_start3A_381 : memref<40x128xf32, #tpu.memory_space<vmem_shared>>) target_semaphore(%run_scoped3A : memref<!tpu.dma_semaphore, #tpu.memory_space<semaphore_mem>>)
      %dma_wait3A = arith.constant 0 : i32
      %dma_wait3A_385 = arith.constant 0 : i32
      %dma_wait3A_386 = tpu.memref_slice %arg5[%dma_wait3A, %dma_wait3A_385] : memref<640x128xf32, #tpu.memory_space<vmem>> -> memref<40x128xf32, #tpu.memory_space<vmem>>
      %dma_wait3A_387 = arith.constant 0 : i32
      %dma_wait3A_388 = tpu.memref_slice %arg12[%mul3A_364, %dma_wait3A_387] : memref<640x128xf32, #tpu.memory_space<vmem_shared>> -> memref<40x128xf32, #tpu.memory_space<vmem_shared>>
      %dma_wait3A_389 = arith.constant 0 : i32
      %dma_wait3A_390 = tpu.memref_slice %arg12[%mul3A_364, %dma_wait3A_389] : memref<640x128xf32, #tpu.memory_space<vmem_shared>> -> memref<40x128xf32, #tpu.memory_space<vmem_shared>>
      %dma_wait3A_391 = arith.constant 0 : i32
      %dma_wait3A_392 = arith.constant 0 : i32
      %dma_wait3A_393 = tpu.memref_slice %arg5[%dma_wait3A_391, %dma_wait3A_392] : memref<640x128xf32, #tpu.memory_space<vmem>> -> memref<40x128xf32, #tpu.memory_space<vmem>>
      tpu.wait_dma2 semaphore(%run_scoped3A : memref<!tpu.dma_semaphore, #tpu.memory_space<semaphore_mem>>) src(%dma_wait3A_393 : memref<40x128xf32, #tpu.memory_space<vmem>>) dst(%dma_wait3A_390 : memref<40x128xf32, #tpu.memory_space<vmem_shared>>)
      tpu.yield
    }) : () -> ()
    %barrier3A = arith.constant 0 : index
    tpu.barrier barrier_id(%barrier3A)
    %scan3A_365 = arith.constant 0 : i32
    %scan3A_366 = arith.constant 0 : i32
    %scan3A_367 = arith.constant 1250 : i32
    %scan3A_368 = arith.addi %scan3A_366, %scan3A_367 : i32
    %scan3A_369 = arith.constant 1 : i32
    scf.for %scan3A_376 = %scan3A_366 to %scan3A_368 step %scan3A_369  : i32 {
      %mul3A_377 = arith.constant 16 : i32
      %mul3A_378 = arith.muli %scan3A_376, %mul3A_377 : i32
      %get3A = arith.index_cast %mul3A_378 : i32 to index
      %get3A_379 = tpu.vector_load %arg4[%get3A] {strides = array<i32>} : memref<20000xi32, #tpu.memory_space<vmem>>, vector<16xi32>,
      %shift_right_logical3A = arith.constant 7 : i32
      %shift_right_logical3A_380 = vector.broadcast %shift_right_logical3A : i32 to vector<16xi32>
      %shift_right_logical3A_381 = arith.shrui %get3A_379, %shift_right_logical3A_380 : vector<16xi32>
      %and3A = arith.constant 127 : i32
      %and3A_382 = vector.broadcast %and3A : i32 to vector<16xi32>
      %and3A_383 = arith.andi %get3A_379, %and3A_382 : vector<16xi32>
      %broadcast_in_dim3A = arith.constant 1.000000e+00 : f32
      %broadcast_in_dim3A_384 = vector.broadcast %broadcast_in_dim3A : f32 to vector<16xf32>
      tpu.vector_store_idx %arg5[%shift_right_logical3A_381, %and3A_383], %broadcast_in_dim3A_384 {add = true} : memref<640x128xf32, #tpu.memory_space<vmem>>[vector<16xi32>, vector<16xi32>], vector<16xf32>,
    }
    %scan3A_370 = arith.constant 1250 : i32
    "tpu.region"() ({
      %run_scoped3A = tpu.sem_alloc : memref<!tpu.dma_semaphore, #tpu.memory_space<semaphore_mem>>
      %dma_start3A = arith.constant 0 : i32
      %dma_start3A_376 = arith.constant 0 : i32
      %dma_start3A_377 = tpu.memref_slice %arg5[%dma_start3A, %dma_start3A_376] : memref<640x128xf32, #tpu.memory_space<vmem>> -> memref<128x128xf32, #tpu.memory_space<vmem>>
      %dma_start3A_378 = arith.constant 0 : i32
      %dma_start3A_379 = arith.constant 0 : i32
      %dma_start3A_380 = tpu.memref_slice %arg12[%dma_start3A_378, %dma_start3A_379] : memref<640x128xf32, #tpu.memory_space<vmem_shared>> -> memref<640x128xf32, #tpu.memory_space<vmem_shared>>
      tpu.enqueue_indirect_dma source(%dma_start3A_377 : memref<128x128xf32, #tpu.memory_space<vmem>>) target(%dma_start3A_380 : memref<640x128xf32, #tpu.memory_space<vmem_shared>>) offsets(%arg7 : memref<128xi32, #tpu.memory_space<vmem>>) semaphore(%run_scoped3A : memref<!tpu.dma_semaphore, #tpu.memory_space<semaphore_mem>>) {add = true}
      %dma_wait3A = arith.constant 0 : i32
      %dma_wait3A_381 = arith.constant 0 : i32
      %dma_wait3A_382 = tpu.memref_slice %arg5[%dma_wait3A, %dma_wait3A_381] : memref<640x128xf32, #tpu.memory_space<vmem>> -> memref<128x128xf32, #tpu.memory_space<vmem>>
      %dma_wait3A_383 = arith.constant 0 : i32
      %dma_wait3A_384 = arith.constant 0 : i32
      %dma_wait3A_385 = tpu.memref_slice %arg12[%dma_wait3A_383, %dma_wait3A_384] : memref<640x128xf32, #tpu.memory_space<vmem_shared>> -> memref<640x128xf32, #tpu.memory_space<vmem_shared>>
      tpu.wait_indirect_dma semaphore(%run_scoped3A : memref<!tpu.dma_semaphore, #tpu.memory_space<semaphore_mem>>) src(%dma_wait3A_382 : memref<128x128xf32, #tpu.memory_space<vmem>>) dst(%dma_wait3A_385 : memref<640x128xf32, #tpu.memory_space<vmem_shared>>)
      tpu.yield
    }) : () -> ()
    "tpu.region"() ({
      %run_scoped3A = tpu.sem_alloc : memref<!tpu.dma_semaphore, #tpu.memory_space<semaphore_mem>>
      %dma_start3A = arith.constant 128 : i32
      %dma_start3A_376 = arith.constant 0 : i32
      %dma_start3A_377 = tpu.memref_slice %arg5[%dma_start3A, %dma_start3A_376] : memref<640x128xf32, #tpu.memory_space<vmem>> -> memref<128x128xf32, #tpu.memory_space<vmem>>
      %dma_start3A_378 = arith.constant 0 : i32
      %dma_start3A_379 = arith.constant 0 : i32
      %dma_start3A_380 = tpu.memref_slice %arg12[%dma_start3A_378, %dma_start3A_379] : memref<640x128xf32, #tpu.memory_space<vmem_shared>> -> memref<640x128xf32, #tpu.memory_space<vmem_shared>>
      tpu.enqueue_indirect_dma source(%dma_start3A_377 : memref<128x128xf32, #tpu.memory_space<vmem>>) target(%dma_start3A_380 : memref<640x128xf32, #tpu.memory_space<vmem_shared>>) offsets(%arg8 : memref<128xi32, #tpu.memory_space<vmem>>) semaphore(%run_scoped3A : memref<!tpu.dma_semaphore, #tpu.memory_space<semaphore_mem>>) {add = true}
      %dma_wait3A = arith.constant 128 : i32
      %dma_wait3A_381 = arith.constant 0 : i32
      %dma_wait3A_382 = tpu.memref_slice %arg5[%dma_wait3A, %dma_wait3A_381] : memref<640x128xf32, #tpu.memory_space<vmem>> -> memref<128x128xf32, #tpu.memory_space<vmem>>
      %dma_wait3A_383 = arith.constant 0 : i32
      %dma_wait3A_384 = arith.constant 0 : i32
      %dma_wait3A_385 = tpu.memref_slice %arg12[%dma_wait3A_383, %dma_wait3A_384] : memref<640x128xf32, #tpu.memory_space<vmem_shared>> -> memref<640x128xf32, #tpu.memory_space<vmem_shared>>
      tpu.wait_indirect_dma semaphore(%run_scoped3A : memref<!tpu.dma_semaphore, #tpu.memory_space<semaphore_mem>>) src(%dma_wait3A_382 : memref<128x128xf32, #tpu.memory_space<vmem>>) dst(%dma_wait3A_385 : memref<640x128xf32, #tpu.memory_space<vmem_shared>>)
      tpu.yield
    }) : () -> ()
    "tpu.region"() ({
      %run_scoped3A = tpu.sem_alloc : memref<!tpu.dma_semaphore, #tpu.memory_space<semaphore_mem>>
      %dma_start3A = arith.constant 256 : i32
      %dma_start3A_376 = arith.constant 0 : i32
      %dma_start3A_377 = tpu.memref_slice %arg5[%dma_start3A, %dma_start3A_376] : memref<640x128xf32, #tpu.memory_space<vmem>> -> memref<128x128xf32, #tpu.memory_space<vmem>>
      %dma_start3A_378 = arith.constant 0 : i32
      %dma_start3A_379 = arith.constant 0 : i32
      %dma_start3A_380 = tpu.memref_slice %arg12[%dma_start3A_378, %dma_start3A_379] : memref<640x128xf32, #tpu.memory_space<vmem_shared>> -> memref<640x128xf32, #tpu.memory_space<vmem_shared>>
      tpu.enqueue_indirect_dma source(%dma_start3A_377 : memref<128x128xf32, #tpu.memory_space<vmem>>) target(%dma_start3A_380 : memref<640x128xf32, #tpu.memory_space<vmem_shared>>) offsets(%arg9 : memref<128xi32, #tpu.memory_space<vmem>>) semaphore(%run_scoped3A : memref<!tpu.dma_semaphore, #tpu.memory_space<semaphore_mem>>) {add = true}
      %dma_wait3A = arith.constant 256 : i32
      %dma_wait3A_381 = arith.constant 0 : i32
      %dma_wait3A_382 = tpu.memref_slice %arg5[%dma_wait3A, %dma_wait3A_381] : memref<640x128xf32, #tpu.memory_space<vmem>> -> memref<128x128xf32, #tpu.memory_space<vmem>>
      %dma_wait3A_383 = arith.constant 0 : i32
      %dma_wait3A_384 = arith.constant 0 : i32
      %dma_wait3A_385 = tpu.memref_slice %arg12[%dma_wait3A_383, %dma_wait3A_384] : memref<640x128xf32, #tpu.memory_space<vmem_shared>> -> memref<640x128xf32, #tpu.memory_space<vmem_shared>>
      tpu.wait_indirect_dma semaphore(%run_scoped3A : memref<!tpu.dma_semaphore, #tpu.memory_space<semaphore_mem>>) src(%dma_wait3A_382 : memref<128x128xf32, #tpu.memory_space<vmem>>) dst(%dma_wait3A_385 : memref<640x128xf32, #tpu.memory_space<vmem_shared>>)
      tpu.yield
    }) : () -> ()
    "tpu.region"() ({
      %run_scoped3A = tpu.sem_alloc : memref<!tpu.dma_semaphore, #tpu.memory_space<semaphore_mem>>
      %dma_start3A = arith.constant 384 : i32
      %dma_start3A_376 = arith.constant 0 : i32
      %dma_start3A_377 = tpu.memref_slice %arg5[%dma_start3A, %dma_start3A_376] : memref<640x128xf32, #tpu.memory_space<vmem>> -> memref<128x128xf32, #tpu.memory_space<vmem>>
      %dma_start3A_378 = arith.constant 0 : i32
      %dma_start3A_379 = arith.constant 0 : i32
      %dma_start3A_380 = tpu.memref_slice %arg12[%dma_start3A_378, %dma_start3A_379] : memref<640x128xf32, #tpu.memory_space<vmem_shared>> -> memref<640x128xf32, #tpu.memory_space<vmem_shared>>
      tpu.enqueue_indirect_dma source(%dma_start3A_377 : memref<128x128xf32, #tpu.memory_space<vmem>>) target(%dma_start3A_380 : memref<640x128xf32, #tpu.memory_space<vmem_shared>>) offsets(%arg10 : memref<128xi32, #tpu.memory_space<vmem>>) semaphore(%run_scoped3A : memref<!tpu.dma_semaphore, #tpu.memory_space<semaphore_mem>>) {add = true}
      %dma_wait3A = arith.constant 384 : i32
      %dma_wait3A_381 = arith.constant 0 : i32
      %dma_wait3A_382 = tpu.memref_slice %arg5[%dma_wait3A, %dma_wait3A_381] : memref<640x128xf32, #tpu.memory_space<vmem>> -> memref<128x128xf32, #tpu.memory_space<vmem>>
      %dma_wait3A_383 = arith.constant 0 : i32
      %dma_wait3A_384 = arith.constant 0 : i32
      %dma_wait3A_385 = tpu.memref_slice %arg12[%dma_wait3A_383, %dma_wait3A_384] : memref<640x128xf32, #tpu.memory_space<vmem_shared>> -> memref<640x128xf32, #tpu.memory_space<vmem_shared>>
      tpu.wait_indirect_dma semaphore(%run_scoped3A : memref<!tpu.dma_semaphore, #tpu.memory_space<semaphore_mem>>) src(%dma_wait3A_382 : memref<128x128xf32, #tpu.memory_space<vmem>>) dst(%dma_wait3A_385 : memref<640x128xf32, #tpu.memory_space<vmem_shared>>)
      tpu.yield
    }) : () -> ()
    "tpu.region"() ({
      %run_scoped3A = tpu.sem_alloc : memref<!tpu.dma_semaphore, #tpu.memory_space<semaphore_mem>>
      %dma_start3A = arith.constant 512 : i32
      %dma_start3A_376 = arith.constant 0 : i32
      %dma_start3A_377 = tpu.memref_slice %arg5[%dma_start3A, %dma_start3A_376] : memref<640x128xf32, #tpu.memory_space<vmem>> -> memref<128x128xf32, #tpu.memory_space<vmem>>
      %dma_start3A_378 = arith.constant 0 : i32
      %dma_start3A_379 = arith.constant 0 : i32
      %dma_start3A_380 = tpu.memref_slice %arg12[%dma_start3A_378, %dma_start3A_379] : memref<640x128xf32, #tpu.memory_space<vmem_shared>> -> memref<640x128xf32, #tpu.memory_space<vmem_shared>>
      tpu.enqueue_indirect_dma source(%dma_start3A_377 : memref<128x128xf32, #tpu.memory_space<vmem>>) target(%dma_start3A_380 : memref<640x128xf32, #tpu.memory_space<vmem_shared>>) offsets(%arg11 : memref<128xi32, #tpu.memory_space<vmem>>) semaphore(%run_scoped3A : memref<!tpu.dma_semaphore, #tpu.memory_space<semaphore_mem>>) {add = true}
      %dma_wait3A = arith.constant 512 : i32
      %dma_wait3A_381 = arith.constant 0 : i32
      %dma_wait3A_382 = tpu.memref_slice %arg5[%dma_wait3A, %dma_wait3A_381] : memref<640x128xf32, #tpu.memory_space<vmem>> -> memref<128x128xf32, #tpu.memory_space<vmem>>
      %dma_wait3A_383 = arith.constant 0 : i32
      %dma_wait3A_384 = arith.constant 0 : i32
      %dma_wait3A_385 = tpu.memref_slice %arg12[%dma_wait3A_383, %dma_wait3A_384] : memref<640x128xf32, #tpu.memory_space<vmem_shared>> -> memref<640x128xf32, #tpu.memory_space<vmem_shared>>
      tpu.wait_indirect_dma semaphore(%run_scoped3A : memref<!tpu.dma_semaphore, #tpu.memory_space<semaphore_mem>>) src(%dma_wait3A_382 : memref<128x128xf32, #tpu.memory_space<vmem>>) dst(%dma_wait3A_385 : memref<640x128xf32, #tpu.memory_space<vmem_shared>>)
      tpu.yield
    }) : () -> ()
    %barrier3A_371 = arith.constant 0 : index
    tpu.barrier barrier_id(%barrier3A_371)
    %mul3A_372 = arith.constant 40 : i32
    %mul3A_373 = arith.muli %arg1, %mul3A_372 : i32
    "tpu.region"() ({
      %run_scoped3A = tpu.sem_alloc : memref<!tpu.dma_semaphore, #tpu.memory_space<semaphore_mem>>
      %dma_start3A = arith.constant 0 : i32
      %dma_start3A_376 = tpu.memref_slice %arg12[%mul3A_373, %dma_start3A] : memref<640x128xf32, #tpu.memory_space<vmem_shared>> -> memref<40x128xf32, #tpu.memory_space<vmem_shared>>
      %dma_start3A_377 = arith.constant 0 : i32
      %dma_start3A_378 = tpu.memref_slice %arg12[%mul3A_373, %dma_start3A_377] : memref<640x128xf32, #tpu.memory_space<vmem_shared>> -> memref<40x128xf32, #tpu.memory_space<vmem_shared>>
      tpu.enqueue_dma source(%dma_start3A_378 : memref<40x128xf32, #tpu.memory_space<vmem_shared>>) target(%arg6 : memref<40x128xf32, #tpu.memory_space<vmem>>) target_semaphore(%run_scoped3A : memref<!tpu.dma_semaphore, #tpu.memory_space<semaphore_mem>>)
      %dma_wait3A = arith.constant 0 : i32
      %dma_wait3A_379 = tpu.memref_slice %arg12[%mul3A_373, %dma_wait3A] : memref<640x128xf32, #tpu.memory_space<vmem_shared>> -> memref<40x128xf32, #tpu.memory_space<vmem_shared>>
      %dma_wait3A_380 = arith.constant 0 : i32
      %dma_wait3A_381 = tpu.memref_slice %arg12[%mul3A_373, %dma_wait3A_380] : memref<640x128xf32, #tpu.memory_space<vmem_shared>> -> memref<40x128xf32, #tpu.memory_space<vmem_shared>>
      tpu.wait_dma2 semaphore(%run_scoped3A : memref<!tpu.dma_semaphore, #tpu.memory_space<semaphore_mem>>) src(%dma_wait3A_381 : memref<40x128xf32, #tpu.memory_space<vmem_shared>>) dst(%arg6 : memref<40x128xf32, #tpu.memory_space<vmem>>)
      tpu.yield
    }) : () -> ()
    %mul3A_374 = arith.constant 40 : i32
    %mul3A_375 = arith.muli %arg1, %mul3A_374 : i32
    "tpu.region"() ({
      %run_scoped3A = tpu.sem_alloc : memref<!tpu.dma_semaphore, #tpu.memory_space<semaphore_mem>>
      %dma_start3A = arith.constant 0 : i32
      %dma_start3A_376 = tpu.memref_slice %arg3[%arg0, %mul3A_375, %dma_start3A] : memref<2x640x128xf32, #tpu.memory_space<hbm>> -> memref<1x40x128xf32, #tpu.memory_space<hbm>>
      %dma_start3A_377 = tpu.memref_squeeze %dma_start3A_376 : memref<1x40x128xf32, #tpu.memory_space<hbm>> -> memref<40x128xf32, #tpu.memory_space<hbm>>
      %dma_start3A_378 = arith.constant 0 : i32
      %dma_start3A_379 = tpu.memref_slice %arg3[%arg0, %mul3A_375, %dma_start3A_378] : memref<2x640x128xf32, #tpu.memory_space<hbm>> -> memref<1x40x128xf32, #tpu.memory_space<hbm>>
      %dma_start3A_380 = tpu.memref_squeeze %dma_start3A_379 : memref<1x40x128xf32, #tpu.memory_space<hbm>> -> memref<40x128xf32, #tpu.memory_space<hbm>>
      tpu.enqueue_dma source(%arg6 : memref<40x128xf32, #tpu.memory_space<vmem>>) target(%dma_start3A_380 : memref<40x128xf32, #tpu.memory_space<hbm>>) target_semaphore(%run_scoped3A : memref<!tpu.dma_semaphore, #tpu.memory_space<semaphore_mem>>)
      %dma_wait3A = arith.constant 0 : i32
      %dma_wait3A_381 = tpu.memref_slice %arg3[%arg0, %mul3A_375, %dma_wait3A] : memref<2x640x128xf32, #tpu.memory_space<hbm>> -> memref<1x40x128xf32, #tpu.memory_space<hbm>>
      %dma_wait3A_382 = tpu.memref_squeeze %dma_wait3A_381 : memref<1x40x128xf32, #tpu.memory_space<hbm>> -> memref<40x128xf32, #tpu.memory_space<hbm>>
      %dma_wait3A_383 = arith.constant 0 : i32
      %dma_wait3A_384 = tpu.memref_slice %arg3[%arg0, %mul3A_375, %dma_wait3A_383] : memref<2x640x128xf32, #tpu.memory_space<hbm>> -> memref<1x40x128xf32, #tpu.memory_space<hbm>>
      %dma_wait3A_385 = tpu.memref_squeeze %dma_wait3A_384 : memref<1x40x128xf32, #tpu.memory_space<hbm>> -> memref<40x128xf32, #tpu.memory_space<hbm>>
      tpu.wait_dma2 semaphore(%run_scoped3A : memref<!tpu.dma_semaphore, #tpu.memory_space<semaphore_mem>>) src(%arg6 : memref<40x128xf32, #tpu.memory_space<vmem>>) dst(%dma_wait3A_385 : memref<40x128xf32, #tpu.memory_space<hbm>>)
      tpu.yield
    }) : () -> ()
    return
  }
}

#map = affine_map<(d0, d1) -> (0)>
#map1 = affine_map<(d0, d1) -> (0, 0)>
#map2 = affine_map<(d0, d1) -> (0, 0, 0)>
module attributes {stable_mosaic.version = 14 : i64} {
  func.func @edge_kernel(%arg0: i32, %arg1: i32, %arg2: memref<320000xi32, #tpu.memory_space<hbm>>, %arg3: memref<320000xi32, #tpu.memory_space<hbm>>, %arg4: memref<2x81920xf32, #tpu.memory_space<hbm>>, %arg5: memref<80000x128xf32, #tpu.memory_space<hbm>>, %arg6: memref<2x10000x128xf32, #tpu.memory_space<hbm>>, %arg7: memref<10000xi32, #tpu.memory_space<vmem>>, %arg8: memref<10000xi32, #tpu.memory_space<vmem>>, %arg9: memref<80xi32, #tpu.memory_space<vmem>>, %arg10: memref<80xi32, #tpu.memory_space<vmem>>, %arg11: memref<80xi32, #tpu.memory_space<vmem>>, %arg12: memref<80xi32, #tpu.memory_space<vmem>>, %arg13: memref<80xi32, #tpu.memory_space<vmem>>, %arg14: memref<80xi32, #tpu.memory_space<vmem>>, %arg15: memref<80xf32, #tpu.memory_space<vmem>>, %arg16: memref<80xf32, #tpu.memory_space<vmem>>, %arg17: memref<80x128xf32, #tpu.memory_space<vmem>>, %arg18: memref<80x128xf32, #tpu.memory_space<vmem>>, %arg19: memref<81920xf32, #tpu.memory_space<vmem_shared>>, %arg20: memref<10000x128xf32, #tpu.memory_space<vmem_shared>>, %arg21: memref<!tpu.dma_semaphore, #tpu.memory_space<semaphore_mem>>, %arg22: memref<!tpu.dma_semaphore, #tpu.memory_space<semaphore_mem>>, %arg23: memref<!tpu.dma_semaphore, #tpu.memory_space<semaphore_mem>>, %arg24: memref<!tpu.dma_semaphore, #tpu.memory_space<semaphore_mem>>) attributes {dimension_semantics = [#tpu.dimension_semantics<core_parallel>, #tpu.dimension_semantics<subcore_parallel>], iteration_bounds = array<i64: 2, 16>, scalar_prefetch = 0 : i64, scratch_operands = 18 : i64, tpu.core_type = #tpu.core_type<sc_vector_subcore>, window_params = [{transform_indices = #map}, {transform_indices = #map}, {transform_indices = #map1}, {transform_indices = #map1}, {transform_indices = #map2}]} {
    %mul3A = arith.constant 2 : i32
    %mul3A_0 = arith.muli %arg1, %mul3A : i32
    %add3A = arith.addi %mul3A_0, %arg0 : i32
    %mul3A_1 = arith.constant 10000 : i32
    %mul3A_2 = arith.muli %add3A, %mul3A_1 : i32
    %eq3A = arith.constant 0 : i32
    %eq3A_3 = arith.cmpi eq, %arg1, %eq3A : i32
    %convert_element_type3A = arith.extui %eq3A_3 : i1 to i32
    %cond3A = arith.constant 0 : i32
    %cond3A_4 = arith.cmpi ne, %convert_element_type3A, %cond3A : i32
    scf.if %cond3A_4 {
      "tpu.region"() ({
        %run_scoped3A = tpu.sem_alloc : memref<!tpu.dma_semaphore, #tpu.memory_space<semaphore_mem>>
        %dma_start3A = arith.constant 0 : i32
        %dma_start3A_133 = tpu.memref_slice %arg4[%arg0, %dma_start3A] : memref<2x81920xf32, #tpu.memory_space<hbm>> -> memref<1x81920xf32, #tpu.memory_space<hbm>>
        %dma_start3A_134 = tpu.memref_squeeze %dma_start3A_133 : memref<1x81920xf32, #tpu.memory_space<hbm>> -> memref<81920xf32, #tpu.memory_space<hbm>>
        tpu.enqueue_dma source(%dma_start3A_134 : memref<81920xf32, #tpu.memory_space<hbm>>) target(%arg19 : memref<81920xf32, #tpu.memory_space<vmem_shared>>) target_semaphore(%run_scoped3A : memref<!tpu.dma_semaphore, #tpu.memory_space<semaphore_mem>>)
        %dma_wait3A_135 = arith.constant 0 : i32
        %dma_wait3A_136 = tpu.memref_slice %arg4[%arg0, %dma_wait3A_135] : memref<2x81920xf32, #tpu.memory_space<hbm>> -> memref<1x81920xf32, #tpu.memory_space<hbm>>
        %dma_wait3A_137 = tpu.memref_squeeze %dma_wait3A_136 : memref<1x81920xf32, #tpu.memory_space<hbm>> -> memref<81920xf32, #tpu.memory_space<hbm>>
        tpu.wait_dma2 semaphore(%run_scoped3A : memref<!tpu.dma_semaphore, #tpu.memory_space<semaphore_mem>>) src(%dma_wait3A_137 : memref<81920xf32, #tpu.memory_space<hbm>>) dst(%arg19 : memref<81920xf32, #tpu.memory_space<vmem_shared>>)
        tpu.yield
      }) : () -> ()
    } else {
    }
    "tpu.region"() ({
      %run_scoped3A = tpu.sem_alloc : memref<!tpu.dma_semaphore, #tpu.memory_space<semaphore_mem>>
      %dma_start3A = tpu.memref_slice %arg2[%mul3A_2] : memref<320000xi32, #tpu.memory_space<hbm>> -> memref<10000xi32, #tpu.memory_space<hbm>>
      %dma_start3A_133 = tpu.memref_slice %arg2[%mul3A_2] : memref<320000xi32, #tpu.memory_space<hbm>> -> memref<10000xi32, #tpu.memory_space<hbm>>
      tpu.enqueue_dma source(%dma_start3A_133 : memref<10000xi32, #tpu.memory_space<hbm>>) target(%arg7 : memref<10000xi32, #tpu.memory_space<vmem>>) target_semaphore(%run_scoped3A : memref<!tpu.dma_semaphore, #tpu.memory_space<semaphore_mem>>)
      %dma_wait3A_134 = tpu.memref_slice %arg2[%mul3A_2] : memref<320000xi32, #tpu.memory_space<hbm>> -> memref<10000xi32, #tpu.memory_space<hbm>>
      %dma_wait3A_135 = tpu.memref_slice %arg2[%mul3A_2] : memref<320000xi32, #tpu.memory_space<hbm>> -> memref<10000xi32, #tpu.memory_space<hbm>>
      tpu.wait_dma2 semaphore(%run_scoped3A : memref<!tpu.dma_semaphore, #tpu.memory_space<semaphore_mem>>) src(%dma_wait3A_135 : memref<10000xi32, #tpu.memory_space<hbm>>) dst(%arg7 : memref<10000xi32, #tpu.memory_space<vmem>>)
      tpu.yield
    }) : () -> ()
    "tpu.region"() ({
      %run_scoped3A = tpu.sem_alloc : memref<!tpu.dma_semaphore, #tpu.memory_space<semaphore_mem>>
      %dma_start3A = tpu.memref_slice %arg3[%mul3A_2] : memref<320000xi32, #tpu.memory_space<hbm>> -> memref<10000xi32, #tpu.memory_space<hbm>>
      %dma_start3A_133 = tpu.memref_slice %arg3[%mul3A_2] : memref<320000xi32, #tpu.memory_space<hbm>> -> memref<10000xi32, #tpu.memory_space<hbm>>
      tpu.enqueue_dma source(%dma_start3A_133 : memref<10000xi32, #tpu.memory_space<hbm>>) target(%arg8 : memref<10000xi32, #tpu.memory_space<vmem>>) target_semaphore(%run_scoped3A : memref<!tpu.dma_semaphore, #tpu.memory_space<semaphore_mem>>)
      %dma_wait3A_134 = tpu.memref_slice %arg3[%mul3A_2] : memref<320000xi32, #tpu.memory_space<hbm>> -> memref<10000xi32, #tpu.memory_space<hbm>>
      %dma_wait3A_135 = tpu.memref_slice %arg3[%mul3A_2] : memref<320000xi32, #tpu.memory_space<hbm>> -> memref<10000xi32, #tpu.memory_space<hbm>>
      tpu.wait_dma2 semaphore(%run_scoped3A : memref<!tpu.dma_semaphore, #tpu.memory_space<semaphore_mem>>) src(%dma_wait3A_135 : memref<10000xi32, #tpu.memory_space<hbm>>) dst(%arg8 : memref<10000xi32, #tpu.memory_space<vmem>>)
      tpu.yield
    }) : () -> ()
    %scan3A = arith.constant 0 : i32
    %scan3A_5 = arith.constant 0 : i32
    %scan3A_6 = arith.constant 80 : i32
    %scan3A_7 = arith.addi %scan3A_5, %scan3A_6 : i32
    %scan3A_8 = arith.constant 1 : i32
    scf.for %scan3A_133 = %scan3A_5 to %scan3A_7 step %scan3A_8  : i32 {
      %broadcast_in_dim3A = arith.constant 0.000000e+00 : f32
      %broadcast_in_dim3A_134 = vector.broadcast %broadcast_in_dim3A : f32 to vector<16xf32>
      %swap3A = arith.index_cast %scan3A_133 : i32 to index
      %swap3A_135 = arith.constant 0 : index
      %swap3A_136 = tpu.vector_load %arg17[%swap3A, %swap3A_135] {strides = array<i32>} : memref<80x128xf32, #tpu.memory_space<vmem>>, vector<16xf32>,
      tpu.vector_store %arg17[%swap3A, %swap3A_135], %broadcast_in_dim3A_134 {strides = array<i32>} : memref<80x128xf32, #tpu.memory_space<vmem>>, vector<16xf32>,
      %broadcast_in_dim3A_137 = arith.constant 0.000000e+00 : f32
      %broadcast_in_dim3A_138 = vector.broadcast %broadcast_in_dim3A_137 : f32 to vector<16xf32>
      %swap3A_139 = arith.index_cast %scan3A_133 : i32 to index
      %swap3A_140 = arith.constant 16 : index
      %swap3A_141 = tpu.vector_load %arg17[%swap3A_139, %swap3A_140] {strides = array<i32>} : memref<80x128xf32, #tpu.memory_space<vmem>>, vector<16xf32>,
      tpu.vector_store %arg17[%swap3A_139, %swap3A_140], %broadcast_in_dim3A_138 {strides = array<i32>} : memref<80x128xf32, #tpu.memory_space<vmem>>, vector<16xf32>,
      %broadcast_in_dim3A_142 = arith.constant 0.000000e+00 : f32
      %broadcast_in_dim3A_143 = vector.broadcast %broadcast_in_dim3A_142 : f32 to vector<16xf32>
      %swap3A_144 = arith.index_cast %scan3A_133 : i32 to index
      %swap3A_145 = arith.constant 32 : index
      %swap3A_146 = tpu.vector_load %arg17[%swap3A_144, %swap3A_145] {strides = array<i32>} : memref<80x128xf32, #tpu.memory_space<vmem>>, vector<16xf32>,
      tpu.vector_store %arg17[%swap3A_144, %swap3A_145], %broadcast_in_dim3A_143 {strides = array<i32>} : memref<80x128xf32, #tpu.memory_space<vmem>>, vector<16xf32>,
      %broadcast_in_dim3A_147 = arith.constant 0.000000e+00 : f32
      %broadcast_in_dim3A_148 = vector.broadcast %broadcast_in_dim3A_147 : f32 to vector<16xf32>
      %swap3A_149 = arith.index_cast %scan3A_133 : i32 to index
      %swap3A_150 = arith.constant 48 : index
      %swap3A_151 = tpu.vector_load %arg17[%swap3A_149, %swap3A_150] {strides = array<i32>} : memref<80x128xf32, #tpu.memory_space<vmem>>, vector<16xf32>,
      tpu.vector_store %arg17[%swap3A_149, %swap3A_150], %broadcast_in_dim3A_148 {strides = array<i32>} : memref<80x128xf32, #tpu.memory_space<vmem>>, vector<16xf32>,
      %broadcast_in_dim3A_152 = arith.constant 0.000000e+00 : f32
      %broadcast_in_dim3A_153 = vector.broadcast %broadcast_in_dim3A_152 : f32 to vector<16xf32>
      %swap3A_154 = arith.index_cast %scan3A_133 : i32 to index
      %swap3A_155 = arith.constant 64 : index
      %swap3A_156 = tpu.vector_load %arg17[%swap3A_154, %swap3A_155] {strides = array<i32>} : memref<80x128xf32, #tpu.memory_space<vmem>>, vector<16xf32>,
      tpu.vector_store %arg17[%swap3A_154, %swap3A_155], %broadcast_in_dim3A_153 {strides = array<i32>} : memref<80x128xf32, #tpu.memory_space<vmem>>, vector<16xf32>,
      %broadcast_in_dim3A_157 = arith.constant 0.000000e+00 : f32
      %broadcast_in_dim3A_158 = vector.broadcast %broadcast_in_dim3A_157 : f32 to vector<16xf32>
      %swap3A_159 = arith.index_cast %scan3A_133 : i32 to index
      %swap3A_160 = arith.constant 80 : index
      %swap3A_161 = tpu.vector_load %arg17[%swap3A_159, %swap3A_160] {strides = array<i32>} : memref<80x128xf32, #tpu.memory_space<vmem>>, vector<16xf32>,
      tpu.vector_store %arg17[%swap3A_159, %swap3A_160], %broadcast_in_dim3A_158 {strides = array<i32>} : memref<80x128xf32, #tpu.memory_space<vmem>>, vector<16xf32>,
      %broadcast_in_dim3A_162 = arith.constant 0.000000e+00 : f32
      %broadcast_in_dim3A_163 = vector.broadcast %broadcast_in_dim3A_162 : f32 to vector<16xf32>
      %swap3A_164 = arith.index_cast %scan3A_133 : i32 to index
      %swap3A_165 = arith.constant 96 : index
      %swap3A_166 = tpu.vector_load %arg17[%swap3A_164, %swap3A_165] {strides = array<i32>} : memref<80x128xf32, #tpu.memory_space<vmem>>, vector<16xf32>,
      tpu.vector_store %arg17[%swap3A_164, %swap3A_165], %broadcast_in_dim3A_163 {strides = array<i32>} : memref<80x128xf32, #tpu.memory_space<vmem>>, vector<16xf32>,
      %broadcast_in_dim3A_167 = arith.constant 0.000000e+00 : f32
      %broadcast_in_dim3A_168 = vector.broadcast %broadcast_in_dim3A_167 : f32 to vector<16xf32>
      %swap3A_169 = arith.index_cast %scan3A_133 : i32 to index
      %swap3A_170 = arith.constant 112 : index
      %swap3A_171 = tpu.vector_load %arg17[%swap3A_169, %swap3A_170] {strides = array<i32>} : memref<80x128xf32, #tpu.memory_space<vmem>>, vector<16xf32>,
      tpu.vector_store %arg17[%swap3A_169, %swap3A_170], %broadcast_in_dim3A_168 {strides = array<i32>} : memref<80x128xf32, #tpu.memory_space<vmem>>, vector<16xf32>,
    }
    %scan3A_9 = arith.constant 80 : i32
    %add3A_10 = arith.constant 0 : i32
    %add3A_11 = arith.addi %arg1, %add3A_10 : i32
    %lt3A = arith.constant 125 : i32
    %lt3A_12 = arith.cmpi slt, %add3A_11, %lt3A : i32
    %convert_element_type3A_13 = arith.extui %lt3A_12 : i1 to i32
    %cond3A_14 = arith.constant 0 : i32
    %cond3A_15 = arith.cmpi ne, %convert_element_type3A_13, %cond3A_14 : i32
    scf.if %cond3A_15 {
      %mul3A_133 = arith.constant 80 : i32
      %mul3A_134 = arith.muli %add3A_11, %mul3A_133 : i32
      "tpu.region"() ({
        %run_scoped3A = tpu.sem_alloc : memref<!tpu.dma_semaphore, #tpu.memory_space<semaphore_mem>>
        %dma_start3A = arith.constant 0 : i32
        %dma_start3A_135 = tpu.memref_slice %arg20[%mul3A_134, %dma_start3A] : memref<10000x128xf32, #tpu.memory_space<vmem_shared>> -> memref<80x128xf32, #tpu.memory_space<vmem_shared>>
        %dma_start3A_136 = arith.constant 0 : i32
        %dma_start3A_137 = tpu.memref_slice %arg20[%mul3A_134, %dma_start3A_136] : memref<10000x128xf32, #tpu.memory_space<vmem_shared>> -> memref<80x128xf32, #tpu.memory_space<vmem_shared>>
        tpu.enqueue_dma source(%arg17 : memref<80x128xf32, #tpu.memory_space<vmem>>) target(%dma_start3A_137 : memref<80x128xf32, #tpu.memory_space<vmem_shared>>) target_semaphore(%run_scoped3A : memref<!tpu.dma_semaphore, #tpu.memory_space<semaphore_mem>>)
        %dma_wait3A_138 = arith.constant 0 : i32
        %dma_wait3A_139 = tpu.memref_slice %arg20[%mul3A_134, %dma_wait3A_138] : memref<10000x128xf32, #tpu.memory_space<vmem_shared>> -> memref<80x128xf32, #tpu.memory_space<vmem_shared>>
        %dma_wait3A_140 = arith.constant 0 : i32
        %dma_wait3A_141 = tpu.memref_slice %arg20[%mul3A_134, %dma_wait3A_140] : memref<10000x128xf32, #tpu.memory_space<vmem_shared>> -> memref<80x128xf32, #tpu.memory_space<vmem_shared>>
        tpu.wait_dma2 semaphore(%run_scoped3A : memref<!tpu.dma_semaphore, #tpu.memory_space<semaphore_mem>>) src(%arg17 : memref<80x128xf32, #tpu.memory_space<vmem>>) dst(%dma_wait3A_141 : memref<80x128xf32, #tpu.memory_space<vmem_shared>>)
        tpu.yield
      }) : () -> ()
    } else {
    }
    %add3A_16 = arith.constant 16 : i32
    %add3A_17 = arith.addi %arg1, %add3A_16 : i32
    %lt3A_18 = arith.constant 125 : i32
    %lt3A_19 = arith.cmpi slt, %add3A_17, %lt3A_18 : i32
    %convert_element_type3A_20 = arith.extui %lt3A_19 : i1 to i32
    %cond3A_21 = arith.constant 0 : i32
    %cond3A_22 = arith.cmpi ne, %convert_element_type3A_20, %cond3A_21 : i32
    scf.if %cond3A_22 {
      %mul3A_133 = arith.constant 80 : i32
      %mul3A_134 = arith.muli %add3A_17, %mul3A_133 : i32
      "tpu.region"() ({
        %run_scoped3A = tpu.sem_alloc : memref<!tpu.dma_semaphore, #tpu.memory_space<semaphore_mem>>
        %dma_start3A = arith.constant 0 : i32
        %dma_start3A_135 = tpu.memref_slice %arg20[%mul3A_134, %dma_start3A] : memref<10000x128xf32, #tpu.memory_space<vmem_shared>> -> memref<80x128xf32, #tpu.memory_space<vmem_shared>>
        %dma_start3A_136 = arith.constant 0 : i32
        %dma_start3A_137 = tpu.memref_slice %arg20[%mul3A_134, %dma_start3A_136] : memref<10000x128xf32, #tpu.memory_space<vmem_shared>> -> memref<80x128xf32, #tpu.memory_space<vmem_shared>>
        tpu.enqueue_dma source(%arg17 : memref<80x128xf32, #tpu.memory_space<vmem>>) target(%dma_start3A_137 : memref<80x128xf32, #tpu.memory_space<vmem_shared>>) target_semaphore(%run_scoped3A : memref<!tpu.dma_semaphore, #tpu.memory_space<semaphore_mem>>)
        %dma_wait3A_138 = arith.constant 0 : i32
        %dma_wait3A_139 = tpu.memref_slice %arg20[%mul3A_134, %dma_wait3A_138] : memref<10000x128xf32, #tpu.memory_space<vmem_shared>> -> memref<80x128xf32, #tpu.memory_space<vmem_shared>>
        %dma_wait3A_140 = arith.constant 0 : i32
        %dma_wait3A_141 = tpu.memref_slice %arg20[%mul3A_134, %dma_wait3A_140] : memref<10000x128xf32, #tpu.memory_space<vmem_shared>> -> memref<80x128xf32, #tpu.memory_space<vmem_shared>>
        tpu.wait_dma2 semaphore(%run_scoped3A : memref<!tpu.dma_semaphore, #tpu.memory_space<semaphore_mem>>) src(%arg17 : memref<80x128xf32, #tpu.memory_space<vmem>>) dst(%dma_wait3A_141 : memref<80x128xf32, #tpu.memory_space<vmem_shared>>)
        tpu.yield
      }) : () -> ()
    } else {
    }
    %add3A_23 = arith.constant 32 : i32
    %add3A_24 = arith.addi %arg1, %add3A_23 : i32
    %lt3A_25 = arith.constant 125 : i32
    %lt3A_26 = arith.cmpi slt, %add3A_24, %lt3A_25 : i32
    %convert_element_type3A_27 = arith.extui %lt3A_26 : i1 to i32
    %cond3A_28 = arith.constant 0 : i32
    %cond3A_29 = arith.cmpi ne, %convert_element_type3A_27, %cond3A_28 : i32
    scf.if %cond3A_29 {
      %mul3A_133 = arith.constant 80 : i32
      %mul3A_134 = arith.muli %add3A_24, %mul3A_133 : i32
      "tpu.region"() ({
        %run_scoped3A = tpu.sem_alloc : memref<!tpu.dma_semaphore, #tpu.memory_space<semaphore_mem>>
        %dma_start3A = arith.constant 0 : i32
        %dma_start3A_135 = tpu.memref_slice %arg20[%mul3A_134, %dma_start3A] : memref<10000x128xf32, #tpu.memory_space<vmem_shared>> -> memref<80x128xf32, #tpu.memory_space<vmem_shared>>
        %dma_start3A_136 = arith.constant 0 : i32
        %dma_start3A_137 = tpu.memref_slice %arg20[%mul3A_134, %dma_start3A_136] : memref<10000x128xf32, #tpu.memory_space<vmem_shared>> -> memref<80x128xf32, #tpu.memory_space<vmem_shared>>
        tpu.enqueue_dma source(%arg17 : memref<80x128xf32, #tpu.memory_space<vmem>>) target(%dma_start3A_137 : memref<80x128xf32, #tpu.memory_space<vmem_shared>>) target_semaphore(%run_scoped3A : memref<!tpu.dma_semaphore, #tpu.memory_space<semaphore_mem>>)
        %dma_wait3A_138 = arith.constant 0 : i32
        %dma_wait3A_139 = tpu.memref_slice %arg20[%mul3A_134, %dma_wait3A_138] : memref<10000x128xf32, #tpu.memory_space<vmem_shared>> -> memref<80x128xf32, #tpu.memory_space<vmem_shared>>
        %dma_wait3A_140 = arith.constant 0 : i32
        %dma_wait3A_141 = tpu.memref_slice %arg20[%mul3A_134, %dma_wait3A_140] : memref<10000x128xf32, #tpu.memory_space<vmem_shared>> -> memref<80x128xf32, #tpu.memory_space<vmem_shared>>
        tpu.wait_dma2 semaphore(%run_scoped3A : memref<!tpu.dma_semaphore, #tpu.memory_space<semaphore_mem>>) src(%arg17 : memref<80x128xf32, #tpu.memory_space<vmem>>) dst(%dma_wait3A_141 : memref<80x128xf32, #tpu.memory_space<vmem_shared>>)
        tpu.yield
      }) : () -> ()
    } else {
    }
    %add3A_30 = arith.constant 48 : i32
    %add3A_31 = arith.addi %arg1, %add3A_30 : i32
    %lt3A_32 = arith.constant 125 : i32
    %lt3A_33 = arith.cmpi slt, %add3A_31, %lt3A_32 : i32
    %convert_element_type3A_34 = arith.extui %lt3A_33 : i1 to i32
    %cond3A_35 = arith.constant 0 : i32
    %cond3A_36 = arith.cmpi ne, %convert_element_type3A_34, %cond3A_35 : i32
    scf.if %cond3A_36 {
      %mul3A_133 = arith.constant 80 : i32
      %mul3A_134 = arith.muli %add3A_31, %mul3A_133 : i32
      "tpu.region"() ({
        %run_scoped3A = tpu.sem_alloc : memref<!tpu.dma_semaphore, #tpu.memory_space<semaphore_mem>>
        %dma_start3A = arith.constant 0 : i32
        %dma_start3A_135 = tpu.memref_slice %arg20[%mul3A_134, %dma_start3A] : memref<10000x128xf32, #tpu.memory_space<vmem_shared>> -> memref<80x128xf32, #tpu.memory_space<vmem_shared>>
        %dma_start3A_136 = arith.constant 0 : i32
        %dma_start3A_137 = tpu.memref_slice %arg20[%mul3A_134, %dma_start3A_136] : memref<10000x128xf32, #tpu.memory_space<vmem_shared>> -> memref<80x128xf32, #tpu.memory_space<vmem_shared>>
        tpu.enqueue_dma source(%arg17 : memref<80x128xf32, #tpu.memory_space<vmem>>) target(%dma_start3A_137 : memref<80x128xf32, #tpu.memory_space<vmem_shared>>) target_semaphore(%run_scoped3A : memref<!tpu.dma_semaphore, #tpu.memory_space<semaphore_mem>>)
        %dma_wait3A_138 = arith.constant 0 : i32
        %dma_wait3A_139 = tpu.memref_slice %arg20[%mul3A_134, %dma_wait3A_138] : memref<10000x128xf32, #tpu.memory_space<vmem_shared>> -> memref<80x128xf32, #tpu.memory_space<vmem_shared>>
        %dma_wait3A_140 = arith.constant 0 : i32
        %dma_wait3A_141 = tpu.memref_slice %arg20[%mul3A_134, %dma_wait3A_140] : memref<10000x128xf32, #tpu.memory_space<vmem_shared>> -> memref<80x128xf32, #tpu.memory_space<vmem_shared>>
        tpu.wait_dma2 semaphore(%run_scoped3A : memref<!tpu.dma_semaphore, #tpu.memory_space<semaphore_mem>>) src(%arg17 : memref<80x128xf32, #tpu.memory_space<vmem>>) dst(%dma_wait3A_141 : memref<80x128xf32, #tpu.memory_space<vmem_shared>>)
        tpu.yield
      }) : () -> ()
    } else {
    }
    %add3A_37 = arith.constant 64 : i32
    %add3A_38 = arith.addi %arg1, %add3A_37 : i32
    %lt3A_39 = arith.constant 125 : i32
    %lt3A_40 = arith.cmpi slt, %add3A_38, %lt3A_39 : i32
    %convert_element_type3A_41 = arith.extui %lt3A_40 : i1 to i32
    %cond3A_42 = arith.constant 0 : i32
    %cond3A_43 = arith.cmpi ne, %convert_element_type3A_41, %cond3A_42 : i32
    scf.if %cond3A_43 {
      %mul3A_133 = arith.constant 80 : i32
      %mul3A_134 = arith.muli %add3A_38, %mul3A_133 : i32
      "tpu.region"() ({
        %run_scoped3A = tpu.sem_alloc : memref<!tpu.dma_semaphore, #tpu.memory_space<semaphore_mem>>
        %dma_start3A = arith.constant 0 : i32
        %dma_start3A_135 = tpu.memref_slice %arg20[%mul3A_134, %dma_start3A] : memref<10000x128xf32, #tpu.memory_space<vmem_shared>> -> memref<80x128xf32, #tpu.memory_space<vmem_shared>>
        %dma_start3A_136 = arith.constant 0 : i32
        %dma_start3A_137 = tpu.memref_slice %arg20[%mul3A_134, %dma_start3A_136] : memref<10000x128xf32, #tpu.memory_space<vmem_shared>> -> memref<80x128xf32, #tpu.memory_space<vmem_shared>>
        tpu.enqueue_dma source(%arg17 : memref<80x128xf32, #tpu.memory_space<vmem>>) target(%dma_start3A_137 : memref<80x128xf32, #tpu.memory_space<vmem_shared>>) target_semaphore(%run_scoped3A : memref<!tpu.dma_semaphore, #tpu.memory_space<semaphore_mem>>)
        %dma_wait3A_138 = arith.constant 0 : i32
        %dma_wait3A_139 = tpu.memref_slice %arg20[%mul3A_134, %dma_wait3A_138] : memref<10000x128xf32, #tpu.memory_space<vmem_shared>> -> memref<80x128xf32, #tpu.memory_space<vmem_shared>>
        %dma_wait3A_140 = arith.constant 0 : i32
        %dma_wait3A_141 = tpu.memref_slice %arg20[%mul3A_134, %dma_wait3A_140] : memref<10000x128xf32, #tpu.memory_space<vmem_shared>> -> memref<80x128xf32, #tpu.memory_space<vmem_shared>>
        tpu.wait_dma2 semaphore(%run_scoped3A : memref<!tpu.dma_semaphore, #tpu.memory_space<semaphore_mem>>) src(%arg17 : memref<80x128xf32, #tpu.memory_space<vmem>>) dst(%dma_wait3A_141 : memref<80x128xf32, #tpu.memory_space<vmem_shared>>)
        tpu.yield
      }) : () -> ()
    } else {
    }
    %add3A_44 = arith.constant 80 : i32
    %add3A_45 = arith.addi %arg1, %add3A_44 : i32
    %lt3A_46 = arith.constant 125 : i32
    %lt3A_47 = arith.cmpi slt, %add3A_45, %lt3A_46 : i32
    %convert_element_type3A_48 = arith.extui %lt3A_47 : i1 to i32
    %cond3A_49 = arith.constant 0 : i32
    %cond3A_50 = arith.cmpi ne, %convert_element_type3A_48, %cond3A_49 : i32
    scf.if %cond3A_50 {
      %mul3A_133 = arith.constant 80 : i32
      %mul3A_134 = arith.muli %add3A_45, %mul3A_133 : i32
      "tpu.region"() ({
        %run_scoped3A = tpu.sem_alloc : memref<!tpu.dma_semaphore, #tpu.memory_space<semaphore_mem>>
        %dma_start3A = arith.constant 0 : i32
        %dma_start3A_135 = tpu.memref_slice %arg20[%mul3A_134, %dma_start3A] : memref<10000x128xf32, #tpu.memory_space<vmem_shared>> -> memref<80x128xf32, #tpu.memory_space<vmem_shared>>
        %dma_start3A_136 = arith.constant 0 : i32
        %dma_start3A_137 = tpu.memref_slice %arg20[%mul3A_134, %dma_start3A_136] : memref<10000x128xf32, #tpu.memory_space<vmem_shared>> -> memref<80x128xf32, #tpu.memory_space<vmem_shared>>
        tpu.enqueue_dma source(%arg17 : memref<80x128xf32, #tpu.memory_space<vmem>>) target(%dma_start3A_137 : memref<80x128xf32, #tpu.memory_space<vmem_shared>>) target_semaphore(%run_scoped3A : memref<!tpu.dma_semaphore, #tpu.memory_space<semaphore_mem>>)
        %dma_wait3A_138 = arith.constant 0 : i32
        %dma_wait3A_139 = tpu.memref_slice %arg20[%mul3A_134, %dma_wait3A_138] : memref<10000x128xf32, #tpu.memory_space<vmem_shared>> -> memref<80x128xf32, #tpu.memory_space<vmem_shared>>
        %dma_wait3A_140 = arith.constant 0 : i32
        %dma_wait3A_141 = tpu.memref_slice %arg20[%mul3A_134, %dma_wait3A_140] : memref<10000x128xf32, #tpu.memory_space<vmem_shared>> -> memref<80x128xf32, #tpu.memory_space<vmem_shared>>
        tpu.wait_dma2 semaphore(%run_scoped3A : memref<!tpu.dma_semaphore, #tpu.memory_space<semaphore_mem>>) src(%arg17 : memref<80x128xf32, #tpu.memory_space<vmem>>) dst(%dma_wait3A_141 : memref<80x128xf32, #tpu.memory_space<vmem_shared>>)
        tpu.yield
      }) : () -> ()
    } else {
    }
    %add3A_51 = arith.constant 96 : i32
    %add3A_52 = arith.addi %arg1, %add3A_51 : i32
    %lt3A_53 = arith.constant 125 : i32
    %lt3A_54 = arith.cmpi slt, %add3A_52, %lt3A_53 : i32
    %convert_element_type3A_55 = arith.extui %lt3A_54 : i1 to i32
    %cond3A_56 = arith.constant 0 : i32
    %cond3A_57 = arith.cmpi ne, %convert_element_type3A_55, %cond3A_56 : i32
    scf.if %cond3A_57 {
      %mul3A_133 = arith.constant 80 : i32
      %mul3A_134 = arith.muli %add3A_52, %mul3A_133 : i32
      "tpu.region"() ({
        %run_scoped3A = tpu.sem_alloc : memref<!tpu.dma_semaphore, #tpu.memory_space<semaphore_mem>>
        %dma_start3A = arith.constant 0 : i32
        %dma_start3A_135 = tpu.memref_slice %arg20[%mul3A_134, %dma_start3A] : memref<10000x128xf32, #tpu.memory_space<vmem_shared>> -> memref<80x128xf32, #tpu.memory_space<vmem_shared>>
        %dma_start3A_136 = arith.constant 0 : i32
        %dma_start3A_137 = tpu.memref_slice %arg20[%mul3A_134, %dma_start3A_136] : memref<10000x128xf32, #tpu.memory_space<vmem_shared>> -> memref<80x128xf32, #tpu.memory_space<vmem_shared>>
        tpu.enqueue_dma source(%arg17 : memref<80x128xf32, #tpu.memory_space<vmem>>) target(%dma_start3A_137 : memref<80x128xf32, #tpu.memory_space<vmem_shared>>) target_semaphore(%run_scoped3A : memref<!tpu.dma_semaphore, #tpu.memory_space<semaphore_mem>>)
        %dma_wait3A_138 = arith.constant 0 : i32
        %dma_wait3A_139 = tpu.memref_slice %arg20[%mul3A_134, %dma_wait3A_138] : memref<10000x128xf32, #tpu.memory_space<vmem_shared>> -> memref<80x128xf32, #tpu.memory_space<vmem_shared>>
        %dma_wait3A_140 = arith.constant 0 : i32
        %dma_wait3A_141 = tpu.memref_slice %arg20[%mul3A_134, %dma_wait3A_140] : memref<10000x128xf32, #tpu.memory_space<vmem_shared>> -> memref<80x128xf32, #tpu.memory_space<vmem_shared>>
        tpu.wait_dma2 semaphore(%run_scoped3A : memref<!tpu.dma_semaphore, #tpu.memory_space<semaphore_mem>>) src(%arg17 : memref<80x128xf32, #tpu.memory_space<vmem>>) dst(%dma_wait3A_141 : memref<80x128xf32, #tpu.memory_space<vmem_shared>>)
        tpu.yield
      }) : () -> ()
    } else {
    }
    %add3A_58 = arith.constant 112 : i32
    %add3A_59 = arith.addi %arg1, %add3A_58 : i32
    %lt3A_60 = arith.constant 125 : i32
    %lt3A_61 = arith.cmpi slt, %add3A_59, %lt3A_60 : i32
    %convert_element_type3A_62 = arith.extui %lt3A_61 : i1 to i32
    %cond3A_63 = arith.constant 0 : i32
    %cond3A_64 = arith.cmpi ne, %convert_element_type3A_62, %cond3A_63 : i32
    scf.if %cond3A_64 {
      %mul3A_133 = arith.constant 80 : i32
      %mul3A_134 = arith.muli %add3A_59, %mul3A_133 : i32
      "tpu.region"() ({
        %run_scoped3A = tpu.sem_alloc : memref<!tpu.dma_semaphore, #tpu.memory_space<semaphore_mem>>
        %dma_start3A = arith.constant 0 : i32
        %dma_start3A_135 = tpu.memref_slice %arg20[%mul3A_134, %dma_start3A] : memref<10000x128xf32, #tpu.memory_space<vmem_shared>> -> memref<80x128xf32, #tpu.memory_space<vmem_shared>>
        %dma_start3A_136 = arith.constant 0 : i32
        %dma_start3A_137 = tpu.memref_slice %arg20[%mul3A_134, %dma_start3A_136] : memref<10000x128xf32, #tpu.memory_space<vmem_shared>> -> memref<80x128xf32, #tpu.memory_space<vmem_shared>>
        tpu.enqueue_dma source(%arg17 : memref<80x128xf32, #tpu.memory_space<vmem>>) target(%dma_start3A_137 : memref<80x128xf32, #tpu.memory_space<vmem_shared>>) target_semaphore(%run_scoped3A : memref<!tpu.dma_semaphore, #tpu.memory_space<semaphore_mem>>)
        %dma_wait3A_138 = arith.constant 0 : i32
        %dma_wait3A_139 = tpu.memref_slice %arg20[%mul3A_134, %dma_wait3A_138] : memref<10000x128xf32, #tpu.memory_space<vmem_shared>> -> memref<80x128xf32, #tpu.memory_space<vmem_shared>>
        %dma_wait3A_140 = arith.constant 0 : i32
        %dma_wait3A_141 = tpu.memref_slice %arg20[%mul3A_134, %dma_wait3A_140] : memref<10000x128xf32, #tpu.memory_space<vmem_shared>> -> memref<80x128xf32, #tpu.memory_space<vmem_shared>>
        tpu.wait_dma2 semaphore(%run_scoped3A : memref<!tpu.dma_semaphore, #tpu.memory_space<semaphore_mem>>) src(%arg17 : memref<80x128xf32, #tpu.memory_space<vmem>>) dst(%dma_wait3A_141 : memref<80x128xf32, #tpu.memory_space<vmem_shared>>)
        tpu.yield
      }) : () -> ()
    } else {
    }
    %barrier3A = arith.constant 0 : index
    tpu.barrier barrier_id(%barrier3A)
    %scan3A_65 = arith.constant 0 : i32
    %scan3A_66 = arith.constant 0 : i32
    %scan3A_67 = arith.constant 126 : i32
    %scan3A_68 = arith.addi %scan3A_66, %scan3A_67 : i32
    %scan3A_69 = arith.constant 1 : i32
    scf.for %scan3A_133 = %scan3A_66 to %scan3A_68 step %scan3A_69  : i32 {
      %rem3A = arith.constant 2 : i32
      %rem3A_134 = arith.remsi %scan3A_133, %rem3A : i32
      %lt3A_135 = arith.constant 125 : i32
      %lt3A_136 = arith.cmpi slt, %scan3A_133, %lt3A_135 : i32
      %eq3A_137 = arith.constant 0 : i32
      %eq3A_138 = arith.cmpi eq, %rem3A_134, %eq3A_137 : i32
      %and3A = arith.andi %lt3A_136, %eq3A_138 : i1
      %convert_element_type3A_139 = arith.extui %and3A : i1 to i32
      %cond3A_140 = arith.constant 0 : i32
      %cond3A_141 = arith.cmpi ne, %convert_element_type3A_139, %cond3A_140 : i32
      scf.if %cond3A_141 {
        %ge3A = arith.constant 2 : i32
        %ge3A_165 = arith.cmpi sge, %scan3A_133, %ge3A : i32
        %convert_element_type3A_166 = arith.extui %ge3A_165 : i1 to i32
        %cond3A_167 = arith.constant 0 : i32
        %cond3A_168 = arith.cmpi ne, %convert_element_type3A_166, %cond3A_167 : i32
        scf.if %cond3A_168 {
          %dma_wait3A_255 = arith.constant 0 : i32
          %dma_wait3A_256 = arith.constant 0 : i32
          %dma_wait3A_257 = tpu.memref_slice %arg20[%dma_wait3A_255, %dma_wait3A_256] : memref<10000x128xf32, #tpu.memory_space<vmem_shared>> -> memref<10000x128xf32, #tpu.memory_space<vmem_shared>>
          tpu.wait_indirect_dma semaphore(%arg23 : memref<!tpu.dma_semaphore, #tpu.memory_space<semaphore_mem>>) src(%arg17 : memref<80x128xf32, #tpu.memory_space<vmem>>) dst(%dma_wait3A_257 : memref<10000x128xf32, #tpu.memory_space<vmem_shared>>)
        } else {
        }
        %mul3A_169 = arith.constant 80 : i32
        %mul3A_170 = arith.muli %scan3A_133, %mul3A_169 : i32
        %add3A_171 = arith.constant 0 : i32
        %add3A_172 = arith.addi %mul3A_170, %add3A_171 : i32
        %get3A = arith.index_cast %add3A_172 : i32 to index
        %get3A_173 = tpu.vector_load %arg7[%get3A] {strides = array<i32>} : memref<10000xi32, #tpu.memory_space<vmem>>, vector<16xi32>,
        %add3A_174 = arith.constant 0 : i32
        %add3A_175 = arith.addi %mul3A_170, %add3A_174 : i32
        %get3A_176 = arith.index_cast %add3A_175 : i32 to index
        %get3A_177 = tpu.vector_load %arg8[%get3A_176] {strides = array<i32>} : memref<10000xi32, #tpu.memory_space<vmem>>, vector<16xi32>,
        %swap3A = arith.constant 0 : index
        %swap3A_178 = tpu.vector_load %arg9[%swap3A] {strides = array<i32>} : memref<80xi32, #tpu.memory_space<vmem>>, vector<16xi32>,
        tpu.vector_store %arg9[%swap3A], %get3A_173 {strides = array<i32>} : memref<80xi32, #tpu.memory_space<vmem>>, vector<16xi32>,
        %swap3A_179 = arith.constant 0 : index
        %swap3A_180 = tpu.vector_load %arg11[%swap3A_179] {strides = array<i32>} : memref<80xi32, #tpu.memory_space<vmem>>, vector<16xi32>,
        tpu.vector_store %arg11[%swap3A_179], %get3A_177 {strides = array<i32>} : memref<80xi32, #tpu.memory_space<vmem>>, vector<16xi32>,
        %shift_right_logical3A = arith.constant 3 : i32
        %shift_right_logical3A_181 = vector.broadcast %shift_right_logical3A : i32 to vector<16xi32>
        %shift_right_logical3A_182 = arith.shrui %get3A_177, %shift_right_logical3A_181 : vector<16xi32>
        %swap3A_183 = arith.constant 0 : index
        %swap3A_184 = tpu.vector_load %arg13[%swap3A_183] {strides = array<i32>} : memref<80xi32, #tpu.memory_space<vmem>>, vector<16xi32>,
        tpu.vector_store %arg13[%swap3A_183], %shift_right_logical3A_182 {strides = array<i32>} : memref<80xi32, #tpu.memory_space<vmem>>, vector<16xi32>,
        %add3A_185 = arith.constant 16 : i32
        %add3A_186 = arith.addi %mul3A_170, %add3A_185 : i32
        %get3A_187 = arith.index_cast %add3A_186 : i32 to index
        %get3A_188 = tpu.vector_load %arg7[%get3A_187] {strides = array<i32>} : memref<10000xi32, #tpu.memory_space<vmem>>, vector<16xi32>,
        %add3A_189 = arith.constant 16 : i32
        %add3A_190 = arith.addi %mul3A_170, %add3A_189 : i32
        %get3A_191 = arith.index_cast %add3A_190 : i32 to index
        %get3A_192 = tpu.vector_load %arg8[%get3A_191] {strides = array<i32>} : memref<10000xi32, #tpu.memory_space<vmem>>, vector<16xi32>,
        %swap3A_193 = arith.constant 16 : index
        %swap3A_194 = tpu.vector_load %arg9[%swap3A_193] {strides = array<i32>} : memref<80xi32, #tpu.memory_space<vmem>>, vector<16xi32>,
        tpu.vector_store %arg9[%swap3A_193], %get3A_188 {strides = array<i32>} : memref<80xi32, #tpu.memory_space<vmem>>, vector<16xi32>,
        %swap3A_195 = arith.constant 16 : index
        %swap3A_196 = tpu.vector_load %arg11[%swap3A_195] {strides = array<i32>} : memref<80xi32, #tpu.memory_space<vmem>>, vector<16xi32>,
        tpu.vector_store %arg11[%swap3A_195], %get3A_192 {strides = array<i32>} : memref<80xi32, #tpu.memory_space<vmem>>, vector<16xi32>,
        %shift_right_logical3A_197 = arith.constant 3 : i32
        %shift_right_logical3A_198 = vector.broadcast %shift_right_logical3A_197 : i32 to vector<16xi32>
        %shift_right_logical3A_199 = arith.shrui %get3A_192, %shift_right_logical3A_198 : vector<16xi32>
        %swap3A_200 = arith.constant 16 : index
        %swap3A_201 = tpu.vector_load %arg13[%swap3A_200] {strides = array<i32>} : memref<80xi32, #tpu.memory_space<vmem>>, vector<16xi32>,
        tpu.vector_store %arg13[%swap3A_200], %shift_right_logical3A_199 {strides = array<i32>} : memref<80xi32, #tpu.memory_space<vmem>>, vector<16xi32>,
        %add3A_202 = arith.constant 32 : i32
        %add3A_203 = arith.addi %mul3A_170, %add3A_202 : i32
        %get3A_204 = arith.index_cast %add3A_203 : i32 to index
        %get3A_205 = tpu.vector_load %arg7[%get3A_204] {strides = array<i32>} : memref<10000xi32, #tpu.memory_space<vmem>>, vector<16xi32>,
        %add3A_206 = arith.constant 32 : i32
        %add3A_207 = arith.addi %mul3A_170, %add3A_206 : i32
        %get3A_208 = arith.index_cast %add3A_207 : i32 to index
        %get3A_209 = tpu.vector_load %arg8[%get3A_208] {strides = array<i32>} : memref<10000xi32, #tpu.memory_space<vmem>>, vector<16xi32>,
        %swap3A_210 = arith.constant 32 : index
        %swap3A_211 = tpu.vector_load %arg9[%swap3A_210] {strides = array<i32>} : memref<80xi32, #tpu.memory_space<vmem>>, vector<16xi32>,
        tpu.vector_store %arg9[%swap3A_210], %get3A_205 {strides = array<i32>} : memref<80xi32, #tpu.memory_space<vmem>>, vector<16xi32>,
        %swap3A_212 = arith.constant 32 : index
        %swap3A_213 = tpu.vector_load %arg11[%swap3A_212] {strides = array<i32>} : memref<80xi32, #tpu.memory_space<vmem>>, vector<16xi32>,
        tpu.vector_store %arg11[%swap3A_212], %get3A_209 {strides = array<i32>} : memref<80xi32, #tpu.memory_space<vmem>>, vector<16xi32>,
        %shift_right_logical3A_214 = arith.constant 3 : i32
        %shift_right_logical3A_215 = vector.broadcast %shift_right_logical3A_214 : i32 to vector<16xi32>
        %shift_right_logical3A_216 = arith.shrui %get3A_209, %shift_right_logical3A_215 : vector<16xi32>
        %swap3A_217 = arith.constant 32 : index
        %swap3A_218 = tpu.vector_load %arg13[%swap3A_217] {strides = array<i32>} : memref<80xi32, #tpu.memory_space<vmem>>, vector<16xi32>,
        tpu.vector_store %arg13[%swap3A_217], %shift_right_logical3A_216 {strides = array<i32>} : memref<80xi32, #tpu.memory_space<vmem>>, vector<16xi32>,
        %add3A_219 = arith.constant 48 : i32
        %add3A_220 = arith.addi %mul3A_170, %add3A_219 : i32
        %get3A_221 = arith.index_cast %add3A_220 : i32 to index
        %get3A_222 = tpu.vector_load %arg7[%get3A_221] {strides = array<i32>} : memref<10000xi32, #tpu.memory_space<vmem>>, vector<16xi32>,
        %add3A_223 = arith.constant 48 : i32
        %add3A_224 = arith.addi %mul3A_170, %add3A_223 : i32
        %get3A_225 = arith.index_cast %add3A_224 : i32 to index
        %get3A_226 = tpu.vector_load %arg8[%get3A_225] {strides = array<i32>} : memref<10000xi32, #tpu.memory_space<vmem>>, vector<16xi32>,
        %swap3A_227 = arith.constant 48 : index
        %swap3A_228 = tpu.vector_load %arg9[%swap3A_227] {strides = array<i32>} : memref<80xi32, #tpu.memory_space<vmem>>, vector<16xi32>,
        tpu.vector_store %arg9[%swap3A_227], %get3A_222 {strides = array<i32>} : memref<80xi32, #tpu.memory_space<vmem>>, vector<16xi32>,
        %swap3A_229 = arith.constant 48 : index
        %swap3A_230 = tpu.vector_load %arg11[%swap3A_229] {strides = array<i32>} : memref<80xi32, #tpu.memory_space<vmem>>, vector<16xi32>,
        tpu.vector_store %arg11[%swap3A_229], %get3A_226 {strides = array<i32>} : memref<80xi32, #tpu.memory_space<vmem>>, vector<16xi32>,
        %shift_right_logical3A_231 = arith.constant 3 : i32
        %shift_right_logical3A_232 = vector.broadcast %shift_right_logical3A_231 : i32 to vector<16xi32>
        %shift_right_logical3A_233 = arith.shrui %get3A_226, %shift_right_logical3A_232 : vector<16xi32>
        %swap3A_234 = arith.constant 48 : index
        %swap3A_235 = tpu.vector_load %arg13[%swap3A_234] {strides = array<i32>} : memref<80xi32, #tpu.memory_space<vmem>>, vector<16xi32>,
        tpu.vector_store %arg13[%swap3A_234], %shift_right_logical3A_233 {strides = array<i32>} : memref<80xi32, #tpu.memory_space<vmem>>, vector<16xi32>,
        %add3A_236 = arith.constant 64 : i32
        %add3A_237 = arith.addi %mul3A_170, %add3A_236 : i32
        %get3A_238 = arith.index_cast %add3A_237 : i32 to index
        %get3A_239 = tpu.vector_load %arg7[%get3A_238] {strides = array<i32>} : memref<10000xi32, #tpu.memory_space<vmem>>, vector<16xi32>,
        %add3A_240 = arith.constant 64 : i32
        %add3A_241 = arith.addi %mul3A_170, %add3A_240 : i32
        %get3A_242 = arith.index_cast %add3A_241 : i32 to index
        %get3A_243 = tpu.vector_load %arg8[%get3A_242] {strides = array<i32>} : memref<10000xi32, #tpu.memory_space<vmem>>, vector<16xi32>,
        %swap3A_244 = arith.constant 64 : index
        %swap3A_245 = tpu.vector_load %arg9[%swap3A_244] {strides = array<i32>} : memref<80xi32, #tpu.memory_space<vmem>>, vector<16xi32>,
        tpu.vector_store %arg9[%swap3A_244], %get3A_239 {strides = array<i32>} : memref<80xi32, #tpu.memory_space<vmem>>, vector<16xi32>,
        %swap3A_246 = arith.constant 64 : index
        %swap3A_247 = tpu.vector_load %arg11[%swap3A_246] {strides = array<i32>} : memref<80xi32, #tpu.memory_space<vmem>>, vector<16xi32>,
        tpu.vector_store %arg11[%swap3A_246], %get3A_243 {strides = array<i32>} : memref<80xi32, #tpu.memory_space<vmem>>, vector<16xi32>,
        %shift_right_logical3A_248 = arith.constant 3 : i32
        %shift_right_logical3A_249 = vector.broadcast %shift_right_logical3A_248 : i32 to vector<16xi32>
        %shift_right_logical3A_250 = arith.shrui %get3A_243, %shift_right_logical3A_249 : vector<16xi32>
        %swap3A_251 = arith.constant 64 : index
        %swap3A_252 = tpu.vector_load %arg13[%swap3A_251] {strides = array<i32>} : memref<80xi32, #tpu.memory_space<vmem>>, vector<16xi32>,
        tpu.vector_store %arg13[%swap3A_251], %shift_right_logical3A_250 {strides = array<i32>} : memref<80xi32, #tpu.memory_space<vmem>>, vector<16xi32>,
        "tpu.region"() ({
          %run_scoped3A = tpu.sem_alloc : memref<!tpu.dma_semaphore, #tpu.memory_space<semaphore_mem>>
          %dma_start3A_255 = arith.constant 0 : i32
          %dma_start3A_256 = tpu.memref_slice %arg19[%dma_start3A_255] : memref<81920xf32, #tpu.memory_space<vmem_shared>> -> memref<81920xf32, #tpu.memory_space<vmem_shared>>
          tpu.enqueue_indirect_dma source(%dma_start3A_256 : memref<81920xf32, #tpu.memory_space<vmem_shared>>) target(%arg15 : memref<80xf32, #tpu.memory_space<vmem>>) offsets(%arg11 : memref<80xi32, #tpu.memory_space<vmem>>) semaphore(%run_scoped3A : memref<!tpu.dma_semaphore, #tpu.memory_space<semaphore_mem>>)
          %dma_wait3A_257 = arith.constant 0 : i32
          %dma_wait3A_258 = tpu.memref_slice %arg19[%dma_wait3A_257] : memref<81920xf32, #tpu.memory_space<vmem_shared>> -> memref<81920xf32, #tpu.memory_space<vmem_shared>>
          tpu.wait_indirect_dma semaphore(%run_scoped3A : memref<!tpu.dma_semaphore, #tpu.memory_space<semaphore_mem>>) src(%dma_wait3A_258 : memref<81920xf32, #tpu.memory_space<vmem_shared>>) dst(%arg15 : memref<80xf32, #tpu.memory_space<vmem>>)
          tpu.yield
        }) : () -> ()
        %dma_start3A = arith.constant 0 : i32
        %dma_start3A_253 = arith.constant 0 : i32
        %dma_start3A_254 = tpu.memref_slice %arg5[%dma_start3A, %dma_start3A_253] : memref<80000x128xf32, #tpu.memory_space<hbm>> -> memref<80000x128xf32, #tpu.memory_space<hbm>>
        tpu.enqueue_indirect_dma source(%dma_start3A_254 : memref<80000x128xf32, #tpu.memory_space<hbm>>) target(%arg17 : memref<80x128xf32, #tpu.memory_space<vmem>>) offsets(%arg9 : memref<80xi32, #tpu.memory_space<vmem>>) semaphore(%arg21 : memref<!tpu.dma_semaphore, #tpu.memory_space<semaphore_mem>>)
      } else {
      }
      %lt3A_142 = arith.constant 125 : i32
      %lt3A_143 = arith.cmpi slt, %scan3A_133, %lt3A_142 : i32
      %eq3A_144 = arith.constant 1 : i32
      %eq3A_145 = arith.cmpi eq, %rem3A_134, %eq3A_144 : i32
      %and3A_146 = arith.andi %lt3A_143, %eq3A_145 : i1
      %convert_element_type3A_147 = arith.extui %and3A_146 : i1 to i32
      %cond3A_148 = arith.constant 0 : i32
      %cond3A_149 = arith.cmpi ne, %convert_element_type3A_147, %cond3A_148 : i32
      scf.if %cond3A_149 {
        %ge3A = arith.constant 2 : i32
        %ge3A_165 = arith.cmpi sge, %scan3A_133, %ge3A : i32
        %convert_element_type3A_166 = arith.extui %ge3A_165 : i1 to i32
        %cond3A_167 = arith.constant 0 : i32
        %cond3A_168 = arith.cmpi ne, %convert_element_type3A_166, %cond3A_167 : i32
        scf.if %cond3A_168 {
          %dma_wait3A_255 = arith.constant 0 : i32
          %dma_wait3A_256 = arith.constant 0 : i32
          %dma_wait3A_257 = tpu.memref_slice %arg20[%dma_wait3A_255, %dma_wait3A_256] : memref<10000x128xf32, #tpu.memory_space<vmem_shared>> -> memref<10000x128xf32, #tpu.memory_space<vmem_shared>>
          tpu.wait_indirect_dma semaphore(%arg24 : memref<!tpu.dma_semaphore, #tpu.memory_space<semaphore_mem>>) src(%arg18 : memref<80x128xf32, #tpu.memory_space<vmem>>) dst(%dma_wait3A_257 : memref<10000x128xf32, #tpu.memory_space<vmem_shared>>)
        } else {
        }
        %mul3A_169 = arith.constant 80 : i32
        %mul3A_170 = arith.muli %scan3A_133, %mul3A_169 : i32
        %add3A_171 = arith.constant 0 : i32
        %add3A_172 = arith.addi %mul3A_170, %add3A_171 : i32
        %get3A = arith.index_cast %add3A_172 : i32 to index
        %get3A_173 = tpu.vector_load %arg7[%get3A] {strides = array<i32>} : memref<10000xi32, #tpu.memory_space<vmem>>, vector<16xi32>,
        %add3A_174 = arith.constant 0 : i32
        %add3A_175 = arith.addi %mul3A_170, %add3A_174 : i32
        %get3A_176 = arith.index_cast %add3A_175 : i32 to index
        %get3A_177 = tpu.vector_load %arg8[%get3A_176] {strides = array<i32>} : memref<10000xi32, #tpu.memory_space<vmem>>, vector<16xi32>,
        %swap3A = arith.constant 0 : index
        %swap3A_178 = tpu.vector_load %arg10[%swap3A] {strides = array<i32>} : memref<80xi32, #tpu.memory_space<vmem>>, vector<16xi32>,
        tpu.vector_store %arg10[%swap3A], %get3A_173 {strides = array<i32>} : memref<80xi32, #tpu.memory_space<vmem>>, vector<16xi32>,
        %swap3A_179 = arith.constant 0 : index
        %swap3A_180 = tpu.vector_load %arg12[%swap3A_179] {strides = array<i32>} : memref<80xi32, #tpu.memory_space<vmem>>, vector<16xi32>,
        tpu.vector_store %arg12[%swap3A_179], %get3A_177 {strides = array<i32>} : memref<80xi32, #tpu.memory_space<vmem>>, vector<16xi32>,
        %shift_right_logical3A = arith.constant 3 : i32
        %shift_right_logical3A_181 = vector.broadcast %shift_right_logical3A : i32 to vector<16xi32>
        %shift_right_logical3A_182 = arith.shrui %get3A_177, %shift_right_logical3A_181 : vector<16xi32>
        %swap3A_183 = arith.constant 0 : index
        %swap3A_184 = tpu.vector_load %arg14[%swap3A_183] {strides = array<i32>} : memref<80xi32, #tpu.memory_space<vmem>>, vector<16xi32>,
        tpu.vector_store %arg14[%swap3A_183], %shift_right_logical3A_182 {strides = array<i32>} : memref<80xi32, #tpu.memory_space<vmem>>, vector<16xi32>,
        %add3A_185 = arith.constant 16 : i32
        %add3A_186 = arith.addi %mul3A_170, %add3A_185 : i32
        %get3A_187 = arith.index_cast %add3A_186 : i32 to index
        %get3A_188 = tpu.vector_load %arg7[%get3A_187] {strides = array<i32>} : memref<10000xi32, #tpu.memory_space<vmem>>, vector<16xi32>,
        %add3A_189 = arith.constant 16 : i32
        %add3A_190 = arith.addi %mul3A_170, %add3A_189 : i32
        %get3A_191 = arith.index_cast %add3A_190 : i32 to index
        %get3A_192 = tpu.vector_load %arg8[%get3A_191] {strides = array<i32>} : memref<10000xi32, #tpu.memory_space<vmem>>, vector<16xi32>,
        %swap3A_193 = arith.constant 16 : index
        %swap3A_194 = tpu.vector_load %arg10[%swap3A_193] {strides = array<i32>} : memref<80xi32, #tpu.memory_space<vmem>>, vector<16xi32>,
        tpu.vector_store %arg10[%swap3A_193], %get3A_188 {strides = array<i32>} : memref<80xi32, #tpu.memory_space<vmem>>, vector<16xi32>,
        %swap3A_195 = arith.constant 16 : index
        %swap3A_196 = tpu.vector_load %arg12[%swap3A_195] {strides = array<i32>} : memref<80xi32, #tpu.memory_space<vmem>>, vector<16xi32>,
        tpu.vector_store %arg12[%swap3A_195], %get3A_192 {strides = array<i32>} : memref<80xi32, #tpu.memory_space<vmem>>, vector<16xi32>,
        %shift_right_logical3A_197 = arith.constant 3 : i32
        %shift_right_logical3A_198 = vector.broadcast %shift_right_logical3A_197 : i32 to vector<16xi32>
        %shift_right_logical3A_199 = arith.shrui %get3A_192, %shift_right_logical3A_198 : vector<16xi32>
        %swap3A_200 = arith.constant 16 : index
        %swap3A_201 = tpu.vector_load %arg14[%swap3A_200] {strides = array<i32>} : memref<80xi32, #tpu.memory_space<vmem>>, vector<16xi32>,
        tpu.vector_store %arg14[%swap3A_200], %shift_right_logical3A_199 {strides = array<i32>} : memref<80xi32, #tpu.memory_space<vmem>>, vector<16xi32>,
        %add3A_202 = arith.constant 32 : i32
        %add3A_203 = arith.addi %mul3A_170, %add3A_202 : i32
        %get3A_204 = arith.index_cast %add3A_203 : i32 to index
        %get3A_205 = tpu.vector_load %arg7[%get3A_204] {strides = array<i32>} : memref<10000xi32, #tpu.memory_space<vmem>>, vector<16xi32>,
        %add3A_206 = arith.constant 32 : i32
        %add3A_207 = arith.addi %mul3A_170, %add3A_206 : i32
        %get3A_208 = arith.index_cast %add3A_207 : i32 to index
        %get3A_209 = tpu.vector_load %arg8[%get3A_208] {strides = array<i32>} : memref<10000xi32, #tpu.memory_space<vmem>>, vector<16xi32>,
        %swap3A_210 = arith.constant 32 : index
        %swap3A_211 = tpu.vector_load %arg10[%swap3A_210] {strides = array<i32>} : memref<80xi32, #tpu.memory_space<vmem>>, vector<16xi32>,
        tpu.vector_store %arg10[%swap3A_210], %get3A_205 {strides = array<i32>} : memref<80xi32, #tpu.memory_space<vmem>>, vector<16xi32>,
        %swap3A_212 = arith.constant 32 : index
        %swap3A_213 = tpu.vector_load %arg12[%swap3A_212] {strides = array<i32>} : memref<80xi32, #tpu.memory_space<vmem>>, vector<16xi32>,
        tpu.vector_store %arg12[%swap3A_212], %get3A_209 {strides = array<i32>} : memref<80xi32, #tpu.memory_space<vmem>>, vector<16xi32>,
        %shift_right_logical3A_214 = arith.constant 3 : i32
        %shift_right_logical3A_215 = vector.broadcast %shift_right_logical3A_214 : i32 to vector<16xi32>
        %shift_right_logical3A_216 = arith.shrui %get3A_209, %shift_right_logical3A_215 : vector<16xi32>
        %swap3A_217 = arith.constant 32 : index
        %swap3A_218 = tpu.vector_load %arg14[%swap3A_217] {strides = array<i32>} : memref<80xi32, #tpu.memory_space<vmem>>, vector<16xi32>,
        tpu.vector_store %arg14[%swap3A_217], %shift_right_logical3A_216 {strides = array<i32>} : memref<80xi32, #tpu.memory_space<vmem>>, vector<16xi32>,
        %add3A_219 = arith.constant 48 : i32
        %add3A_220 = arith.addi %mul3A_170, %add3A_219 : i32
        %get3A_221 = arith.index_cast %add3A_220 : i32 to index
        %get3A_222 = tpu.vector_load %arg7[%get3A_221] {strides = array<i32>} : memref<10000xi32, #tpu.memory_space<vmem>>, vector<16xi32>,
        %add3A_223 = arith.constant 48 : i32
        %add3A_224 = arith.addi %mul3A_170, %add3A_223 : i32
        %get3A_225 = arith.index_cast %add3A_224 : i32 to index
        %get3A_226 = tpu.vector_load %arg8[%get3A_225] {strides = array<i32>} : memref<10000xi32, #tpu.memory_space<vmem>>, vector<16xi32>,
        %swap3A_227 = arith.constant 48 : index
        %swap3A_228 = tpu.vector_load %arg10[%swap3A_227] {strides = array<i32>} : memref<80xi32, #tpu.memory_space<vmem>>, vector<16xi32>,
        tpu.vector_store %arg10[%swap3A_227], %get3A_222 {strides = array<i32>} : memref<80xi32, #tpu.memory_space<vmem>>, vector<16xi32>,
        %swap3A_229 = arith.constant 48 : index
        %swap3A_230 = tpu.vector_load %arg12[%swap3A_229] {strides = array<i32>} : memref<80xi32, #tpu.memory_space<vmem>>, vector<16xi32>,
        tpu.vector_store %arg12[%swap3A_229], %get3A_226 {strides = array<i32>} : memref<80xi32, #tpu.memory_space<vmem>>, vector<16xi32>,
        %shift_right_logical3A_231 = arith.constant 3 : i32
        %shift_right_logical3A_232 = vector.broadcast %shift_right_logical3A_231 : i32 to vector<16xi32>
        %shift_right_logical3A_233 = arith.shrui %get3A_226, %shift_right_logical3A_232 : vector<16xi32>
        %swap3A_234 = arith.constant 48 : index
        %swap3A_235 = tpu.vector_load %arg14[%swap3A_234] {strides = array<i32>} : memref<80xi32, #tpu.memory_space<vmem>>, vector<16xi32>,
        tpu.vector_store %arg14[%swap3A_234], %shift_right_logical3A_233 {strides = array<i32>} : memref<80xi32, #tpu.memory_space<vmem>>, vector<16xi32>,
        %add3A_236 = arith.constant 64 : i32
        %add3A_237 = arith.addi %mul3A_170, %add3A_236 : i32
        %get3A_238 = arith.index_cast %add3A_237 : i32 to index
        %get3A_239 = tpu.vector_load %arg7[%get3A_238] {strides = array<i32>} : memref<10000xi32, #tpu.memory_space<vmem>>, vector<16xi32>,
        %add3A_240 = arith.constant 64 : i32
        %add3A_241 = arith.addi %mul3A_170, %add3A_240 : i32
        %get3A_242 = arith.index_cast %add3A_241 : i32 to index
        %get3A_243 = tpu.vector_load %arg8[%get3A_242] {strides = array<i32>} : memref<10000xi32, #tpu.memory_space<vmem>>, vector<16xi32>,
        %swap3A_244 = arith.constant 64 : index
        %swap3A_245 = tpu.vector_load %arg10[%swap3A_244] {strides = array<i32>} : memref<80xi32, #tpu.memory_space<vmem>>, vector<16xi32>,
        tpu.vector_store %arg10[%swap3A_244], %get3A_239 {strides = array<i32>} : memref<80xi32, #tpu.memory_space<vmem>>, vector<16xi32>,
        %swap3A_246 = arith.constant 64 : index
        %swap3A_247 = tpu.vector_load %arg12[%swap3A_246] {strides = array<i32>} : memref<80xi32, #tpu.memory_space<vmem>>, vector<16xi32>,
        tpu.vector_store %arg12[%swap3A_246], %get3A_243 {strides = array<i32>} : memref<80xi32, #tpu.memory_space<vmem>>, vector<16xi32>,
        %shift_right_logical3A_248 = arith.constant 3 : i32
        %shift_right_logical3A_249 = vector.broadcast %shift_right_logical3A_248 : i32 to vector<16xi32>
        %shift_right_logical3A_250 = arith.shrui %get3A_243, %shift_right_logical3A_249 : vector<16xi32>
        %swap3A_251 = arith.constant 64 : index
        %swap3A_252 = tpu.vector_load %arg14[%swap3A_251] {strides = array<i32>} : memref<80xi32, #tpu.memory_space<vmem>>, vector<16xi32>,
        tpu.vector_store %arg14[%swap3A_251], %shift_right_logical3A_250 {strides = array<i32>} : memref<80xi32, #tpu.memory_space<vmem>>, vector<16xi32>,
        "tpu.region"() ({
          %run_scoped3A = tpu.sem_alloc : memref<!tpu.dma_semaphore, #tpu.memory_space<semaphore_mem>>
          %dma_start3A_255 = arith.constant 0 : i32
          %dma_start3A_256 = tpu.memref_slice %arg19[%dma_start3A_255] : memref<81920xf32, #tpu.memory_space<vmem_shared>> -> memref<81920xf32, #tpu.memory_space<vmem_shared>>
          tpu.enqueue_indirect_dma source(%dma_start3A_256 : memref<81920xf32, #tpu.memory_space<vmem_shared>>) target(%arg16 : memref<80xf32, #tpu.memory_space<vmem>>) offsets(%arg12 : memref<80xi32, #tpu.memory_space<vmem>>) semaphore(%run_scoped3A : memref<!tpu.dma_semaphore, #tpu.memory_space<semaphore_mem>>)
          %dma_wait3A_257 = arith.constant 0 : i32
          %dma_wait3A_258 = tpu.memref_slice %arg19[%dma_wait3A_257] : memref<81920xf32, #tpu.memory_space<vmem_shared>> -> memref<81920xf32, #tpu.memory_space<vmem_shared>>
          tpu.wait_indirect_dma semaphore(%run_scoped3A : memref<!tpu.dma_semaphore, #tpu.memory_space<semaphore_mem>>) src(%dma_wait3A_258 : memref<81920xf32, #tpu.memory_space<vmem_shared>>) dst(%arg16 : memref<80xf32, #tpu.memory_space<vmem>>)
          tpu.yield
        }) : () -> ()
        %dma_start3A = arith.constant 0 : i32
        %dma_start3A_253 = arith.constant 0 : i32
        %dma_start3A_254 = tpu.memref_slice %arg5[%dma_start3A, %dma_start3A_253] : memref<80000x128xf32, #tpu.memory_space<hbm>> -> memref<80000x128xf32, #tpu.memory_space<hbm>>
        tpu.enqueue_indirect_dma source(%dma_start3A_254 : memref<80000x128xf32, #tpu.memory_space<hbm>>) target(%arg18 : memref<80x128xf32, #tpu.memory_space<vmem>>) offsets(%arg10 : memref<80xi32, #tpu.memory_space<vmem>>) semaphore(%arg22 : memref<!tpu.dma_semaphore, #tpu.memory_space<semaphore_mem>>)
      } else {
      }
      %gt3A = arith.constant 0 : i32
      %gt3A_150 = arith.cmpi sgt, %scan3A_133, %gt3A : i32
      %eq3A_151 = arith.constant 1 : i32
      %eq3A_152 = arith.cmpi eq, %rem3A_134, %eq3A_151 : i32
      %and3A_153 = arith.andi %gt3A_150, %eq3A_152 : i1
      %convert_element_type3A_154 = arith.extui %and3A_153 : i1 to i32
      %cond3A_155 = arith.constant 0 : i32
      %cond3A_156 = arith.cmpi ne, %convert_element_type3A_154, %cond3A_155 : i32
      scf.if %cond3A_156 {
        %dma_wait3A_165 = arith.constant 0 : i32
        %dma_wait3A_166 = arith.constant 0 : i32
        %dma_wait3A_167 = tpu.memref_slice %arg5[%dma_wait3A_165, %dma_wait3A_166] : memref<80000x128xf32, #tpu.memory_space<hbm>> -> memref<80000x128xf32, #tpu.memory_space<hbm>>
        tpu.wait_indirect_dma semaphore(%arg21 : memref<!tpu.dma_semaphore, #tpu.memory_space<semaphore_mem>>) src(%dma_wait3A_167 : memref<80000x128xf32, #tpu.memory_space<hbm>>) dst(%arg17 : memref<80x128xf32, #tpu.memory_space<vmem>>)
        %scan3A_168 = arith.constant 0 : i32
        %scan3A_169 = arith.constant 0 : i32
        %scan3A_170 = arith.constant 5 : i32
        %scan3A_171 = arith.addi %scan3A_169, %scan3A_170 : i32
        %scan3A_172 = arith.constant 1 : i32
        scf.for %scan3A_176 = %scan3A_169 to %scan3A_171 step %scan3A_172  : i32 {
          %mul3A_177 = arith.constant 16 : i32
          %mul3A_178 = arith.muli %scan3A_176, %mul3A_177 : i32
          %get3A = arith.index_cast %mul3A_178 : i32 to index
          %get3A_179 = tpu.vector_load %arg15[%get3A] {strides = array<i32>} : memref<80xf32, #tpu.memory_space<vmem>>, vector<16xf32>,
          %max3A = arith.constant 1.000000e+00 : f32
          %max3A_180 = vector.broadcast %max3A : f32 to vector<16xf32>
          %max3A_181 = arith.maximumf %get3A_179, %max3A_180 : vector<16xf32>
          %div3A = arith.constant 1.000000e+00 : f32
          %div3A_182 = vector.broadcast %div3A : f32 to vector<16xf32>
          %div3A_183 = arith.divf %div3A_182, %max3A_181 : vector<16xf32>
          %slice3A = vector.extract_strided_slice %div3A_183 {offsets = [0], sizes = [1], strides = [1]} : vector<16xf32> to vector<1xf32>
          %squeeze3A = vector.extract %slice3A[0] : f32 from vector<1xf32>
          %mul3A_184 = arith.constant 16 : i32
          %mul3A_185 = arith.muli %scan3A_176, %mul3A_184 : i32
          %add3A_186 = arith.constant 0 : i32
          %add3A_187 = arith.addi %mul3A_185, %add3A_186 : i32
          %get3A_188 = arith.index_cast %add3A_187 : i32 to index
          %get3A_189 = arith.constant 0 : index
          %get3A_190 = tpu.vector_load %arg17[%get3A_188, %get3A_189] {strides = array<i32>} : memref<80x128xf32, #tpu.memory_space<vmem>>, vector<16xf32>,
          %mul3A_191 = vector.broadcast %squeeze3A : f32 to vector<16xf32>
          %mul3A_192 = arith.mulf %get3A_190, %mul3A_191 : vector<16xf32>
          %swap3A = arith.index_cast %add3A_187 : i32 to index
          %swap3A_193 = arith.constant 0 : index
          %swap3A_194 = tpu.vector_load %arg17[%swap3A, %swap3A_193] {strides = array<i32>} : memref<80x128xf32, #tpu.memory_space<vmem>>, vector<16xf32>,
          tpu.vector_store %arg17[%swap3A, %swap3A_193], %mul3A_192 {strides = array<i32>} : memref<80x128xf32, #tpu.memory_space<vmem>>, vector<16xf32>,
          %get3A_195 = arith.index_cast %add3A_187 : i32 to index
          %get3A_196 = arith.constant 16 : index
          %get3A_197 = tpu.vector_load %arg17[%get3A_195, %get3A_196] {strides = array<i32>} : memref<80x128xf32, #tpu.memory_space<vmem>>, vector<16xf32>,
          %mul3A_198 = vector.broadcast %squeeze3A : f32 to vector<16xf32>
          %mul3A_199 = arith.mulf %get3A_197, %mul3A_198 : vector<16xf32>
          %swap3A_200 = arith.index_cast %add3A_187 : i32 to index
          %swap3A_201 = arith.constant 16 : index
          %swap3A_202 = tpu.vector_load %arg17[%swap3A_200, %swap3A_201] {strides = array<i32>} : memref<80x128xf32, #tpu.memory_space<vmem>>, vector<16xf32>,
          tpu.vector_store %arg17[%swap3A_200, %swap3A_201], %mul3A_199 {strides = array<i32>} : memref<80x128xf32, #tpu.memory_space<vmem>>, vector<16xf32>,
          %get3A_203 = arith.index_cast %add3A_187 : i32 to index
          %get3A_204 = arith.constant 32 : index
          %get3A_205 = tpu.vector_load %arg17[%get3A_203, %get3A_204] {strides = array<i32>} : memref<80x128xf32, #tpu.memory_space<vmem>>, vector<16xf32>,
          %mul3A_206 = vector.broadcast %squeeze3A : f32 to vector<16xf32>
          %mul3A_207 = arith.mulf %get3A_205, %mul3A_206 : vector<16xf32>
          %swap3A_208 = arith.index_cast %add3A_187 : i32 to index
          %swap3A_209 = arith.constant 32 : index
          %swap3A_210 = tpu.vector_load %arg17[%swap3A_208, %swap3A_209] {strides = array<i32>} : memref<80x128xf32, #tpu.memory_space<vmem>>, vector<16xf32>,
          tpu.vector_store %arg17[%swap3A_208, %swap3A_209], %mul3A_207 {strides = array<i32>} : memref<80x128xf32, #tpu.memory_space<vmem>>, vector<16xf32>,
          %get3A_211 = arith.index_cast %add3A_187 : i32 to index
          %get3A_212 = arith.constant 48 : index
          %get3A_213 = tpu.vector_load %arg17[%get3A_211, %get3A_212] {strides = array<i32>} : memref<80x128xf32, #tpu.memory_space<vmem>>, vector<16xf32>,
          %mul3A_214 = vector.broadcast %squeeze3A : f32 to vector<16xf32>
          %mul3A_215 = arith.mulf %get3A_213, %mul3A_214 : vector<16xf32>
          %swap3A_216 = arith.index_cast %add3A_187 : i32 to index
          %swap3A_217 = arith.constant 48 : index
          %swap3A_218 = tpu.vector_load %arg17[%swap3A_216, %swap3A_217] {strides = array<i32>} : memref<80x128xf32, #tpu.memory_space<vmem>>, vector<16xf32>,
          tpu.vector_store %arg17[%swap3A_216, %swap3A_217], %mul3A_215 {strides = array<i32>} : memref<80x128xf32, #tpu.memory_space<vmem>>, vector<16xf32>,
          %get3A_219 = arith.index_cast %add3A_187 : i32 to index
          %get3A_220 = arith.constant 64 : index
          %get3A_221 = tpu.vector_load %arg17[%get3A_219, %get3A_220] {strides = array<i32>} : memref<80x128xf32, #tpu.memory_space<vmem>>, vector<16xf32>,
          %mul3A_222 = vector.broadcast %squeeze3A : f32 to vector<16xf32>
          %mul3A_223 = arith.mulf %get3A_221, %mul3A_222 : vector<16xf32>
          %swap3A_224 = arith.index_cast %add3A_187 : i32 to index
          %swap3A_225 = arith.constant 64 : index
          %swap3A_226 = tpu.vector_load %arg17[%swap3A_224, %swap3A_225] {strides = array<i32>} : memref<80x128xf32, #tpu.memory_space<vmem>>, vector<16xf32>,
          tpu.vector_store %arg17[%swap3A_224, %swap3A_225], %mul3A_223 {strides = array<i32>} : memref<80x128xf32, #tpu.memory_space<vmem>>, vector<16xf32>,
          %get3A_227 = arith.index_cast %add3A_187 : i32 to index
          %get3A_228 = arith.constant 80 : index
          %get3A_229 = tpu.vector_load %arg17[%get3A_227, %get3A_228] {strides = array<i32>} : memref<80x128xf32, #tpu.memory_space<vmem>>, vector<16xf32>,
          %mul3A_230 = vector.broadcast %squeeze3A : f32 to vector<16xf32>
          %mul3A_231 = arith.mulf %get3A_229, %mul3A_230 : vector<16xf32>
          %swap3A_232 = arith.index_cast %add3A_187 : i32 to index
          %swap3A_233 = arith.constant 80 : index
          %swap3A_234 = tpu.vector_load %arg17[%swap3A_232, %swap3A_233] {strides = array<i32>} : memref<80x128xf32, #tpu.memory_space<vmem>>, vector<16xf32>,
          tpu.vector_store %arg17[%swap3A_232, %swap3A_233], %mul3A_231 {strides = array<i32>} : memref<80x128xf32, #tpu.memory_space<vmem>>, vector<16xf32>,
          %get3A_235 = arith.index_cast %add3A_187 : i32 to index
          %get3A_236 = arith.constant 96 : index
          %get3A_237 = tpu.vector_load %arg17[%get3A_235, %get3A_236] {strides = array<i32>} : memref<80x128xf32, #tpu.memory_space<vmem>>, vector<16xf32>,
          %mul3A_238 = vector.broadcast %squeeze3A : f32 to vector<16xf32>
          %mul3A_239 = arith.mulf %get3A_237, %mul3A_238 : vector<16xf32>
          %swap3A_240 = arith.index_cast %add3A_187 : i32 to index
          %swap3A_241 = arith.constant 96 : index
          %swap3A_242 = tpu.vector_load %arg17[%swap3A_240, %swap3A_241] {strides = array<i32>} : memref<80x128xf32, #tpu.memory_space<vmem>>, vector<16xf32>,
          tpu.vector_store %arg17[%swap3A_240, %swap3A_241], %mul3A_239 {strides = array<i32>} : memref<80x128xf32, #tpu.memory_space<vmem>>, vector<16xf32>,
          %get3A_243 = arith.index_cast %add3A_187 : i32 to index
          %get3A_244 = arith.constant 112 : index
          %get3A_245 = tpu.vector_load %arg17[%get3A_243, %get3A_244] {strides = array<i32>} : memref<80x128xf32, #tpu.memory_space<vmem>>, vector<16xf32>,
          %mul3A_246 = vector.broadcast %squeeze3A : f32 to vector<16xf32>
          %mul3A_247 = arith.mulf %get3A_245, %mul3A_246 : vector<16xf32>
          %swap3A_248 = arith.index_cast %add3A_187 : i32 to index
          %swap3A_249 = arith.constant 112 : index
          %swap3A_250 = tpu.vector_load %arg17[%swap3A_248, %swap3A_249] {strides = array<i32>} : memref<80x128xf32, #tpu.memory_space<vmem>>, vector<16xf32>,
          tpu.vector_store %arg17[%swap3A_248, %swap3A_249], %mul3A_247 {strides = array<i32>} : memref<80x128xf32, #tpu.memory_space<vmem>>, vector<16xf32>,
          %slice3A_251 = vector.extract_strided_slice %div3A_183 {offsets = [1], sizes = [1], strides = [1]} : vector<16xf32> to vector<1xf32>
          %squeeze3A_252 = vector.extract %slice3A_251[0] : f32 from vector<1xf32>
          %mul3A_253 = arith.constant 16 : i32
          %mul3A_254 = arith.muli %scan3A_176, %mul3A_253 : i32
          %add3A_255 = arith.constant 1 : i32
          %add3A_256 = arith.addi %mul3A_254, %add3A_255 : i32
          %get3A_257 = arith.index_cast %add3A_256 : i32 to index
          %get3A_258 = arith.constant 0 : index
          %get3A_259 = tpu.vector_load %arg17[%get3A_257, %get3A_258] {strides = array<i32>} : memref<80x128xf32, #tpu.memory_space<vmem>>, vector<16xf32>,
          %mul3A_260 = vector.broadcast %squeeze3A_252 : f32 to vector<16xf32>
          %mul3A_261 = arith.mulf %get3A_259, %mul3A_260 : vector<16xf32>
          %swap3A_262 = arith.index_cast %add3A_256 : i32 to index
          %swap3A_263 = arith.constant 0 : index
          %swap3A_264 = tpu.vector_load %arg17[%swap3A_262, %swap3A_263] {strides = array<i32>} : memref<80x128xf32, #tpu.memory_space<vmem>>, vector<16xf32>,
          tpu.vector_store %arg17[%swap3A_262, %swap3A_263], %mul3A_261 {strides = array<i32>} : memref<80x128xf32, #tpu.memory_space<vmem>>, vector<16xf32>,
          %get3A_265 = arith.index_cast %add3A_256 : i32 to index
          %get3A_266 = arith.constant 16 : index
          %get3A_267 = tpu.vector_load %arg17[%get3A_265, %get3A_266] {strides = array<i32>} : memref<80x128xf32, #tpu.memory_space<vmem>>, vector<16xf32>,
          %mul3A_268 = vector.broadcast %squeeze3A_252 : f32 to vector<16xf32>
          %mul3A_269 = arith.mulf %get3A_267, %mul3A_268 : vector<16xf32>
          %swap3A_270 = arith.index_cast %add3A_256 : i32 to index
          %swap3A_271 = arith.constant 16 : index
          %swap3A_272 = tpu.vector_load %arg17[%swap3A_270, %swap3A_271] {strides = array<i32>} : memref<80x128xf32, #tpu.memory_space<vmem>>, vector<16xf32>,
          tpu.vector_store %arg17[%swap3A_270, %swap3A_271], %mul3A_269 {strides = array<i32>} : memref<80x128xf32, #tpu.memory_space<vmem>>, vector<16xf32>,
          %get3A_273 = arith.index_cast %add3A_256 : i32 to index
          %get3A_274 = arith.constant 32 : index
          %get3A_275 = tpu.vector_load %arg17[%get3A_273, %get3A_274] {strides = array<i32>} : memref<80x128xf32, #tpu.memory_space<vmem>>, vector<16xf32>,
          %mul3A_276 = vector.broadcast %squeeze3A_252 : f32 to vector<16xf32>
          %mul3A_277 = arith.mulf %get3A_275, %mul3A_276 : vector<16xf32>
          %swap3A_278 = arith.index_cast %add3A_256 : i32 to index
          %swap3A_279 = arith.constant 32 : index
          %swap3A_280 = tpu.vector_load %arg17[%swap3A_278, %swap3A_279] {strides = array<i32>} : memref<80x128xf32, #tpu.memory_space<vmem>>, vector<16xf32>,
          tpu.vector_store %arg17[%swap3A_278, %swap3A_279], %mul3A_277 {strides = array<i32>} : memref<80x128xf32, #tpu.memory_space<vmem>>, vector<16xf32>,
          %get3A_281 = arith.index_cast %add3A_256 : i32 to index
          %get3A_282 = arith.constant 48 : index
          %get3A_283 = tpu.vector_load %arg17[%get3A_281, %get3A_282] {strides = array<i32>} : memref<80x128xf32, #tpu.memory_space<vmem>>, vector<16xf32>,
          %mul3A_284 = vector.broadcast %squeeze3A_252 : f32 to vector<16xf32>
          %mul3A_285 = arith.mulf %get3A_283, %mul3A_284 : vector<16xf32>
          %swap3A_286 = arith.index_cast %add3A_256 : i32 to index
          %swap3A_287 = arith.constant 48 : index
          %swap3A_288 = tpu.vector_load %arg17[%swap3A_286, %swap3A_287] {strides = array<i32>} : memref<80x128xf32, #tpu.memory_space<vmem>>, vector<16xf32>,
          tpu.vector_store %arg17[%swap3A_286, %swap3A_287], %mul3A_285 {strides = array<i32>} : memref<80x128xf32, #tpu.memory_space<vmem>>, vector<16xf32>,
          %get3A_289 = arith.index_cast %add3A_256 : i32 to index
          %get3A_290 = arith.constant 64 : index
          %get3A_291 = tpu.vector_load %arg17[%get3A_289, %get3A_290] {strides = array<i32>} : memref<80x128xf32, #tpu.memory_space<vmem>>, vector<16xf32>,
          %mul3A_292 = vector.broadcast %squeeze3A_252 : f32 to vector<16xf32>
          %mul3A_293 = arith.mulf %get3A_291, %mul3A_292 : vector<16xf32>
          %swap3A_294 = arith.index_cast %add3A_256 : i32 to index
          %swap3A_295 = arith.constant 64 : index
          %swap3A_296 = tpu.vector_load %arg17[%swap3A_294, %swap3A_295] {strides = array<i32>} : memref<80x128xf32, #tpu.memory_space<vmem>>, vector<16xf32>,
          tpu.vector_store %arg17[%swap3A_294, %swap3A_295], %mul3A_293 {strides = array<i32>} : memref<80x128xf32, #tpu.memory_space<vmem>>, vector<16xf32>,
          %get3A_297 = arith.index_cast %add3A_256 : i32 to index
          %get3A_298 = arith.constant 80 : index
          %get3A_299 = tpu.vector_load %arg17[%get3A_297, %get3A_298] {strides = array<i32>} : memref<80x128xf32, #tpu.memory_space<vmem>>, vector<16xf32>,
          %mul3A_300 = vector.broadcast %squeeze3A_252 : f32 to vector<16xf32>
          %mul3A_301 = arith.mulf %get3A_299, %mul3A_300 : vector<16xf32>
          %swap3A_302 = arith.index_cast %add3A_256 : i32 to index
          %swap3A_303 = arith.constant 80 : index
          %swap3A_304 = tpu.vector_load %arg17[%swap3A_302, %swap3A_303] {strides = array<i32>} : memref<80x128xf32, #tpu.memory_space<vmem>>, vector<16xf32>,
          tpu.vector_store %arg17[%swap3A_302, %swap3A_303], %mul3A_301 {strides = array<i32>} : memref<80x128xf32, #tpu.memory_space<vmem>>, vector<16xf32>,
          %get3A_305 = arith.index_cast %add3A_256 : i32 to index
          %get3A_306 = arith.constant 96 : index
          %get3A_307 = tpu.vector_load %arg17[%get3A_305, %get3A_306] {strides = array<i32>} : memref<80x128xf32, #tpu.memory_space<vmem>>, vector<16xf32>,
          %mul3A_308 = vector.broadcast %squeeze3A_252 : f32 to vector<16xf32>
          %mul3A_309 = arith.mulf %get3A_307, %mul3A_308 : vector<16xf32>
          %swap3A_310 = arith.index_cast %add3A_256 : i32 to index
          %swap3A_311 = arith.constant 96 : index
          %swap3A_312 = tpu.vector_load %arg17[%swap3A_310, %swap3A_311] {strides = array<i32>} : memref<80x128xf32, #tpu.memory_space<vmem>>, vector<16xf32>,
          tpu.vector_store %arg17[%swap3A_310, %swap3A_311], %mul3A_309 {strides = array<i32>} : memref<80x128xf32, #tpu.memory_space<vmem>>, vector<16xf32>,
          %get3A_313 = arith.index_cast %add3A_256 : i32 to index
          %get3A_314 = arith.constant 112 : index
          %get3A_315 = tpu.vector_load %arg17[%get3A_313, %get3A_314] {strides = array<i32>} : memref<80x128xf32, #tpu.memory_space<vmem>>, vector<16xf32>,
          %mul3A_316 = vector.broadcast %squeeze3A_252 : f32 to vector<16xf32>
          %mul3A_317 = arith.mulf %get3A_315, %mul3A_316 : vector<16xf32>
          %swap3A_318 = arith.index_cast %add3A_256 : i32 to index
          %swap3A_319 = arith.constant 112 : index
          %swap3A_320 = tpu.vector_load %arg17[%swap3A_318, %swap3A_319] {strides = array<i32>} : memref<80x128xf32, #tpu.memory_space<vmem>>, vector<16xf32>,
          tpu.vector_store %arg17[%swap3A_318, %swap3A_319], %mul3A_317 {strides = array<i32>} : memref<80x128xf32, #tpu.memory_space<vmem>>, vector<16xf32>,
          %slice3A_321 = vector.extract_strided_slice %div3A_183 {offsets = [2], sizes = [1], strides = [1]} : vector<16xf32> to vector<1xf32>
          %squeeze3A_322 = vector.extract %slice3A_321[0] : f32 from vector<1xf32>
          %mul3A_323 = arith.constant 16 : i32
          %mul3A_324 = arith.muli %scan3A_176, %mul3A_323 : i32
          %add3A_325 = arith.constant 2 : i32
          %add3A_326 = arith.addi %mul3A_324, %add3A_325 : i32
          %get3A_327 = arith.index_cast %add3A_326 : i32 to index
          %get3A_328 = arith.constant 0 : index
          %get3A_329 = tpu.vector_load %arg17[%get3A_327, %get3A_328] {strides = array<i32>} : memref<80x128xf32, #tpu.memory_space<vmem>>, vector<16xf32>,
          %mul3A_330 = vector.broadcast %squeeze3A_322 : f32 to vector<16xf32>
          %mul3A_331 = arith.mulf %get3A_329, %mul3A_330 : vector<16xf32>
          %swap3A_332 = arith.index_cast %add3A_326 : i32 to index
          %swap3A_333 = arith.constant 0 : index
          %swap3A_334 = tpu.vector_load %arg17[%swap3A_332, %swap3A_333] {strides = array<i32>} : memref<80x128xf32, #tpu.memory_space<vmem>>, vector<16xf32>,
          tpu.vector_store %arg17[%swap3A_332, %swap3A_333], %mul3A_331 {strides = array<i32>} : memref<80x128xf32, #tpu.memory_space<vmem>>, vector<16xf32>,
          %get3A_335 = arith.index_cast %add3A_326 : i32 to index
          %get3A_336 = arith.constant 16 : index
          %get3A_337 = tpu.vector_load %arg17[%get3A_335, %get3A_336] {strides = array<i32>} : memref<80x128xf32, #tpu.memory_space<vmem>>, vector<16xf32>,
          %mul3A_338 = vector.broadcast %squeeze3A_322 : f32 to vector<16xf32>
          %mul3A_339 = arith.mulf %get3A_337, %mul3A_338 : vector<16xf32>
          %swap3A_340 = arith.index_cast %add3A_326 : i32 to index
          %swap3A_341 = arith.constant 16 : index
          %swap3A_342 = tpu.vector_load %arg17[%swap3A_340, %swap3A_341] {strides = array<i32>} : memref<80x128xf32, #tpu.memory_space<vmem>>, vector<16xf32>,
          tpu.vector_store %arg17[%swap3A_340, %swap3A_341], %mul3A_339 {strides = array<i32>} : memref<80x128xf32, #tpu.memory_space<vmem>>, vector<16xf32>,
          %get3A_343 = arith.index_cast %add3A_326 : i32 to index
          %get3A_344 = arith.constant 32 : index
          %get3A_345 = tpu.vector_load %arg17[%get3A_343, %get3A_344] {strides = array<i32>} : memref<80x128xf32, #tpu.memory_space<vmem>>, vector<16xf32>,
          %mul3A_346 = vector.broadcast %squeeze3A_322 : f32 to vector<16xf32>
          %mul3A_347 = arith.mulf %get3A_345, %mul3A_346 : vector<16xf32>
          %swap3A_348 = arith.index_cast %add3A_326 : i32 to index
          %swap3A_349 = arith.constant 32 : index
          %swap3A_350 = tpu.vector_load %arg17[%swap3A_348, %swap3A_349] {strides = array<i32>} : memref<80x128xf32, #tpu.memory_space<vmem>>, vector<16xf32>,
          tpu.vector_store %arg17[%swap3A_348, %swap3A_349], %mul3A_347 {strides = array<i32>} : memref<80x128xf32, #tpu.memory_space<vmem>>, vector<16xf32>,
          %get3A_351 = arith.index_cast %add3A_326 : i32 to index
          %get3A_352 = arith.constant 48 : index
          %get3A_353 = tpu.vector_load %arg17[%get3A_351, %get3A_352] {strides = array<i32>} : memref<80x128xf32, #tpu.memory_space<vmem>>, vector<16xf32>,
          %mul3A_354 = vector.broadcast %squeeze3A_322 : f32 to vector<16xf32>
          %mul3A_355 = arith.mulf %get3A_353, %mul3A_354 : vector<16xf32>
          %swap3A_356 = arith.index_cast %add3A_326 : i32 to index
          %swap3A_357 = arith.constant 48 : index
          %swap3A_358 = tpu.vector_load %arg17[%swap3A_356, %swap3A_357] {strides = array<i32>} : memref<80x128xf32, #tpu.memory_space<vmem>>, vector<16xf32>,
          tpu.vector_store %arg17[%swap3A_356, %swap3A_357], %mul3A_355 {strides = array<i32>} : memref<80x128xf32, #tpu.memory_space<vmem>>, vector<16xf32>,
          %get3A_359 = arith.index_cast %add3A_326 : i32 to index
          %get3A_360 = arith.constant 64 : index
          %get3A_361 = tpu.vector_load %arg17[%get3A_359, %get3A_360] {strides = array<i32>} : memref<80x128xf32, #tpu.memory_space<vmem>>, vector<16xf32>,
          %mul3A_362 = vector.broadcast %squeeze3A_322 : f32 to vector<16xf32>
          %mul3A_363 = arith.mulf %get3A_361, %mul3A_362 : vector<16xf32>
          %swap3A_364 = arith.index_cast %add3A_326 : i32 to index
          %swap3A_365 = arith.constant 64 : index
          %swap3A_366 = tpu.vector_load %arg17[%swap3A_364, %swap3A_365] {strides = array<i32>} : memref<80x128xf32, #tpu.memory_space<vmem>>, vector<16xf32>,
          tpu.vector_store %arg17[%swap3A_364, %swap3A_365], %mul3A_363 {strides = array<i32>} : memref<80x128xf32, #tpu.memory_space<vmem>>, vector<16xf32>,
          %get3A_367 = arith.index_cast %add3A_326 : i32 to index
          %get3A_368 = arith.constant 80 : index
          %get3A_369 = tpu.vector_load %arg17[%get3A_367, %get3A_368] {strides = array<i32>} : memref<80x128xf32, #tpu.memory_space<vmem>>, vector<16xf32>,
          %mul3A_370 = vector.broadcast %squeeze3A_322 : f32 to vector<16xf32>
          %mul3A_371 = arith.mulf %get3A_369, %mul3A_370 : vector<16xf32>
          %swap3A_372 = arith.index_cast %add3A_326 : i32 to index
          %swap3A_373 = arith.constant 80 : index
          %swap3A_374 = tpu.vector_load %arg17[%swap3A_372, %swap3A_373] {strides = array<i32>} : memref<80x128xf32, #tpu.memory_space<vmem>>, vector<16xf32>,
          tpu.vector_store %arg17[%swap3A_372, %swap3A_373], %mul3A_371 {strides = array<i32>} : memref<80x128xf32, #tpu.memory_space<vmem>>, vector<16xf32>,
          %get3A_375 = arith.index_cast %add3A_326 : i32 to index
          %get3A_376 = arith.constant 96 : index
          %get3A_377 = tpu.vector_load %arg17[%get3A_375, %get3A_376] {strides = array<i32>} : memref<80x128xf32, #tpu.memory_space<vmem>>, vector<16xf32>,
          %mul3A_378 = vector.broadcast %squeeze3A_322 : f32 to vector<16xf32>
          %mul3A_379 = arith.mulf %get3A_377, %mul3A_378 : vector<16xf32>
          %swap3A_380 = arith.index_cast %add3A_326 : i32 to index
          %swap3A_381 = arith.constant 96 : index
          %swap3A_382 = tpu.vector_load %arg17[%swap3A_380, %swap3A_381] {strides = array<i32>} : memref<80x128xf32, #tpu.memory_space<vmem>>, vector<16xf32>,
          tpu.vector_store %arg17[%swap3A_380, %swap3A_381], %mul3A_379 {strides = array<i32>} : memref<80x128xf32, #tpu.memory_space<vmem>>, vector<16xf32>,
          %get3A_383 = arith.index_cast %add3A_326 : i32 to index
          %get3A_384 = arith.constant 112 : index
          %get3A_385 = tpu.vector_load %arg17[%get3A_383, %get3A_384] {strides = array<i32>} : memref<80x128xf32, #tpu.memory_space<vmem>>, vector<16xf32>,
          %mul3A_386 = vector.broadcast %squeeze3A_322 : f32 to vector<16xf32>
          %mul3A_387 = arith.mulf %get3A_385, %mul3A_386 : vector<16xf32>
          %swap3A_388 = arith.index_cast %add3A_326 : i32 to index
          %swap3A_389 = arith.constant 112 : index
          %swap3A_390 = tpu.vector_load %arg17[%swap3A_388, %swap3A_389] {strides = array<i32>} : memref<80x128xf32, #tpu.memory_space<vmem>>, vector<16xf32>,
          tpu.vector_store %arg17[%swap3A_388, %swap3A_389], %mul3A_387 {strides = array<i32>} : memref<80x128xf32, #tpu.memory_space<vmem>>, vector<16xf32>,
          %slice3A_391 = vector.extract_strided_slice %div3A_183 {offsets = [3], sizes = [1], strides = [1]} : vector<16xf32> to vector<1xf32>
          %squeeze3A_392 = vector.extract %slice3A_391[0] : f32 from vector<1xf32>
          %mul3A_393 = arith.constant 16 : i32
          %mul3A_394 = arith.muli %scan3A_176, %mul3A_393 : i32
          %add3A_395 = arith.constant 3 : i32
          %add3A_396 = arith.addi %mul3A_394, %add3A_395 : i32
          %get3A_397 = arith.index_cast %add3A_396 : i32 to index
          %get3A_398 = arith.constant 0 : index
          %get3A_399 = tpu.vector_load %arg17[%get3A_397, %get3A_398] {strides = array<i32>} : memref<80x128xf32, #tpu.memory_space<vmem>>, vector<16xf32>,
          %mul3A_400 = vector.broadcast %squeeze3A_392 : f32 to vector<16xf32>
          %mul3A_401 = arith.mulf %get3A_399, %mul3A_400 : vector<16xf32>
          %swap3A_402 = arith.index_cast %add3A_396 : i32 to index
          %swap3A_403 = arith.constant 0 : index
          %swap3A_404 = tpu.vector_load %arg17[%swap3A_402, %swap3A_403] {strides = array<i32>} : memref<80x128xf32, #tpu.memory_space<vmem>>, vector<16xf32>,
          tpu.vector_store %arg17[%swap3A_402, %swap3A_403], %mul3A_401 {strides = array<i32>} : memref<80x128xf32, #tpu.memory_space<vmem>>, vector<16xf32>,
          %get3A_405 = arith.index_cast %add3A_396 : i32 to index
          %get3A_406 = arith.constant 16 : index
          %get3A_407 = tpu.vector_load %arg17[%get3A_405, %get3A_406] {strides = array<i32>} : memref<80x128xf32, #tpu.memory_space<vmem>>, vector<16xf32>,
          %mul3A_408 = vector.broadcast %squeeze3A_392 : f32 to vector<16xf32>
          %mul3A_409 = arith.mulf %get3A_407, %mul3A_408 : vector<16xf32>
          %swap3A_410 = arith.index_cast %add3A_396 : i32 to index
          %swap3A_411 = arith.constant 16 : index
          %swap3A_412 = tpu.vector_load %arg17[%swap3A_410, %swap3A_411] {strides = array<i32>} : memref<80x128xf32, #tpu.memory_space<vmem>>, vector<16xf32>,
          tpu.vector_store %arg17[%swap3A_410, %swap3A_411], %mul3A_409 {strides = array<i32>} : memref<80x128xf32, #tpu.memory_space<vmem>>, vector<16xf32>,
          %get3A_413 = arith.index_cast %add3A_396 : i32 to index
          %get3A_414 = arith.constant 32 : index
          %get3A_415 = tpu.vector_load %arg17[%get3A_413, %get3A_414] {strides = array<i32>} : memref<80x128xf32, #tpu.memory_space<vmem>>, vector<16xf32>,
          %mul3A_416 = vector.broadcast %squeeze3A_392 : f32 to vector<16xf32>
          %mul3A_417 = arith.mulf %get3A_415, %mul3A_416 : vector<16xf32>
          %swap3A_418 = arith.index_cast %add3A_396 : i32 to index
          %swap3A_419 = arith.constant 32 : index
          %swap3A_420 = tpu.vector_load %arg17[%swap3A_418, %swap3A_419] {strides = array<i32>} : memref<80x128xf32, #tpu.memory_space<vmem>>, vector<16xf32>,
          tpu.vector_store %arg17[%swap3A_418, %swap3A_419], %mul3A_417 {strides = array<i32>} : memref<80x128xf32, #tpu.memory_space<vmem>>, vector<16xf32>,
          %get3A_421 = arith.index_cast %add3A_396 : i32 to index
          %get3A_422 = arith.constant 48 : index
          %get3A_423 = tpu.vector_load %arg17[%get3A_421, %get3A_422] {strides = array<i32>} : memref<80x128xf32, #tpu.memory_space<vmem>>, vector<16xf32>,
          %mul3A_424 = vector.broadcast %squeeze3A_392 : f32 to vector<16xf32>
          %mul3A_425 = arith.mulf %get3A_423, %mul3A_424 : vector<16xf32>
          %swap3A_426 = arith.index_cast %add3A_396 : i32 to index
          %swap3A_427 = arith.constant 48 : index
          %swap3A_428 = tpu.vector_load %arg17[%swap3A_426, %swap3A_427] {strides = array<i32>} : memref<80x128xf32, #tpu.memory_space<vmem>>, vector<16xf32>,
          tpu.vector_store %arg17[%swap3A_426, %swap3A_427], %mul3A_425 {strides = array<i32>} : memref<80x128xf32, #tpu.memory_space<vmem>>, vector<16xf32>,
          %get3A_429 = arith.index_cast %add3A_396 : i32 to index
          %get3A_430 = arith.constant 64 : index
          %get3A_431 = tpu.vector_load %arg17[%get3A_429, %get3A_430] {strides = array<i32>} : memref<80x128xf32, #tpu.memory_space<vmem>>, vector<16xf32>,
          %mul3A_432 = vector.broadcast %squeeze3A_392 : f32 to vector<16xf32>
          %mul3A_433 = arith.mulf %get3A_431, %mul3A_432 : vector<16xf32>
          %swap3A_434 = arith.index_cast %add3A_396 : i32 to index
          %swap3A_435 = arith.constant 64 : index
          %swap3A_436 = tpu.vector_load %arg17[%swap3A_434, %swap3A_435] {strides = array<i32>} : memref<80x128xf32, #tpu.memory_space<vmem>>, vector<16xf32>,
          tpu.vector_store %arg17[%swap3A_434, %swap3A_435], %mul3A_433 {strides = array<i32>} : memref<80x128xf32, #tpu.memory_space<vmem>>, vector<16xf32>,
          %get3A_437 = arith.index_cast %add3A_396 : i32 to index
          %get3A_438 = arith.constant 80 : index
          %get3A_439 = tpu.vector_load %arg17[%get3A_437, %get3A_438] {strides = array<i32>} : memref<80x128xf32, #tpu.memory_space<vmem>>, vector<16xf32>,
          %mul3A_440 = vector.broadcast %squeeze3A_392 : f32 to vector<16xf32>
          %mul3A_441 = arith.mulf %get3A_439, %mul3A_440 : vector<16xf32>
          %swap3A_442 = arith.index_cast %add3A_396 : i32 to index
          %swap3A_443 = arith.constant 80 : index
          %swap3A_444 = tpu.vector_load %arg17[%swap3A_442, %swap3A_443] {strides = array<i32>} : memref<80x128xf32, #tpu.memory_space<vmem>>, vector<16xf32>,
          tpu.vector_store %arg17[%swap3A_442, %swap3A_443], %mul3A_441 {strides = array<i32>} : memref<80x128xf32, #tpu.memory_space<vmem>>, vector<16xf32>,
          %get3A_445 = arith.index_cast %add3A_396 : i32 to index
          %get3A_446 = arith.constant 96 : index
          %get3A_447 = tpu.vector_load %arg17[%get3A_445, %get3A_446] {strides = array<i32>} : memref<80x128xf32, #tpu.memory_space<vmem>>, vector<16xf32>,
          %mul3A_448 = vector.broadcast %squeeze3A_392 : f32 to vector<16xf32>
          %mul3A_449 = arith.mulf %get3A_447, %mul3A_448 : vector<16xf32>
          %swap3A_450 = arith.index_cast %add3A_396 : i32 to index
          %swap3A_451 = arith.constant 96 : index
          %swap3A_452 = tpu.vector_load %arg17[%swap3A_450, %swap3A_451] {strides = array<i32>} : memref<80x128xf32, #tpu.memory_space<vmem>>, vector<16xf32>,
          tpu.vector_store %arg17[%swap3A_450, %swap3A_451], %mul3A_449 {strides = array<i32>} : memref<80x128xf32, #tpu.memory_space<vmem>>, vector<16xf32>,
          %get3A_453 = arith.index_cast %add3A_396 : i32 to index
          %get3A_454 = arith.constant 112 : index
          %get3A_455 = tpu.vector_load %arg17[%get3A_453, %get3A_454] {strides = array<i32>} : memref<80x128xf32, #tpu.memory_space<vmem>>, vector<16xf32>,
          %mul3A_456 = vector.broadcast %squeeze3A_392 : f32 to vector<16xf32>
          %mul3A_457 = arith.mulf %get3A_455, %mul3A_456 : vector<16xf32>
          %swap3A_458 = arith.index_cast %add3A_396 : i32 to index
          %swap3A_459 = arith.constant 112 : index
          %swap3A_460 = tpu.vector_load %arg17[%swap3A_458, %swap3A_459] {strides = array<i32>} : memref<80x128xf32, #tpu.memory_space<vmem>>, vector<16xf32>,
          tpu.vector_store %arg17[%swap3A_458, %swap3A_459], %mul3A_457 {strides = array<i32>} : memref<80x128xf32, #tpu.memory_space<vmem>>, vector<16xf32>,
          %slice3A_461 = vector.extract_strided_slice %div3A_183 {offsets = [4], sizes = [1], strides = [1]} : vector<16xf32> to vector<1xf32>
          %squeeze3A_462 = vector.extract %slice3A_461[0] : f32 from vector<1xf32>
          %mul3A_463 = arith.constant 16 : i32
          %mul3A_464 = arith.muli %scan3A_176, %mul3A_463 : i32
          %add3A_465 = arith.constant 4 : i32
          %add3A_466 = arith.addi %mul3A_464, %add3A_465 : i32
          %get3A_467 = arith.index_cast %add3A_466 : i32 to index
          %get3A_468 = arith.constant 0 : index
          %get3A_469 = tpu.vector_load %arg17[%get3A_467, %get3A_468] {strides = array<i32>} : memref<80x128xf32, #tpu.memory_space<vmem>>, vector<16xf32>,
          %mul3A_470 = vector.broadcast %squeeze3A_462 : f32 to vector<16xf32>
          %mul3A_471 = arith.mulf %get3A_469, %mul3A_470 : vector<16xf32>
          %swap3A_472 = arith.index_cast %add3A_466 : i32 to index
          %swap3A_473 = arith.constant 0 : index
          %swap3A_474 = tpu.vector_load %arg17[%swap3A_472, %swap3A_473] {strides = array<i32>} : memref<80x128xf32, #tpu.memory_space<vmem>>, vector<16xf32>,
          tpu.vector_store %arg17[%swap3A_472, %swap3A_473], %mul3A_471 {strides = array<i32>} : memref<80x128xf32, #tpu.memory_space<vmem>>, vector<16xf32>,
          %get3A_475 = arith.index_cast %add3A_466 : i32 to index
          %get3A_476 = arith.constant 16 : index
          %get3A_477 = tpu.vector_load %arg17[%get3A_475, %get3A_476] {strides = array<i32>} : memref<80x128xf32, #tpu.memory_space<vmem>>, vector<16xf32>,
          %mul3A_478 = vector.broadcast %squeeze3A_462 : f32 to vector<16xf32>
          %mul3A_479 = arith.mulf %get3A_477, %mul3A_478 : vector<16xf32>
          %swap3A_480 = arith.index_cast %add3A_466 : i32 to index
          %swap3A_481 = arith.constant 16 : index
          %swap3A_482 = tpu.vector_load %arg17[%swap3A_480, %swap3A_481] {strides = array<i32>} : memref<80x128xf32, #tpu.memory_space<vmem>>, vector<16xf32>,
          tpu.vector_store %arg17[%swap3A_480, %swap3A_481], %mul3A_479 {strides = array<i32>} : memref<80x128xf32, #tpu.memory_space<vmem>>, vector<16xf32>,
          %get3A_483 = arith.index_cast %add3A_466 : i32 to index
          %get3A_484 = arith.constant 32 : index
          %get3A_485 = tpu.vector_load %arg17[%get3A_483, %get3A_484] {strides = array<i32>} : memref<80x128xf32, #tpu.memory_space<vmem>>, vector<16xf32>,
          %mul3A_486 = vector.broadcast %squeeze3A_462 : f32 to vector<16xf32>
          %mul3A_487 = arith.mulf %get3A_485, %mul3A_486 : vector<16xf32>
          %swap3A_488 = arith.index_cast %add3A_466 : i32 to index
          %swap3A_489 = arith.constant 32 : index
          %swap3A_490 = tpu.vector_load %arg17[%swap3A_488, %swap3A_489] {strides = array<i32>} : memref<80x128xf32, #tpu.memory_space<vmem>>, vector<16xf32>,
          tpu.vector_store %arg17[%swap3A_488, %swap3A_489], %mul3A_487 {strides = array<i32>} : memref<80x128xf32, #tpu.memory_space<vmem>>, vector<16xf32>,
          %get3A_491 = arith.index_cast %add3A_466 : i32 to index
          %get3A_492 = arith.constant 48 : index
          %get3A_493 = tpu.vector_load %arg17[%get3A_491, %get3A_492] {strides = array<i32>} : memref<80x128xf32, #tpu.memory_space<vmem>>, vector<16xf32>,
          %mul3A_494 = vector.broadcast %squeeze3A_462 : f32 to vector<16xf32>
          %mul3A_495 = arith.mulf %get3A_493, %mul3A_494 : vector<16xf32>
          %swap3A_496 = arith.index_cast %add3A_466 : i32 to index
          %swap3A_497 = arith.constant 48 : index
          %swap3A_498 = tpu.vector_load %arg17[%swap3A_496, %swap3A_497] {strides = array<i32>} : memref<80x128xf32, #tpu.memory_space<vmem>>, vector<16xf32>,
          tpu.vector_store %arg17[%swap3A_496, %swap3A_497], %mul3A_495 {strides = array<i32>} : memref<80x128xf32, #tpu.memory_space<vmem>>, vector<16xf32>,
          %get3A_499 = arith.index_cast %add3A_466 : i32 to index
          %get3A_500 = arith.constant 64 : index
          %get3A_501 = tpu.vector_load %arg17[%get3A_499, %get3A_500] {strides = array<i32>} : memref<80x128xf32, #tpu.memory_space<vmem>>, vector<16xf32>,
          %mul3A_502 = vector.broadcast %squeeze3A_462 : f32 to vector<16xf32>
          %mul3A_503 = arith.mulf %get3A_501, %mul3A_502 : vector<16xf32>
          %swap3A_504 = arith.index_cast %add3A_466 : i32 to index
          %swap3A_505 = arith.constant 64 : index
          %swap3A_506 = tpu.vector_load %arg17[%swap3A_504, %swap3A_505] {strides = array<i32>} : memref<80x128xf32, #tpu.memory_space<vmem>>, vector<16xf32>,
          tpu.vector_store %arg17[%swap3A_504, %swap3A_505], %mul3A_503 {strides = array<i32>} : memref<80x128xf32, #tpu.memory_space<vmem>>, vector<16xf32>,
          %get3A_507 = arith.index_cast %add3A_466 : i32 to index
          %get3A_508 = arith.constant 80 : index
          %get3A_509 = tpu.vector_load %arg17[%get3A_507, %get3A_508] {strides = array<i32>} : memref<80x128xf32, #tpu.memory_space<vmem>>, vector<16xf32>,
          %mul3A_510 = vector.broadcast %squeeze3A_462 : f32 to vector<16xf32>
          %mul3A_511 = arith.mulf %get3A_509, %mul3A_510 : vector<16xf32>
          %swap3A_512 = arith.index_cast %add3A_466 : i32 to index
          %swap3A_513 = arith.constant 80 : index
          %swap3A_514 = tpu.vector_load %arg17[%swap3A_512, %swap3A_513] {strides = array<i32>} : memref<80x128xf32, #tpu.memory_space<vmem>>, vector<16xf32>,
          tpu.vector_store %arg17[%swap3A_512, %swap3A_513], %mul3A_511 {strides = array<i32>} : memref<80x128xf32, #tpu.memory_space<vmem>>, vector<16xf32>,
          %get3A_515 = arith.index_cast %add3A_466 : i32 to index
          %get3A_516 = arith.constant 96 : index
          %get3A_517 = tpu.vector_load %arg17[%get3A_515, %get3A_516] {strides = array<i32>} : memref<80x128xf32, #tpu.memory_space<vmem>>, vector<16xf32>,
          %mul3A_518 = vector.broadcast %squeeze3A_462 : f32 to vector<16xf32>
          %mul3A_519 = arith.mulf %get3A_517, %mul3A_518 : vector<16xf32>
          %swap3A_520 = arith.index_cast %add3A_466 : i32 to index
          %swap3A_521 = arith.constant 96 : index
          %swap3A_522 = tpu.vector_load %arg17[%swap3A_520, %swap3A_521] {strides = array<i32>} : memref<80x128xf32, #tpu.memory_space<vmem>>, vector<16xf32>,
          tpu.vector_store %arg17[%swap3A_520, %swap3A_521], %mul3A_519 {strides = array<i32>} : memref<80x128xf32, #tpu.memory_space<vmem>>, vector<16xf32>,
          %get3A_523 = arith.index_cast %add3A_466 : i32 to index
          %get3A_524 = arith.constant 112 : index
          %get3A_525 = tpu.vector_load %arg17[%get3A_523, %get3A_524] {strides = array<i32>} : memref<80x128xf32, #tpu.memory_space<vmem>>, vector<16xf32>,
          %mul3A_526 = vector.broadcast %squeeze3A_462 : f32 to vector<16xf32>
          %mul3A_527 = arith.mulf %get3A_525, %mul3A_526 : vector<16xf32>
          %swap3A_528 = arith.index_cast %add3A_466 : i32 to index
          %swap3A_529 = arith.constant 112 : index
          %swap3A_530 = tpu.vector_load %arg17[%swap3A_528, %swap3A_529] {strides = array<i32>} : memref<80x128xf32, #tpu.memory_space<vmem>>, vector<16xf32>,
          tpu.vector_store %arg17[%swap3A_528, %swap3A_529], %mul3A_527 {strides = array<i32>} : memref<80x128xf32, #tpu.memory_space<vmem>>, vector<16xf32>,
          %slice3A_531 = vector.extract_strided_slice %div3A_183 {offsets = [5], sizes = [1], strides = [1]} : vector<16xf32> to vector<1xf32>
          %squeeze3A_532 = vector.extract %slice3A_531[0] : f32 from vector<1xf32>
          %mul3A_533 = arith.constant 16 : i32
          %mul3A_534 = arith.muli %scan3A_176, %mul3A_533 : i32
          %add3A_535 = arith.constant 5 : i32
          %add3A_536 = arith.addi %mul3A_534, %add3A_535 : i32
          %get3A_537 = arith.index_cast %add3A_536 : i32 to index
          %get3A_538 = arith.constant 0 : index
          %get3A_539 = tpu.vector_load %arg17[%get3A_537, %get3A_538] {strides = array<i32>} : memref<80x128xf32, #tpu.memory_space<vmem>>, vector<16xf32>,
          %mul3A_540 = vector.broadcast %squeeze3A_532 : f32 to vector<16xf32>
          %mul3A_541 = arith.mulf %get3A_539, %mul3A_540 : vector<16xf32>
          %swap3A_542 = arith.index_cast %add3A_536 : i32 to index
          %swap3A_543 = arith.constant 0 : index
          %swap3A_544 = tpu.vector_load %arg17[%swap3A_542, %swap3A_543] {strides = array<i32>} : memref<80x128xf32, #tpu.memory_space<vmem>>, vector<16xf32>,
          tpu.vector_store %arg17[%swap3A_542, %swap3A_543], %mul3A_541 {strides = array<i32>} : memref<80x128xf32, #tpu.memory_space<vmem>>, vector<16xf32>,
          %get3A_545 = arith.index_cast %add3A_536 : i32 to index
          %get3A_546 = arith.constant 16 : index
          %get3A_547 = tpu.vector_load %arg17[%get3A_545, %get3A_546] {strides = array<i32>} : memref<80x128xf32, #tpu.memory_space<vmem>>, vector<16xf32>,
          %mul3A_548 = vector.broadcast %squeeze3A_532 : f32 to vector<16xf32>
          %mul3A_549 = arith.mulf %get3A_547, %mul3A_548 : vector<16xf32>
          %swap3A_550 = arith.index_cast %add3A_536 : i32 to index
          %swap3A_551 = arith.constant 16 : index
          %swap3A_552 = tpu.vector_load %arg17[%swap3A_550, %swap3A_551] {strides = array<i32>} : memref<80x128xf32, #tpu.memory_space<vmem>>, vector<16xf32>,
          tpu.vector_store %arg17[%swap3A_550, %swap3A_551], %mul3A_549 {strides = array<i32>} : memref<80x128xf32, #tpu.memory_space<vmem>>, vector<16xf32>,
          %get3A_553 = arith.index_cast %add3A_536 : i32 to index
          %get3A_554 = arith.constant 32 : index
          %get3A_555 = tpu.vector_load %arg17[%get3A_553, %get3A_554] {strides = array<i32>} : memref<80x128xf32, #tpu.memory_space<vmem>>, vector<16xf32>,
          %mul3A_556 = vector.broadcast %squeeze3A_532 : f32 to vector<16xf32>
          %mul3A_557 = arith.mulf %get3A_555, %mul3A_556 : vector<16xf32>
          %swap3A_558 = arith.index_cast %add3A_536 : i32 to index
          %swap3A_559 = arith.constant 32 : index
          %swap3A_560 = tpu.vector_load %arg17[%swap3A_558, %swap3A_559] {strides = array<i32>} : memref<80x128xf32, #tpu.memory_space<vmem>>, vector<16xf32>,
          tpu.vector_store %arg17[%swap3A_558, %swap3A_559], %mul3A_557 {strides = array<i32>} : memref<80x128xf32, #tpu.memory_space<vmem>>, vector<16xf32>,
          %get3A_561 = arith.index_cast %add3A_536 : i32 to index
          %get3A_562 = arith.constant 48 : index
          %get3A_563 = tpu.vector_load %arg17[%get3A_561, %get3A_562] {strides = array<i32>} : memref<80x128xf32, #tpu.memory_space<vmem>>, vector<16xf32>,
          %mul3A_564 = vector.broadcast %squeeze3A_532 : f32 to vector<16xf32>
          %mul3A_565 = arith.mulf %get3A_563, %mul3A_564 : vector<16xf32>
          %swap3A_566 = arith.index_cast %add3A_536 : i32 to index
          %swap3A_567 = arith.constant 48 : index
          %swap3A_568 = tpu.vector_load %arg17[%swap3A_566, %swap3A_567] {strides = array<i32>} : memref<80x128xf32, #tpu.memory_space<vmem>>, vector<16xf32>,
          tpu.vector_store %arg17[%swap3A_566, %swap3A_567], %mul3A_565 {strides = array<i32>} : memref<80x128xf32, #tpu.memory_space<vmem>>, vector<16xf32>,
          %get3A_569 = arith.index_cast %add3A_536 : i32 to index
          %get3A_570 = arith.constant 64 : index
          %get3A_571 = tpu.vector_load %arg17[%get3A_569, %get3A_570] {strides = array<i32>} : memref<80x128xf32, #tpu.memory_space<vmem>>, vector<16xf32>,
          %mul3A_572 = vector.broadcast %squeeze3A_532 : f32 to vector<16xf32>
          %mul3A_573 = arith.mulf %get3A_571, %mul3A_572 : vector<16xf32>
          %swap3A_574 = arith.index_cast %add3A_536 : i32 to index
          %swap3A_575 = arith.constant 64 : index
          %swap3A_576 = tpu.vector_load %arg17[%swap3A_574, %swap3A_575] {strides = array<i32>} : memref<80x128xf32, #tpu.memory_space<vmem>>, vector<16xf32>,
          tpu.vector_store %arg17[%swap3A_574, %swap3A_575], %mul3A_573 {strides = array<i32>} : memref<80x128xf32, #tpu.memory_space<vmem>>, vector<16xf32>,
          %get3A_577 = arith.index_cast %add3A_536 : i32 to index
          %get3A_578 = arith.constant 80 : index
          %get3A_579 = tpu.vector_load %arg17[%get3A_577, %get3A_578] {strides = array<i32>} : memref<80x128xf32, #tpu.memory_space<vmem>>, vector<16xf32>,
          %mul3A_580 = vector.broadcast %squeeze3A_532 : f32 to vector<16xf32>
          %mul3A_581 = arith.mulf %get3A_579, %mul3A_580 : vector<16xf32>
          %swap3A_582 = arith.index_cast %add3A_536 : i32 to index
          %swap3A_583 = arith.constant 80 : index
          %swap3A_584 = tpu.vector_load %arg17[%swap3A_582, %swap3A_583] {strides = array<i32>} : memref<80x128xf32, #tpu.memory_space<vmem>>, vector<16xf32>,
          tpu.vector_store %arg17[%swap3A_582, %swap3A_583], %mul3A_581 {strides = array<i32>} : memref<80x128xf32, #tpu.memory_space<vmem>>, vector<16xf32>,
          %get3A_585 = arith.index_cast %add3A_536 : i32 to index
          %get3A_586 = arith.constant 96 : index
          %get3A_587 = tpu.vector_load %arg17[%get3A_585, %get3A_586] {strides = array<i32>} : memref<80x128xf32, #tpu.memory_space<vmem>>, vector<16xf32>,
          %mul3A_588 = vector.broadcast %squeeze3A_532 : f32 to vector<16xf32>
          %mul3A_589 = arith.mulf %get3A_587, %mul3A_588 : vector<16xf32>
          %swap3A_590 = arith.index_cast %add3A_536 : i32 to index
          %swap3A_591 = arith.constant 96 : index
          %swap3A_592 = tpu.vector_load %arg17[%swap3A_590, %swap3A_591] {strides = array<i32>} : memref<80x128xf32, #tpu.memory_space<vmem>>, vector<16xf32>,
          tpu.vector_store %arg17[%swap3A_590, %swap3A_591], %mul3A_589 {strides = array<i32>} : memref<80x128xf32, #tpu.memory_space<vmem>>, vector<16xf32>,
          %get3A_593 = arith.index_cast %add3A_536 : i32 to index
          %get3A_594 = arith.constant 112 : index
          %get3A_595 = tpu.vector_load %arg17[%get3A_593, %get3A_594] {strides = array<i32>} : memref<80x128xf32, #tpu.memory_space<vmem>>, vector<16xf32>,
          %mul3A_596 = vector.broadcast %squeeze3A_532 : f32 to vector<16xf32>
          %mul3A_597 = arith.mulf %get3A_595, %mul3A_596 : vector<16xf32>
          %swap3A_598 = arith.index_cast %add3A_536 : i32 to index
          %swap3A_599 = arith.constant 112 : index
          %swap3A_600 = tpu.vector_load %arg17[%swap3A_598, %swap3A_599] {strides = array<i32>} : memref<80x128xf32, #tpu.memory_space<vmem>>, vector<16xf32>,
          tpu.vector_store %arg17[%swap3A_598, %swap3A_599], %mul3A_597 {strides = array<i32>} : memref<80x128xf32, #tpu.memory_space<vmem>>, vector<16xf32>,
          %slice3A_601 = vector.extract_strided_slice %div3A_183 {offsets = [6], sizes = [1], strides = [1]} : vector<16xf32> to vector<1xf32>
          %squeeze3A_602 = vector.extract %slice3A_601[0] : f32 from vector<1xf32>
          %mul3A_603 = arith.constant 16 : i32
          %mul3A_604 = arith.muli %scan3A_176, %mul3A_603 : i32
          %add3A_605 = arith.constant 6 : i32
          %add3A_606 = arith.addi %mul3A_604, %add3A_605 : i32
          %get3A_607 = arith.index_cast %add3A_606 : i32 to index
          %get3A_608 = arith.constant 0 : index
          %get3A_609 = tpu.vector_load %arg17[%get3A_607, %get3A_608] {strides = array<i32>} : memref<80x128xf32, #tpu.memory_space<vmem>>, vector<16xf32>,
          %mul3A_610 = vector.broadcast %squeeze3A_602 : f32 to vector<16xf32>
          %mul3A_611 = arith.mulf %get3A_609, %mul3A_610 : vector<16xf32>
          %swap3A_612 = arith.index_cast %add3A_606 : i32 to index
          %swap3A_613 = arith.constant 0 : index
          %swap3A_614 = tpu.vector_load %arg17[%swap3A_612, %swap3A_613] {strides = array<i32>} : memref<80x128xf32, #tpu.memory_space<vmem>>, vector<16xf32>,
          tpu.vector_store %arg17[%swap3A_612, %swap3A_613], %mul3A_611 {strides = array<i32>} : memref<80x128xf32, #tpu.memory_space<vmem>>, vector<16xf32>,
          %get3A_615 = arith.index_cast %add3A_606 : i32 to index
          %get3A_616 = arith.constant 16 : index
          %get3A_617 = tpu.vector_load %arg17[%get3A_615, %get3A_616] {strides = array<i32>} : memref<80x128xf32, #tpu.memory_space<vmem>>, vector<16xf32>,
          %mul3A_618 = vector.broadcast %squeeze3A_602 : f32 to vector<16xf32>
          %mul3A_619 = arith.mulf %get3A_617, %mul3A_618 : vector<16xf32>
          %swap3A_620 = arith.index_cast %add3A_606 : i32 to index
          %swap3A_621 = arith.constant 16 : index
          %swap3A_622 = tpu.vector_load %arg17[%swap3A_620, %swap3A_621] {strides = array<i32>} : memref<80x128xf32, #tpu.memory_space<vmem>>, vector<16xf32>,
          tpu.vector_store %arg17[%swap3A_620, %swap3A_621], %mul3A_619 {strides = array<i32>} : memref<80x128xf32, #tpu.memory_space<vmem>>, vector<16xf32>,
          %get3A_623 = arith.index_cast %add3A_606 : i32 to index
          %get3A_624 = arith.constant 32 : index
          %get3A_625 = tpu.vector_load %arg17[%get3A_623, %get3A_624] {strides = array<i32>} : memref<80x128xf32, #tpu.memory_space<vmem>>, vector<16xf32>,
          %mul3A_626 = vector.broadcast %squeeze3A_602 : f32 to vector<16xf32>
          %mul3A_627 = arith.mulf %get3A_625, %mul3A_626 : vector<16xf32>
          %swap3A_628 = arith.index_cast %add3A_606 : i32 to index
          %swap3A_629 = arith.constant 32 : index
          %swap3A_630 = tpu.vector_load %arg17[%swap3A_628, %swap3A_629] {strides = array<i32>} : memref<80x128xf32, #tpu.memory_space<vmem>>, vector<16xf32>,
          tpu.vector_store %arg17[%swap3A_628, %swap3A_629], %mul3A_627 {strides = array<i32>} : memref<80x128xf32, #tpu.memory_space<vmem>>, vector<16xf32>,
          %get3A_631 = arith.index_cast %add3A_606 : i32 to index
          %get3A_632 = arith.constant 48 : index
          %get3A_633 = tpu.vector_load %arg17[%get3A_631, %get3A_632] {strides = array<i32>} : memref<80x128xf32, #tpu.memory_space<vmem>>, vector<16xf32>,
          %mul3A_634 = vector.broadcast %squeeze3A_602 : f32 to vector<16xf32>
          %mul3A_635 = arith.mulf %get3A_633, %mul3A_634 : vector<16xf32>
          %swap3A_636 = arith.index_cast %add3A_606 : i32 to index
          %swap3A_637 = arith.constant 48 : index
          %swap3A_638 = tpu.vector_load %arg17[%swap3A_636, %swap3A_637] {strides = array<i32>} : memref<80x128xf32, #tpu.memory_space<vmem>>, vector<16xf32>,
          tpu.vector_store %arg17[%swap3A_636, %swap3A_637], %mul3A_635 {strides = array<i32>} : memref<80x128xf32, #tpu.memory_space<vmem>>, vector<16xf32>,
          %get3A_639 = arith.index_cast %add3A_606 : i32 to index
          %get3A_640 = arith.constant 64 : index
          %get3A_641 = tpu.vector_load %arg17[%get3A_639, %get3A_640] {strides = array<i32>} : memref<80x128xf32, #tpu.memory_space<vmem>>, vector<16xf32>,
          %mul3A_642 = vector.broadcast %squeeze3A_602 : f32 to vector<16xf32>
          %mul3A_643 = arith.mulf %get3A_641, %mul3A_642 : vector<16xf32>
          %swap3A_644 = arith.index_cast %add3A_606 : i32 to index
          %swap3A_645 = arith.constant 64 : index
          %swap3A_646 = tpu.vector_load %arg17[%swap3A_644, %swap3A_645] {strides = array<i32>} : memref<80x128xf32, #tpu.memory_space<vmem>>, vector<16xf32>,
          tpu.vector_store %arg17[%swap3A_644, %swap3A_645], %mul3A_643 {strides = array<i32>} : memref<80x128xf32, #tpu.memory_space<vmem>>, vector<16xf32>,
          %get3A_647 = arith.index_cast %add3A_606 : i32 to index
          %get3A_648 = arith.constant 80 : index
          %get3A_649 = tpu.vector_load %arg17[%get3A_647, %get3A_648] {strides = array<i32>} : memref<80x128xf32, #tpu.memory_space<vmem>>, vector<16xf32>,
          %mul3A_650 = vector.broadcast %squeeze3A_602 : f32 to vector<16xf32>
          %mul3A_651 = arith.mulf %get3A_649, %mul3A_650 : vector<16xf32>
          %swap3A_652 = arith.index_cast %add3A_606 : i32 to index
          %swap3A_653 = arith.constant 80 : index
          %swap3A_654 = tpu.vector_load %arg17[%swap3A_652, %swap3A_653] {strides = array<i32>} : memref<80x128xf32, #tpu.memory_space<vmem>>, vector<16xf32>,
          tpu.vector_store %arg17[%swap3A_652, %swap3A_653], %mul3A_651 {strides = array<i32>} : memref<80x128xf32, #tpu.memory_space<vmem>>, vector<16xf32>,
          %get3A_655 = arith.index_cast %add3A_606 : i32 to index
          %get3A_656 = arith.constant 96 : index
          %get3A_657 = tpu.vector_load %arg17[%get3A_655, %get3A_656] {strides = array<i32>} : memref<80x128xf32, #tpu.memory_space<vmem>>, vector<16xf32>,
          %mul3A_658 = vector.broadcast %squeeze3A_602 : f32 to vector<16xf32>
          %mul3A_659 = arith.mulf %get3A_657, %mul3A_658 : vector<16xf32>
          %swap3A_660 = arith.index_cast %add3A_606 : i32 to index
          %swap3A_661 = arith.constant 96 : index
          %swap3A_662 = tpu.vector_load %arg17[%swap3A_660, %swap3A_661] {strides = array<i32>} : memref<80x128xf32, #tpu.memory_space<vmem>>, vector<16xf32>,
          tpu.vector_store %arg17[%swap3A_660, %swap3A_661], %mul3A_659 {strides = array<i32>} : memref<80x128xf32, #tpu.memory_space<vmem>>, vector<16xf32>,
          %get3A_663 = arith.index_cast %add3A_606 : i32 to index
          %get3A_664 = arith.constant 112 : index
          %get3A_665 = tpu.vector_load %arg17[%get3A_663, %get3A_664] {strides = array<i32>} : memref<80x128xf32, #tpu.memory_space<vmem>>, vector<16xf32>,
          %mul3A_666 = vector.broadcast %squeeze3A_602 : f32 to vector<16xf32>
          %mul3A_667 = arith.mulf %get3A_665, %mul3A_666 : vector<16xf32>
          %swap3A_668 = arith.index_cast %add3A_606 : i32 to index
          %swap3A_669 = arith.constant 112 : index
          %swap3A_670 = tpu.vector_load %arg17[%swap3A_668, %swap3A_669] {strides = array<i32>} : memref<80x128xf32, #tpu.memory_space<vmem>>, vector<16xf32>,
          tpu.vector_store %arg17[%swap3A_668, %swap3A_669], %mul3A_667 {strides = array<i32>} : memref<80x128xf32, #tpu.memory_space<vmem>>, vector<16xf32>,
          %slice3A_671 = vector.extract_strided_slice %div3A_183 {offsets = [7], sizes = [1], strides = [1]} : vector<16xf32> to vector<1xf32>
          %squeeze3A_672 = vector.extract %slice3A_671[0] : f32 from vector<1xf32>
          %mul3A_673 = arith.constant 16 : i32
          %mul3A_674 = arith.muli %scan3A_176, %mul3A_673 : i32
          %add3A_675 = arith.constant 7 : i32
          %add3A_676 = arith.addi %mul3A_674, %add3A_675 : i32
          %get3A_677 = arith.index_cast %add3A_676 : i32 to index
          %get3A_678 = arith.constant 0 : index
          %get3A_679 = tpu.vector_load %arg17[%get3A_677, %get3A_678] {strides = array<i32>} : memref<80x128xf32, #tpu.memory_space<vmem>>, vector<16xf32>,
          %mul3A_680 = vector.broadcast %squeeze3A_672 : f32 to vector<16xf32>
          %mul3A_681 = arith.mulf %get3A_679, %mul3A_680 : vector<16xf32>
          %swap3A_682 = arith.index_cast %add3A_676 : i32 to index
          %swap3A_683 = arith.constant 0 : index
          %swap3A_684 = tpu.vector_load %arg17[%swap3A_682, %swap3A_683] {strides = array<i32>} : memref<80x128xf32, #tpu.memory_space<vmem>>, vector<16xf32>,
          tpu.vector_store %arg17[%swap3A_682, %swap3A_683], %mul3A_681 {strides = array<i32>} : memref<80x128xf32, #tpu.memory_space<vmem>>, vector<16xf32>,
          %get3A_685 = arith.index_cast %add3A_676 : i32 to index
          %get3A_686 = arith.constant 16 : index
          %get3A_687 = tpu.vector_load %arg17[%get3A_685, %get3A_686] {strides = array<i32>} : memref<80x128xf32, #tpu.memory_space<vmem>>, vector<16xf32>,
          %mul3A_688 = vector.broadcast %squeeze3A_672 : f32 to vector<16xf32>
          %mul3A_689 = arith.mulf %get3A_687, %mul3A_688 : vector<16xf32>
          %swap3A_690 = arith.index_cast %add3A_676 : i32 to index
          %swap3A_691 = arith.constant 16 : index
          %swap3A_692 = tpu.vector_load %arg17[%swap3A_690, %swap3A_691] {strides = array<i32>} : memref<80x128xf32, #tpu.memory_space<vmem>>, vector<16xf32>,
          tpu.vector_store %arg17[%swap3A_690, %swap3A_691], %mul3A_689 {strides = array<i32>} : memref<80x128xf32, #tpu.memory_space<vmem>>, vector<16xf32>,
          %get3A_693 = arith.index_cast %add3A_676 : i32 to index
          %get3A_694 = arith.constant 32 : index
          %get3A_695 = tpu.vector_load %arg17[%get3A_693, %get3A_694] {strides = array<i32>} : memref<80x128xf32, #tpu.memory_space<vmem>>, vector<16xf32>,
          %mul3A_696 = vector.broadcast %squeeze3A_672 : f32 to vector<16xf32>
          %mul3A_697 = arith.mulf %get3A_695, %mul3A_696 : vector<16xf32>
          %swap3A_698 = arith.index_cast %add3A_676 : i32 to index
          %swap3A_699 = arith.constant 32 : index
          %swap3A_700 = tpu.vector_load %arg17[%swap3A_698, %swap3A_699] {strides = array<i32>} : memref<80x128xf32, #tpu.memory_space<vmem>>, vector<16xf32>,
          tpu.vector_store %arg17[%swap3A_698, %swap3A_699], %mul3A_697 {strides = array<i32>} : memref<80x128xf32, #tpu.memory_space<vmem>>, vector<16xf32>,
          %get3A_701 = arith.index_cast %add3A_676 : i32 to index
          %get3A_702 = arith.constant 48 : index
          %get3A_703 = tpu.vector_load %arg17[%get3A_701, %get3A_702] {strides = array<i32>} : memref<80x128xf32, #tpu.memory_space<vmem>>, vector<16xf32>,
          %mul3A_704 = vector.broadcast %squeeze3A_672 : f32 to vector<16xf32>
          %mul3A_705 = arith.mulf %get3A_703, %mul3A_704 : vector<16xf32>
          %swap3A_706 = arith.index_cast %add3A_676 : i32 to index
          %swap3A_707 = arith.constant 48 : index
          %swap3A_708 = tpu.vector_load %arg17[%swap3A_706, %swap3A_707] {strides = array<i32>} : memref<80x128xf32, #tpu.memory_space<vmem>>, vector<16xf32>,
          tpu.vector_store %arg17[%swap3A_706, %swap3A_707], %mul3A_705 {strides = array<i32>} : memref<80x128xf32, #tpu.memory_space<vmem>>, vector<16xf32>,
          %get3A_709 = arith.index_cast %add3A_676 : i32 to index
          %get3A_710 = arith.constant 64 : index
          %get3A_711 = tpu.vector_load %arg17[%get3A_709, %get3A_710] {strides = array<i32>} : memref<80x128xf32, #tpu.memory_space<vmem>>, vector<16xf32>,
          %mul3A_712 = vector.broadcast %squeeze3A_672 : f32 to vector<16xf32>
          %mul3A_713 = arith.mulf %get3A_711, %mul3A_712 : vector<16xf32>
          %swap3A_714 = arith.index_cast %add3A_676 : i32 to index
          %swap3A_715 = arith.constant 64 : index
          %swap3A_716 = tpu.vector_load %arg17[%swap3A_714, %swap3A_715] {strides = array<i32>} : memref<80x128xf32, #tpu.memory_space<vmem>>, vector<16xf32>,
          tpu.vector_store %arg17[%swap3A_714, %swap3A_715], %mul3A_713 {strides = array<i32>} : memref<80x128xf32, #tpu.memory_space<vmem>>, vector<16xf32>,
          %get3A_717 = arith.index_cast %add3A_676 : i32 to index
          %get3A_718 = arith.constant 80 : index
          %get3A_719 = tpu.vector_load %arg17[%get3A_717, %get3A_718] {strides = array<i32>} : memref<80x128xf32, #tpu.memory_space<vmem>>, vector<16xf32>,
          %mul3A_720 = vector.broadcast %squeeze3A_672 : f32 to vector<16xf32>
          %mul3A_721 = arith.mulf %get3A_719, %mul3A_720 : vector<16xf32>
          %swap3A_722 = arith.index_cast %add3A_676 : i32 to index
          %swap3A_723 = arith.constant 80 : index
          %swap3A_724 = tpu.vector_load %arg17[%swap3A_722, %swap3A_723] {strides = array<i32>} : memref<80x128xf32, #tpu.memory_space<vmem>>, vector<16xf32>,
          tpu.vector_store %arg17[%swap3A_722, %swap3A_723], %mul3A_721 {strides = array<i32>} : memref<80x128xf32, #tpu.memory_space<vmem>>, vector<16xf32>,
          %get3A_725 = arith.index_cast %add3A_676 : i32 to index
          %get3A_726 = arith.constant 96 : index
          %get3A_727 = tpu.vector_load %arg17[%get3A_725, %get3A_726] {strides = array<i32>} : memref<80x128xf32, #tpu.memory_space<vmem>>, vector<16xf32>,
          %mul3A_728 = vector.broadcast %squeeze3A_672 : f32 to vector<16xf32>
          %mul3A_729 = arith.mulf %get3A_727, %mul3A_728 : vector<16xf32>
          %swap3A_730 = arith.index_cast %add3A_676 : i32 to index
          %swap3A_731 = arith.constant 96 : index
          %swap3A_732 = tpu.vector_load %arg17[%swap3A_730, %swap3A_731] {strides = array<i32>} : memref<80x128xf32, #tpu.memory_space<vmem>>, vector<16xf32>,
          tpu.vector_store %arg17[%swap3A_730, %swap3A_731], %mul3A_729 {strides = array<i32>} : memref<80x128xf32, #tpu.memory_space<vmem>>, vector<16xf32>,
          %get3A_733 = arith.index_cast %add3A_676 : i32 to index
          %get3A_734 = arith.constant 112 : index
          %get3A_735 = tpu.vector_load %arg17[%get3A_733, %get3A_734] {strides = array<i32>} : memref<80x128xf32, #tpu.memory_space<vmem>>, vector<16xf32>,
          %mul3A_736 = vector.broadcast %squeeze3A_672 : f32 to vector<16xf32>
          %mul3A_737 = arith.mulf %get3A_735, %mul3A_736 : vector<16xf32>
          %swap3A_738 = arith.index_cast %add3A_676 : i32 to index
          %swap3A_739 = arith.constant 112 : index
          %swap3A_740 = tpu.vector_load %arg17[%swap3A_738, %swap3A_739] {strides = array<i32>} : memref<80x128xf32, #tpu.memory_space<vmem>>, vector<16xf32>,
          tpu.vector_store %arg17[%swap3A_738, %swap3A_739], %mul3A_737 {strides = array<i32>} : memref<80x128xf32, #tpu.memory_space<vmem>>, vector<16xf32>,
          %slice3A_741 = vector.extract_strided_slice %div3A_183 {offsets = [8], sizes = [1], strides = [1]} : vector<16xf32> to vector<1xf32>
          %squeeze3A_742 = vector.extract %slice3A_741[0] : f32 from vector<1xf32>
          %mul3A_743 = arith.constant 16 : i32
          %mul3A_744 = arith.muli %scan3A_176, %mul3A_743 : i32
          %add3A_745 = arith.constant 8 : i32
          %add3A_746 = arith.addi %mul3A_744, %add3A_745 : i32
          %get3A_747 = arith.index_cast %add3A_746 : i32 to index
          %get3A_748 = arith.constant 0 : index
          %get3A_749 = tpu.vector_load %arg17[%get3A_747, %get3A_748] {strides = array<i32>} : memref<80x128xf32, #tpu.memory_space<vmem>>, vector<16xf32>,
          %mul3A_750 = vector.broadcast %squeeze3A_742 : f32 to vector<16xf32>
          %mul3A_751 = arith.mulf %get3A_749, %mul3A_750 : vector<16xf32>
          %swap3A_752 = arith.index_cast %add3A_746 : i32 to index
          %swap3A_753 = arith.constant 0 : index
          %swap3A_754 = tpu.vector_load %arg17[%swap3A_752, %swap3A_753] {strides = array<i32>} : memref<80x128xf32, #tpu.memory_space<vmem>>, vector<16xf32>,
          tpu.vector_store %arg17[%swap3A_752, %swap3A_753], %mul3A_751 {strides = array<i32>} : memref<80x128xf32, #tpu.memory_space<vmem>>, vector<16xf32>,
          %get3A_755 = arith.index_cast %add3A_746 : i32 to index
          %get3A_756 = arith.constant 16 : index
          %get3A_757 = tpu.vector_load %arg17[%get3A_755, %get3A_756] {strides = array<i32>} : memref<80x128xf32, #tpu.memory_space<vmem>>, vector<16xf32>,
          %mul3A_758 = vector.broadcast %squeeze3A_742 : f32 to vector<16xf32>
          %mul3A_759 = arith.mulf %get3A_757, %mul3A_758 : vector<16xf32>
          %swap3A_760 = arith.index_cast %add3A_746 : i32 to index
          %swap3A_761 = arith.constant 16 : index
          %swap3A_762 = tpu.vector_load %arg17[%swap3A_760, %swap3A_761] {strides = array<i32>} : memref<80x128xf32, #tpu.memory_space<vmem>>, vector<16xf32>,
          tpu.vector_store %arg17[%swap3A_760, %swap3A_761], %mul3A_759 {strides = array<i32>} : memref<80x128xf32, #tpu.memory_space<vmem>>, vector<16xf32>,
          %get3A_763 = arith.index_cast %add3A_746 : i32 to index
          %get3A_764 = arith.constant 32 : index
          %get3A_765 = tpu.vector_load %arg17[%get3A_763, %get3A_764] {strides = array<i32>} : memref<80x128xf32, #tpu.memory_space<vmem>>, vector<16xf32>,
          %mul3A_766 = vector.broadcast %squeeze3A_742 : f32 to vector<16xf32>
          %mul3A_767 = arith.mulf %get3A_765, %mul3A_766 : vector<16xf32>
          %swap3A_768 = arith.index_cast %add3A_746 : i32 to index
          %swap3A_769 = arith.constant 32 : index
          %swap3A_770 = tpu.vector_load %arg17[%swap3A_768, %swap3A_769] {strides = array<i32>} : memref<80x128xf32, #tpu.memory_space<vmem>>, vector<16xf32>,
          tpu.vector_store %arg17[%swap3A_768, %swap3A_769], %mul3A_767 {strides = array<i32>} : memref<80x128xf32, #tpu.memory_space<vmem>>, vector<16xf32>,
          %get3A_771 = arith.index_cast %add3A_746 : i32 to index
          %get3A_772 = arith.constant 48 : index
          %get3A_773 = tpu.vector_load %arg17[%get3A_771, %get3A_772] {strides = array<i32>} : memref<80x128xf32, #tpu.memory_space<vmem>>, vector<16xf32>,
          %mul3A_774 = vector.broadcast %squeeze3A_742 : f32 to vector<16xf32>
          %mul3A_775 = arith.mulf %get3A_773, %mul3A_774 : vector<16xf32>
          %swap3A_776 = arith.index_cast %add3A_746 : i32 to index
          %swap3A_777 = arith.constant 48 : index
          %swap3A_778 = tpu.vector_load %arg17[%swap3A_776, %swap3A_777] {strides = array<i32>} : memref<80x128xf32, #tpu.memory_space<vmem>>, vector<16xf32>,
          tpu.vector_store %arg17[%swap3A_776, %swap3A_777], %mul3A_775 {strides = array<i32>} : memref<80x128xf32, #tpu.memory_space<vmem>>, vector<16xf32>,
          %get3A_779 = arith.index_cast %add3A_746 : i32 to index
          %get3A_780 = arith.constant 64 : index
          %get3A_781 = tpu.vector_load %arg17[%get3A_779, %get3A_780] {strides = array<i32>} : memref<80x128xf32, #tpu.memory_space<vmem>>, vector<16xf32>,
          %mul3A_782 = vector.broadcast %squeeze3A_742 : f32 to vector<16xf32>
          %mul3A_783 = arith.mulf %get3A_781, %mul3A_782 : vector<16xf32>
          %swap3A_784 = arith.index_cast %add3A_746 : i32 to index
          %swap3A_785 = arith.constant 64 : index
          %swap3A_786 = tpu.vector_load %arg17[%swap3A_784, %swap3A_785] {strides = array<i32>} : memref<80x128xf32, #tpu.memory_space<vmem>>, vector<16xf32>,
          tpu.vector_store %arg17[%swap3A_784, %swap3A_785], %mul3A_783 {strides = array<i32>} : memref<80x128xf32, #tpu.memory_space<vmem>>, vector<16xf32>,
          %get3A_787 = arith.index_cast %add3A_746 : i32 to index
          %get3A_788 = arith.constant 80 : index
          %get3A_789 = tpu.vector_load %arg17[%get3A_787, %get3A_788] {strides = array<i32>} : memref<80x128xf32, #tpu.memory_space<vmem>>, vector<16xf32>,
          %mul3A_790 = vector.broadcast %squeeze3A_742 : f32 to vector<16xf32>
          %mul3A_791 = arith.mulf %get3A_789, %mul3A_790 : vector<16xf32>
          %swap3A_792 = arith.index_cast %add3A_746 : i32 to index
          %swap3A_793 = arith.constant 80 : index
          %swap3A_794 = tpu.vector_load %arg17[%swap3A_792, %swap3A_793] {strides = array<i32>} : memref<80x128xf32, #tpu.memory_space<vmem>>, vector<16xf32>,
          tpu.vector_store %arg17[%swap3A_792, %swap3A_793], %mul3A_791 {strides = array<i32>} : memref<80x128xf32, #tpu.memory_space<vmem>>, vector<16xf32>,
          %get3A_795 = arith.index_cast %add3A_746 : i32 to index
          %get3A_796 = arith.constant 96 : index
          %get3A_797 = tpu.vector_load %arg17[%get3A_795, %get3A_796] {strides = array<i32>} : memref<80x128xf32, #tpu.memory_space<vmem>>, vector<16xf32>,
          %mul3A_798 = vector.broadcast %squeeze3A_742 : f32 to vector<16xf32>
          %mul3A_799 = arith.mulf %get3A_797, %mul3A_798 : vector<16xf32>
          %swap3A_800 = arith.index_cast %add3A_746 : i32 to index
          %swap3A_801 = arith.constant 96 : index
          %swap3A_802 = tpu.vector_load %arg17[%swap3A_800, %swap3A_801] {strides = array<i32>} : memref<80x128xf32, #tpu.memory_space<vmem>>, vector<16xf32>,
          tpu.vector_store %arg17[%swap3A_800, %swap3A_801], %mul3A_799 {strides = array<i32>} : memref<80x128xf32, #tpu.memory_space<vmem>>, vector<16xf32>,
          %get3A_803 = arith.index_cast %add3A_746 : i32 to index
          %get3A_804 = arith.constant 112 : index
          %get3A_805 = tpu.vector_load %arg17[%get3A_803, %get3A_804] {strides = array<i32>} : memref<80x128xf32, #tpu.memory_space<vmem>>, vector<16xf32>,
          %mul3A_806 = vector.broadcast %squeeze3A_742 : f32 to vector<16xf32>
          %mul3A_807 = arith.mulf %get3A_805, %mul3A_806 : vector<16xf32>
          %swap3A_808 = arith.index_cast %add3A_746 : i32 to index
          %swap3A_809 = arith.constant 112 : index
          %swap3A_810 = tpu.vector_load %arg17[%swap3A_808, %swap3A_809] {strides = array<i32>} : memref<80x128xf32, #tpu.memory_space<vmem>>, vector<16xf32>,
          tpu.vector_store %arg17[%swap3A_808, %swap3A_809], %mul3A_807 {strides = array<i32>} : memref<80x128xf32, #tpu.memory_space<vmem>>, vector<16xf32>,
          %slice3A_811 = vector.extract_strided_slice %div3A_183 {offsets = [9], sizes = [1], strides = [1]} : vector<16xf32> to vector<1xf32>
          %squeeze3A_812 = vector.extract %slice3A_811[0] : f32 from vector<1xf32>
          %mul3A_813 = arith.constant 16 : i32
          %mul3A_814 = arith.muli %scan3A_176, %mul3A_813 : i32
          %add3A_815 = arith.constant 9 : i32
          %add3A_816 = arith.addi %mul3A_814, %add3A_815 : i32
          %get3A_817 = arith.index_cast %add3A_816 : i32 to index
          %get3A_818 = arith.constant 0 : index
          %get3A_819 = tpu.vector_load %arg17[%get3A_817, %get3A_818] {strides = array<i32>} : memref<80x128xf32, #tpu.memory_space<vmem>>, vector<16xf32>,
          %mul3A_820 = vector.broadcast %squeeze3A_812 : f32 to vector<16xf32>
          %mul3A_821 = arith.mulf %get3A_819, %mul3A_820 : vector<16xf32>
          %swap3A_822 = arith.index_cast %add3A_816 : i32 to index
          %swap3A_823 = arith.constant 0 : index
          %swap3A_824 = tpu.vector_load %arg17[%swap3A_822, %swap3A_823] {strides = array<i32>} : memref<80x128xf32, #tpu.memory_space<vmem>>, vector<16xf32>,
          tpu.vector_store %arg17[%swap3A_822, %swap3A_823], %mul3A_821 {strides = array<i32>} : memref<80x128xf32, #tpu.memory_space<vmem>>, vector<16xf32>,
          %get3A_825 = arith.index_cast %add3A_816 : i32 to index
          %get3A_826 = arith.constant 16 : index
          %get3A_827 = tpu.vector_load %arg17[%get3A_825, %get3A_826] {strides = array<i32>} : memref<80x128xf32, #tpu.memory_space<vmem>>, vector<16xf32>,
          %mul3A_828 = vector.broadcast %squeeze3A_812 : f32 to vector<16xf32>
          %mul3A_829 = arith.mulf %get3A_827, %mul3A_828 : vector<16xf32>
          %swap3A_830 = arith.index_cast %add3A_816 : i32 to index
          %swap3A_831 = arith.constant 16 : index
          %swap3A_832 = tpu.vector_load %arg17[%swap3A_830, %swap3A_831] {strides = array<i32>} : memref<80x128xf32, #tpu.memory_space<vmem>>, vector<16xf32>,
          tpu.vector_store %arg17[%swap3A_830, %swap3A_831], %mul3A_829 {strides = array<i32>} : memref<80x128xf32, #tpu.memory_space<vmem>>, vector<16xf32>,
          %get3A_833 = arith.index_cast %add3A_816 : i32 to index
          %get3A_834 = arith.constant 32 : index
          %get3A_835 = tpu.vector_load %arg17[%get3A_833, %get3A_834] {strides = array<i32>} : memref<80x128xf32, #tpu.memory_space<vmem>>, vector<16xf32>,
          %mul3A_836 = vector.broadcast %squeeze3A_812 : f32 to vector<16xf32>
          %mul3A_837 = arith.mulf %get3A_835, %mul3A_836 : vector<16xf32>
          %swap3A_838 = arith.index_cast %add3A_816 : i32 to index
          %swap3A_839 = arith.constant 32 : index
          %swap3A_840 = tpu.vector_load %arg17[%swap3A_838, %swap3A_839] {strides = array<i32>} : memref<80x128xf32, #tpu.memory_space<vmem>>, vector<16xf32>,
          tpu.vector_store %arg17[%swap3A_838, %swap3A_839], %mul3A_837 {strides = array<i32>} : memref<80x128xf32, #tpu.memory_space<vmem>>, vector<16xf32>,
          %get3A_841 = arith.index_cast %add3A_816 : i32 to index
          %get3A_842 = arith.constant 48 : index
          %get3A_843 = tpu.vector_load %arg17[%get3A_841, %get3A_842] {strides = array<i32>} : memref<80x128xf32, #tpu.memory_space<vmem>>, vector<16xf32>,
          %mul3A_844 = vector.broadcast %squeeze3A_812 : f32 to vector<16xf32>
          %mul3A_845 = arith.mulf %get3A_843, %mul3A_844 : vector<16xf32>
          %swap3A_846 = arith.index_cast %add3A_816 : i32 to index
          %swap3A_847 = arith.constant 48 : index
          %swap3A_848 = tpu.vector_load %arg17[%swap3A_846, %swap3A_847] {strides = array<i32>} : memref<80x128xf32, #tpu.memory_space<vmem>>, vector<16xf32>,
          tpu.vector_store %arg17[%swap3A_846, %swap3A_847], %mul3A_845 {strides = array<i32>} : memref<80x128xf32, #tpu.memory_space<vmem>>, vector<16xf32>,
          %get3A_849 = arith.index_cast %add3A_816 : i32 to index
          %get3A_850 = arith.constant 64 : index
          %get3A_851 = tpu.vector_load %arg17[%get3A_849, %get3A_850] {strides = array<i32>} : memref<80x128xf32, #tpu.memory_space<vmem>>, vector<16xf32>,
          %mul3A_852 = vector.broadcast %squeeze3A_812 : f32 to vector<16xf32>
          %mul3A_853 = arith.mulf %get3A_851, %mul3A_852 : vector<16xf32>
          %swap3A_854 = arith.index_cast %add3A_816 : i32 to index
          %swap3A_855 = arith.constant 64 : index
          %swap3A_856 = tpu.vector_load %arg17[%swap3A_854, %swap3A_855] {strides = array<i32>} : memref<80x128xf32, #tpu.memory_space<vmem>>, vector<16xf32>,
          tpu.vector_store %arg17[%swap3A_854, %swap3A_855], %mul3A_853 {strides = array<i32>} : memref<80x128xf32, #tpu.memory_space<vmem>>, vector<16xf32>,
          %get3A_857 = arith.index_cast %add3A_816 : i32 to index
          %get3A_858 = arith.constant 80 : index
          %get3A_859 = tpu.vector_load %arg17[%get3A_857, %get3A_858] {strides = array<i32>} : memref<80x128xf32, #tpu.memory_space<vmem>>, vector<16xf32>,
          %mul3A_860 = vector.broadcast %squeeze3A_812 : f32 to vector<16xf32>
          %mul3A_861 = arith.mulf %get3A_859, %mul3A_860 : vector<16xf32>
          %swap3A_862 = arith.index_cast %add3A_816 : i32 to index
          %swap3A_863 = arith.constant 80 : index
          %swap3A_864 = tpu.vector_load %arg17[%swap3A_862, %swap3A_863] {strides = array<i32>} : memref<80x128xf32, #tpu.memory_space<vmem>>, vector<16xf32>,
          tpu.vector_store %arg17[%swap3A_862, %swap3A_863], %mul3A_861 {strides = array<i32>} : memref<80x128xf32, #tpu.memory_space<vmem>>, vector<16xf32>,
          %get3A_865 = arith.index_cast %add3A_816 : i32 to index
          %get3A_866 = arith.constant 96 : index
          %get3A_867 = tpu.vector_load %arg17[%get3A_865, %get3A_866] {strides = array<i32>} : memref<80x128xf32, #tpu.memory_space<vmem>>, vector<16xf32>,
          %mul3A_868 = vector.broadcast %squeeze3A_812 : f32 to vector<16xf32>
          %mul3A_869 = arith.mulf %get3A_867, %mul3A_868 : vector<16xf32>
          %swap3A_870 = arith.index_cast %add3A_816 : i32 to index
          %swap3A_871 = arith.constant 96 : index
          %swap3A_872 = tpu.vector_load %arg17[%swap3A_870, %swap3A_871] {strides = array<i32>} : memref<80x128xf32, #tpu.memory_space<vmem>>, vector<16xf32>,
          tpu.vector_store %arg17[%swap3A_870, %swap3A_871], %mul3A_869 {strides = array<i32>} : memref<80x128xf32, #tpu.memory_space<vmem>>, vector<16xf32>,
          %get3A_873 = arith.index_cast %add3A_816 : i32 to index
          %get3A_874 = arith.constant 112 : index
          %get3A_875 = tpu.vector_load %arg17[%get3A_873, %get3A_874] {strides = array<i32>} : memref<80x128xf32, #tpu.memory_space<vmem>>, vector<16xf32>,
          %mul3A_876 = vector.broadcast %squeeze3A_812 : f32 to vector<16xf32>
          %mul3A_877 = arith.mulf %get3A_875, %mul3A_876 : vector<16xf32>
          %swap3A_878 = arith.index_cast %add3A_816 : i32 to index
          %swap3A_879 = arith.constant 112 : index
          %swap3A_880 = tpu.vector_load %arg17[%swap3A_878, %swap3A_879] {strides = array<i32>} : memref<80x128xf32, #tpu.memory_space<vmem>>, vector<16xf32>,
          tpu.vector_store %arg17[%swap3A_878, %swap3A_879], %mul3A_877 {strides = array<i32>} : memref<80x128xf32, #tpu.memory_space<vmem>>, vector<16xf32>,
          %slice3A_881 = vector.extract_strided_slice %div3A_183 {offsets = [10], sizes = [1], strides = [1]} : vector<16xf32> to vector<1xf32>
          %squeeze3A_882 = vector.extract %slice3A_881[0] : f32 from vector<1xf32>
          %mul3A_883 = arith.constant 16 : i32
          %mul3A_884 = arith.muli %scan3A_176, %mul3A_883 : i32
          %add3A_885 = arith.constant 10 : i32
          %add3A_886 = arith.addi %mul3A_884, %add3A_885 : i32
          %get3A_887 = arith.index_cast %add3A_886 : i32 to index
          %get3A_888 = arith.constant 0 : index
          %get3A_889 = tpu.vector_load %arg17[%get3A_887, %get3A_888] {strides = array<i32>} : memref<80x128xf32, #tpu.memory_space<vmem>>, vector<16xf32>,
          %mul3A_890 = vector.broadcast %squeeze3A_882 : f32 to vector<16xf32>
          %mul3A_891 = arith.mulf %get3A_889, %mul3A_890 : vector<16xf32>
          %swap3A_892 = arith.index_cast %add3A_886 : i32 to index
          %swap3A_893 = arith.constant 0 : index
          %swap3A_894 = tpu.vector_load %arg17[%swap3A_892, %swap3A_893] {strides = array<i32>} : memref<80x128xf32, #tpu.memory_space<vmem>>, vector<16xf32>,
          tpu.vector_store %arg17[%swap3A_892, %swap3A_893], %mul3A_891 {strides = array<i32>} : memref<80x128xf32, #tpu.memory_space<vmem>>, vector<16xf32>,
          %get3A_895 = arith.index_cast %add3A_886 : i32 to index
          %get3A_896 = arith.constant 16 : index
          %get3A_897 = tpu.vector_load %arg17[%get3A_895, %get3A_896] {strides = array<i32>} : memref<80x128xf32, #tpu.memory_space<vmem>>, vector<16xf32>,
          %mul3A_898 = vector.broadcast %squeeze3A_882 : f32 to vector<16xf32>
          %mul3A_899 = arith.mulf %get3A_897, %mul3A_898 : vector<16xf32>
          %swap3A_900 = arith.index_cast %add3A_886 : i32 to index
          %swap3A_901 = arith.constant 16 : index
          %swap3A_902 = tpu.vector_load %arg17[%swap3A_900, %swap3A_901] {strides = array<i32>} : memref<80x128xf32, #tpu.memory_space<vmem>>, vector<16xf32>,
          tpu.vector_store %arg17[%swap3A_900, %swap3A_901], %mul3A_899 {strides = array<i32>} : memref<80x128xf32, #tpu.memory_space<vmem>>, vector<16xf32>,
          %get3A_903 = arith.index_cast %add3A_886 : i32 to index
          %get3A_904 = arith.constant 32 : index
          %get3A_905 = tpu.vector_load %arg17[%get3A_903, %get3A_904] {strides = array<i32>} : memref<80x128xf32, #tpu.memory_space<vmem>>, vector<16xf32>,
          %mul3A_906 = vector.broadcast %squeeze3A_882 : f32 to vector<16xf32>
          %mul3A_907 = arith.mulf %get3A_905, %mul3A_906 : vector<16xf32>
          %swap3A_908 = arith.index_cast %add3A_886 : i32 to index
          %swap3A_909 = arith.constant 32 : index
          %swap3A_910 = tpu.vector_load %arg17[%swap3A_908, %swap3A_909] {strides = array<i32>} : memref<80x128xf32, #tpu.memory_space<vmem>>, vector<16xf32>,
          tpu.vector_store %arg17[%swap3A_908, %swap3A_909], %mul3A_907 {strides = array<i32>} : memref<80x128xf32, #tpu.memory_space<vmem>>, vector<16xf32>,
          %get3A_911 = arith.index_cast %add3A_886 : i32 to index
          %get3A_912 = arith.constant 48 : index
          %get3A_913 = tpu.vector_load %arg17[%get3A_911, %get3A_912] {strides = array<i32>} : memref<80x128xf32, #tpu.memory_space<vmem>>, vector<16xf32>,
          %mul3A_914 = vector.broadcast %squeeze3A_882 : f32 to vector<16xf32>
          %mul3A_915 = arith.mulf %get3A_913, %mul3A_914 : vector<16xf32>
          %swap3A_916 = arith.index_cast %add3A_886 : i32 to index
          %swap3A_917 = arith.constant 48 : index
          %swap3A_918 = tpu.vector_load %arg17[%swap3A_916, %swap3A_917] {strides = array<i32>} : memref<80x128xf32, #tpu.memory_space<vmem>>, vector<16xf32>,
          tpu.vector_store %arg17[%swap3A_916, %swap3A_917], %mul3A_915 {strides = array<i32>} : memref<80x128xf32, #tpu.memory_space<vmem>>, vector<16xf32>,
          %get3A_919 = arith.index_cast %add3A_886 : i32 to index
          %get3A_920 = arith.constant 64 : index
          %get3A_921 = tpu.vector_load %arg17[%get3A_919, %get3A_920] {strides = array<i32>} : memref<80x128xf32, #tpu.memory_space<vmem>>, vector<16xf32>,
          %mul3A_922 = vector.broadcast %squeeze3A_882 : f32 to vector<16xf32>
          %mul3A_923 = arith.mulf %get3A_921, %mul3A_922 : vector<16xf32>
          %swap3A_924 = arith.index_cast %add3A_886 : i32 to index
          %swap3A_925 = arith.constant 64 : index
          %swap3A_926 = tpu.vector_load %arg17[%swap3A_924, %swap3A_925] {strides = array<i32>} : memref<80x128xf32, #tpu.memory_space<vmem>>, vector<16xf32>,
          tpu.vector_store %arg17[%swap3A_924, %swap3A_925], %mul3A_923 {strides = array<i32>} : memref<80x128xf32, #tpu.memory_space<vmem>>, vector<16xf32>,
          %get3A_927 = arith.index_cast %add3A_886 : i32 to index
          %get3A_928 = arith.constant 80 : index
          %get3A_929 = tpu.vector_load %arg17[%get3A_927, %get3A_928] {strides = array<i32>} : memref<80x128xf32, #tpu.memory_space<vmem>>, vector<16xf32>,
          %mul3A_930 = vector.broadcast %squeeze3A_882 : f32 to vector<16xf32>
          %mul3A_931 = arith.mulf %get3A_929, %mul3A_930 : vector<16xf32>
          %swap3A_932 = arith.index_cast %add3A_886 : i32 to index
          %swap3A_933 = arith.constant 80 : index
          %swap3A_934 = tpu.vector_load %arg17[%swap3A_932, %swap3A_933] {strides = array<i32>} : memref<80x128xf32, #tpu.memory_space<vmem>>, vector<16xf32>,
          tpu.vector_store %arg17[%swap3A_932, %swap3A_933], %mul3A_931 {strides = array<i32>} : memref<80x128xf32, #tpu.memory_space<vmem>>, vector<16xf32>,
          %get3A_935 = arith.index_cast %add3A_886 : i32 to index
          %get3A_936 = arith.constant 96 : index
          %get3A_937 = tpu.vector_load %arg17[%get3A_935, %get3A_936] {strides = array<i32>} : memref<80x128xf32, #tpu.memory_space<vmem>>, vector<16xf32>,
          %mul3A_938 = vector.broadcast %squeeze3A_882 : f32 to vector<16xf32>
          %mul3A_939 = arith.mulf %get3A_937, %mul3A_938 : vector<16xf32>
          %swap3A_940 = arith.index_cast %add3A_886 : i32 to index
          %swap3A_941 = arith.constant 96 : index
          %swap3A_942 = tpu.vector_load %arg17[%swap3A_940, %swap3A_941] {strides = array<i32>} : memref<80x128xf32, #tpu.memory_space<vmem>>, vector<16xf32>,
          tpu.vector_store %arg17[%swap3A_940, %swap3A_941], %mul3A_939 {strides = array<i32>} : memref<80x128xf32, #tpu.memory_space<vmem>>, vector<16xf32>,
          %get3A_943 = arith.index_cast %add3A_886 : i32 to index
          %get3A_944 = arith.constant 112 : index
          %get3A_945 = tpu.vector_load %arg17[%get3A_943, %get3A_944] {strides = array<i32>} : memref<80x128xf32, #tpu.memory_space<vmem>>, vector<16xf32>,
          %mul3A_946 = vector.broadcast %squeeze3A_882 : f32 to vector<16xf32>
          %mul3A_947 = arith.mulf %get3A_945, %mul3A_946 : vector<16xf32>
          %swap3A_948 = arith.index_cast %add3A_886 : i32 to index
          %swap3A_949 = arith.constant 112 : index
          %swap3A_950 = tpu.vector_load %arg17[%swap3A_948, %swap3A_949] {strides = array<i32>} : memref<80x128xf32, #tpu.memory_space<vmem>>, vector<16xf32>,
          tpu.vector_store %arg17[%swap3A_948, %swap3A_949], %mul3A_947 {strides = array<i32>} : memref<80x128xf32, #tpu.memory_space<vmem>>, vector<16xf32>,
          %slice3A_951 = vector.extract_strided_slice %div3A_183 {offsets = [11], sizes = [1], strides = [1]} : vector<16xf32> to vector<1xf32>
          %squeeze3A_952 = vector.extract %slice3A_951[0] : f32 from vector<1xf32>
          %mul3A_953 = arith.constant 16 : i32
          %mul3A_954 = arith.muli %scan3A_176, %mul3A_953 : i32
          %add3A_955 = arith.constant 11 : i32
          %add3A_956 = arith.addi %mul3A_954, %add3A_955 : i32
          %get3A_957 = arith.index_cast %add3A_956 : i32 to index
          %get3A_958 = arith.constant 0 : index
          %get3A_959 = tpu.vector_load %arg17[%get3A_957, %get3A_958] {strides = array<i32>} : memref<80x128xf32, #tpu.memory_space<vmem>>, vector<16xf32>,
          %mul3A_960 = vector.broadcast %squeeze3A_952 : f32 to vector<16xf32>
          %mul3A_961 = arith.mulf %get3A_959, %mul3A_960 : vector<16xf32>
          %swap3A_962 = arith.index_cast %add3A_956 : i32 to index
          %swap3A_963 = arith.constant 0 : index
          %swap3A_964 = tpu.vector_load %arg17[%swap3A_962, %swap3A_963] {strides = array<i32>} : memref<80x128xf32, #tpu.memory_space<vmem>>, vector<16xf32>,
          tpu.vector_store %arg17[%swap3A_962, %swap3A_963], %mul3A_961 {strides = array<i32>} : memref<80x128xf32, #tpu.memory_space<vmem>>, vector<16xf32>,
          %get3A_965 = arith.index_cast %add3A_956 : i32 to index
          %get3A_966 = arith.constant 16 : index
          %get3A_967 = tpu.vector_load %arg17[%get3A_965, %get3A_966] {strides = array<i32>} : memref<80x128xf32, #tpu.memory_space<vmem>>, vector<16xf32>,
          %mul3A_968 = vector.broadcast %squeeze3A_952 : f32 to vector<16xf32>
          %mul3A_969 = arith.mulf %get3A_967, %mul3A_968 : vector<16xf32>
          %swap3A_970 = arith.index_cast %add3A_956 : i32 to index
          %swap3A_971 = arith.constant 16 : index
          %swap3A_972 = tpu.vector_load %arg17[%swap3A_970, %swap3A_971] {strides = array<i32>} : memref<80x128xf32, #tpu.memory_space<vmem>>, vector<16xf32>,
          tpu.vector_store %arg17[%swap3A_970, %swap3A_971], %mul3A_969 {strides = array<i32>} : memref<80x128xf32, #tpu.memory_space<vmem>>, vector<16xf32>,
          %get3A_973 = arith.index_cast %add3A_956 : i32 to index
          %get3A_974 = arith.constant 32 : index
          %get3A_975 = tpu.vector_load %arg17[%get3A_973, %get3A_974] {strides = array<i32>} : memref<80x128xf32, #tpu.memory_space<vmem>>, vector<16xf32>,
          %mul3A_976 = vector.broadcast %squeeze3A_952 : f32 to vector<16xf32>
          %mul3A_977 = arith.mulf %get3A_975, %mul3A_976 : vector<16xf32>
          %swap3A_978 = arith.index_cast %add3A_956 : i32 to index
          %swap3A_979 = arith.constant 32 : index
          %swap3A_980 = tpu.vector_load %arg17[%swap3A_978, %swap3A_979] {strides = array<i32>} : memref<80x128xf32, #tpu.memory_space<vmem>>, vector<16xf32>,
          tpu.vector_store %arg17[%swap3A_978, %swap3A_979], %mul3A_977 {strides = array<i32>} : memref<80x128xf32, #tpu.memory_space<vmem>>, vector<16xf32>,
          %get3A_981 = arith.index_cast %add3A_956 : i32 to index
          %get3A_982 = arith.constant 48 : index
          %get3A_983 = tpu.vector_load %arg17[%get3A_981, %get3A_982] {strides = array<i32>} : memref<80x128xf32, #tpu.memory_space<vmem>>, vector<16xf32>,
          %mul3A_984 = vector.broadcast %squeeze3A_952 : f32 to vector<16xf32>
          %mul3A_985 = arith.mulf %get3A_983, %mul3A_984 : vector<16xf32>
          %swap3A_986 = arith.index_cast %add3A_956 : i32 to index
          %swap3A_987 = arith.constant 48 : index
          %swap3A_988 = tpu.vector_load %arg17[%swap3A_986, %swap3A_987] {strides = array<i32>} : memref<80x128xf32, #tpu.memory_space<vmem>>, vector<16xf32>,
          tpu.vector_store %arg17[%swap3A_986, %swap3A_987], %mul3A_985 {strides = array<i32>} : memref<80x128xf32, #tpu.memory_space<vmem>>, vector<16xf32>,
          %get3A_989 = arith.index_cast %add3A_956 : i32 to index
          %get3A_990 = arith.constant 64 : index
          %get3A_991 = tpu.vector_load %arg17[%get3A_989, %get3A_990] {strides = array<i32>} : memref<80x128xf32, #tpu.memory_space<vmem>>, vector<16xf32>,
          %mul3A_992 = vector.broadcast %squeeze3A_952 : f32 to vector<16xf32>
          %mul3A_993 = arith.mulf %get3A_991, %mul3A_992 : vector<16xf32>
          %swap3A_994 = arith.index_cast %add3A_956 : i32 to index
          %swap3A_995 = arith.constant 64 : index
          %swap3A_996 = tpu.vector_load %arg17[%swap3A_994, %swap3A_995] {strides = array<i32>} : memref<80x128xf32, #tpu.memory_space<vmem>>, vector<16xf32>,
          tpu.vector_store %arg17[%swap3A_994, %swap3A_995], %mul3A_993 {strides = array<i32>} : memref<80x128xf32, #tpu.memory_space<vmem>>, vector<16xf32>,
          %get3A_997 = arith.index_cast %add3A_956 : i32 to index
          %get3A_998 = arith.constant 80 : index
          %get3A_999 = tpu.vector_load %arg17[%get3A_997, %get3A_998] {strides = array<i32>} : memref<80x128xf32, #tpu.memory_space<vmem>>, vector<16xf32>,
          %mul3A_1000 = vector.broadcast %squeeze3A_952 : f32 to vector<16xf32>
          %mul3A_1001 = arith.mulf %get3A_999, %mul3A_1000 : vector<16xf32>
          %swap3A_1002 = arith.index_cast %add3A_956 : i32 to index
          %swap3A_1003 = arith.constant 80 : index
          %swap3A_1004 = tpu.vector_load %arg17[%swap3A_1002, %swap3A_1003] {strides = array<i32>} : memref<80x128xf32, #tpu.memory_space<vmem>>, vector<16xf32>,
          tpu.vector_store %arg17[%swap3A_1002, %swap3A_1003], %mul3A_1001 {strides = array<i32>} : memref<80x128xf32, #tpu.memory_space<vmem>>, vector<16xf32>,
          %get3A_1005 = arith.index_cast %add3A_956 : i32 to index
          %get3A_1006 = arith.constant 96 : index
          %get3A_1007 = tpu.vector_load %arg17[%get3A_1005, %get3A_1006] {strides = array<i32>} : memref<80x128xf32, #tpu.memory_space<vmem>>, vector<16xf32>,
          %mul3A_1008 = vector.broadcast %squeeze3A_952 : f32 to vector<16xf32>
          %mul3A_1009 = arith.mulf %get3A_1007, %mul3A_1008 : vector<16xf32>
          %swap3A_1010 = arith.index_cast %add3A_956 : i32 to index
          %swap3A_1011 = arith.constant 96 : index
          %swap3A_1012 = tpu.vector_load %arg17[%swap3A_1010, %swap3A_1011] {strides = array<i32>} : memref<80x128xf32, #tpu.memory_space<vmem>>, vector<16xf32>,
          tpu.vector_store %arg17[%swap3A_1010, %swap3A_1011], %mul3A_1009 {strides = array<i32>} : memref<80x128xf32, #tpu.memory_space<vmem>>, vector<16xf32>,
          %get3A_1013 = arith.index_cast %add3A_956 : i32 to index
          %get3A_1014 = arith.constant 112 : index
          %get3A_1015 = tpu.vector_load %arg17[%get3A_1013, %get3A_1014] {strides = array<i32>} : memref<80x128xf32, #tpu.memory_space<vmem>>, vector<16xf32>,
          %mul3A_1016 = vector.broadcast %squeeze3A_952 : f32 to vector<16xf32>
          %mul3A_1017 = arith.mulf %get3A_1015, %mul3A_1016 : vector<16xf32>
          %swap3A_1018 = arith.index_cast %add3A_956 : i32 to index
          %swap3A_1019 = arith.constant 112 : index
          %swap3A_1020 = tpu.vector_load %arg17[%swap3A_1018, %swap3A_1019] {strides = array<i32>} : memref<80x128xf32, #tpu.memory_space<vmem>>, vector<16xf32>,
          tpu.vector_store %arg17[%swap3A_1018, %swap3A_1019], %mul3A_1017 {strides = array<i32>} : memref<80x128xf32, #tpu.memory_space<vmem>>, vector<16xf32>,
          %slice3A_1021 = vector.extract_strided_slice %div3A_183 {offsets = [12], sizes = [1], strides = [1]} : vector<16xf32> to vector<1xf32>
          %squeeze3A_1022 = vector.extract %slice3A_1021[0] : f32 from vector<1xf32>
          %mul3A_1023 = arith.constant 16 : i32
          %mul3A_1024 = arith.muli %scan3A_176, %mul3A_1023 : i32
          %add3A_1025 = arith.constant 12 : i32
          %add3A_1026 = arith.addi %mul3A_1024, %add3A_1025 : i32
          %get3A_1027 = arith.index_cast %add3A_1026 : i32 to index
          %get3A_1028 = arith.constant 0 : index
          %get3A_1029 = tpu.vector_load %arg17[%get3A_1027, %get3A_1028] {strides = array<i32>} : memref<80x128xf32, #tpu.memory_space<vmem>>, vector<16xf32>,
          %mul3A_1030 = vector.broadcast %squeeze3A_1022 : f32 to vector<16xf32>
          %mul3A_1031 = arith.mulf %get3A_1029, %mul3A_1030 : vector<16xf32>
          %swap3A_1032 = arith.index_cast %add3A_1026 : i32 to index
          %swap3A_1033 = arith.constant 0 : index
          %swap3A_1034 = tpu.vector_load %arg17[%swap3A_1032, %swap3A_1033] {strides = array<i32>} : memref<80x128xf32, #tpu.memory_space<vmem>>, vector<16xf32>,
          tpu.vector_store %arg17[%swap3A_1032, %swap3A_1033], %mul3A_1031 {strides = array<i32>} : memref<80x128xf32, #tpu.memory_space<vmem>>, vector<16xf32>,
          %get3A_1035 = arith.index_cast %add3A_1026 : i32 to index
          %get3A_1036 = arith.constant 16 : index
          %get3A_1037 = tpu.vector_load %arg17[%get3A_1035, %get3A_1036] {strides = array<i32>} : memref<80x128xf32, #tpu.memory_space<vmem>>, vector<16xf32>,
          %mul3A_1038 = vector.broadcast %squeeze3A_1022 : f32 to vector<16xf32>
          %mul3A_1039 = arith.mulf %get3A_1037, %mul3A_1038 : vector<16xf32>
          %swap3A_1040 = arith.index_cast %add3A_1026 : i32 to index
          %swap3A_1041 = arith.constant 16 : index
          %swap3A_1042 = tpu.vector_load %arg17[%swap3A_1040, %swap3A_1041] {strides = array<i32>} : memref<80x128xf32, #tpu.memory_space<vmem>>, vector<16xf32>,
          tpu.vector_store %arg17[%swap3A_1040, %swap3A_1041], %mul3A_1039 {strides = array<i32>} : memref<80x128xf32, #tpu.memory_space<vmem>>, vector<16xf32>,
          %get3A_1043 = arith.index_cast %add3A_1026 : i32 to index
          %get3A_1044 = arith.constant 32 : index
          %get3A_1045 = tpu.vector_load %arg17[%get3A_1043, %get3A_1044] {strides = array<i32>} : memref<80x128xf32, #tpu.memory_space<vmem>>, vector<16xf32>,
          %mul3A_1046 = vector.broadcast %squeeze3A_1022 : f32 to vector<16xf32>
          %mul3A_1047 = arith.mulf %get3A_1045, %mul3A_1046 : vector<16xf32>
          %swap3A_1048 = arith.index_cast %add3A_1026 : i32 to index
          %swap3A_1049 = arith.constant 32 : index
          %swap3A_1050 = tpu.vector_load %arg17[%swap3A_1048, %swap3A_1049] {strides = array<i32>} : memref<80x128xf32, #tpu.memory_space<vmem>>, vector<16xf32>,
          tpu.vector_store %arg17[%swap3A_1048, %swap3A_1049], %mul3A_1047 {strides = array<i32>} : memref<80x128xf32, #tpu.memory_space<vmem>>, vector<16xf32>,
          %get3A_1051 = arith.index_cast %add3A_1026 : i32 to index
          %get3A_1052 = arith.constant 48 : index
          %get3A_1053 = tpu.vector_load %arg17[%get3A_1051, %get3A_1052] {strides = array<i32>} : memref<80x128xf32, #tpu.memory_space<vmem>>, vector<16xf32>,
          %mul3A_1054 = vector.broadcast %squeeze3A_1022 : f32 to vector<16xf32>
          %mul3A_1055 = arith.mulf %get3A_1053, %mul3A_1054 : vector<16xf32>
          %swap3A_1056 = arith.index_cast %add3A_1026 : i32 to index
          %swap3A_1057 = arith.constant 48 : index
          %swap3A_1058 = tpu.vector_load %arg17[%swap3A_1056, %swap3A_1057] {strides = array<i32>} : memref<80x128xf32, #tpu.memory_space<vmem>>, vector<16xf32>,
          tpu.vector_store %arg17[%swap3A_1056, %swap3A_1057], %mul3A_1055 {strides = array<i32>} : memref<80x128xf32, #tpu.memory_space<vmem>>, vector<16xf32>,
          %get3A_1059 = arith.index_cast %add3A_1026 : i32 to index
          %get3A_1060 = arith.constant 64 : index
          %get3A_1061 = tpu.vector_load %arg17[%get3A_1059, %get3A_1060] {strides = array<i32>} : memref<80x128xf32, #tpu.memory_space<vmem>>, vector<16xf32>,
          %mul3A_1062 = vector.broadcast %squeeze3A_1022 : f32 to vector<16xf32>
          %mul3A_1063 = arith.mulf %get3A_1061, %mul3A_1062 : vector<16xf32>
          %swap3A_1064 = arith.index_cast %add3A_1026 : i32 to index
          %swap3A_1065 = arith.constant 64 : index
          %swap3A_1066 = tpu.vector_load %arg17[%swap3A_1064, %swap3A_1065] {strides = array<i32>} : memref<80x128xf32, #tpu.memory_space<vmem>>, vector<16xf32>,
          tpu.vector_store %arg17[%swap3A_1064, %swap3A_1065], %mul3A_1063 {strides = array<i32>} : memref<80x128xf32, #tpu.memory_space<vmem>>, vector<16xf32>,
          %get3A_1067 = arith.index_cast %add3A_1026 : i32 to index
          %get3A_1068 = arith.constant 80 : index
          %get3A_1069 = tpu.vector_load %arg17[%get3A_1067, %get3A_1068] {strides = array<i32>} : memref<80x128xf32, #tpu.memory_space<vmem>>, vector<16xf32>,
          %mul3A_1070 = vector.broadcast %squeeze3A_1022 : f32 to vector<16xf32>
          %mul3A_1071 = arith.mulf %get3A_1069, %mul3A_1070 : vector<16xf32>
          %swap3A_1072 = arith.index_cast %add3A_1026 : i32 to index
          %swap3A_1073 = arith.constant 80 : index
          %swap3A_1074 = tpu.vector_load %arg17[%swap3A_1072, %swap3A_1073] {strides = array<i32>} : memref<80x128xf32, #tpu.memory_space<vmem>>, vector<16xf32>,
          tpu.vector_store %arg17[%swap3A_1072, %swap3A_1073], %mul3A_1071 {strides = array<i32>} : memref<80x128xf32, #tpu.memory_space<vmem>>, vector<16xf32>,
          %get3A_1075 = arith.index_cast %add3A_1026 : i32 to index
          %get3A_1076 = arith.constant 96 : index
          %get3A_1077 = tpu.vector_load %arg17[%get3A_1075, %get3A_1076] {strides = array<i32>} : memref<80x128xf32, #tpu.memory_space<vmem>>, vector<16xf32>,
          %mul3A_1078 = vector.broadcast %squeeze3A_1022 : f32 to vector<16xf32>
          %mul3A_1079 = arith.mulf %get3A_1077, %mul3A_1078 : vector<16xf32>
          %swap3A_1080 = arith.index_cast %add3A_1026 : i32 to index
          %swap3A_1081 = arith.constant 96 : index
          %swap3A_1082 = tpu.vector_load %arg17[%swap3A_1080, %swap3A_1081] {strides = array<i32>} : memref<80x128xf32, #tpu.memory_space<vmem>>, vector<16xf32>,
          tpu.vector_store %arg17[%swap3A_1080, %swap3A_1081], %mul3A_1079 {strides = array<i32>} : memref<80x128xf32, #tpu.memory_space<vmem>>, vector<16xf32>,
          %get3A_1083 = arith.index_cast %add3A_1026 : i32 to index
          %get3A_1084 = arith.constant 112 : index
          %get3A_1085 = tpu.vector_load %arg17[%get3A_1083, %get3A_1084] {strides = array<i32>} : memref<80x128xf32, #tpu.memory_space<vmem>>, vector<16xf32>,
          %mul3A_1086 = vector.broadcast %squeeze3A_1022 : f32 to vector<16xf32>
          %mul3A_1087 = arith.mulf %get3A_1085, %mul3A_1086 : vector<16xf32>
          %swap3A_1088 = arith.index_cast %add3A_1026 : i32 to index
          %swap3A_1089 = arith.constant 112 : index
          %swap3A_1090 = tpu.vector_load %arg17[%swap3A_1088, %swap3A_1089] {strides = array<i32>} : memref<80x128xf32, #tpu.memory_space<vmem>>, vector<16xf32>,
          tpu.vector_store %arg17[%swap3A_1088, %swap3A_1089], %mul3A_1087 {strides = array<i32>} : memref<80x128xf32, #tpu.memory_space<vmem>>, vector<16xf32>,
          %slice3A_1091 = vector.extract_strided_slice %div3A_183 {offsets = [13], sizes = [1], strides = [1]} : vector<16xf32> to vector<1xf32>
          %squeeze3A_1092 = vector.extract %slice3A_1091[0] : f32 from vector<1xf32>
          %mul3A_1093 = arith.constant 16 : i32
          %mul3A_1094 = arith.muli %scan3A_176, %mul3A_1093 : i32
          %add3A_1095 = arith.constant 13 : i32
          %add3A_1096 = arith.addi %mul3A_1094, %add3A_1095 : i32
          %get3A_1097 = arith.index_cast %add3A_1096 : i32 to index
          %get3A_1098 = arith.constant 0 : index
          %get3A_1099 = tpu.vector_load %arg17[%get3A_1097, %get3A_1098] {strides = array<i32>} : memref<80x128xf32, #tpu.memory_space<vmem>>, vector<16xf32>,
          %mul3A_1100 = vector.broadcast %squeeze3A_1092 : f32 to vector<16xf32>
          %mul3A_1101 = arith.mulf %get3A_1099, %mul3A_1100 : vector<16xf32>
          %swap3A_1102 = arith.index_cast %add3A_1096 : i32 to index
          %swap3A_1103 = arith.constant 0 : index
          %swap3A_1104 = tpu.vector_load %arg17[%swap3A_1102, %swap3A_1103] {strides = array<i32>} : memref<80x128xf32, #tpu.memory_space<vmem>>, vector<16xf32>,
          tpu.vector_store %arg17[%swap3A_1102, %swap3A_1103], %mul3A_1101 {strides = array<i32>} : memref<80x128xf32, #tpu.memory_space<vmem>>, vector<16xf32>,
          %get3A_1105 = arith.index_cast %add3A_1096 : i32 to index
          %get3A_1106 = arith.constant 16 : index
          %get3A_1107 = tpu.vector_load %arg17[%get3A_1105, %get3A_1106] {strides = array<i32>} : memref<80x128xf32, #tpu.memory_space<vmem>>, vector<16xf32>,
          %mul3A_1108 = vector.broadcast %squeeze3A_1092 : f32 to vector<16xf32>
          %mul3A_1109 = arith.mulf %get3A_1107, %mul3A_1108 : vector<16xf32>
          %swap3A_1110 = arith.index_cast %add3A_1096 : i32 to index
          %swap3A_1111 = arith.constant 16 : index
          %swap3A_1112 = tpu.vector_load %arg17[%swap3A_1110, %swap3A_1111] {strides = array<i32>} : memref<80x128xf32, #tpu.memory_space<vmem>>, vector<16xf32>,
          tpu.vector_store %arg17[%swap3A_1110, %swap3A_1111], %mul3A_1109 {strides = array<i32>} : memref<80x128xf32, #tpu.memory_space<vmem>>, vector<16xf32>,
          %get3A_1113 = arith.index_cast %add3A_1096 : i32 to index
          %get3A_1114 = arith.constant 32 : index
          %get3A_1115 = tpu.vector_load %arg17[%get3A_1113, %get3A_1114] {strides = array<i32>} : memref<80x128xf32, #tpu.memory_space<vmem>>, vector<16xf32>,
          %mul3A_1116 = vector.broadcast %squeeze3A_1092 : f32 to vector<16xf32>
          %mul3A_1117 = arith.mulf %get3A_1115, %mul3A_1116 : vector<16xf32>
          %swap3A_1118 = arith.index_cast %add3A_1096 : i32 to index
          %swap3A_1119 = arith.constant 32 : index
          %swap3A_1120 = tpu.vector_load %arg17[%swap3A_1118, %swap3A_1119] {strides = array<i32>} : memref<80x128xf32, #tpu.memory_space<vmem>>, vector<16xf32>,
          tpu.vector_store %arg17[%swap3A_1118, %swap3A_1119], %mul3A_1117 {strides = array<i32>} : memref<80x128xf32, #tpu.memory_space<vmem>>, vector<16xf32>,
          %get3A_1121 = arith.index_cast %add3A_1096 : i32 to index
          %get3A_1122 = arith.constant 48 : index
          %get3A_1123 = tpu.vector_load %arg17[%get3A_1121, %get3A_1122] {strides = array<i32>} : memref<80x128xf32, #tpu.memory_space<vmem>>, vector<16xf32>,
          %mul3A_1124 = vector.broadcast %squeeze3A_1092 : f32 to vector<16xf32>
          %mul3A_1125 = arith.mulf %get3A_1123, %mul3A_1124 : vector<16xf32>
          %swap3A_1126 = arith.index_cast %add3A_1096 : i32 to index
          %swap3A_1127 = arith.constant 48 : index
          %swap3A_1128 = tpu.vector_load %arg17[%swap3A_1126, %swap3A_1127] {strides = array<i32>} : memref<80x128xf32, #tpu.memory_space<vmem>>, vector<16xf32>,
          tpu.vector_store %arg17[%swap3A_1126, %swap3A_1127], %mul3A_1125 {strides = array<i32>} : memref<80x128xf32, #tpu.memory_space<vmem>>, vector<16xf32>,
          %get3A_1129 = arith.index_cast %add3A_1096 : i32 to index
          %get3A_1130 = arith.constant 64 : index
          %get3A_1131 = tpu.vector_load %arg17[%get3A_1129, %get3A_1130] {strides = array<i32>} : memref<80x128xf32, #tpu.memory_space<vmem>>, vector<16xf32>,
          %mul3A_1132 = vector.broadcast %squeeze3A_1092 : f32 to vector<16xf32>
          %mul3A_1133 = arith.mulf %get3A_1131, %mul3A_1132 : vector<16xf32>
          %swap3A_1134 = arith.index_cast %add3A_1096 : i32 to index
          %swap3A_1135 = arith.constant 64 : index
          %swap3A_1136 = tpu.vector_load %arg17[%swap3A_1134, %swap3A_1135] {strides = array<i32>} : memref<80x128xf32, #tpu.memory_space<vmem>>, vector<16xf32>,
          tpu.vector_store %arg17[%swap3A_1134, %swap3A_1135], %mul3A_1133 {strides = array<i32>} : memref<80x128xf32, #tpu.memory_space<vmem>>, vector<16xf32>,
          %get3A_1137 = arith.index_cast %add3A_1096 : i32 to index
          %get3A_1138 = arith.constant 80 : index
          %get3A_1139 = tpu.vector_load %arg17[%get3A_1137, %get3A_1138] {strides = array<i32>} : memref<80x128xf32, #tpu.memory_space<vmem>>, vector<16xf32>,
          %mul3A_1140 = vector.broadcast %squeeze3A_1092 : f32 to vector<16xf32>
          %mul3A_1141 = arith.mulf %get3A_1139, %mul3A_1140 : vector<16xf32>
          %swap3A_1142 = arith.index_cast %add3A_1096 : i32 to index
          %swap3A_1143 = arith.constant 80 : index
          %swap3A_1144 = tpu.vector_load %arg17[%swap3A_1142, %swap3A_1143] {strides = array<i32>} : memref<80x128xf32, #tpu.memory_space<vmem>>, vector<16xf32>,
          tpu.vector_store %arg17[%swap3A_1142, %swap3A_1143], %mul3A_1141 {strides = array<i32>} : memref<80x128xf32, #tpu.memory_space<vmem>>, vector<16xf32>,
          %get3A_1145 = arith.index_cast %add3A_1096 : i32 to index
          %get3A_1146 = arith.constant 96 : index
          %get3A_1147 = tpu.vector_load %arg17[%get3A_1145, %get3A_1146] {strides = array<i32>} : memref<80x128xf32, #tpu.memory_space<vmem>>, vector<16xf32>,
          %mul3A_1148 = vector.broadcast %squeeze3A_1092 : f32 to vector<16xf32>
          %mul3A_1149 = arith.mulf %get3A_1147, %mul3A_1148 : vector<16xf32>
          %swap3A_1150 = arith.index_cast %add3A_1096 : i32 to index
          %swap3A_1151 = arith.constant 96 : index
          %swap3A_1152 = tpu.vector_load %arg17[%swap3A_1150, %swap3A_1151] {strides = array<i32>} : memref<80x128xf32, #tpu.memory_space<vmem>>, vector<16xf32>,
          tpu.vector_store %arg17[%swap3A_1150, %swap3A_1151], %mul3A_1149 {strides = array<i32>} : memref<80x128xf32, #tpu.memory_space<vmem>>, vector<16xf32>,
          %get3A_1153 = arith.index_cast %add3A_1096 : i32 to index
          %get3A_1154 = arith.constant 112 : index
          %get3A_1155 = tpu.vector_load %arg17[%get3A_1153, %get3A_1154] {strides = array<i32>} : memref<80x128xf32, #tpu.memory_space<vmem>>, vector<16xf32>,
          %mul3A_1156 = vector.broadcast %squeeze3A_1092 : f32 to vector<16xf32>
          %mul3A_1157 = arith.mulf %get3A_1155, %mul3A_1156 : vector<16xf32>
          %swap3A_1158 = arith.index_cast %add3A_1096 : i32 to index
          %swap3A_1159 = arith.constant 112 : index
          %swap3A_1160 = tpu.vector_load %arg17[%swap3A_1158, %swap3A_1159] {strides = array<i32>} : memref<80x128xf32, #tpu.memory_space<vmem>>, vector<16xf32>,
          tpu.vector_store %arg17[%swap3A_1158, %swap3A_1159], %mul3A_1157 {strides = array<i32>} : memref<80x128xf32, #tpu.memory_space<vmem>>, vector<16xf32>,
          %slice3A_1161 = vector.extract_strided_slice %div3A_183 {offsets = [14], sizes = [1], strides = [1]} : vector<16xf32> to vector<1xf32>
          %squeeze3A_1162 = vector.extract %slice3A_1161[0] : f32 from vector<1xf32>
          %mul3A_1163 = arith.constant 16 : i32
          %mul3A_1164 = arith.muli %scan3A_176, %mul3A_1163 : i32
          %add3A_1165 = arith.constant 14 : i32
          %add3A_1166 = arith.addi %mul3A_1164, %add3A_1165 : i32
          %get3A_1167 = arith.index_cast %add3A_1166 : i32 to index
          %get3A_1168 = arith.constant 0 : index
          %get3A_1169 = tpu.vector_load %arg17[%get3A_1167, %get3A_1168] {strides = array<i32>} : memref<80x128xf32, #tpu.memory_space<vmem>>, vector<16xf32>,
          %mul3A_1170 = vector.broadcast %squeeze3A_1162 : f32 to vector<16xf32>
          %mul3A_1171 = arith.mulf %get3A_1169, %mul3A_1170 : vector<16xf32>
          %swap3A_1172 = arith.index_cast %add3A_1166 : i32 to index
          %swap3A_1173 = arith.constant 0 : index
          %swap3A_1174 = tpu.vector_load %arg17[%swap3A_1172, %swap3A_1173] {strides = array<i32>} : memref<80x128xf32, #tpu.memory_space<vmem>>, vector<16xf32>,
          tpu.vector_store %arg17[%swap3A_1172, %swap3A_1173], %mul3A_1171 {strides = array<i32>} : memref<80x128xf32, #tpu.memory_space<vmem>>, vector<16xf32>,
          %get3A_1175 = arith.index_cast %add3A_1166 : i32 to index
          %get3A_1176 = arith.constant 16 : index
          %get3A_1177 = tpu.vector_load %arg17[%get3A_1175, %get3A_1176] {strides = array<i32>} : memref<80x128xf32, #tpu.memory_space<vmem>>, vector<16xf32>,
          %mul3A_1178 = vector.broadcast %squeeze3A_1162 : f32 to vector<16xf32>
          %mul3A_1179 = arith.mulf %get3A_1177, %mul3A_1178 : vector<16xf32>
          %swap3A_1180 = arith.index_cast %add3A_1166 : i32 to index
          %swap3A_1181 = arith.constant 16 : index
          %swap3A_1182 = tpu.vector_load %arg17[%swap3A_1180, %swap3A_1181] {strides = array<i32>} : memref<80x128xf32, #tpu.memory_space<vmem>>, vector<16xf32>,
          tpu.vector_store %arg17[%swap3A_1180, %swap3A_1181], %mul3A_1179 {strides = array<i32>} : memref<80x128xf32, #tpu.memory_space<vmem>>, vector<16xf32>,
          %get3A_1183 = arith.index_cast %add3A_1166 : i32 to index
          %get3A_1184 = arith.constant 32 : index
          %get3A_1185 = tpu.vector_load %arg17[%get3A_1183, %get3A_1184] {strides = array<i32>} : memref<80x128xf32, #tpu.memory_space<vmem>>, vector<16xf32>,
          %mul3A_1186 = vector.broadcast %squeeze3A_1162 : f32 to vector<16xf32>
          %mul3A_1187 = arith.mulf %get3A_1185, %mul3A_1186 : vector<16xf32>
          %swap3A_1188 = arith.index_cast %add3A_1166 : i32 to index
          %swap3A_1189 = arith.constant 32 : index
          %swap3A_1190 = tpu.vector_load %arg17[%swap3A_1188, %swap3A_1189] {strides = array<i32>} : memref<80x128xf32, #tpu.memory_space<vmem>>, vector<16xf32>,
          tpu.vector_store %arg17[%swap3A_1188, %swap3A_1189], %mul3A_1187 {strides = array<i32>} : memref<80x128xf32, #tpu.memory_space<vmem>>, vector<16xf32>,
          %get3A_1191 = arith.index_cast %add3A_1166 : i32 to index
          %get3A_1192 = arith.constant 48 : index
          %get3A_1193 = tpu.vector_load %arg17[%get3A_1191, %get3A_1192] {strides = array<i32>} : memref<80x128xf32, #tpu.memory_space<vmem>>, vector<16xf32>,
          %mul3A_1194 = vector.broadcast %squeeze3A_1162 : f32 to vector<16xf32>
          %mul3A_1195 = arith.mulf %get3A_1193, %mul3A_1194 : vector<16xf32>
          %swap3A_1196 = arith.index_cast %add3A_1166 : i32 to index
          %swap3A_1197 = arith.constant 48 : index
          %swap3A_1198 = tpu.vector_load %arg17[%swap3A_1196, %swap3A_1197] {strides = array<i32>} : memref<80x128xf32, #tpu.memory_space<vmem>>, vector<16xf32>,
          tpu.vector_store %arg17[%swap3A_1196, %swap3A_1197], %mul3A_1195 {strides = array<i32>} : memref<80x128xf32, #tpu.memory_space<vmem>>, vector<16xf32>,
          %get3A_1199 = arith.index_cast %add3A_1166 : i32 to index
          %get3A_1200 = arith.constant 64 : index
          %get3A_1201 = tpu.vector_load %arg17[%get3A_1199, %get3A_1200] {strides = array<i32>} : memref<80x128xf32, #tpu.memory_space<vmem>>, vector<16xf32>,
          %mul3A_1202 = vector.broadcast %squeeze3A_1162 : f32 to vector<16xf32>
          %mul3A_1203 = arith.mulf %get3A_1201, %mul3A_1202 : vector<16xf32>
          %swap3A_1204 = arith.index_cast %add3A_1166 : i32 to index
          %swap3A_1205 = arith.constant 64 : index
          %swap3A_1206 = tpu.vector_load %arg17[%swap3A_1204, %swap3A_1205] {strides = array<i32>} : memref<80x128xf32, #tpu.memory_space<vmem>>, vector<16xf32>,
          tpu.vector_store %arg17[%swap3A_1204, %swap3A_1205], %mul3A_1203 {strides = array<i32>} : memref<80x128xf32, #tpu.memory_space<vmem>>, vector<16xf32>,
          %get3A_1207 = arith.index_cast %add3A_1166 : i32 to index
          %get3A_1208 = arith.constant 80 : index
          %get3A_1209 = tpu.vector_load %arg17[%get3A_1207, %get3A_1208] {strides = array<i32>} : memref<80x128xf32, #tpu.memory_space<vmem>>, vector<16xf32>,
          %mul3A_1210 = vector.broadcast %squeeze3A_1162 : f32 to vector<16xf32>
          %mul3A_1211 = arith.mulf %get3A_1209, %mul3A_1210 : vector<16xf32>
          %swap3A_1212 = arith.index_cast %add3A_1166 : i32 to index
          %swap3A_1213 = arith.constant 80 : index
          %swap3A_1214 = tpu.vector_load %arg17[%swap3A_1212, %swap3A_1213] {strides = array<i32>} : memref<80x128xf32, #tpu.memory_space<vmem>>, vector<16xf32>,
          tpu.vector_store %arg17[%swap3A_1212, %swap3A_1213], %mul3A_1211 {strides = array<i32>} : memref<80x128xf32, #tpu.memory_space<vmem>>, vector<16xf32>,
          %get3A_1215 = arith.index_cast %add3A_1166 : i32 to index
          %get3A_1216 = arith.constant 96 : index
          %get3A_1217 = tpu.vector_load %arg17[%get3A_1215, %get3A_1216] {strides = array<i32>} : memref<80x128xf32, #tpu.memory_space<vmem>>, vector<16xf32>,
          %mul3A_1218 = vector.broadcast %squeeze3A_1162 : f32 to vector<16xf32>
          %mul3A_1219 = arith.mulf %get3A_1217, %mul3A_1218 : vector<16xf32>
          %swap3A_1220 = arith.index_cast %add3A_1166 : i32 to index
          %swap3A_1221 = arith.constant 96 : index
          %swap3A_1222 = tpu.vector_load %arg17[%swap3A_1220, %swap3A_1221] {strides = array<i32>} : memref<80x128xf32, #tpu.memory_space<vmem>>, vector<16xf32>,
          tpu.vector_store %arg17[%swap3A_1220, %swap3A_1221], %mul3A_1219 {strides = array<i32>} : memref<80x128xf32, #tpu.memory_space<vmem>>, vector<16xf32>,
          %get3A_1223 = arith.index_cast %add3A_1166 : i32 to index
          %get3A_1224 = arith.constant 112 : index
          %get3A_1225 = tpu.vector_load %arg17[%get3A_1223, %get3A_1224] {strides = array<i32>} : memref<80x128xf32, #tpu.memory_space<vmem>>, vector<16xf32>,
          %mul3A_1226 = vector.broadcast %squeeze3A_1162 : f32 to vector<16xf32>
          %mul3A_1227 = arith.mulf %get3A_1225, %mul3A_1226 : vector<16xf32>
          %swap3A_1228 = arith.index_cast %add3A_1166 : i32 to index
          %swap3A_1229 = arith.constant 112 : index
          %swap3A_1230 = tpu.vector_load %arg17[%swap3A_1228, %swap3A_1229] {strides = array<i32>} : memref<80x128xf32, #tpu.memory_space<vmem>>, vector<16xf32>,
          tpu.vector_store %arg17[%swap3A_1228, %swap3A_1229], %mul3A_1227 {strides = array<i32>} : memref<80x128xf32, #tpu.memory_space<vmem>>, vector<16xf32>,
          %slice3A_1231 = vector.extract_strided_slice %div3A_183 {offsets = [15], sizes = [1], strides = [1]} : vector<16xf32> to vector<1xf32>
          %squeeze3A_1232 = vector.extract %slice3A_1231[0] : f32 from vector<1xf32>
          %mul3A_1233 = arith.constant 16 : i32
          %mul3A_1234 = arith.muli %scan3A_176, %mul3A_1233 : i32
          %add3A_1235 = arith.constant 15 : i32
          %add3A_1236 = arith.addi %mul3A_1234, %add3A_1235 : i32
          %get3A_1237 = arith.index_cast %add3A_1236 : i32 to index
          %get3A_1238 = arith.constant 0 : index
          %get3A_1239 = tpu.vector_load %arg17[%get3A_1237, %get3A_1238] {strides = array<i32>} : memref<80x128xf32, #tpu.memory_space<vmem>>, vector<16xf32>,
          %mul3A_1240 = vector.broadcast %squeeze3A_1232 : f32 to vector<16xf32>
          %mul3A_1241 = arith.mulf %get3A_1239, %mul3A_1240 : vector<16xf32>
          %swap3A_1242 = arith.index_cast %add3A_1236 : i32 to index
          %swap3A_1243 = arith.constant 0 : index
          %swap3A_1244 = tpu.vector_load %arg17[%swap3A_1242, %swap3A_1243] {strides = array<i32>} : memref<80x128xf32, #tpu.memory_space<vmem>>, vector<16xf32>,
          tpu.vector_store %arg17[%swap3A_1242, %swap3A_1243], %mul3A_1241 {strides = array<i32>} : memref<80x128xf32, #tpu.memory_space<vmem>>, vector<16xf32>,
          %get3A_1245 = arith.index_cast %add3A_1236 : i32 to index
          %get3A_1246 = arith.constant 16 : index
          %get3A_1247 = tpu.vector_load %arg17[%get3A_1245, %get3A_1246] {strides = array<i32>} : memref<80x128xf32, #tpu.memory_space<vmem>>, vector<16xf32>,
          %mul3A_1248 = vector.broadcast %squeeze3A_1232 : f32 to vector<16xf32>
          %mul3A_1249 = arith.mulf %get3A_1247, %mul3A_1248 : vector<16xf32>
          %swap3A_1250 = arith.index_cast %add3A_1236 : i32 to index
          %swap3A_1251 = arith.constant 16 : index
          %swap3A_1252 = tpu.vector_load %arg17[%swap3A_1250, %swap3A_1251] {strides = array<i32>} : memref<80x128xf32, #tpu.memory_space<vmem>>, vector<16xf32>,
          tpu.vector_store %arg17[%swap3A_1250, %swap3A_1251], %mul3A_1249 {strides = array<i32>} : memref<80x128xf32, #tpu.memory_space<vmem>>, vector<16xf32>,
          %get3A_1253 = arith.index_cast %add3A_1236 : i32 to index
          %get3A_1254 = arith.constant 32 : index
          %get3A_1255 = tpu.vector_load %arg17[%get3A_1253, %get3A_1254] {strides = array<i32>} : memref<80x128xf32, #tpu.memory_space<vmem>>, vector<16xf32>,
          %mul3A_1256 = vector.broadcast %squeeze3A_1232 : f32 to vector<16xf32>
          %mul3A_1257 = arith.mulf %get3A_1255, %mul3A_1256 : vector<16xf32>
          %swap3A_1258 = arith.index_cast %add3A_1236 : i32 to index
          %swap3A_1259 = arith.constant 32 : index
          %swap3A_1260 = tpu.vector_load %arg17[%swap3A_1258, %swap3A_1259] {strides = array<i32>} : memref<80x128xf32, #tpu.memory_space<vmem>>, vector<16xf32>,
          tpu.vector_store %arg17[%swap3A_1258, %swap3A_1259], %mul3A_1257 {strides = array<i32>} : memref<80x128xf32, #tpu.memory_space<vmem>>, vector<16xf32>,
          %get3A_1261 = arith.index_cast %add3A_1236 : i32 to index
          %get3A_1262 = arith.constant 48 : index
          %get3A_1263 = tpu.vector_load %arg17[%get3A_1261, %get3A_1262] {strides = array<i32>} : memref<80x128xf32, #tpu.memory_space<vmem>>, vector<16xf32>,
          %mul3A_1264 = vector.broadcast %squeeze3A_1232 : f32 to vector<16xf32>
          %mul3A_1265 = arith.mulf %get3A_1263, %mul3A_1264 : vector<16xf32>
          %swap3A_1266 = arith.index_cast %add3A_1236 : i32 to index
          %swap3A_1267 = arith.constant 48 : index
          %swap3A_1268 = tpu.vector_load %arg17[%swap3A_1266, %swap3A_1267] {strides = array<i32>} : memref<80x128xf32, #tpu.memory_space<vmem>>, vector<16xf32>,
          tpu.vector_store %arg17[%swap3A_1266, %swap3A_1267], %mul3A_1265 {strides = array<i32>} : memref<80x128xf32, #tpu.memory_space<vmem>>, vector<16xf32>,
          %get3A_1269 = arith.index_cast %add3A_1236 : i32 to index
          %get3A_1270 = arith.constant 64 : index
          %get3A_1271 = tpu.vector_load %arg17[%get3A_1269, %get3A_1270] {strides = array<i32>} : memref<80x128xf32, #tpu.memory_space<vmem>>, vector<16xf32>,
          %mul3A_1272 = vector.broadcast %squeeze3A_1232 : f32 to vector<16xf32>
          %mul3A_1273 = arith.mulf %get3A_1271, %mul3A_1272 : vector<16xf32>
          %swap3A_1274 = arith.index_cast %add3A_1236 : i32 to index
          %swap3A_1275 = arith.constant 64 : index
          %swap3A_1276 = tpu.vector_load %arg17[%swap3A_1274, %swap3A_1275] {strides = array<i32>} : memref<80x128xf32, #tpu.memory_space<vmem>>, vector<16xf32>,
          tpu.vector_store %arg17[%swap3A_1274, %swap3A_1275], %mul3A_1273 {strides = array<i32>} : memref<80x128xf32, #tpu.memory_space<vmem>>, vector<16xf32>,
          %get3A_1277 = arith.index_cast %add3A_1236 : i32 to index
          %get3A_1278 = arith.constant 80 : index
          %get3A_1279 = tpu.vector_load %arg17[%get3A_1277, %get3A_1278] {strides = array<i32>} : memref<80x128xf32, #tpu.memory_space<vmem>>, vector<16xf32>,
          %mul3A_1280 = vector.broadcast %squeeze3A_1232 : f32 to vector<16xf32>
          %mul3A_1281 = arith.mulf %get3A_1279, %mul3A_1280 : vector<16xf32>
          %swap3A_1282 = arith.index_cast %add3A_1236 : i32 to index
          %swap3A_1283 = arith.constant 80 : index
          %swap3A_1284 = tpu.vector_load %arg17[%swap3A_1282, %swap3A_1283] {strides = array<i32>} : memref<80x128xf32, #tpu.memory_space<vmem>>, vector<16xf32>,
          tpu.vector_store %arg17[%swap3A_1282, %swap3A_1283], %mul3A_1281 {strides = array<i32>} : memref<80x128xf32, #tpu.memory_space<vmem>>, vector<16xf32>,
          %get3A_1285 = arith.index_cast %add3A_1236 : i32 to index
          %get3A_1286 = arith.constant 96 : index
          %get3A_1287 = tpu.vector_load %arg17[%get3A_1285, %get3A_1286] {strides = array<i32>} : memref<80x128xf32, #tpu.memory_space<vmem>>, vector<16xf32>,
          %mul3A_1288 = vector.broadcast %squeeze3A_1232 : f32 to vector<16xf32>
          %mul3A_1289 = arith.mulf %get3A_1287, %mul3A_1288 : vector<16xf32>
          %swap3A_1290 = arith.index_cast %add3A_1236 : i32 to index
          %swap3A_1291 = arith.constant 96 : index
          %swap3A_1292 = tpu.vector_load %arg17[%swap3A_1290, %swap3A_1291] {strides = array<i32>} : memref<80x128xf32, #tpu.memory_space<vmem>>, vector<16xf32>,
          tpu.vector_store %arg17[%swap3A_1290, %swap3A_1291], %mul3A_1289 {strides = array<i32>} : memref<80x128xf32, #tpu.memory_space<vmem>>, vector<16xf32>,
          %get3A_1293 = arith.index_cast %add3A_1236 : i32 to index
          %get3A_1294 = arith.constant 112 : index
          %get3A_1295 = tpu.vector_load %arg17[%get3A_1293, %get3A_1294] {strides = array<i32>} : memref<80x128xf32, #tpu.memory_space<vmem>>, vector<16xf32>,
          %mul3A_1296 = vector.broadcast %squeeze3A_1232 : f32 to vector<16xf32>
          %mul3A_1297 = arith.mulf %get3A_1295, %mul3A_1296 : vector<16xf32>
          %swap3A_1298 = arith.index_cast %add3A_1236 : i32 to index
          %swap3A_1299 = arith.constant 112 : index
          %swap3A_1300 = tpu.vector_load %arg17[%swap3A_1298, %swap3A_1299] {strides = array<i32>} : memref<80x128xf32, #tpu.memory_space<vmem>>, vector<16xf32>,
          tpu.vector_store %arg17[%swap3A_1298, %swap3A_1299], %mul3A_1297 {strides = array<i32>} : memref<80x128xf32, #tpu.memory_space<vmem>>, vector<16xf32>,
        }
        %scan3A_173 = arith.constant 5 : i32
        %dma_start3A = arith.constant 0 : i32
        %dma_start3A_174 = arith.constant 0 : i32
        %dma_start3A_175 = tpu.memref_slice %arg20[%dma_start3A, %dma_start3A_174] : memref<10000x128xf32, #tpu.memory_space<vmem_shared>> -> memref<10000x128xf32, #tpu.memory_space<vmem_shared>>
        tpu.enqueue_indirect_dma source(%arg17 : memref<80x128xf32, #tpu.memory_space<vmem>>) target(%dma_start3A_175 : memref<10000x128xf32, #tpu.memory_space<vmem_shared>>) offsets(%arg13 : memref<80xi32, #tpu.memory_space<vmem>>) semaphore(%arg23 : memref<!tpu.dma_semaphore, #tpu.memory_space<semaphore_mem>>) {add = true}
      } else {
      }
      %gt3A_157 = arith.constant 0 : i32
      %gt3A_158 = arith.cmpi sgt, %scan3A_133, %gt3A_157 : i32
      %eq3A_159 = arith.constant 0 : i32
      %eq3A_160 = arith.cmpi eq, %rem3A_134, %eq3A_159 : i32
      %and3A_161 = arith.andi %gt3A_158, %eq3A_160 : i1
      %convert_element_type3A_162 = arith.extui %and3A_161 : i1 to i32
      %cond3A_163 = arith.constant 0 : i32
      %cond3A_164 = arith.cmpi ne, %convert_element_type3A_162, %cond3A_163 : i32
      scf.if %cond3A_164 {
        %dma_wait3A_165 = arith.constant 0 : i32
        %dma_wait3A_166 = arith.constant 0 : i32
        %dma_wait3A_167 = tpu.memref_slice %arg5[%dma_wait3A_165, %dma_wait3A_166] : memref<80000x128xf32, #tpu.memory_space<hbm>> -> memref<80000x128xf32, #tpu.memory_space<hbm>>
        tpu.wait_indirect_dma semaphore(%arg22 : memref<!tpu.dma_semaphore, #tpu.memory_space<semaphore_mem>>) src(%dma_wait3A_167 : memref<80000x128xf32, #tpu.memory_space<hbm>>) dst(%arg18 : memref<80x128xf32, #tpu.memory_space<vmem>>)
        %scan3A_168 = arith.constant 0 : i32
        %scan3A_169 = arith.constant 0 : i32
        %scan3A_170 = arith.constant 5 : i32
        %scan3A_171 = arith.addi %scan3A_169, %scan3A_170 : i32
        %scan3A_172 = arith.constant 1 : i32
        scf.for %scan3A_176 = %scan3A_169 to %scan3A_171 step %scan3A_172  : i32 {
          %mul3A_177 = arith.constant 16 : i32
          %mul3A_178 = arith.muli %scan3A_176, %mul3A_177 : i32
          %get3A = arith.index_cast %mul3A_178 : i32 to index
          %get3A_179 = tpu.vector_load %arg16[%get3A] {strides = array<i32>} : memref<80xf32, #tpu.memory_space<vmem>>, vector<16xf32>,
          %max3A = arith.constant 1.000000e+00 : f32
          %max3A_180 = vector.broadcast %max3A : f32 to vector<16xf32>
          %max3A_181 = arith.maximumf %get3A_179, %max3A_180 : vector<16xf32>
          %div3A = arith.constant 1.000000e+00 : f32
          %div3A_182 = vector.broadcast %div3A : f32 to vector<16xf32>
          %div3A_183 = arith.divf %div3A_182, %max3A_181 : vector<16xf32>
          %slice3A = vector.extract_strided_slice %div3A_183 {offsets = [0], sizes = [1], strides = [1]} : vector<16xf32> to vector<1xf32>
          %squeeze3A = vector.extract %slice3A[0] : f32 from vector<1xf32>
          %mul3A_184 = arith.constant 16 : i32
          %mul3A_185 = arith.muli %scan3A_176, %mul3A_184 : i32
          %add3A_186 = arith.constant 0 : i32
          %add3A_187 = arith.addi %mul3A_185, %add3A_186 : i32
          %get3A_188 = arith.index_cast %add3A_187 : i32 to index
          %get3A_189 = arith.constant 0 : index
          %get3A_190 = tpu.vector_load %arg18[%get3A_188, %get3A_189] {strides = array<i32>} : memref<80x128xf32, #tpu.memory_space<vmem>>, vector<16xf32>,
          %mul3A_191 = vector.broadcast %squeeze3A : f32 to vector<16xf32>
          %mul3A_192 = arith.mulf %get3A_190, %mul3A_191 : vector<16xf32>
          %swap3A = arith.index_cast %add3A_187 : i32 to index
          %swap3A_193 = arith.constant 0 : index
          %swap3A_194 = tpu.vector_load %arg18[%swap3A, %swap3A_193] {strides = array<i32>} : memref<80x128xf32, #tpu.memory_space<vmem>>, vector<16xf32>,
          tpu.vector_store %arg18[%swap3A, %swap3A_193], %mul3A_192 {strides = array<i32>} : memref<80x128xf32, #tpu.memory_space<vmem>>, vector<16xf32>,
          %get3A_195 = arith.index_cast %add3A_187 : i32 to index
          %get3A_196 = arith.constant 16 : index
          %get3A_197 = tpu.vector_load %arg18[%get3A_195, %get3A_196] {strides = array<i32>} : memref<80x128xf32, #tpu.memory_space<vmem>>, vector<16xf32>,
          %mul3A_198 = vector.broadcast %squeeze3A : f32 to vector<16xf32>
          %mul3A_199 = arith.mulf %get3A_197, %mul3A_198 : vector<16xf32>
          %swap3A_200 = arith.index_cast %add3A_187 : i32 to index
          %swap3A_201 = arith.constant 16 : index
          %swap3A_202 = tpu.vector_load %arg18[%swap3A_200, %swap3A_201] {strides = array<i32>} : memref<80x128xf32, #tpu.memory_space<vmem>>, vector<16xf32>,
          tpu.vector_store %arg18[%swap3A_200, %swap3A_201], %mul3A_199 {strides = array<i32>} : memref<80x128xf32, #tpu.memory_space<vmem>>, vector<16xf32>,
          %get3A_203 = arith.index_cast %add3A_187 : i32 to index
          %get3A_204 = arith.constant 32 : index
          %get3A_205 = tpu.vector_load %arg18[%get3A_203, %get3A_204] {strides = array<i32>} : memref<80x128xf32, #tpu.memory_space<vmem>>, vector<16xf32>,
          %mul3A_206 = vector.broadcast %squeeze3A : f32 to vector<16xf32>
          %mul3A_207 = arith.mulf %get3A_205, %mul3A_206 : vector<16xf32>
          %swap3A_208 = arith.index_cast %add3A_187 : i32 to index
          %swap3A_209 = arith.constant 32 : index
          %swap3A_210 = tpu.vector_load %arg18[%swap3A_208, %swap3A_209] {strides = array<i32>} : memref<80x128xf32, #tpu.memory_space<vmem>>, vector<16xf32>,
          tpu.vector_store %arg18[%swap3A_208, %swap3A_209], %mul3A_207 {strides = array<i32>} : memref<80x128xf32, #tpu.memory_space<vmem>>, vector<16xf32>,
          %get3A_211 = arith.index_cast %add3A_187 : i32 to index
          %get3A_212 = arith.constant 48 : index
          %get3A_213 = tpu.vector_load %arg18[%get3A_211, %get3A_212] {strides = array<i32>} : memref<80x128xf32, #tpu.memory_space<vmem>>, vector<16xf32>,
          %mul3A_214 = vector.broadcast %squeeze3A : f32 to vector<16xf32>
          %mul3A_215 = arith.mulf %get3A_213, %mul3A_214 : vector<16xf32>
          %swap3A_216 = arith.index_cast %add3A_187 : i32 to index
          %swap3A_217 = arith.constant 48 : index
          %swap3A_218 = tpu.vector_load %arg18[%swap3A_216, %swap3A_217] {strides = array<i32>} : memref<80x128xf32, #tpu.memory_space<vmem>>, vector<16xf32>,
          tpu.vector_store %arg18[%swap3A_216, %swap3A_217], %mul3A_215 {strides = array<i32>} : memref<80x128xf32, #tpu.memory_space<vmem>>, vector<16xf32>,
          %get3A_219 = arith.index_cast %add3A_187 : i32 to index
          %get3A_220 = arith.constant 64 : index
          %get3A_221 = tpu.vector_load %arg18[%get3A_219, %get3A_220] {strides = array<i32>} : memref<80x128xf32, #tpu.memory_space<vmem>>, vector<16xf32>,
          %mul3A_222 = vector.broadcast %squeeze3A : f32 to vector<16xf32>
          %mul3A_223 = arith.mulf %get3A_221, %mul3A_222 : vector<16xf32>
          %swap3A_224 = arith.index_cast %add3A_187 : i32 to index
          %swap3A_225 = arith.constant 64 : index
          %swap3A_226 = tpu.vector_load %arg18[%swap3A_224, %swap3A_225] {strides = array<i32>} : memref<80x128xf32, #tpu.memory_space<vmem>>, vector<16xf32>,
          tpu.vector_store %arg18[%swap3A_224, %swap3A_225], %mul3A_223 {strides = array<i32>} : memref<80x128xf32, #tpu.memory_space<vmem>>, vector<16xf32>,
          %get3A_227 = arith.index_cast %add3A_187 : i32 to index
          %get3A_228 = arith.constant 80 : index
          %get3A_229 = tpu.vector_load %arg18[%get3A_227, %get3A_228] {strides = array<i32>} : memref<80x128xf32, #tpu.memory_space<vmem>>, vector<16xf32>,
          %mul3A_230 = vector.broadcast %squeeze3A : f32 to vector<16xf32>
          %mul3A_231 = arith.mulf %get3A_229, %mul3A_230 : vector<16xf32>
          %swap3A_232 = arith.index_cast %add3A_187 : i32 to index
          %swap3A_233 = arith.constant 80 : index
          %swap3A_234 = tpu.vector_load %arg18[%swap3A_232, %swap3A_233] {strides = array<i32>} : memref<80x128xf32, #tpu.memory_space<vmem>>, vector<16xf32>,
          tpu.vector_store %arg18[%swap3A_232, %swap3A_233], %mul3A_231 {strides = array<i32>} : memref<80x128xf32, #tpu.memory_space<vmem>>, vector<16xf32>,
          %get3A_235 = arith.index_cast %add3A_187 : i32 to index
          %get3A_236 = arith.constant 96 : index
          %get3A_237 = tpu.vector_load %arg18[%get3A_235, %get3A_236] {strides = array<i32>} : memref<80x128xf32, #tpu.memory_space<vmem>>, vector<16xf32>,
          %mul3A_238 = vector.broadcast %squeeze3A : f32 to vector<16xf32>
          %mul3A_239 = arith.mulf %get3A_237, %mul3A_238 : vector<16xf32>
          %swap3A_240 = arith.index_cast %add3A_187 : i32 to index
          %swap3A_241 = arith.constant 96 : index
          %swap3A_242 = tpu.vector_load %arg18[%swap3A_240, %swap3A_241] {strides = array<i32>} : memref<80x128xf32, #tpu.memory_space<vmem>>, vector<16xf32>,
          tpu.vector_store %arg18[%swap3A_240, %swap3A_241], %mul3A_239 {strides = array<i32>} : memref<80x128xf32, #tpu.memory_space<vmem>>, vector<16xf32>,
          %get3A_243 = arith.index_cast %add3A_187 : i32 to index
          %get3A_244 = arith.constant 112 : index
          %get3A_245 = tpu.vector_load %arg18[%get3A_243, %get3A_244] {strides = array<i32>} : memref<80x128xf32, #tpu.memory_space<vmem>>, vector<16xf32>,
          %mul3A_246 = vector.broadcast %squeeze3A : f32 to vector<16xf32>
          %mul3A_247 = arith.mulf %get3A_245, %mul3A_246 : vector<16xf32>
          %swap3A_248 = arith.index_cast %add3A_187 : i32 to index
          %swap3A_249 = arith.constant 112 : index
          %swap3A_250 = tpu.vector_load %arg18[%swap3A_248, %swap3A_249] {strides = array<i32>} : memref<80x128xf32, #tpu.memory_space<vmem>>, vector<16xf32>,
          tpu.vector_store %arg18[%swap3A_248, %swap3A_249], %mul3A_247 {strides = array<i32>} : memref<80x128xf32, #tpu.memory_space<vmem>>, vector<16xf32>,
          %slice3A_251 = vector.extract_strided_slice %div3A_183 {offsets = [1], sizes = [1], strides = [1]} : vector<16xf32> to vector<1xf32>
          %squeeze3A_252 = vector.extract %slice3A_251[0] : f32 from vector<1xf32>
          %mul3A_253 = arith.constant 16 : i32
          %mul3A_254 = arith.muli %scan3A_176, %mul3A_253 : i32
          %add3A_255 = arith.constant 1 : i32
          %add3A_256 = arith.addi %mul3A_254, %add3A_255 : i32
          %get3A_257 = arith.index_cast %add3A_256 : i32 to index
          %get3A_258 = arith.constant 0 : index
          %get3A_259 = tpu.vector_load %arg18[%get3A_257, %get3A_258] {strides = array<i32>} : memref<80x128xf32, #tpu.memory_space<vmem>>, vector<16xf32>,
          %mul3A_260 = vector.broadcast %squeeze3A_252 : f32 to vector<16xf32>
          %mul3A_261 = arith.mulf %get3A_259, %mul3A_260 : vector<16xf32>
          %swap3A_262 = arith.index_cast %add3A_256 : i32 to index
          %swap3A_263 = arith.constant 0 : index
          %swap3A_264 = tpu.vector_load %arg18[%swap3A_262, %swap3A_263] {strides = array<i32>} : memref<80x128xf32, #tpu.memory_space<vmem>>, vector<16xf32>,
          tpu.vector_store %arg18[%swap3A_262, %swap3A_263], %mul3A_261 {strides = array<i32>} : memref<80x128xf32, #tpu.memory_space<vmem>>, vector<16xf32>,
          %get3A_265 = arith.index_cast %add3A_256 : i32 to index
          %get3A_266 = arith.constant 16 : index
          %get3A_267 = tpu.vector_load %arg18[%get3A_265, %get3A_266] {strides = array<i32>} : memref<80x128xf32, #tpu.memory_space<vmem>>, vector<16xf32>,
          %mul3A_268 = vector.broadcast %squeeze3A_252 : f32 to vector<16xf32>
          %mul3A_269 = arith.mulf %get3A_267, %mul3A_268 : vector<16xf32>
          %swap3A_270 = arith.index_cast %add3A_256 : i32 to index
          %swap3A_271 = arith.constant 16 : index
          %swap3A_272 = tpu.vector_load %arg18[%swap3A_270, %swap3A_271] {strides = array<i32>} : memref<80x128xf32, #tpu.memory_space<vmem>>, vector<16xf32>,
          tpu.vector_store %arg18[%swap3A_270, %swap3A_271], %mul3A_269 {strides = array<i32>} : memref<80x128xf32, #tpu.memory_space<vmem>>, vector<16xf32>,
          %get3A_273 = arith.index_cast %add3A_256 : i32 to index
          %get3A_274 = arith.constant 32 : index
          %get3A_275 = tpu.vector_load %arg18[%get3A_273, %get3A_274] {strides = array<i32>} : memref<80x128xf32, #tpu.memory_space<vmem>>, vector<16xf32>,
          %mul3A_276 = vector.broadcast %squeeze3A_252 : f32 to vector<16xf32>
          %mul3A_277 = arith.mulf %get3A_275, %mul3A_276 : vector<16xf32>
          %swap3A_278 = arith.index_cast %add3A_256 : i32 to index
          %swap3A_279 = arith.constant 32 : index
          %swap3A_280 = tpu.vector_load %arg18[%swap3A_278, %swap3A_279] {strides = array<i32>} : memref<80x128xf32, #tpu.memory_space<vmem>>, vector<16xf32>,
          tpu.vector_store %arg18[%swap3A_278, %swap3A_279], %mul3A_277 {strides = array<i32>} : memref<80x128xf32, #tpu.memory_space<vmem>>, vector<16xf32>,
          %get3A_281 = arith.index_cast %add3A_256 : i32 to index
          %get3A_282 = arith.constant 48 : index
          %get3A_283 = tpu.vector_load %arg18[%get3A_281, %get3A_282] {strides = array<i32>} : memref<80x128xf32, #tpu.memory_space<vmem>>, vector<16xf32>,
          %mul3A_284 = vector.broadcast %squeeze3A_252 : f32 to vector<16xf32>
          %mul3A_285 = arith.mulf %get3A_283, %mul3A_284 : vector<16xf32>
          %swap3A_286 = arith.index_cast %add3A_256 : i32 to index
          %swap3A_287 = arith.constant 48 : index
          %swap3A_288 = tpu.vector_load %arg18[%swap3A_286, %swap3A_287] {strides = array<i32>} : memref<80x128xf32, #tpu.memory_space<vmem>>, vector<16xf32>,
          tpu.vector_store %arg18[%swap3A_286, %swap3A_287], %mul3A_285 {strides = array<i32>} : memref<80x128xf32, #tpu.memory_space<vmem>>, vector<16xf32>,
          %get3A_289 = arith.index_cast %add3A_256 : i32 to index
          %get3A_290 = arith.constant 64 : index
          %get3A_291 = tpu.vector_load %arg18[%get3A_289, %get3A_290] {strides = array<i32>} : memref<80x128xf32, #tpu.memory_space<vmem>>, vector<16xf32>,
          %mul3A_292 = vector.broadcast %squeeze3A_252 : f32 to vector<16xf32>
          %mul3A_293 = arith.mulf %get3A_291, %mul3A_292 : vector<16xf32>
          %swap3A_294 = arith.index_cast %add3A_256 : i32 to index
          %swap3A_295 = arith.constant 64 : index
          %swap3A_296 = tpu.vector_load %arg18[%swap3A_294, %swap3A_295] {strides = array<i32>} : memref<80x128xf32, #tpu.memory_space<vmem>>, vector<16xf32>,
          tpu.vector_store %arg18[%swap3A_294, %swap3A_295], %mul3A_293 {strides = array<i32>} : memref<80x128xf32, #tpu.memory_space<vmem>>, vector<16xf32>,
          %get3A_297 = arith.index_cast %add3A_256 : i32 to index
          %get3A_298 = arith.constant 80 : index
          %get3A_299 = tpu.vector_load %arg18[%get3A_297, %get3A_298] {strides = array<i32>} : memref<80x128xf32, #tpu.memory_space<vmem>>, vector<16xf32>,
          %mul3A_300 = vector.broadcast %squeeze3A_252 : f32 to vector<16xf32>
          %mul3A_301 = arith.mulf %get3A_299, %mul3A_300 : vector<16xf32>
          %swap3A_302 = arith.index_cast %add3A_256 : i32 to index
          %swap3A_303 = arith.constant 80 : index
          %swap3A_304 = tpu.vector_load %arg18[%swap3A_302, %swap3A_303] {strides = array<i32>} : memref<80x128xf32, #tpu.memory_space<vmem>>, vector<16xf32>,
          tpu.vector_store %arg18[%swap3A_302, %swap3A_303], %mul3A_301 {strides = array<i32>} : memref<80x128xf32, #tpu.memory_space<vmem>>, vector<16xf32>,
          %get3A_305 = arith.index_cast %add3A_256 : i32 to index
          %get3A_306 = arith.constant 96 : index
          %get3A_307 = tpu.vector_load %arg18[%get3A_305, %get3A_306] {strides = array<i32>} : memref<80x128xf32, #tpu.memory_space<vmem>>, vector<16xf32>,
          %mul3A_308 = vector.broadcast %squeeze3A_252 : f32 to vector<16xf32>
          %mul3A_309 = arith.mulf %get3A_307, %mul3A_308 : vector<16xf32>
          %swap3A_310 = arith.index_cast %add3A_256 : i32 to index
          %swap3A_311 = arith.constant 96 : index
          %swap3A_312 = tpu.vector_load %arg18[%swap3A_310, %swap3A_311] {strides = array<i32>} : memref<80x128xf32, #tpu.memory_space<vmem>>, vector<16xf32>,
          tpu.vector_store %arg18[%swap3A_310, %swap3A_311], %mul3A_309 {strides = array<i32>} : memref<80x128xf32, #tpu.memory_space<vmem>>, vector<16xf32>,
          %get3A_313 = arith.index_cast %add3A_256 : i32 to index
          %get3A_314 = arith.constant 112 : index
          %get3A_315 = tpu.vector_load %arg18[%get3A_313, %get3A_314] {strides = array<i32>} : memref<80x128xf32, #tpu.memory_space<vmem>>, vector<16xf32>,
          %mul3A_316 = vector.broadcast %squeeze3A_252 : f32 to vector<16xf32>
          %mul3A_317 = arith.mulf %get3A_315, %mul3A_316 : vector<16xf32>
          %swap3A_318 = arith.index_cast %add3A_256 : i32 to index
          %swap3A_319 = arith.constant 112 : index
          %swap3A_320 = tpu.vector_load %arg18[%swap3A_318, %swap3A_319] {strides = array<i32>} : memref<80x128xf32, #tpu.memory_space<vmem>>, vector<16xf32>,
          tpu.vector_store %arg18[%swap3A_318, %swap3A_319], %mul3A_317 {strides = array<i32>} : memref<80x128xf32, #tpu.memory_space<vmem>>, vector<16xf32>,
          %slice3A_321 = vector.extract_strided_slice %div3A_183 {offsets = [2], sizes = [1], strides = [1]} : vector<16xf32> to vector<1xf32>
          %squeeze3A_322 = vector.extract %slice3A_321[0] : f32 from vector<1xf32>
          %mul3A_323 = arith.constant 16 : i32
          %mul3A_324 = arith.muli %scan3A_176, %mul3A_323 : i32
          %add3A_325 = arith.constant 2 : i32
          %add3A_326 = arith.addi %mul3A_324, %add3A_325 : i32
          %get3A_327 = arith.index_cast %add3A_326 : i32 to index
          %get3A_328 = arith.constant 0 : index
          %get3A_329 = tpu.vector_load %arg18[%get3A_327, %get3A_328] {strides = array<i32>} : memref<80x128xf32, #tpu.memory_space<vmem>>, vector<16xf32>,
          %mul3A_330 = vector.broadcast %squeeze3A_322 : f32 to vector<16xf32>
          %mul3A_331 = arith.mulf %get3A_329, %mul3A_330 : vector<16xf32>
          %swap3A_332 = arith.index_cast %add3A_326 : i32 to index
          %swap3A_333 = arith.constant 0 : index
          %swap3A_334 = tpu.vector_load %arg18[%swap3A_332, %swap3A_333] {strides = array<i32>} : memref<80x128xf32, #tpu.memory_space<vmem>>, vector<16xf32>,
          tpu.vector_store %arg18[%swap3A_332, %swap3A_333], %mul3A_331 {strides = array<i32>} : memref<80x128xf32, #tpu.memory_space<vmem>>, vector<16xf32>,
          %get3A_335 = arith.index_cast %add3A_326 : i32 to index
          %get3A_336 = arith.constant 16 : index
          %get3A_337 = tpu.vector_load %arg18[%get3A_335, %get3A_336] {strides = array<i32>} : memref<80x128xf32, #tpu.memory_space<vmem>>, vector<16xf32>,
          %mul3A_338 = vector.broadcast %squeeze3A_322 : f32 to vector<16xf32>
          %mul3A_339 = arith.mulf %get3A_337, %mul3A_338 : vector<16xf32>
          %swap3A_340 = arith.index_cast %add3A_326 : i32 to index
          %swap3A_341 = arith.constant 16 : index
          %swap3A_342 = tpu.vector_load %arg18[%swap3A_340, %swap3A_341] {strides = array<i32>} : memref<80x128xf32, #tpu.memory_space<vmem>>, vector<16xf32>,
          tpu.vector_store %arg18[%swap3A_340, %swap3A_341], %mul3A_339 {strides = array<i32>} : memref<80x128xf32, #tpu.memory_space<vmem>>, vector<16xf32>,
          %get3A_343 = arith.index_cast %add3A_326 : i32 to index
          %get3A_344 = arith.constant 32 : index
          %get3A_345 = tpu.vector_load %arg18[%get3A_343, %get3A_344] {strides = array<i32>} : memref<80x128xf32, #tpu.memory_space<vmem>>, vector<16xf32>,
          %mul3A_346 = vector.broadcast %squeeze3A_322 : f32 to vector<16xf32>
          %mul3A_347 = arith.mulf %get3A_345, %mul3A_346 : vector<16xf32>
          %swap3A_348 = arith.index_cast %add3A_326 : i32 to index
          %swap3A_349 = arith.constant 32 : index
          %swap3A_350 = tpu.vector_load %arg18[%swap3A_348, %swap3A_349] {strides = array<i32>} : memref<80x128xf32, #tpu.memory_space<vmem>>, vector<16xf32>,
          tpu.vector_store %arg18[%swap3A_348, %swap3A_349], %mul3A_347 {strides = array<i32>} : memref<80x128xf32, #tpu.memory_space<vmem>>, vector<16xf32>,
          %get3A_351 = arith.index_cast %add3A_326 : i32 to index
          %get3A_352 = arith.constant 48 : index
          %get3A_353 = tpu.vector_load %arg18[%get3A_351, %get3A_352] {strides = array<i32>} : memref<80x128xf32, #tpu.memory_space<vmem>>, vector<16xf32>,
          %mul3A_354 = vector.broadcast %squeeze3A_322 : f32 to vector<16xf32>
          %mul3A_355 = arith.mulf %get3A_353, %mul3A_354 : vector<16xf32>
          %swap3A_356 = arith.index_cast %add3A_326 : i32 to index
          %swap3A_357 = arith.constant 48 : index
          %swap3A_358 = tpu.vector_load %arg18[%swap3A_356, %swap3A_357] {strides = array<i32>} : memref<80x128xf32, #tpu.memory_space<vmem>>, vector<16xf32>,
          tpu.vector_store %arg18[%swap3A_356, %swap3A_357], %mul3A_355 {strides = array<i32>} : memref<80x128xf32, #tpu.memory_space<vmem>>, vector<16xf32>,
          %get3A_359 = arith.index_cast %add3A_326 : i32 to index
          %get3A_360 = arith.constant 64 : index
          %get3A_361 = tpu.vector_load %arg18[%get3A_359, %get3A_360] {strides = array<i32>} : memref<80x128xf32, #tpu.memory_space<vmem>>, vector<16xf32>,
          %mul3A_362 = vector.broadcast %squeeze3A_322 : f32 to vector<16xf32>
          %mul3A_363 = arith.mulf %get3A_361, %mul3A_362 : vector<16xf32>
          %swap3A_364 = arith.index_cast %add3A_326 : i32 to index
          %swap3A_365 = arith.constant 64 : index
          %swap3A_366 = tpu.vector_load %arg18[%swap3A_364, %swap3A_365] {strides = array<i32>} : memref<80x128xf32, #tpu.memory_space<vmem>>, vector<16xf32>,
          tpu.vector_store %arg18[%swap3A_364, %swap3A_365], %mul3A_363 {strides = array<i32>} : memref<80x128xf32, #tpu.memory_space<vmem>>, vector<16xf32>,
          %get3A_367 = arith.index_cast %add3A_326 : i32 to index
          %get3A_368 = arith.constant 80 : index
          %get3A_369 = tpu.vector_load %arg18[%get3A_367, %get3A_368] {strides = array<i32>} : memref<80x128xf32, #tpu.memory_space<vmem>>, vector<16xf32>,
          %mul3A_370 = vector.broadcast %squeeze3A_322 : f32 to vector<16xf32>
          %mul3A_371 = arith.mulf %get3A_369, %mul3A_370 : vector<16xf32>
          %swap3A_372 = arith.index_cast %add3A_326 : i32 to index
          %swap3A_373 = arith.constant 80 : index
          %swap3A_374 = tpu.vector_load %arg18[%swap3A_372, %swap3A_373] {strides = array<i32>} : memref<80x128xf32, #tpu.memory_space<vmem>>, vector<16xf32>,
          tpu.vector_store %arg18[%swap3A_372, %swap3A_373], %mul3A_371 {strides = array<i32>} : memref<80x128xf32, #tpu.memory_space<vmem>>, vector<16xf32>,
          %get3A_375 = arith.index_cast %add3A_326 : i32 to index
          %get3A_376 = arith.constant 96 : index
          %get3A_377 = tpu.vector_load %arg18[%get3A_375, %get3A_376] {strides = array<i32>} : memref<80x128xf32, #tpu.memory_space<vmem>>, vector<16xf32>,
          %mul3A_378 = vector.broadcast %squeeze3A_322 : f32 to vector<16xf32>
          %mul3A_379 = arith.mulf %get3A_377, %mul3A_378 : vector<16xf32>
          %swap3A_380 = arith.index_cast %add3A_326 : i32 to index
          %swap3A_381 = arith.constant 96 : index
          %swap3A_382 = tpu.vector_load %arg18[%swap3A_380, %swap3A_381] {strides = array<i32>} : memref<80x128xf32, #tpu.memory_space<vmem>>, vector<16xf32>,
          tpu.vector_store %arg18[%swap3A_380, %swap3A_381], %mul3A_379 {strides = array<i32>} : memref<80x128xf32, #tpu.memory_space<vmem>>, vector<16xf32>,
          %get3A_383 = arith.index_cast %add3A_326 : i32 to index
          %get3A_384 = arith.constant 112 : index
          %get3A_385 = tpu.vector_load %arg18[%get3A_383, %get3A_384] {strides = array<i32>} : memref<80x128xf32, #tpu.memory_space<vmem>>, vector<16xf32>,
          %mul3A_386 = vector.broadcast %squeeze3A_322 : f32 to vector<16xf32>
          %mul3A_387 = arith.mulf %get3A_385, %mul3A_386 : vector<16xf32>
          %swap3A_388 = arith.index_cast %add3A_326 : i32 to index
          %swap3A_389 = arith.constant 112 : index
          %swap3A_390 = tpu.vector_load %arg18[%swap3A_388, %swap3A_389] {strides = array<i32>} : memref<80x128xf32, #tpu.memory_space<vmem>>, vector<16xf32>,
          tpu.vector_store %arg18[%swap3A_388, %swap3A_389], %mul3A_387 {strides = array<i32>} : memref<80x128xf32, #tpu.memory_space<vmem>>, vector<16xf32>,
          %slice3A_391 = vector.extract_strided_slice %div3A_183 {offsets = [3], sizes = [1], strides = [1]} : vector<16xf32> to vector<1xf32>
          %squeeze3A_392 = vector.extract %slice3A_391[0] : f32 from vector<1xf32>
          %mul3A_393 = arith.constant 16 : i32
          %mul3A_394 = arith.muli %scan3A_176, %mul3A_393 : i32
          %add3A_395 = arith.constant 3 : i32
          %add3A_396 = arith.addi %mul3A_394, %add3A_395 : i32
          %get3A_397 = arith.index_cast %add3A_396 : i32 to index
          %get3A_398 = arith.constant 0 : index
          %get3A_399 = tpu.vector_load %arg18[%get3A_397, %get3A_398] {strides = array<i32>} : memref<80x128xf32, #tpu.memory_space<vmem>>, vector<16xf32>,
          %mul3A_400 = vector.broadcast %squeeze3A_392 : f32 to vector<16xf32>
          %mul3A_401 = arith.mulf %get3A_399, %mul3A_400 : vector<16xf32>
          %swap3A_402 = arith.index_cast %add3A_396 : i32 to index
          %swap3A_403 = arith.constant 0 : index
          %swap3A_404 = tpu.vector_load %arg18[%swap3A_402, %swap3A_403] {strides = array<i32>} : memref<80x128xf32, #tpu.memory_space<vmem>>, vector<16xf32>,
          tpu.vector_store %arg18[%swap3A_402, %swap3A_403], %mul3A_401 {strides = array<i32>} : memref<80x128xf32, #tpu.memory_space<vmem>>, vector<16xf32>,
          %get3A_405 = arith.index_cast %add3A_396 : i32 to index
          %get3A_406 = arith.constant 16 : index
          %get3A_407 = tpu.vector_load %arg18[%get3A_405, %get3A_406] {strides = array<i32>} : memref<80x128xf32, #tpu.memory_space<vmem>>, vector<16xf32>,
          %mul3A_408 = vector.broadcast %squeeze3A_392 : f32 to vector<16xf32>
          %mul3A_409 = arith.mulf %get3A_407, %mul3A_408 : vector<16xf32>
          %swap3A_410 = arith.index_cast %add3A_396 : i32 to index
          %swap3A_411 = arith.constant 16 : index
          %swap3A_412 = tpu.vector_load %arg18[%swap3A_410, %swap3A_411] {strides = array<i32>} : memref<80x128xf32, #tpu.memory_space<vmem>>, vector<16xf32>,
          tpu.vector_store %arg18[%swap3A_410, %swap3A_411], %mul3A_409 {strides = array<i32>} : memref<80x128xf32, #tpu.memory_space<vmem>>, vector<16xf32>,
          %get3A_413 = arith.index_cast %add3A_396 : i32 to index
          %get3A_414 = arith.constant 32 : index
          %get3A_415 = tpu.vector_load %arg18[%get3A_413, %get3A_414] {strides = array<i32>} : memref<80x128xf32, #tpu.memory_space<vmem>>, vector<16xf32>,
          %mul3A_416 = vector.broadcast %squeeze3A_392 : f32 to vector<16xf32>
          %mul3A_417 = arith.mulf %get3A_415, %mul3A_416 : vector<16xf32>
          %swap3A_418 = arith.index_cast %add3A_396 : i32 to index
          %swap3A_419 = arith.constant 32 : index
          %swap3A_420 = tpu.vector_load %arg18[%swap3A_418, %swap3A_419] {strides = array<i32>} : memref<80x128xf32, #tpu.memory_space<vmem>>, vector<16xf32>,
          tpu.vector_store %arg18[%swap3A_418, %swap3A_419], %mul3A_417 {strides = array<i32>} : memref<80x128xf32, #tpu.memory_space<vmem>>, vector<16xf32>,
          %get3A_421 = arith.index_cast %add3A_396 : i32 to index
          %get3A_422 = arith.constant 48 : index
          %get3A_423 = tpu.vector_load %arg18[%get3A_421, %get3A_422] {strides = array<i32>} : memref<80x128xf32, #tpu.memory_space<vmem>>, vector<16xf32>,
          %mul3A_424 = vector.broadcast %squeeze3A_392 : f32 to vector<16xf32>
          %mul3A_425 = arith.mulf %get3A_423, %mul3A_424 : vector<16xf32>
          %swap3A_426 = arith.index_cast %add3A_396 : i32 to index
          %swap3A_427 = arith.constant 48 : index
          %swap3A_428 = tpu.vector_load %arg18[%swap3A_426, %swap3A_427] {strides = array<i32>} : memref<80x128xf32, #tpu.memory_space<vmem>>, vector<16xf32>,
          tpu.vector_store %arg18[%swap3A_426, %swap3A_427], %mul3A_425 {strides = array<i32>} : memref<80x128xf32, #tpu.memory_space<vmem>>, vector<16xf32>,
          %get3A_429 = arith.index_cast %add3A_396 : i32 to index
          %get3A_430 = arith.constant 64 : index
          %get3A_431 = tpu.vector_load %arg18[%get3A_429, %get3A_430] {strides = array<i32>} : memref<80x128xf32, #tpu.memory_space<vmem>>, vector<16xf32>,
          %mul3A_432 = vector.broadcast %squeeze3A_392 : f32 to vector<16xf32>
          %mul3A_433 = arith.mulf %get3A_431, %mul3A_432 : vector<16xf32>
          %swap3A_434 = arith.index_cast %add3A_396 : i32 to index
          %swap3A_435 = arith.constant 64 : index
          %swap3A_436 = tpu.vector_load %arg18[%swap3A_434, %swap3A_435] {strides = array<i32>} : memref<80x128xf32, #tpu.memory_space<vmem>>, vector<16xf32>,
          tpu.vector_store %arg18[%swap3A_434, %swap3A_435], %mul3A_433 {strides = array<i32>} : memref<80x128xf32, #tpu.memory_space<vmem>>, vector<16xf32>,
          %get3A_437 = arith.index_cast %add3A_396 : i32 to index
          %get3A_438 = arith.constant 80 : index
          %get3A_439 = tpu.vector_load %arg18[%get3A_437, %get3A_438] {strides = array<i32>} : memref<80x128xf32, #tpu.memory_space<vmem>>, vector<16xf32>,
          %mul3A_440 = vector.broadcast %squeeze3A_392 : f32 to vector<16xf32>
          %mul3A_441 = arith.mulf %get3A_439, %mul3A_440 : vector<16xf32>
          %swap3A_442 = arith.index_cast %add3A_396 : i32 to index
          %swap3A_443 = arith.constant 80 : index
          %swap3A_444 = tpu.vector_load %arg18[%swap3A_442, %swap3A_443] {strides = array<i32>} : memref<80x128xf32, #tpu.memory_space<vmem>>, vector<16xf32>,
          tpu.vector_store %arg18[%swap3A_442, %swap3A_443], %mul3A_441 {strides = array<i32>} : memref<80x128xf32, #tpu.memory_space<vmem>>, vector<16xf32>,
          %get3A_445 = arith.index_cast %add3A_396 : i32 to index
          %get3A_446 = arith.constant 96 : index
          %get3A_447 = tpu.vector_load %arg18[%get3A_445, %get3A_446] {strides = array<i32>} : memref<80x128xf32, #tpu.memory_space<vmem>>, vector<16xf32>,
          %mul3A_448 = vector.broadcast %squeeze3A_392 : f32 to vector<16xf32>
          %mul3A_449 = arith.mulf %get3A_447, %mul3A_448 : vector<16xf32>
          %swap3A_450 = arith.index_cast %add3A_396 : i32 to index
          %swap3A_451 = arith.constant 96 : index
          %swap3A_452 = tpu.vector_load %arg18[%swap3A_450, %swap3A_451] {strides = array<i32>} : memref<80x128xf32, #tpu.memory_space<vmem>>, vector<16xf32>,
          tpu.vector_store %arg18[%swap3A_450, %swap3A_451], %mul3A_449 {strides = array<i32>} : memref<80x128xf32, #tpu.memory_space<vmem>>, vector<16xf32>,
          %get3A_453 = arith.index_cast %add3A_396 : i32 to index
          %get3A_454 = arith.constant 112 : index
          %get3A_455 = tpu.vector_load %arg18[%get3A_453, %get3A_454] {strides = array<i32>} : memref<80x128xf32, #tpu.memory_space<vmem>>, vector<16xf32>,
          %mul3A_456 = vector.broadcast %squeeze3A_392 : f32 to vector<16xf32>
          %mul3A_457 = arith.mulf %get3A_455, %mul3A_456 : vector<16xf32>
          %swap3A_458 = arith.index_cast %add3A_396 : i32 to index
          %swap3A_459 = arith.constant 112 : index
          %swap3A_460 = tpu.vector_load %arg18[%swap3A_458, %swap3A_459] {strides = array<i32>} : memref<80x128xf32, #tpu.memory_space<vmem>>, vector<16xf32>,
          tpu.vector_store %arg18[%swap3A_458, %swap3A_459], %mul3A_457 {strides = array<i32>} : memref<80x128xf32, #tpu.memory_space<vmem>>, vector<16xf32>,
          %slice3A_461 = vector.extract_strided_slice %div3A_183 {offsets = [4], sizes = [1], strides = [1]} : vector<16xf32> to vector<1xf32>
          %squeeze3A_462 = vector.extract %slice3A_461[0] : f32 from vector<1xf32>
          %mul3A_463 = arith.constant 16 : i32
          %mul3A_464 = arith.muli %scan3A_176, %mul3A_463 : i32
          %add3A_465 = arith.constant 4 : i32
          %add3A_466 = arith.addi %mul3A_464, %add3A_465 : i32
          %get3A_467 = arith.index_cast %add3A_466 : i32 to index
          %get3A_468 = arith.constant 0 : index
          %get3A_469 = tpu.vector_load %arg18[%get3A_467, %get3A_468] {strides = array<i32>} : memref<80x128xf32, #tpu.memory_space<vmem>>, vector<16xf32>,
          %mul3A_470 = vector.broadcast %squeeze3A_462 : f32 to vector<16xf32>
          %mul3A_471 = arith.mulf %get3A_469, %mul3A_470 : vector<16xf32>
          %swap3A_472 = arith.index_cast %add3A_466 : i32 to index
          %swap3A_473 = arith.constant 0 : index
          %swap3A_474 = tpu.vector_load %arg18[%swap3A_472, %swap3A_473] {strides = array<i32>} : memref<80x128xf32, #tpu.memory_space<vmem>>, vector<16xf32>,
          tpu.vector_store %arg18[%swap3A_472, %swap3A_473], %mul3A_471 {strides = array<i32>} : memref<80x128xf32, #tpu.memory_space<vmem>>, vector<16xf32>,
          %get3A_475 = arith.index_cast %add3A_466 : i32 to index
          %get3A_476 = arith.constant 16 : index
          %get3A_477 = tpu.vector_load %arg18[%get3A_475, %get3A_476] {strides = array<i32>} : memref<80x128xf32, #tpu.memory_space<vmem>>, vector<16xf32>,
          %mul3A_478 = vector.broadcast %squeeze3A_462 : f32 to vector<16xf32>
          %mul3A_479 = arith.mulf %get3A_477, %mul3A_478 : vector<16xf32>
          %swap3A_480 = arith.index_cast %add3A_466 : i32 to index
          %swap3A_481 = arith.constant 16 : index
          %swap3A_482 = tpu.vector_load %arg18[%swap3A_480, %swap3A_481] {strides = array<i32>} : memref<80x128xf32, #tpu.memory_space<vmem>>, vector<16xf32>,
          tpu.vector_store %arg18[%swap3A_480, %swap3A_481], %mul3A_479 {strides = array<i32>} : memref<80x128xf32, #tpu.memory_space<vmem>>, vector<16xf32>,
          %get3A_483 = arith.index_cast %add3A_466 : i32 to index
          %get3A_484 = arith.constant 32 : index
          %get3A_485 = tpu.vector_load %arg18[%get3A_483, %get3A_484] {strides = array<i32>} : memref<80x128xf32, #tpu.memory_space<vmem>>, vector<16xf32>,
          %mul3A_486 = vector.broadcast %squeeze3A_462 : f32 to vector<16xf32>
          %mul3A_487 = arith.mulf %get3A_485, %mul3A_486 : vector<16xf32>
          %swap3A_488 = arith.index_cast %add3A_466 : i32 to index
          %swap3A_489 = arith.constant 32 : index
          %swap3A_490 = tpu.vector_load %arg18[%swap3A_488, %swap3A_489] {strides = array<i32>} : memref<80x128xf32, #tpu.memory_space<vmem>>, vector<16xf32>,
          tpu.vector_store %arg18[%swap3A_488, %swap3A_489], %mul3A_487 {strides = array<i32>} : memref<80x128xf32, #tpu.memory_space<vmem>>, vector<16xf32>,
          %get3A_491 = arith.index_cast %add3A_466 : i32 to index
          %get3A_492 = arith.constant 48 : index
          %get3A_493 = tpu.vector_load %arg18[%get3A_491, %get3A_492] {strides = array<i32>} : memref<80x128xf32, #tpu.memory_space<vmem>>, vector<16xf32>,
          %mul3A_494 = vector.broadcast %squeeze3A_462 : f32 to vector<16xf32>
          %mul3A_495 = arith.mulf %get3A_493, %mul3A_494 : vector<16xf32>
          %swap3A_496 = arith.index_cast %add3A_466 : i32 to index
          %swap3A_497 = arith.constant 48 : index
          %swap3A_498 = tpu.vector_load %arg18[%swap3A_496, %swap3A_497] {strides = array<i32>} : memref<80x128xf32, #tpu.memory_space<vmem>>, vector<16xf32>,
          tpu.vector_store %arg18[%swap3A_496, %swap3A_497], %mul3A_495 {strides = array<i32>} : memref<80x128xf32, #tpu.memory_space<vmem>>, vector<16xf32>,
          %get3A_499 = arith.index_cast %add3A_466 : i32 to index
          %get3A_500 = arith.constant 64 : index
          %get3A_501 = tpu.vector_load %arg18[%get3A_499, %get3A_500] {strides = array<i32>} : memref<80x128xf32, #tpu.memory_space<vmem>>, vector<16xf32>,
          %mul3A_502 = vector.broadcast %squeeze3A_462 : f32 to vector<16xf32>
          %mul3A_503 = arith.mulf %get3A_501, %mul3A_502 : vector<16xf32>
          %swap3A_504 = arith.index_cast %add3A_466 : i32 to index
          %swap3A_505 = arith.constant 64 : index
          %swap3A_506 = tpu.vector_load %arg18[%swap3A_504, %swap3A_505] {strides = array<i32>} : memref<80x128xf32, #tpu.memory_space<vmem>>, vector<16xf32>,
          tpu.vector_store %arg18[%swap3A_504, %swap3A_505], %mul3A_503 {strides = array<i32>} : memref<80x128xf32, #tpu.memory_space<vmem>>, vector<16xf32>,
          %get3A_507 = arith.index_cast %add3A_466 : i32 to index
          %get3A_508 = arith.constant 80 : index
          %get3A_509 = tpu.vector_load %arg18[%get3A_507, %get3A_508] {strides = array<i32>} : memref<80x128xf32, #tpu.memory_space<vmem>>, vector<16xf32>,
          %mul3A_510 = vector.broadcast %squeeze3A_462 : f32 to vector<16xf32>
          %mul3A_511 = arith.mulf %get3A_509, %mul3A_510 : vector<16xf32>
          %swap3A_512 = arith.index_cast %add3A_466 : i32 to index
          %swap3A_513 = arith.constant 80 : index
          %swap3A_514 = tpu.vector_load %arg18[%swap3A_512, %swap3A_513] {strides = array<i32>} : memref<80x128xf32, #tpu.memory_space<vmem>>, vector<16xf32>,
          tpu.vector_store %arg18[%swap3A_512, %swap3A_513], %mul3A_511 {strides = array<i32>} : memref<80x128xf32, #tpu.memory_space<vmem>>, vector<16xf32>,
          %get3A_515 = arith.index_cast %add3A_466 : i32 to index
          %get3A_516 = arith.constant 96 : index
          %get3A_517 = tpu.vector_load %arg18[%get3A_515, %get3A_516] {strides = array<i32>} : memref<80x128xf32, #tpu.memory_space<vmem>>, vector<16xf32>,
          %mul3A_518 = vector.broadcast %squeeze3A_462 : f32 to vector<16xf32>
          %mul3A_519 = arith.mulf %get3A_517, %mul3A_518 : vector<16xf32>
          %swap3A_520 = arith.index_cast %add3A_466 : i32 to index
          %swap3A_521 = arith.constant 96 : index
          %swap3A_522 = tpu.vector_load %arg18[%swap3A_520, %swap3A_521] {strides = array<i32>} : memref<80x128xf32, #tpu.memory_space<vmem>>, vector<16xf32>,
          tpu.vector_store %arg18[%swap3A_520, %swap3A_521], %mul3A_519 {strides = array<i32>} : memref<80x128xf32, #tpu.memory_space<vmem>>, vector<16xf32>,
          %get3A_523 = arith.index_cast %add3A_466 : i32 to index
          %get3A_524 = arith.constant 112 : index
          %get3A_525 = tpu.vector_load %arg18[%get3A_523, %get3A_524] {strides = array<i32>} : memref<80x128xf32, #tpu.memory_space<vmem>>, vector<16xf32>,
          %mul3A_526 = vector.broadcast %squeeze3A_462 : f32 to vector<16xf32>
          %mul3A_527 = arith.mulf %get3A_525, %mul3A_526 : vector<16xf32>
          %swap3A_528 = arith.index_cast %add3A_466 : i32 to index
          %swap3A_529 = arith.constant 112 : index
          %swap3A_530 = tpu.vector_load %arg18[%swap3A_528, %swap3A_529] {strides = array<i32>} : memref<80x128xf32, #tpu.memory_space<vmem>>, vector<16xf32>,
          tpu.vector_store %arg18[%swap3A_528, %swap3A_529], %mul3A_527 {strides = array<i32>} : memref<80x128xf32, #tpu.memory_space<vmem>>, vector<16xf32>,
          %slice3A_531 = vector.extract_strided_slice %div3A_183 {offsets = [5], sizes = [1], strides = [1]} : vector<16xf32> to vector<1xf32>
          %squeeze3A_532 = vector.extract %slice3A_531[0] : f32 from vector<1xf32>
          %mul3A_533 = arith.constant 16 : i32
          %mul3A_534 = arith.muli %scan3A_176, %mul3A_533 : i32
          %add3A_535 = arith.constant 5 : i32
          %add3A_536 = arith.addi %mul3A_534, %add3A_535 : i32
          %get3A_537 = arith.index_cast %add3A_536 : i32 to index
          %get3A_538 = arith.constant 0 : index
          %get3A_539 = tpu.vector_load %arg18[%get3A_537, %get3A_538] {strides = array<i32>} : memref<80x128xf32, #tpu.memory_space<vmem>>, vector<16xf32>,
          %mul3A_540 = vector.broadcast %squeeze3A_532 : f32 to vector<16xf32>
          %mul3A_541 = arith.mulf %get3A_539, %mul3A_540 : vector<16xf32>
          %swap3A_542 = arith.index_cast %add3A_536 : i32 to index
          %swap3A_543 = arith.constant 0 : index
          %swap3A_544 = tpu.vector_load %arg18[%swap3A_542, %swap3A_543] {strides = array<i32>} : memref<80x128xf32, #tpu.memory_space<vmem>>, vector<16xf32>,
          tpu.vector_store %arg18[%swap3A_542, %swap3A_543], %mul3A_541 {strides = array<i32>} : memref<80x128xf32, #tpu.memory_space<vmem>>, vector<16xf32>,
          %get3A_545 = arith.index_cast %add3A_536 : i32 to index
          %get3A_546 = arith.constant 16 : index
          %get3A_547 = tpu.vector_load %arg18[%get3A_545, %get3A_546] {strides = array<i32>} : memref<80x128xf32, #tpu.memory_space<vmem>>, vector<16xf32>,
          %mul3A_548 = vector.broadcast %squeeze3A_532 : f32 to vector<16xf32>
          %mul3A_549 = arith.mulf %get3A_547, %mul3A_548 : vector<16xf32>
          %swap3A_550 = arith.index_cast %add3A_536 : i32 to index
          %swap3A_551 = arith.constant 16 : index
          %swap3A_552 = tpu.vector_load %arg18[%swap3A_550, %swap3A_551] {strides = array<i32>} : memref<80x128xf32, #tpu.memory_space<vmem>>, vector<16xf32>,
          tpu.vector_store %arg18[%swap3A_550, %swap3A_551], %mul3A_549 {strides = array<i32>} : memref<80x128xf32, #tpu.memory_space<vmem>>, vector<16xf32>,
          %get3A_553 = arith.index_cast %add3A_536 : i32 to index
          %get3A_554 = arith.constant 32 : index
          %get3A_555 = tpu.vector_load %arg18[%get3A_553, %get3A_554] {strides = array<i32>} : memref<80x128xf32, #tpu.memory_space<vmem>>, vector<16xf32>,
          %mul3A_556 = vector.broadcast %squeeze3A_532 : f32 to vector<16xf32>
          %mul3A_557 = arith.mulf %get3A_555, %mul3A_556 : vector<16xf32>
          %swap3A_558 = arith.index_cast %add3A_536 : i32 to index
          %swap3A_559 = arith.constant 32 : index
          %swap3A_560 = tpu.vector_load %arg18[%swap3A_558, %swap3A_559] {strides = array<i32>} : memref<80x128xf32, #tpu.memory_space<vmem>>, vector<16xf32>,
          tpu.vector_store %arg18[%swap3A_558, %swap3A_559], %mul3A_557 {strides = array<i32>} : memref<80x128xf32, #tpu.memory_space<vmem>>, vector<16xf32>,
          %get3A_561 = arith.index_cast %add3A_536 : i32 to index
          %get3A_562 = arith.constant 48 : index
          %get3A_563 = tpu.vector_load %arg18[%get3A_561, %get3A_562] {strides = array<i32>} : memref<80x128xf32, #tpu.memory_space<vmem>>, vector<16xf32>,
          %mul3A_564 = vector.broadcast %squeeze3A_532 : f32 to vector<16xf32>
          %mul3A_565 = arith.mulf %get3A_563, %mul3A_564 : vector<16xf32>
          %swap3A_566 = arith.index_cast %add3A_536 : i32 to index
          %swap3A_567 = arith.constant 48 : index
          %swap3A_568 = tpu.vector_load %arg18[%swap3A_566, %swap3A_567] {strides = array<i32>} : memref<80x128xf32, #tpu.memory_space<vmem>>, vector<16xf32>,
          tpu.vector_store %arg18[%swap3A_566, %swap3A_567], %mul3A_565 {strides = array<i32>} : memref<80x128xf32, #tpu.memory_space<vmem>>, vector<16xf32>,
          %get3A_569 = arith.index_cast %add3A_536 : i32 to index
          %get3A_570 = arith.constant 64 : index
          %get3A_571 = tpu.vector_load %arg18[%get3A_569, %get3A_570] {strides = array<i32>} : memref<80x128xf32, #tpu.memory_space<vmem>>, vector<16xf32>,
          %mul3A_572 = vector.broadcast %squeeze3A_532 : f32 to vector<16xf32>
          %mul3A_573 = arith.mulf %get3A_571, %mul3A_572 : vector<16xf32>
          %swap3A_574 = arith.index_cast %add3A_536 : i32 to index
          %swap3A_575 = arith.constant 64 : index
          %swap3A_576 = tpu.vector_load %arg18[%swap3A_574, %swap3A_575] {strides = array<i32>} : memref<80x128xf32, #tpu.memory_space<vmem>>, vector<16xf32>,
          tpu.vector_store %arg18[%swap3A_574, %swap3A_575], %mul3A_573 {strides = array<i32>} : memref<80x128xf32, #tpu.memory_space<vmem>>, vector<16xf32>,
          %get3A_577 = arith.index_cast %add3A_536 : i32 to index
          %get3A_578 = arith.constant 80 : index
          %get3A_579 = tpu.vector_load %arg18[%get3A_577, %get3A_578] {strides = array<i32>} : memref<80x128xf32, #tpu.memory_space<vmem>>, vector<16xf32>,
          %mul3A_580 = vector.broadcast %squeeze3A_532 : f32 to vector<16xf32>
          %mul3A_581 = arith.mulf %get3A_579, %mul3A_580 : vector<16xf32>
          %swap3A_582 = arith.index_cast %add3A_536 : i32 to index
          %swap3A_583 = arith.constant 80 : index
          %swap3A_584 = tpu.vector_load %arg18[%swap3A_582, %swap3A_583] {strides = array<i32>} : memref<80x128xf32, #tpu.memory_space<vmem>>, vector<16xf32>,
          tpu.vector_store %arg18[%swap3A_582, %swap3A_583], %mul3A_581 {strides = array<i32>} : memref<80x128xf32, #tpu.memory_space<vmem>>, vector<16xf32>,
          %get3A_585 = arith.index_cast %add3A_536 : i32 to index
          %get3A_586 = arith.constant 96 : index
          %get3A_587 = tpu.vector_load %arg18[%get3A_585, %get3A_586] {strides = array<i32>} : memref<80x128xf32, #tpu.memory_space<vmem>>, vector<16xf32>,
          %mul3A_588 = vector.broadcast %squeeze3A_532 : f32 to vector<16xf32>
          %mul3A_589 = arith.mulf %get3A_587, %mul3A_588 : vector<16xf32>
          %swap3A_590 = arith.index_cast %add3A_536 : i32 to index
          %swap3A_591 = arith.constant 96 : index
          %swap3A_592 = tpu.vector_load %arg18[%swap3A_590, %swap3A_591] {strides = array<i32>} : memref<80x128xf32, #tpu.memory_space<vmem>>, vector<16xf32>,
          tpu.vector_store %arg18[%swap3A_590, %swap3A_591], %mul3A_589 {strides = array<i32>} : memref<80x128xf32, #tpu.memory_space<vmem>>, vector<16xf32>,
          %get3A_593 = arith.index_cast %add3A_536 : i32 to index
          %get3A_594 = arith.constant 112 : index
          %get3A_595 = tpu.vector_load %arg18[%get3A_593, %get3A_594] {strides = array<i32>} : memref<80x128xf32, #tpu.memory_space<vmem>>, vector<16xf32>,
          %mul3A_596 = vector.broadcast %squeeze3A_532 : f32 to vector<16xf32>
          %mul3A_597 = arith.mulf %get3A_595, %mul3A_596 : vector<16xf32>
          %swap3A_598 = arith.index_cast %add3A_536 : i32 to index
          %swap3A_599 = arith.constant 112 : index
          %swap3A_600 = tpu.vector_load %arg18[%swap3A_598, %swap3A_599] {strides = array<i32>} : memref<80x128xf32, #tpu.memory_space<vmem>>, vector<16xf32>,
          tpu.vector_store %arg18[%swap3A_598, %swap3A_599], %mul3A_597 {strides = array<i32>} : memref<80x128xf32, #tpu.memory_space<vmem>>, vector<16xf32>,
          %slice3A_601 = vector.extract_strided_slice %div3A_183 {offsets = [6], sizes = [1], strides = [1]} : vector<16xf32> to vector<1xf32>
          %squeeze3A_602 = vector.extract %slice3A_601[0] : f32 from vector<1xf32>
          %mul3A_603 = arith.constant 16 : i32
          %mul3A_604 = arith.muli %scan3A_176, %mul3A_603 : i32
          %add3A_605 = arith.constant 6 : i32
          %add3A_606 = arith.addi %mul3A_604, %add3A_605 : i32
          %get3A_607 = arith.index_cast %add3A_606 : i32 to index
          %get3A_608 = arith.constant 0 : index
          %get3A_609 = tpu.vector_load %arg18[%get3A_607, %get3A_608] {strides = array<i32>} : memref<80x128xf32, #tpu.memory_space<vmem>>, vector<16xf32>,
          %mul3A_610 = vector.broadcast %squeeze3A_602 : f32 to vector<16xf32>
          %mul3A_611 = arith.mulf %get3A_609, %mul3A_610 : vector<16xf32>
          %swap3A_612 = arith.index_cast %add3A_606 : i32 to index
          %swap3A_613 = arith.constant 0 : index
          %swap3A_614 = tpu.vector_load %arg18[%swap3A_612, %swap3A_613] {strides = array<i32>} : memref<80x128xf32, #tpu.memory_space<vmem>>, vector<16xf32>,
          tpu.vector_store %arg18[%swap3A_612, %swap3A_613], %mul3A_611 {strides = array<i32>} : memref<80x128xf32, #tpu.memory_space<vmem>>, vector<16xf32>,
          %get3A_615 = arith.index_cast %add3A_606 : i32 to index
          %get3A_616 = arith.constant 16 : index
          %get3A_617 = tpu.vector_load %arg18[%get3A_615, %get3A_616] {strides = array<i32>} : memref<80x128xf32, #tpu.memory_space<vmem>>, vector<16xf32>,
          %mul3A_618 = vector.broadcast %squeeze3A_602 : f32 to vector<16xf32>
          %mul3A_619 = arith.mulf %get3A_617, %mul3A_618 : vector<16xf32>
          %swap3A_620 = arith.index_cast %add3A_606 : i32 to index
          %swap3A_621 = arith.constant 16 : index
          %swap3A_622 = tpu.vector_load %arg18[%swap3A_620, %swap3A_621] {strides = array<i32>} : memref<80x128xf32, #tpu.memory_space<vmem>>, vector<16xf32>,
          tpu.vector_store %arg18[%swap3A_620, %swap3A_621], %mul3A_619 {strides = array<i32>} : memref<80x128xf32, #tpu.memory_space<vmem>>, vector<16xf32>,
          %get3A_623 = arith.index_cast %add3A_606 : i32 to index
          %get3A_624 = arith.constant 32 : index
          %get3A_625 = tpu.vector_load %arg18[%get3A_623, %get3A_624] {strides = array<i32>} : memref<80x128xf32, #tpu.memory_space<vmem>>, vector<16xf32>,
          %mul3A_626 = vector.broadcast %squeeze3A_602 : f32 to vector<16xf32>
          %mul3A_627 = arith.mulf %get3A_625, %mul3A_626 : vector<16xf32>
          %swap3A_628 = arith.index_cast %add3A_606 : i32 to index
          %swap3A_629 = arith.constant 32 : index
          %swap3A_630 = tpu.vector_load %arg18[%swap3A_628, %swap3A_629] {strides = array<i32>} : memref<80x128xf32, #tpu.memory_space<vmem>>, vector<16xf32>,
          tpu.vector_store %arg18[%swap3A_628, %swap3A_629], %mul3A_627 {strides = array<i32>} : memref<80x128xf32, #tpu.memory_space<vmem>>, vector<16xf32>,
          %get3A_631 = arith.index_cast %add3A_606 : i32 to index
          %get3A_632 = arith.constant 48 : index
          %get3A_633 = tpu.vector_load %arg18[%get3A_631, %get3A_632] {strides = array<i32>} : memref<80x128xf32, #tpu.memory_space<vmem>>, vector<16xf32>,
          %mul3A_634 = vector.broadcast %squeeze3A_602 : f32 to vector<16xf32>
          %mul3A_635 = arith.mulf %get3A_633, %mul3A_634 : vector<16xf32>
          %swap3A_636 = arith.index_cast %add3A_606 : i32 to index
          %swap3A_637 = arith.constant 48 : index
          %swap3A_638 = tpu.vector_load %arg18[%swap3A_636, %swap3A_637] {strides = array<i32>} : memref<80x128xf32, #tpu.memory_space<vmem>>, vector<16xf32>,
          tpu.vector_store %arg18[%swap3A_636, %swap3A_637], %mul3A_635 {strides = array<i32>} : memref<80x128xf32, #tpu.memory_space<vmem>>, vector<16xf32>,
          %get3A_639 = arith.index_cast %add3A_606 : i32 to index
          %get3A_640 = arith.constant 64 : index
          %get3A_641 = tpu.vector_load %arg18[%get3A_639, %get3A_640] {strides = array<i32>} : memref<80x128xf32, #tpu.memory_space<vmem>>, vector<16xf32>,
          %mul3A_642 = vector.broadcast %squeeze3A_602 : f32 to vector<16xf32>
          %mul3A_643 = arith.mulf %get3A_641, %mul3A_642 : vector<16xf32>
          %swap3A_644 = arith.index_cast %add3A_606 : i32 to index
          %swap3A_645 = arith.constant 64 : index
          %swap3A_646 = tpu.vector_load %arg18[%swap3A_644, %swap3A_645] {strides = array<i32>} : memref<80x128xf32, #tpu.memory_space<vmem>>, vector<16xf32>,
          tpu.vector_store %arg18[%swap3A_644, %swap3A_645], %mul3A_643 {strides = array<i32>} : memref<80x128xf32, #tpu.memory_space<vmem>>, vector<16xf32>,
          %get3A_647 = arith.index_cast %add3A_606 : i32 to index
          %get3A_648 = arith.constant 80 : index
          %get3A_649 = tpu.vector_load %arg18[%get3A_647, %get3A_648] {strides = array<i32>} : memref<80x128xf32, #tpu.memory_space<vmem>>, vector<16xf32>,
          %mul3A_650 = vector.broadcast %squeeze3A_602 : f32 to vector<16xf32>
          %mul3A_651 = arith.mulf %get3A_649, %mul3A_650 : vector<16xf32>
          %swap3A_652 = arith.index_cast %add3A_606 : i32 to index
          %swap3A_653 = arith.constant 80 : index
          %swap3A_654 = tpu.vector_load %arg18[%swap3A_652, %swap3A_653] {strides = array<i32>} : memref<80x128xf32, #tpu.memory_space<vmem>>, vector<16xf32>,
          tpu.vector_store %arg18[%swap3A_652, %swap3A_653], %mul3A_651 {strides = array<i32>} : memref<80x128xf32, #tpu.memory_space<vmem>>, vector<16xf32>,
          %get3A_655 = arith.index_cast %add3A_606 : i32 to index
          %get3A_656 = arith.constant 96 : index
          %get3A_657 = tpu.vector_load %arg18[%get3A_655, %get3A_656] {strides = array<i32>} : memref<80x128xf32, #tpu.memory_space<vmem>>, vector<16xf32>,
          %mul3A_658 = vector.broadcast %squeeze3A_602 : f32 to vector<16xf32>
          %mul3A_659 = arith.mulf %get3A_657, %mul3A_658 : vector<16xf32>
          %swap3A_660 = arith.index_cast %add3A_606 : i32 to index
          %swap3A_661 = arith.constant 96 : index
          %swap3A_662 = tpu.vector_load %arg18[%swap3A_660, %swap3A_661] {strides = array<i32>} : memref<80x128xf32, #tpu.memory_space<vmem>>, vector<16xf32>,
          tpu.vector_store %arg18[%swap3A_660, %swap3A_661], %mul3A_659 {strides = array<i32>} : memref<80x128xf32, #tpu.memory_space<vmem>>, vector<16xf32>,
          %get3A_663 = arith.index_cast %add3A_606 : i32 to index
          %get3A_664 = arith.constant 112 : index
          %get3A_665 = tpu.vector_load %arg18[%get3A_663, %get3A_664] {strides = array<i32>} : memref<80x128xf32, #tpu.memory_space<vmem>>, vector<16xf32>,
          %mul3A_666 = vector.broadcast %squeeze3A_602 : f32 to vector<16xf32>
          %mul3A_667 = arith.mulf %get3A_665, %mul3A_666 : vector<16xf32>
          %swap3A_668 = arith.index_cast %add3A_606 : i32 to index
          %swap3A_669 = arith.constant 112 : index
          %swap3A_670 = tpu.vector_load %arg18[%swap3A_668, %swap3A_669] {strides = array<i32>} : memref<80x128xf32, #tpu.memory_space<vmem>>, vector<16xf32>,
          tpu.vector_store %arg18[%swap3A_668, %swap3A_669], %mul3A_667 {strides = array<i32>} : memref<80x128xf32, #tpu.memory_space<vmem>>, vector<16xf32>,
          %slice3A_671 = vector.extract_strided_slice %div3A_183 {offsets = [7], sizes = [1], strides = [1]} : vector<16xf32> to vector<1xf32>
          %squeeze3A_672 = vector.extract %slice3A_671[0] : f32 from vector<1xf32>
          %mul3A_673 = arith.constant 16 : i32
          %mul3A_674 = arith.muli %scan3A_176, %mul3A_673 : i32
          %add3A_675 = arith.constant 7 : i32
          %add3A_676 = arith.addi %mul3A_674, %add3A_675 : i32
          %get3A_677 = arith.index_cast %add3A_676 : i32 to index
          %get3A_678 = arith.constant 0 : index
          %get3A_679 = tpu.vector_load %arg18[%get3A_677, %get3A_678] {strides = array<i32>} : memref<80x128xf32, #tpu.memory_space<vmem>>, vector<16xf32>,
          %mul3A_680 = vector.broadcast %squeeze3A_672 : f32 to vector<16xf32>
          %mul3A_681 = arith.mulf %get3A_679, %mul3A_680 : vector<16xf32>
          %swap3A_682 = arith.index_cast %add3A_676 : i32 to index
          %swap3A_683 = arith.constant 0 : index
          %swap3A_684 = tpu.vector_load %arg18[%swap3A_682, %swap3A_683] {strides = array<i32>} : memref<80x128xf32, #tpu.memory_space<vmem>>, vector<16xf32>,
          tpu.vector_store %arg18[%swap3A_682, %swap3A_683], %mul3A_681 {strides = array<i32>} : memref<80x128xf32, #tpu.memory_space<vmem>>, vector<16xf32>,
          %get3A_685 = arith.index_cast %add3A_676 : i32 to index
          %get3A_686 = arith.constant 16 : index
          %get3A_687 = tpu.vector_load %arg18[%get3A_685, %get3A_686] {strides = array<i32>} : memref<80x128xf32, #tpu.memory_space<vmem>>, vector<16xf32>,
          %mul3A_688 = vector.broadcast %squeeze3A_672 : f32 to vector<16xf32>
          %mul3A_689 = arith.mulf %get3A_687, %mul3A_688 : vector<16xf32>
          %swap3A_690 = arith.index_cast %add3A_676 : i32 to index
          %swap3A_691 = arith.constant 16 : index
          %swap3A_692 = tpu.vector_load %arg18[%swap3A_690, %swap3A_691] {strides = array<i32>} : memref<80x128xf32, #tpu.memory_space<vmem>>, vector<16xf32>,
          tpu.vector_store %arg18[%swap3A_690, %swap3A_691], %mul3A_689 {strides = array<i32>} : memref<80x128xf32, #tpu.memory_space<vmem>>, vector<16xf32>,
          %get3A_693 = arith.index_cast %add3A_676 : i32 to index
          %get3A_694 = arith.constant 32 : index
          %get3A_695 = tpu.vector_load %arg18[%get3A_693, %get3A_694] {strides = array<i32>} : memref<80x128xf32, #tpu.memory_space<vmem>>, vector<16xf32>,
          %mul3A_696 = vector.broadcast %squeeze3A_672 : f32 to vector<16xf32>
          %mul3A_697 = arith.mulf %get3A_695, %mul3A_696 : vector<16xf32>
          %swap3A_698 = arith.index_cast %add3A_676 : i32 to index
          %swap3A_699 = arith.constant 32 : index
          %swap3A_700 = tpu.vector_load %arg18[%swap3A_698, %swap3A_699] {strides = array<i32>} : memref<80x128xf32, #tpu.memory_space<vmem>>, vector<16xf32>,
          tpu.vector_store %arg18[%swap3A_698, %swap3A_699], %mul3A_697 {strides = array<i32>} : memref<80x128xf32, #tpu.memory_space<vmem>>, vector<16xf32>,
          %get3A_701 = arith.index_cast %add3A_676 : i32 to index
          %get3A_702 = arith.constant 48 : index
          %get3A_703 = tpu.vector_load %arg18[%get3A_701, %get3A_702] {strides = array<i32>} : memref<80x128xf32, #tpu.memory_space<vmem>>, vector<16xf32>,
          %mul3A_704 = vector.broadcast %squeeze3A_672 : f32 to vector<16xf32>
          %mul3A_705 = arith.mulf %get3A_703, %mul3A_704 : vector<16xf32>
          %swap3A_706 = arith.index_cast %add3A_676 : i32 to index
          %swap3A_707 = arith.constant 48 : index
          %swap3A_708 = tpu.vector_load %arg18[%swap3A_706, %swap3A_707] {strides = array<i32>} : memref<80x128xf32, #tpu.memory_space<vmem>>, vector<16xf32>,
          tpu.vector_store %arg18[%swap3A_706, %swap3A_707], %mul3A_705 {strides = array<i32>} : memref<80x128xf32, #tpu.memory_space<vmem>>, vector<16xf32>,
          %get3A_709 = arith.index_cast %add3A_676 : i32 to index
          %get3A_710 = arith.constant 64 : index
          %get3A_711 = tpu.vector_load %arg18[%get3A_709, %get3A_710] {strides = array<i32>} : memref<80x128xf32, #tpu.memory_space<vmem>>, vector<16xf32>,
          %mul3A_712 = vector.broadcast %squeeze3A_672 : f32 to vector<16xf32>
          %mul3A_713 = arith.mulf %get3A_711, %mul3A_712 : vector<16xf32>
          %swap3A_714 = arith.index_cast %add3A_676 : i32 to index
          %swap3A_715 = arith.constant 64 : index
          %swap3A_716 = tpu.vector_load %arg18[%swap3A_714, %swap3A_715] {strides = array<i32>} : memref<80x128xf32, #tpu.memory_space<vmem>>, vector<16xf32>,
          tpu.vector_store %arg18[%swap3A_714, %swap3A_715], %mul3A_713 {strides = array<i32>} : memref<80x128xf32, #tpu.memory_space<vmem>>, vector<16xf32>,
          %get3A_717 = arith.index_cast %add3A_676 : i32 to index
          %get3A_718 = arith.constant 80 : index
          %get3A_719 = tpu.vector_load %arg18[%get3A_717, %get3A_718] {strides = array<i32>} : memref<80x128xf32, #tpu.memory_space<vmem>>, vector<16xf32>,
          %mul3A_720 = vector.broadcast %squeeze3A_672 : f32 to vector<16xf32>
          %mul3A_721 = arith.mulf %get3A_719, %mul3A_720 : vector<16xf32>
          %swap3A_722 = arith.index_cast %add3A_676 : i32 to index
          %swap3A_723 = arith.constant 80 : index
          %swap3A_724 = tpu.vector_load %arg18[%swap3A_722, %swap3A_723] {strides = array<i32>} : memref<80x128xf32, #tpu.memory_space<vmem>>, vector<16xf32>,
          tpu.vector_store %arg18[%swap3A_722, %swap3A_723], %mul3A_721 {strides = array<i32>} : memref<80x128xf32, #tpu.memory_space<vmem>>, vector<16xf32>,
          %get3A_725 = arith.index_cast %add3A_676 : i32 to index
          %get3A_726 = arith.constant 96 : index
          %get3A_727 = tpu.vector_load %arg18[%get3A_725, %get3A_726] {strides = array<i32>} : memref<80x128xf32, #tpu.memory_space<vmem>>, vector<16xf32>,
          %mul3A_728 = vector.broadcast %squeeze3A_672 : f32 to vector<16xf32>
          %mul3A_729 = arith.mulf %get3A_727, %mul3A_728 : vector<16xf32>
          %swap3A_730 = arith.index_cast %add3A_676 : i32 to index
          %swap3A_731 = arith.constant 96 : index
          %swap3A_732 = tpu.vector_load %arg18[%swap3A_730, %swap3A_731] {strides = array<i32>} : memref<80x128xf32, #tpu.memory_space<vmem>>, vector<16xf32>,
          tpu.vector_store %arg18[%swap3A_730, %swap3A_731], %mul3A_729 {strides = array<i32>} : memref<80x128xf32, #tpu.memory_space<vmem>>, vector<16xf32>,
          %get3A_733 = arith.index_cast %add3A_676 : i32 to index
          %get3A_734 = arith.constant 112 : index
          %get3A_735 = tpu.vector_load %arg18[%get3A_733, %get3A_734] {strides = array<i32>} : memref<80x128xf32, #tpu.memory_space<vmem>>, vector<16xf32>,
          %mul3A_736 = vector.broadcast %squeeze3A_672 : f32 to vector<16xf32>
          %mul3A_737 = arith.mulf %get3A_735, %mul3A_736 : vector<16xf32>
          %swap3A_738 = arith.index_cast %add3A_676 : i32 to index
          %swap3A_739 = arith.constant 112 : index
          %swap3A_740 = tpu.vector_load %arg18[%swap3A_738, %swap3A_739] {strides = array<i32>} : memref<80x128xf32, #tpu.memory_space<vmem>>, vector<16xf32>,
          tpu.vector_store %arg18[%swap3A_738, %swap3A_739], %mul3A_737 {strides = array<i32>} : memref<80x128xf32, #tpu.memory_space<vmem>>, vector<16xf32>,
          %slice3A_741 = vector.extract_strided_slice %div3A_183 {offsets = [8], sizes = [1], strides = [1]} : vector<16xf32> to vector<1xf32>
          %squeeze3A_742 = vector.extract %slice3A_741[0] : f32 from vector<1xf32>
          %mul3A_743 = arith.constant 16 : i32
          %mul3A_744 = arith.muli %scan3A_176, %mul3A_743 : i32
          %add3A_745 = arith.constant 8 : i32
          %add3A_746 = arith.addi %mul3A_744, %add3A_745 : i32
          %get3A_747 = arith.index_cast %add3A_746 : i32 to index
          %get3A_748 = arith.constant 0 : index
          %get3A_749 = tpu.vector_load %arg18[%get3A_747, %get3A_748] {strides = array<i32>} : memref<80x128xf32, #tpu.memory_space<vmem>>, vector<16xf32>,
          %mul3A_750 = vector.broadcast %squeeze3A_742 : f32 to vector<16xf32>
          %mul3A_751 = arith.mulf %get3A_749, %mul3A_750 : vector<16xf32>
          %swap3A_752 = arith.index_cast %add3A_746 : i32 to index
          %swap3A_753 = arith.constant 0 : index
          %swap3A_754 = tpu.vector_load %arg18[%swap3A_752, %swap3A_753] {strides = array<i32>} : memref<80x128xf32, #tpu.memory_space<vmem>>, vector<16xf32>,
          tpu.vector_store %arg18[%swap3A_752, %swap3A_753], %mul3A_751 {strides = array<i32>} : memref<80x128xf32, #tpu.memory_space<vmem>>, vector<16xf32>,
          %get3A_755 = arith.index_cast %add3A_746 : i32 to index
          %get3A_756 = arith.constant 16 : index
          %get3A_757 = tpu.vector_load %arg18[%get3A_755, %get3A_756] {strides = array<i32>} : memref<80x128xf32, #tpu.memory_space<vmem>>, vector<16xf32>,
          %mul3A_758 = vector.broadcast %squeeze3A_742 : f32 to vector<16xf32>
          %mul3A_759 = arith.mulf %get3A_757, %mul3A_758 : vector<16xf32>
          %swap3A_760 = arith.index_cast %add3A_746 : i32 to index
          %swap3A_761 = arith.constant 16 : index
          %swap3A_762 = tpu.vector_load %arg18[%swap3A_760, %swap3A_761] {strides = array<i32>} : memref<80x128xf32, #tpu.memory_space<vmem>>, vector<16xf32>,
          tpu.vector_store %arg18[%swap3A_760, %swap3A_761], %mul3A_759 {strides = array<i32>} : memref<80x128xf32, #tpu.memory_space<vmem>>, vector<16xf32>,
          %get3A_763 = arith.index_cast %add3A_746 : i32 to index
          %get3A_764 = arith.constant 32 : index
          %get3A_765 = tpu.vector_load %arg18[%get3A_763, %get3A_764] {strides = array<i32>} : memref<80x128xf32, #tpu.memory_space<vmem>>, vector<16xf32>,
          %mul3A_766 = vector.broadcast %squeeze3A_742 : f32 to vector<16xf32>
          %mul3A_767 = arith.mulf %get3A_765, %mul3A_766 : vector<16xf32>
          %swap3A_768 = arith.index_cast %add3A_746 : i32 to index
          %swap3A_769 = arith.constant 32 : index
          %swap3A_770 = tpu.vector_load %arg18[%swap3A_768, %swap3A_769] {strides = array<i32>} : memref<80x128xf32, #tpu.memory_space<vmem>>, vector<16xf32>,
          tpu.vector_store %arg18[%swap3A_768, %swap3A_769], %mul3A_767 {strides = array<i32>} : memref<80x128xf32, #tpu.memory_space<vmem>>, vector<16xf32>,
          %get3A_771 = arith.index_cast %add3A_746 : i32 to index
          %get3A_772 = arith.constant 48 : index
          %get3A_773 = tpu.vector_load %arg18[%get3A_771, %get3A_772] {strides = array<i32>} : memref<80x128xf32, #tpu.memory_space<vmem>>, vector<16xf32>,
          %mul3A_774 = vector.broadcast %squeeze3A_742 : f32 to vector<16xf32>
          %mul3A_775 = arith.mulf %get3A_773, %mul3A_774 : vector<16xf32>
          %swap3A_776 = arith.index_cast %add3A_746 : i32 to index
          %swap3A_777 = arith.constant 48 : index
          %swap3A_778 = tpu.vector_load %arg18[%swap3A_776, %swap3A_777] {strides = array<i32>} : memref<80x128xf32, #tpu.memory_space<vmem>>, vector<16xf32>,
          tpu.vector_store %arg18[%swap3A_776, %swap3A_777], %mul3A_775 {strides = array<i32>} : memref<80x128xf32, #tpu.memory_space<vmem>>, vector<16xf32>,
          %get3A_779 = arith.index_cast %add3A_746 : i32 to index
          %get3A_780 = arith.constant 64 : index
          %get3A_781 = tpu.vector_load %arg18[%get3A_779, %get3A_780] {strides = array<i32>} : memref<80x128xf32, #tpu.memory_space<vmem>>, vector<16xf32>,
          %mul3A_782 = vector.broadcast %squeeze3A_742 : f32 to vector<16xf32>
          %mul3A_783 = arith.mulf %get3A_781, %mul3A_782 : vector<16xf32>
          %swap3A_784 = arith.index_cast %add3A_746 : i32 to index
          %swap3A_785 = arith.constant 64 : index
          %swap3A_786 = tpu.vector_load %arg18[%swap3A_784, %swap3A_785] {strides = array<i32>} : memref<80x128xf32, #tpu.memory_space<vmem>>, vector<16xf32>,
          tpu.vector_store %arg18[%swap3A_784, %swap3A_785], %mul3A_783 {strides = array<i32>} : memref<80x128xf32, #tpu.memory_space<vmem>>, vector<16xf32>,
          %get3A_787 = arith.index_cast %add3A_746 : i32 to index
          %get3A_788 = arith.constant 80 : index
          %get3A_789 = tpu.vector_load %arg18[%get3A_787, %get3A_788] {strides = array<i32>} : memref<80x128xf32, #tpu.memory_space<vmem>>, vector<16xf32>,
          %mul3A_790 = vector.broadcast %squeeze3A_742 : f32 to vector<16xf32>
          %mul3A_791 = arith.mulf %get3A_789, %mul3A_790 : vector<16xf32>
          %swap3A_792 = arith.index_cast %add3A_746 : i32 to index
          %swap3A_793 = arith.constant 80 : index
          %swap3A_794 = tpu.vector_load %arg18[%swap3A_792, %swap3A_793] {strides = array<i32>} : memref<80x128xf32, #tpu.memory_space<vmem>>, vector<16xf32>,
          tpu.vector_store %arg18[%swap3A_792, %swap3A_793], %mul3A_791 {strides = array<i32>} : memref<80x128xf32, #tpu.memory_space<vmem>>, vector<16xf32>,
          %get3A_795 = arith.index_cast %add3A_746 : i32 to index
          %get3A_796 = arith.constant 96 : index
          %get3A_797 = tpu.vector_load %arg18[%get3A_795, %get3A_796] {strides = array<i32>} : memref<80x128xf32, #tpu.memory_space<vmem>>, vector<16xf32>,
          %mul3A_798 = vector.broadcast %squeeze3A_742 : f32 to vector<16xf32>
          %mul3A_799 = arith.mulf %get3A_797, %mul3A_798 : vector<16xf32>
          %swap3A_800 = arith.index_cast %add3A_746 : i32 to index
          %swap3A_801 = arith.constant 96 : index
          %swap3A_802 = tpu.vector_load %arg18[%swap3A_800, %swap3A_801] {strides = array<i32>} : memref<80x128xf32, #tpu.memory_space<vmem>>, vector<16xf32>,
          tpu.vector_store %arg18[%swap3A_800, %swap3A_801], %mul3A_799 {strides = array<i32>} : memref<80x128xf32, #tpu.memory_space<vmem>>, vector<16xf32>,
          %get3A_803 = arith.index_cast %add3A_746 : i32 to index
          %get3A_804 = arith.constant 112 : index
          %get3A_805 = tpu.vector_load %arg18[%get3A_803, %get3A_804] {strides = array<i32>} : memref<80x128xf32, #tpu.memory_space<vmem>>, vector<16xf32>,
          %mul3A_806 = vector.broadcast %squeeze3A_742 : f32 to vector<16xf32>
          %mul3A_807 = arith.mulf %get3A_805, %mul3A_806 : vector<16xf32>
          %swap3A_808 = arith.index_cast %add3A_746 : i32 to index
          %swap3A_809 = arith.constant 112 : index
          %swap3A_810 = tpu.vector_load %arg18[%swap3A_808, %swap3A_809] {strides = array<i32>} : memref<80x128xf32, #tpu.memory_space<vmem>>, vector<16xf32>,
          tpu.vector_store %arg18[%swap3A_808, %swap3A_809], %mul3A_807 {strides = array<i32>} : memref<80x128xf32, #tpu.memory_space<vmem>>, vector<16xf32>,
          %slice3A_811 = vector.extract_strided_slice %div3A_183 {offsets = [9], sizes = [1], strides = [1]} : vector<16xf32> to vector<1xf32>
          %squeeze3A_812 = vector.extract %slice3A_811[0] : f32 from vector<1xf32>
          %mul3A_813 = arith.constant 16 : i32
          %mul3A_814 = arith.muli %scan3A_176, %mul3A_813 : i32
          %add3A_815 = arith.constant 9 : i32
          %add3A_816 = arith.addi %mul3A_814, %add3A_815 : i32
          %get3A_817 = arith.index_cast %add3A_816 : i32 to index
          %get3A_818 = arith.constant 0 : index
          %get3A_819 = tpu.vector_load %arg18[%get3A_817, %get3A_818] {strides = array<i32>} : memref<80x128xf32, #tpu.memory_space<vmem>>, vector<16xf32>,
          %mul3A_820 = vector.broadcast %squeeze3A_812 : f32 to vector<16xf32>
          %mul3A_821 = arith.mulf %get3A_819, %mul3A_820 : vector<16xf32>
          %swap3A_822 = arith.index_cast %add3A_816 : i32 to index
          %swap3A_823 = arith.constant 0 : index
          %swap3A_824 = tpu.vector_load %arg18[%swap3A_822, %swap3A_823] {strides = array<i32>} : memref<80x128xf32, #tpu.memory_space<vmem>>, vector<16xf32>,
          tpu.vector_store %arg18[%swap3A_822, %swap3A_823], %mul3A_821 {strides = array<i32>} : memref<80x128xf32, #tpu.memory_space<vmem>>, vector<16xf32>,
          %get3A_825 = arith.index_cast %add3A_816 : i32 to index
          %get3A_826 = arith.constant 16 : index
          %get3A_827 = tpu.vector_load %arg18[%get3A_825, %get3A_826] {strides = array<i32>} : memref<80x128xf32, #tpu.memory_space<vmem>>, vector<16xf32>,
          %mul3A_828 = vector.broadcast %squeeze3A_812 : f32 to vector<16xf32>
          %mul3A_829 = arith.mulf %get3A_827, %mul3A_828 : vector<16xf32>
          %swap3A_830 = arith.index_cast %add3A_816 : i32 to index
          %swap3A_831 = arith.constant 16 : index
          %swap3A_832 = tpu.vector_load %arg18[%swap3A_830, %swap3A_831] {strides = array<i32>} : memref<80x128xf32, #tpu.memory_space<vmem>>, vector<16xf32>,
          tpu.vector_store %arg18[%swap3A_830, %swap3A_831], %mul3A_829 {strides = array<i32>} : memref<80x128xf32, #tpu.memory_space<vmem>>, vector<16xf32>,
          %get3A_833 = arith.index_cast %add3A_816 : i32 to index
          %get3A_834 = arith.constant 32 : index
          %get3A_835 = tpu.vector_load %arg18[%get3A_833, %get3A_834] {strides = array<i32>} : memref<80x128xf32, #tpu.memory_space<vmem>>, vector<16xf32>,
          %mul3A_836 = vector.broadcast %squeeze3A_812 : f32 to vector<16xf32>
          %mul3A_837 = arith.mulf %get3A_835, %mul3A_836 : vector<16xf32>
          %swap3A_838 = arith.index_cast %add3A_816 : i32 to index
          %swap3A_839 = arith.constant 32 : index
          %swap3A_840 = tpu.vector_load %arg18[%swap3A_838, %swap3A_839] {strides = array<i32>} : memref<80x128xf32, #tpu.memory_space<vmem>>, vector<16xf32>,
          tpu.vector_store %arg18[%swap3A_838, %swap3A_839], %mul3A_837 {strides = array<i32>} : memref<80x128xf32, #tpu.memory_space<vmem>>, vector<16xf32>,
          %get3A_841 = arith.index_cast %add3A_816 : i32 to index
          %get3A_842 = arith.constant 48 : index
          %get3A_843 = tpu.vector_load %arg18[%get3A_841, %get3A_842] {strides = array<i32>} : memref<80x128xf32, #tpu.memory_space<vmem>>, vector<16xf32>,
          %mul3A_844 = vector.broadcast %squeeze3A_812 : f32 to vector<16xf32>
          %mul3A_845 = arith.mulf %get3A_843, %mul3A_844 : vector<16xf32>
          %swap3A_846 = arith.index_cast %add3A_816 : i32 to index
          %swap3A_847 = arith.constant 48 : index
          %swap3A_848 = tpu.vector_load %arg18[%swap3A_846, %swap3A_847] {strides = array<i32>} : memref<80x128xf32, #tpu.memory_space<vmem>>, vector<16xf32>,
          tpu.vector_store %arg18[%swap3A_846, %swap3A_847], %mul3A_845 {strides = array<i32>} : memref<80x128xf32, #tpu.memory_space<vmem>>, vector<16xf32>,
          %get3A_849 = arith.index_cast %add3A_816 : i32 to index
          %get3A_850 = arith.constant 64 : index
          %get3A_851 = tpu.vector_load %arg18[%get3A_849, %get3A_850] {strides = array<i32>} : memref<80x128xf32, #tpu.memory_space<vmem>>, vector<16xf32>,
          %mul3A_852 = vector.broadcast %squeeze3A_812 : f32 to vector<16xf32>
          %mul3A_853 = arith.mulf %get3A_851, %mul3A_852 : vector<16xf32>
          %swap3A_854 = arith.index_cast %add3A_816 : i32 to index
          %swap3A_855 = arith.constant 64 : index
          %swap3A_856 = tpu.vector_load %arg18[%swap3A_854, %swap3A_855] {strides = array<i32>} : memref<80x128xf32, #tpu.memory_space<vmem>>, vector<16xf32>,
          tpu.vector_store %arg18[%swap3A_854, %swap3A_855], %mul3A_853 {strides = array<i32>} : memref<80x128xf32, #tpu.memory_space<vmem>>, vector<16xf32>,
          %get3A_857 = arith.index_cast %add3A_816 : i32 to index
          %get3A_858 = arith.constant 80 : index
          %get3A_859 = tpu.vector_load %arg18[%get3A_857, %get3A_858] {strides = array<i32>} : memref<80x128xf32, #tpu.memory_space<vmem>>, vector<16xf32>,
          %mul3A_860 = vector.broadcast %squeeze3A_812 : f32 to vector<16xf32>
          %mul3A_861 = arith.mulf %get3A_859, %mul3A_860 : vector<16xf32>
          %swap3A_862 = arith.index_cast %add3A_816 : i32 to index
          %swap3A_863 = arith.constant 80 : index
          %swap3A_864 = tpu.vector_load %arg18[%swap3A_862, %swap3A_863] {strides = array<i32>} : memref<80x128xf32, #tpu.memory_space<vmem>>, vector<16xf32>,
          tpu.vector_store %arg18[%swap3A_862, %swap3A_863], %mul3A_861 {strides = array<i32>} : memref<80x128xf32, #tpu.memory_space<vmem>>, vector<16xf32>,
          %get3A_865 = arith.index_cast %add3A_816 : i32 to index
          %get3A_866 = arith.constant 96 : index
          %get3A_867 = tpu.vector_load %arg18[%get3A_865, %get3A_866] {strides = array<i32>} : memref<80x128xf32, #tpu.memory_space<vmem>>, vector<16xf32>,
          %mul3A_868 = vector.broadcast %squeeze3A_812 : f32 to vector<16xf32>
          %mul3A_869 = arith.mulf %get3A_867, %mul3A_868 : vector<16xf32>
          %swap3A_870 = arith.index_cast %add3A_816 : i32 to index
          %swap3A_871 = arith.constant 96 : index
          %swap3A_872 = tpu.vector_load %arg18[%swap3A_870, %swap3A_871] {strides = array<i32>} : memref<80x128xf32, #tpu.memory_space<vmem>>, vector<16xf32>,
          tpu.vector_store %arg18[%swap3A_870, %swap3A_871], %mul3A_869 {strides = array<i32>} : memref<80x128xf32, #tpu.memory_space<vmem>>, vector<16xf32>,
          %get3A_873 = arith.index_cast %add3A_816 : i32 to index
          %get3A_874 = arith.constant 112 : index
          %get3A_875 = tpu.vector_load %arg18[%get3A_873, %get3A_874] {strides = array<i32>} : memref<80x128xf32, #tpu.memory_space<vmem>>, vector<16xf32>,
          %mul3A_876 = vector.broadcast %squeeze3A_812 : f32 to vector<16xf32>
          %mul3A_877 = arith.mulf %get3A_875, %mul3A_876 : vector<16xf32>
          %swap3A_878 = arith.index_cast %add3A_816 : i32 to index
          %swap3A_879 = arith.constant 112 : index
          %swap3A_880 = tpu.vector_load %arg18[%swap3A_878, %swap3A_879] {strides = array<i32>} : memref<80x128xf32, #tpu.memory_space<vmem>>, vector<16xf32>,
          tpu.vector_store %arg18[%swap3A_878, %swap3A_879], %mul3A_877 {strides = array<i32>} : memref<80x128xf32, #tpu.memory_space<vmem>>, vector<16xf32>,
          %slice3A_881 = vector.extract_strided_slice %div3A_183 {offsets = [10], sizes = [1], strides = [1]} : vector<16xf32> to vector<1xf32>
          %squeeze3A_882 = vector.extract %slice3A_881[0] : f32 from vector<1xf32>
          %mul3A_883 = arith.constant 16 : i32
          %mul3A_884 = arith.muli %scan3A_176, %mul3A_883 : i32
          %add3A_885 = arith.constant 10 : i32
          %add3A_886 = arith.addi %mul3A_884, %add3A_885 : i32
          %get3A_887 = arith.index_cast %add3A_886 : i32 to index
          %get3A_888 = arith.constant 0 : index
          %get3A_889 = tpu.vector_load %arg18[%get3A_887, %get3A_888] {strides = array<i32>} : memref<80x128xf32, #tpu.memory_space<vmem>>, vector<16xf32>,
          %mul3A_890 = vector.broadcast %squeeze3A_882 : f32 to vector<16xf32>
          %mul3A_891 = arith.mulf %get3A_889, %mul3A_890 : vector<16xf32>
          %swap3A_892 = arith.index_cast %add3A_886 : i32 to index
          %swap3A_893 = arith.constant 0 : index
          %swap3A_894 = tpu.vector_load %arg18[%swap3A_892, %swap3A_893] {strides = array<i32>} : memref<80x128xf32, #tpu.memory_space<vmem>>, vector<16xf32>,
          tpu.vector_store %arg18[%swap3A_892, %swap3A_893], %mul3A_891 {strides = array<i32>} : memref<80x128xf32, #tpu.memory_space<vmem>>, vector<16xf32>,
          %get3A_895 = arith.index_cast %add3A_886 : i32 to index
          %get3A_896 = arith.constant 16 : index
          %get3A_897 = tpu.vector_load %arg18[%get3A_895, %get3A_896] {strides = array<i32>} : memref<80x128xf32, #tpu.memory_space<vmem>>, vector<16xf32>,
          %mul3A_898 = vector.broadcast %squeeze3A_882 : f32 to vector<16xf32>
          %mul3A_899 = arith.mulf %get3A_897, %mul3A_898 : vector<16xf32>
          %swap3A_900 = arith.index_cast %add3A_886 : i32 to index
          %swap3A_901 = arith.constant 16 : index
          %swap3A_902 = tpu.vector_load %arg18[%swap3A_900, %swap3A_901] {strides = array<i32>} : memref<80x128xf32, #tpu.memory_space<vmem>>, vector<16xf32>,
          tpu.vector_store %arg18[%swap3A_900, %swap3A_901], %mul3A_899 {strides = array<i32>} : memref<80x128xf32, #tpu.memory_space<vmem>>, vector<16xf32>,
          %get3A_903 = arith.index_cast %add3A_886 : i32 to index
          %get3A_904 = arith.constant 32 : index
          %get3A_905 = tpu.vector_load %arg18[%get3A_903, %get3A_904] {strides = array<i32>} : memref<80x128xf32, #tpu.memory_space<vmem>>, vector<16xf32>,
          %mul3A_906 = vector.broadcast %squeeze3A_882 : f32 to vector<16xf32>
          %mul3A_907 = arith.mulf %get3A_905, %mul3A_906 : vector<16xf32>
          %swap3A_908 = arith.index_cast %add3A_886 : i32 to index
          %swap3A_909 = arith.constant 32 : index
          %swap3A_910 = tpu.vector_load %arg18[%swap3A_908, %swap3A_909] {strides = array<i32>} : memref<80x128xf32, #tpu.memory_space<vmem>>, vector<16xf32>,
          tpu.vector_store %arg18[%swap3A_908, %swap3A_909], %mul3A_907 {strides = array<i32>} : memref<80x128xf32, #tpu.memory_space<vmem>>, vector<16xf32>,
          %get3A_911 = arith.index_cast %add3A_886 : i32 to index
          %get3A_912 = arith.constant 48 : index
          %get3A_913 = tpu.vector_load %arg18[%get3A_911, %get3A_912] {strides = array<i32>} : memref<80x128xf32, #tpu.memory_space<vmem>>, vector<16xf32>,
          %mul3A_914 = vector.broadcast %squeeze3A_882 : f32 to vector<16xf32>
          %mul3A_915 = arith.mulf %get3A_913, %mul3A_914 : vector<16xf32>
          %swap3A_916 = arith.index_cast %add3A_886 : i32 to index
          %swap3A_917 = arith.constant 48 : index
          %swap3A_918 = tpu.vector_load %arg18[%swap3A_916, %swap3A_917] {strides = array<i32>} : memref<80x128xf32, #tpu.memory_space<vmem>>, vector<16xf32>,
          tpu.vector_store %arg18[%swap3A_916, %swap3A_917], %mul3A_915 {strides = array<i32>} : memref<80x128xf32, #tpu.memory_space<vmem>>, vector<16xf32>,
          %get3A_919 = arith.index_cast %add3A_886 : i32 to index
          %get3A_920 = arith.constant 64 : index
          %get3A_921 = tpu.vector_load %arg18[%get3A_919, %get3A_920] {strides = array<i32>} : memref<80x128xf32, #tpu.memory_space<vmem>>, vector<16xf32>,
          %mul3A_922 = vector.broadcast %squeeze3A_882 : f32 to vector<16xf32>
          %mul3A_923 = arith.mulf %get3A_921, %mul3A_922 : vector<16xf32>
          %swap3A_924 = arith.index_cast %add3A_886 : i32 to index
          %swap3A_925 = arith.constant 64 : index
          %swap3A_926 = tpu.vector_load %arg18[%swap3A_924, %swap3A_925] {strides = array<i32>} : memref<80x128xf32, #tpu.memory_space<vmem>>, vector<16xf32>,
          tpu.vector_store %arg18[%swap3A_924, %swap3A_925], %mul3A_923 {strides = array<i32>} : memref<80x128xf32, #tpu.memory_space<vmem>>, vector<16xf32>,
          %get3A_927 = arith.index_cast %add3A_886 : i32 to index
          %get3A_928 = arith.constant 80 : index
          %get3A_929 = tpu.vector_load %arg18[%get3A_927, %get3A_928] {strides = array<i32>} : memref<80x128xf32, #tpu.memory_space<vmem>>, vector<16xf32>,
          %mul3A_930 = vector.broadcast %squeeze3A_882 : f32 to vector<16xf32>
          %mul3A_931 = arith.mulf %get3A_929, %mul3A_930 : vector<16xf32>
          %swap3A_932 = arith.index_cast %add3A_886 : i32 to index
          %swap3A_933 = arith.constant 80 : index
          %swap3A_934 = tpu.vector_load %arg18[%swap3A_932, %swap3A_933] {strides = array<i32>} : memref<80x128xf32, #tpu.memory_space<vmem>>, vector<16xf32>,
          tpu.vector_store %arg18[%swap3A_932, %swap3A_933], %mul3A_931 {strides = array<i32>} : memref<80x128xf32, #tpu.memory_space<vmem>>, vector<16xf32>,
          %get3A_935 = arith.index_cast %add3A_886 : i32 to index
          %get3A_936 = arith.constant 96 : index
          %get3A_937 = tpu.vector_load %arg18[%get3A_935, %get3A_936] {strides = array<i32>} : memref<80x128xf32, #tpu.memory_space<vmem>>, vector<16xf32>,
          %mul3A_938 = vector.broadcast %squeeze3A_882 : f32 to vector<16xf32>
          %mul3A_939 = arith.mulf %get3A_937, %mul3A_938 : vector<16xf32>
          %swap3A_940 = arith.index_cast %add3A_886 : i32 to index
          %swap3A_941 = arith.constant 96 : index
          %swap3A_942 = tpu.vector_load %arg18[%swap3A_940, %swap3A_941] {strides = array<i32>} : memref<80x128xf32, #tpu.memory_space<vmem>>, vector<16xf32>,
          tpu.vector_store %arg18[%swap3A_940, %swap3A_941], %mul3A_939 {strides = array<i32>} : memref<80x128xf32, #tpu.memory_space<vmem>>, vector<16xf32>,
          %get3A_943 = arith.index_cast %add3A_886 : i32 to index
          %get3A_944 = arith.constant 112 : index
          %get3A_945 = tpu.vector_load %arg18[%get3A_943, %get3A_944] {strides = array<i32>} : memref<80x128xf32, #tpu.memory_space<vmem>>, vector<16xf32>,
          %mul3A_946 = vector.broadcast %squeeze3A_882 : f32 to vector<16xf32>
          %mul3A_947 = arith.mulf %get3A_945, %mul3A_946 : vector<16xf32>
          %swap3A_948 = arith.index_cast %add3A_886 : i32 to index
          %swap3A_949 = arith.constant 112 : index
          %swap3A_950 = tpu.vector_load %arg18[%swap3A_948, %swap3A_949] {strides = array<i32>} : memref<80x128xf32, #tpu.memory_space<vmem>>, vector<16xf32>,
          tpu.vector_store %arg18[%swap3A_948, %swap3A_949], %mul3A_947 {strides = array<i32>} : memref<80x128xf32, #tpu.memory_space<vmem>>, vector<16xf32>,
          %slice3A_951 = vector.extract_strided_slice %div3A_183 {offsets = [11], sizes = [1], strides = [1]} : vector<16xf32> to vector<1xf32>
          %squeeze3A_952 = vector.extract %slice3A_951[0] : f32 from vector<1xf32>
          %mul3A_953 = arith.constant 16 : i32
          %mul3A_954 = arith.muli %scan3A_176, %mul3A_953 : i32
          %add3A_955 = arith.constant 11 : i32
          %add3A_956 = arith.addi %mul3A_954, %add3A_955 : i32
          %get3A_957 = arith.index_cast %add3A_956 : i32 to index
          %get3A_958 = arith.constant 0 : index
          %get3A_959 = tpu.vector_load %arg18[%get3A_957, %get3A_958] {strides = array<i32>} : memref<80x128xf32, #tpu.memory_space<vmem>>, vector<16xf32>,
          %mul3A_960 = vector.broadcast %squeeze3A_952 : f32 to vector<16xf32>
          %mul3A_961 = arith.mulf %get3A_959, %mul3A_960 : vector<16xf32>
          %swap3A_962 = arith.index_cast %add3A_956 : i32 to index
          %swap3A_963 = arith.constant 0 : index
          %swap3A_964 = tpu.vector_load %arg18[%swap3A_962, %swap3A_963] {strides = array<i32>} : memref<80x128xf32, #tpu.memory_space<vmem>>, vector<16xf32>,
          tpu.vector_store %arg18[%swap3A_962, %swap3A_963], %mul3A_961 {strides = array<i32>} : memref<80x128xf32, #tpu.memory_space<vmem>>, vector<16xf32>,
          %get3A_965 = arith.index_cast %add3A_956 : i32 to index
          %get3A_966 = arith.constant 16 : index
          %get3A_967 = tpu.vector_load %arg18[%get3A_965, %get3A_966] {strides = array<i32>} : memref<80x128xf32, #tpu.memory_space<vmem>>, vector<16xf32>,
          %mul3A_968 = vector.broadcast %squeeze3A_952 : f32 to vector<16xf32>
          %mul3A_969 = arith.mulf %get3A_967, %mul3A_968 : vector<16xf32>
          %swap3A_970 = arith.index_cast %add3A_956 : i32 to index
          %swap3A_971 = arith.constant 16 : index
          %swap3A_972 = tpu.vector_load %arg18[%swap3A_970, %swap3A_971] {strides = array<i32>} : memref<80x128xf32, #tpu.memory_space<vmem>>, vector<16xf32>,
          tpu.vector_store %arg18[%swap3A_970, %swap3A_971], %mul3A_969 {strides = array<i32>} : memref<80x128xf32, #tpu.memory_space<vmem>>, vector<16xf32>,
          %get3A_973 = arith.index_cast %add3A_956 : i32 to index
          %get3A_974 = arith.constant 32 : index
          %get3A_975 = tpu.vector_load %arg18[%get3A_973, %get3A_974] {strides = array<i32>} : memref<80x128xf32, #tpu.memory_space<vmem>>, vector<16xf32>,
          %mul3A_976 = vector.broadcast %squeeze3A_952 : f32 to vector<16xf32>
          %mul3A_977 = arith.mulf %get3A_975, %mul3A_976 : vector<16xf32>
          %swap3A_978 = arith.index_cast %add3A_956 : i32 to index
          %swap3A_979 = arith.constant 32 : index
          %swap3A_980 = tpu.vector_load %arg18[%swap3A_978, %swap3A_979] {strides = array<i32>} : memref<80x128xf32, #tpu.memory_space<vmem>>, vector<16xf32>,
          tpu.vector_store %arg18[%swap3A_978, %swap3A_979], %mul3A_977 {strides = array<i32>} : memref<80x128xf32, #tpu.memory_space<vmem>>, vector<16xf32>,
          %get3A_981 = arith.index_cast %add3A_956 : i32 to index
          %get3A_982 = arith.constant 48 : index
          %get3A_983 = tpu.vector_load %arg18[%get3A_981, %get3A_982] {strides = array<i32>} : memref<80x128xf32, #tpu.memory_space<vmem>>, vector<16xf32>,
          %mul3A_984 = vector.broadcast %squeeze3A_952 : f32 to vector<16xf32>
          %mul3A_985 = arith.mulf %get3A_983, %mul3A_984 : vector<16xf32>
          %swap3A_986 = arith.index_cast %add3A_956 : i32 to index
          %swap3A_987 = arith.constant 48 : index
          %swap3A_988 = tpu.vector_load %arg18[%swap3A_986, %swap3A_987] {strides = array<i32>} : memref<80x128xf32, #tpu.memory_space<vmem>>, vector<16xf32>,
          tpu.vector_store %arg18[%swap3A_986, %swap3A_987], %mul3A_985 {strides = array<i32>} : memref<80x128xf32, #tpu.memory_space<vmem>>, vector<16xf32>,
          %get3A_989 = arith.index_cast %add3A_956 : i32 to index
          %get3A_990 = arith.constant 64 : index
          %get3A_991 = tpu.vector_load %arg18[%get3A_989, %get3A_990] {strides = array<i32>} : memref<80x128xf32, #tpu.memory_space<vmem>>, vector<16xf32>,
          %mul3A_992 = vector.broadcast %squeeze3A_952 : f32 to vector<16xf32>
          %mul3A_993 = arith.mulf %get3A_991, %mul3A_992 : vector<16xf32>
          %swap3A_994 = arith.index_cast %add3A_956 : i32 to index
          %swap3A_995 = arith.constant 64 : index
          %swap3A_996 = tpu.vector_load %arg18[%swap3A_994, %swap3A_995] {strides = array<i32>} : memref<80x128xf32, #tpu.memory_space<vmem>>, vector<16xf32>,
          tpu.vector_store %arg18[%swap3A_994, %swap3A_995], %mul3A_993 {strides = array<i32>} : memref<80x128xf32, #tpu.memory_space<vmem>>, vector<16xf32>,
          %get3A_997 = arith.index_cast %add3A_956 : i32 to index
          %get3A_998 = arith.constant 80 : index
          %get3A_999 = tpu.vector_load %arg18[%get3A_997, %get3A_998] {strides = array<i32>} : memref<80x128xf32, #tpu.memory_space<vmem>>, vector<16xf32>,
          %mul3A_1000 = vector.broadcast %squeeze3A_952 : f32 to vector<16xf32>
          %mul3A_1001 = arith.mulf %get3A_999, %mul3A_1000 : vector<16xf32>
          %swap3A_1002 = arith.index_cast %add3A_956 : i32 to index
          %swap3A_1003 = arith.constant 80 : index
          %swap3A_1004 = tpu.vector_load %arg18[%swap3A_1002, %swap3A_1003] {strides = array<i32>} : memref<80x128xf32, #tpu.memory_space<vmem>>, vector<16xf32>,
          tpu.vector_store %arg18[%swap3A_1002, %swap3A_1003], %mul3A_1001 {strides = array<i32>} : memref<80x128xf32, #tpu.memory_space<vmem>>, vector<16xf32>,
          %get3A_1005 = arith.index_cast %add3A_956 : i32 to index
          %get3A_1006 = arith.constant 96 : index
          %get3A_1007 = tpu.vector_load %arg18[%get3A_1005, %get3A_1006] {strides = array<i32>} : memref<80x128xf32, #tpu.memory_space<vmem>>, vector<16xf32>,
          %mul3A_1008 = vector.broadcast %squeeze3A_952 : f32 to vector<16xf32>
          %mul3A_1009 = arith.mulf %get3A_1007, %mul3A_1008 : vector<16xf32>
          %swap3A_1010 = arith.index_cast %add3A_956 : i32 to index
          %swap3A_1011 = arith.constant 96 : index
          %swap3A_1012 = tpu.vector_load %arg18[%swap3A_1010, %swap3A_1011] {strides = array<i32>} : memref<80x128xf32, #tpu.memory_space<vmem>>, vector<16xf32>,
          tpu.vector_store %arg18[%swap3A_1010, %swap3A_1011], %mul3A_1009 {strides = array<i32>} : memref<80x128xf32, #tpu.memory_space<vmem>>, vector<16xf32>,
          %get3A_1013 = arith.index_cast %add3A_956 : i32 to index
          %get3A_1014 = arith.constant 112 : index
          %get3A_1015 = tpu.vector_load %arg18[%get3A_1013, %get3A_1014] {strides = array<i32>} : memref<80x128xf32, #tpu.memory_space<vmem>>, vector<16xf32>,
          %mul3A_1016 = vector.broadcast %squeeze3A_952 : f32 to vector<16xf32>
          %mul3A_1017 = arith.mulf %get3A_1015, %mul3A_1016 : vector<16xf32>
          %swap3A_1018 = arith.index_cast %add3A_956 : i32 to index
          %swap3A_1019 = arith.constant 112 : index
          %swap3A_1020 = tpu.vector_load %arg18[%swap3A_1018, %swap3A_1019] {strides = array<i32>} : memref<80x128xf32, #tpu.memory_space<vmem>>, vector<16xf32>,
          tpu.vector_store %arg18[%swap3A_1018, %swap3A_1019], %mul3A_1017 {strides = array<i32>} : memref<80x128xf32, #tpu.memory_space<vmem>>, vector<16xf32>,
          %slice3A_1021 = vector.extract_strided_slice %div3A_183 {offsets = [12], sizes = [1], strides = [1]} : vector<16xf32> to vector<1xf32>
          %squeeze3A_1022 = vector.extract %slice3A_1021[0] : f32 from vector<1xf32>
          %mul3A_1023 = arith.constant 16 : i32
          %mul3A_1024 = arith.muli %scan3A_176, %mul3A_1023 : i32
          %add3A_1025 = arith.constant 12 : i32
          %add3A_1026 = arith.addi %mul3A_1024, %add3A_1025 : i32
          %get3A_1027 = arith.index_cast %add3A_1026 : i32 to index
          %get3A_1028 = arith.constant 0 : index
          %get3A_1029 = tpu.vector_load %arg18[%get3A_1027, %get3A_1028] {strides = array<i32>} : memref<80x128xf32, #tpu.memory_space<vmem>>, vector<16xf32>,
          %mul3A_1030 = vector.broadcast %squeeze3A_1022 : f32 to vector<16xf32>
          %mul3A_1031 = arith.mulf %get3A_1029, %mul3A_1030 : vector<16xf32>
          %swap3A_1032 = arith.index_cast %add3A_1026 : i32 to index
          %swap3A_1033 = arith.constant 0 : index
          %swap3A_1034 = tpu.vector_load %arg18[%swap3A_1032, %swap3A_1033] {strides = array<i32>} : memref<80x128xf32, #tpu.memory_space<vmem>>, vector<16xf32>,
          tpu.vector_store %arg18[%swap3A_1032, %swap3A_1033], %mul3A_1031 {strides = array<i32>} : memref<80x128xf32, #tpu.memory_space<vmem>>, vector<16xf32>,
          %get3A_1035 = arith.index_cast %add3A_1026 : i32 to index
          %get3A_1036 = arith.constant 16 : index
          %get3A_1037 = tpu.vector_load %arg18[%get3A_1035, %get3A_1036] {strides = array<i32>} : memref<80x128xf32, #tpu.memory_space<vmem>>, vector<16xf32>,
          %mul3A_1038 = vector.broadcast %squeeze3A_1022 : f32 to vector<16xf32>
          %mul3A_1039 = arith.mulf %get3A_1037, %mul3A_1038 : vector<16xf32>
          %swap3A_1040 = arith.index_cast %add3A_1026 : i32 to index
          %swap3A_1041 = arith.constant 16 : index
          %swap3A_1042 = tpu.vector_load %arg18[%swap3A_1040, %swap3A_1041] {strides = array<i32>} : memref<80x128xf32, #tpu.memory_space<vmem>>, vector<16xf32>,
          tpu.vector_store %arg18[%swap3A_1040, %swap3A_1041], %mul3A_1039 {strides = array<i32>} : memref<80x128xf32, #tpu.memory_space<vmem>>, vector<16xf32>,
          %get3A_1043 = arith.index_cast %add3A_1026 : i32 to index
          %get3A_1044 = arith.constant 32 : index
          %get3A_1045 = tpu.vector_load %arg18[%get3A_1043, %get3A_1044] {strides = array<i32>} : memref<80x128xf32, #tpu.memory_space<vmem>>, vector<16xf32>,
          %mul3A_1046 = vector.broadcast %squeeze3A_1022 : f32 to vector<16xf32>
          %mul3A_1047 = arith.mulf %get3A_1045, %mul3A_1046 : vector<16xf32>
          %swap3A_1048 = arith.index_cast %add3A_1026 : i32 to index
          %swap3A_1049 = arith.constant 32 : index
          %swap3A_1050 = tpu.vector_load %arg18[%swap3A_1048, %swap3A_1049] {strides = array<i32>} : memref<80x128xf32, #tpu.memory_space<vmem>>, vector<16xf32>,
          tpu.vector_store %arg18[%swap3A_1048, %swap3A_1049], %mul3A_1047 {strides = array<i32>} : memref<80x128xf32, #tpu.memory_space<vmem>>, vector<16xf32>,
          %get3A_1051 = arith.index_cast %add3A_1026 : i32 to index
          %get3A_1052 = arith.constant 48 : index
          %get3A_1053 = tpu.vector_load %arg18[%get3A_1051, %get3A_1052] {strides = array<i32>} : memref<80x128xf32, #tpu.memory_space<vmem>>, vector<16xf32>,
          %mul3A_1054 = vector.broadcast %squeeze3A_1022 : f32 to vector<16xf32>
          %mul3A_1055 = arith.mulf %get3A_1053, %mul3A_1054 : vector<16xf32>
          %swap3A_1056 = arith.index_cast %add3A_1026 : i32 to index
          %swap3A_1057 = arith.constant 48 : index
          %swap3A_1058 = tpu.vector_load %arg18[%swap3A_1056, %swap3A_1057] {strides = array<i32>} : memref<80x128xf32, #tpu.memory_space<vmem>>, vector<16xf32>,
          tpu.vector_store %arg18[%swap3A_1056, %swap3A_1057], %mul3A_1055 {strides = array<i32>} : memref<80x128xf32, #tpu.memory_space<vmem>>, vector<16xf32>,
          %get3A_1059 = arith.index_cast %add3A_1026 : i32 to index
          %get3A_1060 = arith.constant 64 : index
          %get3A_1061 = tpu.vector_load %arg18[%get3A_1059, %get3A_1060] {strides = array<i32>} : memref<80x128xf32, #tpu.memory_space<vmem>>, vector<16xf32>,
          %mul3A_1062 = vector.broadcast %squeeze3A_1022 : f32 to vector<16xf32>
          %mul3A_1063 = arith.mulf %get3A_1061, %mul3A_1062 : vector<16xf32>
          %swap3A_1064 = arith.index_cast %add3A_1026 : i32 to index
          %swap3A_1065 = arith.constant 64 : index
          %swap3A_1066 = tpu.vector_load %arg18[%swap3A_1064, %swap3A_1065] {strides = array<i32>} : memref<80x128xf32, #tpu.memory_space<vmem>>, vector<16xf32>,
          tpu.vector_store %arg18[%swap3A_1064, %swap3A_1065], %mul3A_1063 {strides = array<i32>} : memref<80x128xf32, #tpu.memory_space<vmem>>, vector<16xf32>,
          %get3A_1067 = arith.index_cast %add3A_1026 : i32 to index
          %get3A_1068 = arith.constant 80 : index
          %get3A_1069 = tpu.vector_load %arg18[%get3A_1067, %get3A_1068] {strides = array<i32>} : memref<80x128xf32, #tpu.memory_space<vmem>>, vector<16xf32>,
          %mul3A_1070 = vector.broadcast %squeeze3A_1022 : f32 to vector<16xf32>
          %mul3A_1071 = arith.mulf %get3A_1069, %mul3A_1070 : vector<16xf32>
          %swap3A_1072 = arith.index_cast %add3A_1026 : i32 to index
          %swap3A_1073 = arith.constant 80 : index
          %swap3A_1074 = tpu.vector_load %arg18[%swap3A_1072, %swap3A_1073] {strides = array<i32>} : memref<80x128xf32, #tpu.memory_space<vmem>>, vector<16xf32>,
          tpu.vector_store %arg18[%swap3A_1072, %swap3A_1073], %mul3A_1071 {strides = array<i32>} : memref<80x128xf32, #tpu.memory_space<vmem>>, vector<16xf32>,
          %get3A_1075 = arith.index_cast %add3A_1026 : i32 to index
          %get3A_1076 = arith.constant 96 : index
          %get3A_1077 = tpu.vector_load %arg18[%get3A_1075, %get3A_1076] {strides = array<i32>} : memref<80x128xf32, #tpu.memory_space<vmem>>, vector<16xf32>,
          %mul3A_1078 = vector.broadcast %squeeze3A_1022 : f32 to vector<16xf32>
          %mul3A_1079 = arith.mulf %get3A_1077, %mul3A_1078 : vector<16xf32>
          %swap3A_1080 = arith.index_cast %add3A_1026 : i32 to index
          %swap3A_1081 = arith.constant 96 : index
          %swap3A_1082 = tpu.vector_load %arg18[%swap3A_1080, %swap3A_1081] {strides = array<i32>} : memref<80x128xf32, #tpu.memory_space<vmem>>, vector<16xf32>,
          tpu.vector_store %arg18[%swap3A_1080, %swap3A_1081], %mul3A_1079 {strides = array<i32>} : memref<80x128xf32, #tpu.memory_space<vmem>>, vector<16xf32>,
          %get3A_1083 = arith.index_cast %add3A_1026 : i32 to index
          %get3A_1084 = arith.constant 112 : index
          %get3A_1085 = tpu.vector_load %arg18[%get3A_1083, %get3A_1084] {strides = array<i32>} : memref<80x128xf32, #tpu.memory_space<vmem>>, vector<16xf32>,
          %mul3A_1086 = vector.broadcast %squeeze3A_1022 : f32 to vector<16xf32>
          %mul3A_1087 = arith.mulf %get3A_1085, %mul3A_1086 : vector<16xf32>
          %swap3A_1088 = arith.index_cast %add3A_1026 : i32 to index
          %swap3A_1089 = arith.constant 112 : index
          %swap3A_1090 = tpu.vector_load %arg18[%swap3A_1088, %swap3A_1089] {strides = array<i32>} : memref<80x128xf32, #tpu.memory_space<vmem>>, vector<16xf32>,
          tpu.vector_store %arg18[%swap3A_1088, %swap3A_1089], %mul3A_1087 {strides = array<i32>} : memref<80x128xf32, #tpu.memory_space<vmem>>, vector<16xf32>,
          %slice3A_1091 = vector.extract_strided_slice %div3A_183 {offsets = [13], sizes = [1], strides = [1]} : vector<16xf32> to vector<1xf32>
          %squeeze3A_1092 = vector.extract %slice3A_1091[0] : f32 from vector<1xf32>
          %mul3A_1093 = arith.constant 16 : i32
          %mul3A_1094 = arith.muli %scan3A_176, %mul3A_1093 : i32
          %add3A_1095 = arith.constant 13 : i32
          %add3A_1096 = arith.addi %mul3A_1094, %add3A_1095 : i32
          %get3A_1097 = arith.index_cast %add3A_1096 : i32 to index
          %get3A_1098 = arith.constant 0 : index
          %get3A_1099 = tpu.vector_load %arg18[%get3A_1097, %get3A_1098] {strides = array<i32>} : memref<80x128xf32, #tpu.memory_space<vmem>>, vector<16xf32>,
          %mul3A_1100 = vector.broadcast %squeeze3A_1092 : f32 to vector<16xf32>
          %mul3A_1101 = arith.mulf %get3A_1099, %mul3A_1100 : vector<16xf32>
          %swap3A_1102 = arith.index_cast %add3A_1096 : i32 to index
          %swap3A_1103 = arith.constant 0 : index
          %swap3A_1104 = tpu.vector_load %arg18[%swap3A_1102, %swap3A_1103] {strides = array<i32>} : memref<80x128xf32, #tpu.memory_space<vmem>>, vector<16xf32>,
          tpu.vector_store %arg18[%swap3A_1102, %swap3A_1103], %mul3A_1101 {strides = array<i32>} : memref<80x128xf32, #tpu.memory_space<vmem>>, vector<16xf32>,
          %get3A_1105 = arith.index_cast %add3A_1096 : i32 to index
          %get3A_1106 = arith.constant 16 : index
          %get3A_1107 = tpu.vector_load %arg18[%get3A_1105, %get3A_1106] {strides = array<i32>} : memref<80x128xf32, #tpu.memory_space<vmem>>, vector<16xf32>,
          %mul3A_1108 = vector.broadcast %squeeze3A_1092 : f32 to vector<16xf32>
          %mul3A_1109 = arith.mulf %get3A_1107, %mul3A_1108 : vector<16xf32>
          %swap3A_1110 = arith.index_cast %add3A_1096 : i32 to index
          %swap3A_1111 = arith.constant 16 : index
          %swap3A_1112 = tpu.vector_load %arg18[%swap3A_1110, %swap3A_1111] {strides = array<i32>} : memref<80x128xf32, #tpu.memory_space<vmem>>, vector<16xf32>,
          tpu.vector_store %arg18[%swap3A_1110, %swap3A_1111], %mul3A_1109 {strides = array<i32>} : memref<80x128xf32, #tpu.memory_space<vmem>>, vector<16xf32>,
          %get3A_1113 = arith.index_cast %add3A_1096 : i32 to index
          %get3A_1114 = arith.constant 32 : index
          %get3A_1115 = tpu.vector_load %arg18[%get3A_1113, %get3A_1114] {strides = array<i32>} : memref<80x128xf32, #tpu.memory_space<vmem>>, vector<16xf32>,
          %mul3A_1116 = vector.broadcast %squeeze3A_1092 : f32 to vector<16xf32>
          %mul3A_1117 = arith.mulf %get3A_1115, %mul3A_1116 : vector<16xf32>
          %swap3A_1118 = arith.index_cast %add3A_1096 : i32 to index
          %swap3A_1119 = arith.constant 32 : index
          %swap3A_1120 = tpu.vector_load %arg18[%swap3A_1118, %swap3A_1119] {strides = array<i32>} : memref<80x128xf32, #tpu.memory_space<vmem>>, vector<16xf32>,
          tpu.vector_store %arg18[%swap3A_1118, %swap3A_1119], %mul3A_1117 {strides = array<i32>} : memref<80x128xf32, #tpu.memory_space<vmem>>, vector<16xf32>,
          %get3A_1121 = arith.index_cast %add3A_1096 : i32 to index
          %get3A_1122 = arith.constant 48 : index
          %get3A_1123 = tpu.vector_load %arg18[%get3A_1121, %get3A_1122] {strides = array<i32>} : memref<80x128xf32, #tpu.memory_space<vmem>>, vector<16xf32>,
          %mul3A_1124 = vector.broadcast %squeeze3A_1092 : f32 to vector<16xf32>
          %mul3A_1125 = arith.mulf %get3A_1123, %mul3A_1124 : vector<16xf32>
          %swap3A_1126 = arith.index_cast %add3A_1096 : i32 to index
          %swap3A_1127 = arith.constant 48 : index
          %swap3A_1128 = tpu.vector_load %arg18[%swap3A_1126, %swap3A_1127] {strides = array<i32>} : memref<80x128xf32, #tpu.memory_space<vmem>>, vector<16xf32>,
          tpu.vector_store %arg18[%swap3A_1126, %swap3A_1127], %mul3A_1125 {strides = array<i32>} : memref<80x128xf32, #tpu.memory_space<vmem>>, vector<16xf32>,
          %get3A_1129 = arith.index_cast %add3A_1096 : i32 to index
          %get3A_1130 = arith.constant 64 : index
          %get3A_1131 = tpu.vector_load %arg18[%get3A_1129, %get3A_1130] {strides = array<i32>} : memref<80x128xf32, #tpu.memory_space<vmem>>, vector<16xf32>,
          %mul3A_1132 = vector.broadcast %squeeze3A_1092 : f32 to vector<16xf32>
          %mul3A_1133 = arith.mulf %get3A_1131, %mul3A_1132 : vector<16xf32>
          %swap3A_1134 = arith.index_cast %add3A_1096 : i32 to index
          %swap3A_1135 = arith.constant 64 : index
          %swap3A_1136 = tpu.vector_load %arg18[%swap3A_1134, %swap3A_1135] {strides = array<i32>} : memref<80x128xf32, #tpu.memory_space<vmem>>, vector<16xf32>,
          tpu.vector_store %arg18[%swap3A_1134, %swap3A_1135], %mul3A_1133 {strides = array<i32>} : memref<80x128xf32, #tpu.memory_space<vmem>>, vector<16xf32>,
          %get3A_1137 = arith.index_cast %add3A_1096 : i32 to index
          %get3A_1138 = arith.constant 80 : index
          %get3A_1139 = tpu.vector_load %arg18[%get3A_1137, %get3A_1138] {strides = array<i32>} : memref<80x128xf32, #tpu.memory_space<vmem>>, vector<16xf32>,
          %mul3A_1140 = vector.broadcast %squeeze3A_1092 : f32 to vector<16xf32>
          %mul3A_1141 = arith.mulf %get3A_1139, %mul3A_1140 : vector<16xf32>
          %swap3A_1142 = arith.index_cast %add3A_1096 : i32 to index
          %swap3A_1143 = arith.constant 80 : index
          %swap3A_1144 = tpu.vector_load %arg18[%swap3A_1142, %swap3A_1143] {strides = array<i32>} : memref<80x128xf32, #tpu.memory_space<vmem>>, vector<16xf32>,
          tpu.vector_store %arg18[%swap3A_1142, %swap3A_1143], %mul3A_1141 {strides = array<i32>} : memref<80x128xf32, #tpu.memory_space<vmem>>, vector<16xf32>,
          %get3A_1145 = arith.index_cast %add3A_1096 : i32 to index
          %get3A_1146 = arith.constant 96 : index
          %get3A_1147 = tpu.vector_load %arg18[%get3A_1145, %get3A_1146] {strides = array<i32>} : memref<80x128xf32, #tpu.memory_space<vmem>>, vector<16xf32>,
          %mul3A_1148 = vector.broadcast %squeeze3A_1092 : f32 to vector<16xf32>
          %mul3A_1149 = arith.mulf %get3A_1147, %mul3A_1148 : vector<16xf32>
          %swap3A_1150 = arith.index_cast %add3A_1096 : i32 to index
          %swap3A_1151 = arith.constant 96 : index
          %swap3A_1152 = tpu.vector_load %arg18[%swap3A_1150, %swap3A_1151] {strides = array<i32>} : memref<80x128xf32, #tpu.memory_space<vmem>>, vector<16xf32>,
          tpu.vector_store %arg18[%swap3A_1150, %swap3A_1151], %mul3A_1149 {strides = array<i32>} : memref<80x128xf32, #tpu.memory_space<vmem>>, vector<16xf32>,
          %get3A_1153 = arith.index_cast %add3A_1096 : i32 to index
          %get3A_1154 = arith.constant 112 : index
          %get3A_1155 = tpu.vector_load %arg18[%get3A_1153, %get3A_1154] {strides = array<i32>} : memref<80x128xf32, #tpu.memory_space<vmem>>, vector<16xf32>,
          %mul3A_1156 = vector.broadcast %squeeze3A_1092 : f32 to vector<16xf32>
          %mul3A_1157 = arith.mulf %get3A_1155, %mul3A_1156 : vector<16xf32>
          %swap3A_1158 = arith.index_cast %add3A_1096 : i32 to index
          %swap3A_1159 = arith.constant 112 : index
          %swap3A_1160 = tpu.vector_load %arg18[%swap3A_1158, %swap3A_1159] {strides = array<i32>} : memref<80x128xf32, #tpu.memory_space<vmem>>, vector<16xf32>,
          tpu.vector_store %arg18[%swap3A_1158, %swap3A_1159], %mul3A_1157 {strides = array<i32>} : memref<80x128xf32, #tpu.memory_space<vmem>>, vector<16xf32>,
          %slice3A_1161 = vector.extract_strided_slice %div3A_183 {offsets = [14], sizes = [1], strides = [1]} : vector<16xf32> to vector<1xf32>
          %squeeze3A_1162 = vector.extract %slice3A_1161[0] : f32 from vector<1xf32>
          %mul3A_1163 = arith.constant 16 : i32
          %mul3A_1164 = arith.muli %scan3A_176, %mul3A_1163 : i32
          %add3A_1165 = arith.constant 14 : i32
          %add3A_1166 = arith.addi %mul3A_1164, %add3A_1165 : i32
          %get3A_1167 = arith.index_cast %add3A_1166 : i32 to index
          %get3A_1168 = arith.constant 0 : index
          %get3A_1169 = tpu.vector_load %arg18[%get3A_1167, %get3A_1168] {strides = array<i32>} : memref<80x128xf32, #tpu.memory_space<vmem>>, vector<16xf32>,
          %mul3A_1170 = vector.broadcast %squeeze3A_1162 : f32 to vector<16xf32>
          %mul3A_1171 = arith.mulf %get3A_1169, %mul3A_1170 : vector<16xf32>
          %swap3A_1172 = arith.index_cast %add3A_1166 : i32 to index
          %swap3A_1173 = arith.constant 0 : index
          %swap3A_1174 = tpu.vector_load %arg18[%swap3A_1172, %swap3A_1173] {strides = array<i32>} : memref<80x128xf32, #tpu.memory_space<vmem>>, vector<16xf32>,
          tpu.vector_store %arg18[%swap3A_1172, %swap3A_1173], %mul3A_1171 {strides = array<i32>} : memref<80x128xf32, #tpu.memory_space<vmem>>, vector<16xf32>,
          %get3A_1175 = arith.index_cast %add3A_1166 : i32 to index
          %get3A_1176 = arith.constant 16 : index
          %get3A_1177 = tpu.vector_load %arg18[%get3A_1175, %get3A_1176] {strides = array<i32>} : memref<80x128xf32, #tpu.memory_space<vmem>>, vector<16xf32>,
          %mul3A_1178 = vector.broadcast %squeeze3A_1162 : f32 to vector<16xf32>
          %mul3A_1179 = arith.mulf %get3A_1177, %mul3A_1178 : vector<16xf32>
          %swap3A_1180 = arith.index_cast %add3A_1166 : i32 to index
          %swap3A_1181 = arith.constant 16 : index
          %swap3A_1182 = tpu.vector_load %arg18[%swap3A_1180, %swap3A_1181] {strides = array<i32>} : memref<80x128xf32, #tpu.memory_space<vmem>>, vector<16xf32>,
          tpu.vector_store %arg18[%swap3A_1180, %swap3A_1181], %mul3A_1179 {strides = array<i32>} : memref<80x128xf32, #tpu.memory_space<vmem>>, vector<16xf32>,
          %get3A_1183 = arith.index_cast %add3A_1166 : i32 to index
          %get3A_1184 = arith.constant 32 : index
          %get3A_1185 = tpu.vector_load %arg18[%get3A_1183, %get3A_1184] {strides = array<i32>} : memref<80x128xf32, #tpu.memory_space<vmem>>, vector<16xf32>,
          %mul3A_1186 = vector.broadcast %squeeze3A_1162 : f32 to vector<16xf32>
          %mul3A_1187 = arith.mulf %get3A_1185, %mul3A_1186 : vector<16xf32>
          %swap3A_1188 = arith.index_cast %add3A_1166 : i32 to index
          %swap3A_1189 = arith.constant 32 : index
          %swap3A_1190 = tpu.vector_load %arg18[%swap3A_1188, %swap3A_1189] {strides = array<i32>} : memref<80x128xf32, #tpu.memory_space<vmem>>, vector<16xf32>,
          tpu.vector_store %arg18[%swap3A_1188, %swap3A_1189], %mul3A_1187 {strides = array<i32>} : memref<80x128xf32, #tpu.memory_space<vmem>>, vector<16xf32>,
          %get3A_1191 = arith.index_cast %add3A_1166 : i32 to index
          %get3A_1192 = arith.constant 48 : index
          %get3A_1193 = tpu.vector_load %arg18[%get3A_1191, %get3A_1192] {strides = array<i32>} : memref<80x128xf32, #tpu.memory_space<vmem>>, vector<16xf32>,
          %mul3A_1194 = vector.broadcast %squeeze3A_1162 : f32 to vector<16xf32>
          %mul3A_1195 = arith.mulf %get3A_1193, %mul3A_1194 : vector<16xf32>
          %swap3A_1196 = arith.index_cast %add3A_1166 : i32 to index
          %swap3A_1197 = arith.constant 48 : index
          %swap3A_1198 = tpu.vector_load %arg18[%swap3A_1196, %swap3A_1197] {strides = array<i32>} : memref<80x128xf32, #tpu.memory_space<vmem>>, vector<16xf32>,
          tpu.vector_store %arg18[%swap3A_1196, %swap3A_1197], %mul3A_1195 {strides = array<i32>} : memref<80x128xf32, #tpu.memory_space<vmem>>, vector<16xf32>,
          %get3A_1199 = arith.index_cast %add3A_1166 : i32 to index
          %get3A_1200 = arith.constant 64 : index
          %get3A_1201 = tpu.vector_load %arg18[%get3A_1199, %get3A_1200] {strides = array<i32>} : memref<80x128xf32, #tpu.memory_space<vmem>>, vector<16xf32>,
          %mul3A_1202 = vector.broadcast %squeeze3A_1162 : f32 to vector<16xf32>
          %mul3A_1203 = arith.mulf %get3A_1201, %mul3A_1202 : vector<16xf32>
          %swap3A_1204 = arith.index_cast %add3A_1166 : i32 to index
          %swap3A_1205 = arith.constant 64 : index
          %swap3A_1206 = tpu.vector_load %arg18[%swap3A_1204, %swap3A_1205] {strides = array<i32>} : memref<80x128xf32, #tpu.memory_space<vmem>>, vector<16xf32>,
          tpu.vector_store %arg18[%swap3A_1204, %swap3A_1205], %mul3A_1203 {strides = array<i32>} : memref<80x128xf32, #tpu.memory_space<vmem>>, vector<16xf32>,
          %get3A_1207 = arith.index_cast %add3A_1166 : i32 to index
          %get3A_1208 = arith.constant 80 : index
          %get3A_1209 = tpu.vector_load %arg18[%get3A_1207, %get3A_1208] {strides = array<i32>} : memref<80x128xf32, #tpu.memory_space<vmem>>, vector<16xf32>,
          %mul3A_1210 = vector.broadcast %squeeze3A_1162 : f32 to vector<16xf32>
          %mul3A_1211 = arith.mulf %get3A_1209, %mul3A_1210 : vector<16xf32>
          %swap3A_1212 = arith.index_cast %add3A_1166 : i32 to index
          %swap3A_1213 = arith.constant 80 : index
          %swap3A_1214 = tpu.vector_load %arg18[%swap3A_1212, %swap3A_1213] {strides = array<i32>} : memref<80x128xf32, #tpu.memory_space<vmem>>, vector<16xf32>,
          tpu.vector_store %arg18[%swap3A_1212, %swap3A_1213], %mul3A_1211 {strides = array<i32>} : memref<80x128xf32, #tpu.memory_space<vmem>>, vector<16xf32>,
          %get3A_1215 = arith.index_cast %add3A_1166 : i32 to index
          %get3A_1216 = arith.constant 96 : index
          %get3A_1217 = tpu.vector_load %arg18[%get3A_1215, %get3A_1216] {strides = array<i32>} : memref<80x128xf32, #tpu.memory_space<vmem>>, vector<16xf32>,
          %mul3A_1218 = vector.broadcast %squeeze3A_1162 : f32 to vector<16xf32>
          %mul3A_1219 = arith.mulf %get3A_1217, %mul3A_1218 : vector<16xf32>
          %swap3A_1220 = arith.index_cast %add3A_1166 : i32 to index
          %swap3A_1221 = arith.constant 96 : index
          %swap3A_1222 = tpu.vector_load %arg18[%swap3A_1220, %swap3A_1221] {strides = array<i32>} : memref<80x128xf32, #tpu.memory_space<vmem>>, vector<16xf32>,
          tpu.vector_store %arg18[%swap3A_1220, %swap3A_1221], %mul3A_1219 {strides = array<i32>} : memref<80x128xf32, #tpu.memory_space<vmem>>, vector<16xf32>,
          %get3A_1223 = arith.index_cast %add3A_1166 : i32 to index
          %get3A_1224 = arith.constant 112 : index
          %get3A_1225 = tpu.vector_load %arg18[%get3A_1223, %get3A_1224] {strides = array<i32>} : memref<80x128xf32, #tpu.memory_space<vmem>>, vector<16xf32>,
          %mul3A_1226 = vector.broadcast %squeeze3A_1162 : f32 to vector<16xf32>
          %mul3A_1227 = arith.mulf %get3A_1225, %mul3A_1226 : vector<16xf32>
          %swap3A_1228 = arith.index_cast %add3A_1166 : i32 to index
          %swap3A_1229 = arith.constant 112 : index
          %swap3A_1230 = tpu.vector_load %arg18[%swap3A_1228, %swap3A_1229] {strides = array<i32>} : memref<80x128xf32, #tpu.memory_space<vmem>>, vector<16xf32>,
          tpu.vector_store %arg18[%swap3A_1228, %swap3A_1229], %mul3A_1227 {strides = array<i32>} : memref<80x128xf32, #tpu.memory_space<vmem>>, vector<16xf32>,
          %slice3A_1231 = vector.extract_strided_slice %div3A_183 {offsets = [15], sizes = [1], strides = [1]} : vector<16xf32> to vector<1xf32>
          %squeeze3A_1232 = vector.extract %slice3A_1231[0] : f32 from vector<1xf32>
          %mul3A_1233 = arith.constant 16 : i32
          %mul3A_1234 = arith.muli %scan3A_176, %mul3A_1233 : i32
          %add3A_1235 = arith.constant 15 : i32
          %add3A_1236 = arith.addi %mul3A_1234, %add3A_1235 : i32
          %get3A_1237 = arith.index_cast %add3A_1236 : i32 to index
          %get3A_1238 = arith.constant 0 : index
          %get3A_1239 = tpu.vector_load %arg18[%get3A_1237, %get3A_1238] {strides = array<i32>} : memref<80x128xf32, #tpu.memory_space<vmem>>, vector<16xf32>,
          %mul3A_1240 = vector.broadcast %squeeze3A_1232 : f32 to vector<16xf32>
          %mul3A_1241 = arith.mulf %get3A_1239, %mul3A_1240 : vector<16xf32>
          %swap3A_1242 = arith.index_cast %add3A_1236 : i32 to index
          %swap3A_1243 = arith.constant 0 : index
          %swap3A_1244 = tpu.vector_load %arg18[%swap3A_1242, %swap3A_1243] {strides = array<i32>} : memref<80x128xf32, #tpu.memory_space<vmem>>, vector<16xf32>,
          tpu.vector_store %arg18[%swap3A_1242, %swap3A_1243], %mul3A_1241 {strides = array<i32>} : memref<80x128xf32, #tpu.memory_space<vmem>>, vector<16xf32>,
          %get3A_1245 = arith.index_cast %add3A_1236 : i32 to index
          %get3A_1246 = arith.constant 16 : index
          %get3A_1247 = tpu.vector_load %arg18[%get3A_1245, %get3A_1246] {strides = array<i32>} : memref<80x128xf32, #tpu.memory_space<vmem>>, vector<16xf32>,
          %mul3A_1248 = vector.broadcast %squeeze3A_1232 : f32 to vector<16xf32>
          %mul3A_1249 = arith.mulf %get3A_1247, %mul3A_1248 : vector<16xf32>
          %swap3A_1250 = arith.index_cast %add3A_1236 : i32 to index
          %swap3A_1251 = arith.constant 16 : index
          %swap3A_1252 = tpu.vector_load %arg18[%swap3A_1250, %swap3A_1251] {strides = array<i32>} : memref<80x128xf32, #tpu.memory_space<vmem>>, vector<16xf32>,
          tpu.vector_store %arg18[%swap3A_1250, %swap3A_1251], %mul3A_1249 {strides = array<i32>} : memref<80x128xf32, #tpu.memory_space<vmem>>, vector<16xf32>,
          %get3A_1253 = arith.index_cast %add3A_1236 : i32 to index
          %get3A_1254 = arith.constant 32 : index
          %get3A_1255 = tpu.vector_load %arg18[%get3A_1253, %get3A_1254] {strides = array<i32>} : memref<80x128xf32, #tpu.memory_space<vmem>>, vector<16xf32>,
          %mul3A_1256 = vector.broadcast %squeeze3A_1232 : f32 to vector<16xf32>
          %mul3A_1257 = arith.mulf %get3A_1255, %mul3A_1256 : vector<16xf32>
          %swap3A_1258 = arith.index_cast %add3A_1236 : i32 to index
          %swap3A_1259 = arith.constant 32 : index
          %swap3A_1260 = tpu.vector_load %arg18[%swap3A_1258, %swap3A_1259] {strides = array<i32>} : memref<80x128xf32, #tpu.memory_space<vmem>>, vector<16xf32>,
          tpu.vector_store %arg18[%swap3A_1258, %swap3A_1259], %mul3A_1257 {strides = array<i32>} : memref<80x128xf32, #tpu.memory_space<vmem>>, vector<16xf32>,
          %get3A_1261 = arith.index_cast %add3A_1236 : i32 to index
          %get3A_1262 = arith.constant 48 : index
          %get3A_1263 = tpu.vector_load %arg18[%get3A_1261, %get3A_1262] {strides = array<i32>} : memref<80x128xf32, #tpu.memory_space<vmem>>, vector<16xf32>,
          %mul3A_1264 = vector.broadcast %squeeze3A_1232 : f32 to vector<16xf32>
          %mul3A_1265 = arith.mulf %get3A_1263, %mul3A_1264 : vector<16xf32>
          %swap3A_1266 = arith.index_cast %add3A_1236 : i32 to index
          %swap3A_1267 = arith.constant 48 : index
          %swap3A_1268 = tpu.vector_load %arg18[%swap3A_1266, %swap3A_1267] {strides = array<i32>} : memref<80x128xf32, #tpu.memory_space<vmem>>, vector<16xf32>,
          tpu.vector_store %arg18[%swap3A_1266, %swap3A_1267], %mul3A_1265 {strides = array<i32>} : memref<80x128xf32, #tpu.memory_space<vmem>>, vector<16xf32>,
          %get3A_1269 = arith.index_cast %add3A_1236 : i32 to index
          %get3A_1270 = arith.constant 64 : index
          %get3A_1271 = tpu.vector_load %arg18[%get3A_1269, %get3A_1270] {strides = array<i32>} : memref<80x128xf32, #tpu.memory_space<vmem>>, vector<16xf32>,
          %mul3A_1272 = vector.broadcast %squeeze3A_1232 : f32 to vector<16xf32>
          %mul3A_1273 = arith.mulf %get3A_1271, %mul3A_1272 : vector<16xf32>
          %swap3A_1274 = arith.index_cast %add3A_1236 : i32 to index
          %swap3A_1275 = arith.constant 64 : index
          %swap3A_1276 = tpu.vector_load %arg18[%swap3A_1274, %swap3A_1275] {strides = array<i32>} : memref<80x128xf32, #tpu.memory_space<vmem>>, vector<16xf32>,
          tpu.vector_store %arg18[%swap3A_1274, %swap3A_1275], %mul3A_1273 {strides = array<i32>} : memref<80x128xf32, #tpu.memory_space<vmem>>, vector<16xf32>,
          %get3A_1277 = arith.index_cast %add3A_1236 : i32 to index
          %get3A_1278 = arith.constant 80 : index
          %get3A_1279 = tpu.vector_load %arg18[%get3A_1277, %get3A_1278] {strides = array<i32>} : memref<80x128xf32, #tpu.memory_space<vmem>>, vector<16xf32>,
          %mul3A_1280 = vector.broadcast %squeeze3A_1232 : f32 to vector<16xf32>
          %mul3A_1281 = arith.mulf %get3A_1279, %mul3A_1280 : vector<16xf32>
          %swap3A_1282 = arith.index_cast %add3A_1236 : i32 to index
          %swap3A_1283 = arith.constant 80 : index
          %swap3A_1284 = tpu.vector_load %arg18[%swap3A_1282, %swap3A_1283] {strides = array<i32>} : memref<80x128xf32, #tpu.memory_space<vmem>>, vector<16xf32>,
          tpu.vector_store %arg18[%swap3A_1282, %swap3A_1283], %mul3A_1281 {strides = array<i32>} : memref<80x128xf32, #tpu.memory_space<vmem>>, vector<16xf32>,
          %get3A_1285 = arith.index_cast %add3A_1236 : i32 to index
          %get3A_1286 = arith.constant 96 : index
          %get3A_1287 = tpu.vector_load %arg18[%get3A_1285, %get3A_1286] {strides = array<i32>} : memref<80x128xf32, #tpu.memory_space<vmem>>, vector<16xf32>,
          %mul3A_1288 = vector.broadcast %squeeze3A_1232 : f32 to vector<16xf32>
          %mul3A_1289 = arith.mulf %get3A_1287, %mul3A_1288 : vector<16xf32>
          %swap3A_1290 = arith.index_cast %add3A_1236 : i32 to index
          %swap3A_1291 = arith.constant 96 : index
          %swap3A_1292 = tpu.vector_load %arg18[%swap3A_1290, %swap3A_1291] {strides = array<i32>} : memref<80x128xf32, #tpu.memory_space<vmem>>, vector<16xf32>,
          tpu.vector_store %arg18[%swap3A_1290, %swap3A_1291], %mul3A_1289 {strides = array<i32>} : memref<80x128xf32, #tpu.memory_space<vmem>>, vector<16xf32>,
          %get3A_1293 = arith.index_cast %add3A_1236 : i32 to index
          %get3A_1294 = arith.constant 112 : index
          %get3A_1295 = tpu.vector_load %arg18[%get3A_1293, %get3A_1294] {strides = array<i32>} : memref<80x128xf32, #tpu.memory_space<vmem>>, vector<16xf32>,
          %mul3A_1296 = vector.broadcast %squeeze3A_1232 : f32 to vector<16xf32>
          %mul3A_1297 = arith.mulf %get3A_1295, %mul3A_1296 : vector<16xf32>
          %swap3A_1298 = arith.index_cast %add3A_1236 : i32 to index
          %swap3A_1299 = arith.constant 112 : index
          %swap3A_1300 = tpu.vector_load %arg18[%swap3A_1298, %swap3A_1299] {strides = array<i32>} : memref<80x128xf32, #tpu.memory_space<vmem>>, vector<16xf32>,
          tpu.vector_store %arg18[%swap3A_1298, %swap3A_1299], %mul3A_1297 {strides = array<i32>} : memref<80x128xf32, #tpu.memory_space<vmem>>, vector<16xf32>,
        }
        %scan3A_173 = arith.constant 5 : i32
        %dma_start3A = arith.constant 0 : i32
        %dma_start3A_174 = arith.constant 0 : i32
        %dma_start3A_175 = tpu.memref_slice %arg20[%dma_start3A, %dma_start3A_174] : memref<10000x128xf32, #tpu.memory_space<vmem_shared>> -> memref<10000x128xf32, #tpu.memory_space<vmem_shared>>
        tpu.enqueue_indirect_dma source(%arg18 : memref<80x128xf32, #tpu.memory_space<vmem>>) target(%dma_start3A_175 : memref<10000x128xf32, #tpu.memory_space<vmem_shared>>) offsets(%arg14 : memref<80xi32, #tpu.memory_space<vmem>>) semaphore(%arg24 : memref<!tpu.dma_semaphore, #tpu.memory_space<semaphore_mem>>) {add = true}
      } else {
      }
    }
    %scan3A_70 = arith.constant 126 : i32
    %dma_wait3A = arith.constant 0 : i32
    %dma_wait3A_71 = arith.constant 0 : i32
    %dma_wait3A_72 = tpu.memref_slice %arg20[%dma_wait3A, %dma_wait3A_71] : memref<10000x128xf32, #tpu.memory_space<vmem_shared>> -> memref<10000x128xf32, #tpu.memory_space<vmem_shared>>
    tpu.wait_indirect_dma semaphore(%arg23 : memref<!tpu.dma_semaphore, #tpu.memory_space<semaphore_mem>>) src(%arg17 : memref<80x128xf32, #tpu.memory_space<vmem>>) dst(%dma_wait3A_72 : memref<10000x128xf32, #tpu.memory_space<vmem_shared>>)
    %dma_wait3A_73 = arith.constant 0 : i32
    %dma_wait3A_74 = arith.constant 0 : i32
    %dma_wait3A_75 = tpu.memref_slice %arg20[%dma_wait3A_73, %dma_wait3A_74] : memref<10000x128xf32, #tpu.memory_space<vmem_shared>> -> memref<10000x128xf32, #tpu.memory_space<vmem_shared>>
    tpu.wait_indirect_dma semaphore(%arg24 : memref<!tpu.dma_semaphore, #tpu.memory_space<semaphore_mem>>) src(%arg18 : memref<80x128xf32, #tpu.memory_space<vmem>>) dst(%dma_wait3A_75 : memref<10000x128xf32, #tpu.memory_space<vmem_shared>>)
    %barrier3A_76 = arith.constant 0 : index
    tpu.barrier barrier_id(%barrier3A_76)
    %add3A_77 = arith.constant 0 : i32
    %add3A_78 = arith.addi %arg1, %add3A_77 : i32
    %lt3A_79 = arith.constant 125 : i32
    %lt3A_80 = arith.cmpi slt, %add3A_78, %lt3A_79 : i32
    %convert_element_type3A_81 = arith.extui %lt3A_80 : i1 to i32
    %cond3A_82 = arith.constant 0 : i32
    %cond3A_83 = arith.cmpi ne, %convert_element_type3A_81, %cond3A_82 : i32
    scf.if %cond3A_83 {
      %mul3A_133 = arith.constant 80 : i32
      %mul3A_134 = arith.muli %add3A_78, %mul3A_133 : i32
      "tpu.region"() ({
        %run_scoped3A = tpu.sem_alloc : memref<!tpu.dma_semaphore, #tpu.memory_space<semaphore_mem>>
        %dma_start3A = arith.constant 0 : i32
        %dma_start3A_137 = tpu.memref_slice %arg20[%mul3A_134, %dma_start3A] : memref<10000x128xf32, #tpu.memory_space<vmem_shared>> -> memref<80x128xf32, #tpu.memory_space<vmem_shared>>
        %dma_start3A_138 = arith.constant 0 : i32
        %dma_start3A_139 = tpu.memref_slice %arg20[%mul3A_134, %dma_start3A_138] : memref<10000x128xf32, #tpu.memory_space<vmem_shared>> -> memref<80x128xf32, #tpu.memory_space<vmem_shared>>
        tpu.enqueue_dma source(%dma_start3A_139 : memref<80x128xf32, #tpu.memory_space<vmem_shared>>) target(%arg17 : memref<80x128xf32, #tpu.memory_space<vmem>>) target_semaphore(%run_scoped3A : memref<!tpu.dma_semaphore, #tpu.memory_space<semaphore_mem>>)
        %dma_wait3A_140 = arith.constant 0 : i32
        %dma_wait3A_141 = tpu.memref_slice %arg20[%mul3A_134, %dma_wait3A_140] : memref<10000x128xf32, #tpu.memory_space<vmem_shared>> -> memref<80x128xf32, #tpu.memory_space<vmem_shared>>
        %dma_wait3A_142 = arith.constant 0 : i32
        %dma_wait3A_143 = tpu.memref_slice %arg20[%mul3A_134, %dma_wait3A_142] : memref<10000x128xf32, #tpu.memory_space<vmem_shared>> -> memref<80x128xf32, #tpu.memory_space<vmem_shared>>
        tpu.wait_dma2 semaphore(%run_scoped3A : memref<!tpu.dma_semaphore, #tpu.memory_space<semaphore_mem>>) src(%dma_wait3A_143 : memref<80x128xf32, #tpu.memory_space<vmem_shared>>) dst(%arg17 : memref<80x128xf32, #tpu.memory_space<vmem>>)
        tpu.yield
      }) : () -> ()
      %mul3A_135 = arith.constant 80 : i32
      %mul3A_136 = arith.muli %add3A_78, %mul3A_135 : i32
      "tpu.region"() ({
        %run_scoped3A = tpu.sem_alloc : memref<!tpu.dma_semaphore, #tpu.memory_space<semaphore_mem>>
        %dma_start3A = arith.constant 0 : i32
        %dma_start3A_137 = tpu.memref_slice %arg6[%arg0, %mul3A_136, %dma_start3A] : memref<2x10000x128xf32, #tpu.memory_space<hbm>> -> memref<1x80x128xf32, #tpu.memory_space<hbm>>
        %dma_start3A_138 = tpu.memref_squeeze %dma_start3A_137 : memref<1x80x128xf32, #tpu.memory_space<hbm>> -> memref<80x128xf32, #tpu.memory_space<hbm>>
        %dma_start3A_139 = arith.constant 0 : i32
        %dma_start3A_140 = tpu.memref_slice %arg6[%arg0, %mul3A_136, %dma_start3A_139] : memref<2x10000x128xf32, #tpu.memory_space<hbm>> -> memref<1x80x128xf32, #tpu.memory_space<hbm>>
        %dma_start3A_141 = tpu.memref_squeeze %dma_start3A_140 : memref<1x80x128xf32, #tpu.memory_space<hbm>> -> memref<80x128xf32, #tpu.memory_space<hbm>>
        tpu.enqueue_dma source(%arg17 : memref<80x128xf32, #tpu.memory_space<vmem>>) target(%dma_start3A_141 : memref<80x128xf32, #tpu.memory_space<hbm>>) target_semaphore(%run_scoped3A : memref<!tpu.dma_semaphore, #tpu.memory_space<semaphore_mem>>)
        %dma_wait3A_142 = arith.constant 0 : i32
        %dma_wait3A_143 = tpu.memref_slice %arg6[%arg0, %mul3A_136, %dma_wait3A_142] : memref<2x10000x128xf32, #tpu.memory_space<hbm>> -> memref<1x80x128xf32, #tpu.memory_space<hbm>>
        %dma_wait3A_144 = tpu.memref_squeeze %dma_wait3A_143 : memref<1x80x128xf32, #tpu.memory_space<hbm>> -> memref<80x128xf32, #tpu.memory_space<hbm>>
        %dma_wait3A_145 = arith.constant 0 : i32
        %dma_wait3A_146 = tpu.memref_slice %arg6[%arg0, %mul3A_136, %dma_wait3A_145] : memref<2x10000x128xf32, #tpu.memory_space<hbm>> -> memref<1x80x128xf32, #tpu.memory_space<hbm>>
        %dma_wait3A_147 = tpu.memref_squeeze %dma_wait3A_146 : memref<1x80x128xf32, #tpu.memory_space<hbm>> -> memref<80x128xf32, #tpu.memory_space<hbm>>
        tpu.wait_dma2 semaphore(%run_scoped3A : memref<!tpu.dma_semaphore, #tpu.memory_space<semaphore_mem>>) src(%arg17 : memref<80x128xf32, #tpu.memory_space<vmem>>) dst(%dma_wait3A_147 : memref<80x128xf32, #tpu.memory_space<hbm>>)
        tpu.yield
      }) : () -> ()
    } else {
    }
    %add3A_84 = arith.constant 16 : i32
    %add3A_85 = arith.addi %arg1, %add3A_84 : i32
    %lt3A_86 = arith.constant 125 : i32
    %lt3A_87 = arith.cmpi slt, %add3A_85, %lt3A_86 : i32
    %convert_element_type3A_88 = arith.extui %lt3A_87 : i1 to i32
    %cond3A_89 = arith.constant 0 : i32
    %cond3A_90 = arith.cmpi ne, %convert_element_type3A_88, %cond3A_89 : i32
    scf.if %cond3A_90 {
      %mul3A_133 = arith.constant 80 : i32
      %mul3A_134 = arith.muli %add3A_85, %mul3A_133 : i32
      "tpu.region"() ({
        %run_scoped3A = tpu.sem_alloc : memref<!tpu.dma_semaphore, #tpu.memory_space<semaphore_mem>>
        %dma_start3A = arith.constant 0 : i32
        %dma_start3A_137 = tpu.memref_slice %arg20[%mul3A_134, %dma_start3A] : memref<10000x128xf32, #tpu.memory_space<vmem_shared>> -> memref<80x128xf32, #tpu.memory_space<vmem_shared>>
        %dma_start3A_138 = arith.constant 0 : i32
        %dma_start3A_139 = tpu.memref_slice %arg20[%mul3A_134, %dma_start3A_138] : memref<10000x128xf32, #tpu.memory_space<vmem_shared>> -> memref<80x128xf32, #tpu.memory_space<vmem_shared>>
        tpu.enqueue_dma source(%dma_start3A_139 : memref<80x128xf32, #tpu.memory_space<vmem_shared>>) target(%arg17 : memref<80x128xf32, #tpu.memory_space<vmem>>) target_semaphore(%run_scoped3A : memref<!tpu.dma_semaphore, #tpu.memory_space<semaphore_mem>>)
        %dma_wait3A_140 = arith.constant 0 : i32
        %dma_wait3A_141 = tpu.memref_slice %arg20[%mul3A_134, %dma_wait3A_140] : memref<10000x128xf32, #tpu.memory_space<vmem_shared>> -> memref<80x128xf32, #tpu.memory_space<vmem_shared>>
        %dma_wait3A_142 = arith.constant 0 : i32
        %dma_wait3A_143 = tpu.memref_slice %arg20[%mul3A_134, %dma_wait3A_142] : memref<10000x128xf32, #tpu.memory_space<vmem_shared>> -> memref<80x128xf32, #tpu.memory_space<vmem_shared>>
        tpu.wait_dma2 semaphore(%run_scoped3A : memref<!tpu.dma_semaphore, #tpu.memory_space<semaphore_mem>>) src(%dma_wait3A_143 : memref<80x128xf32, #tpu.memory_space<vmem_shared>>) dst(%arg17 : memref<80x128xf32, #tpu.memory_space<vmem>>)
        tpu.yield
      }) : () -> ()
      %mul3A_135 = arith.constant 80 : i32
      %mul3A_136 = arith.muli %add3A_85, %mul3A_135 : i32
      "tpu.region"() ({
        %run_scoped3A = tpu.sem_alloc : memref<!tpu.dma_semaphore, #tpu.memory_space<semaphore_mem>>
        %dma_start3A = arith.constant 0 : i32
        %dma_start3A_137 = tpu.memref_slice %arg6[%arg0, %mul3A_136, %dma_start3A] : memref<2x10000x128xf32, #tpu.memory_space<hbm>> -> memref<1x80x128xf32, #tpu.memory_space<hbm>>
        %dma_start3A_138 = tpu.memref_squeeze %dma_start3A_137 : memref<1x80x128xf32, #tpu.memory_space<hbm>> -> memref<80x128xf32, #tpu.memory_space<hbm>>
        %dma_start3A_139 = arith.constant 0 : i32
        %dma_start3A_140 = tpu.memref_slice %arg6[%arg0, %mul3A_136, %dma_start3A_139] : memref<2x10000x128xf32, #tpu.memory_space<hbm>> -> memref<1x80x128xf32, #tpu.memory_space<hbm>>
        %dma_start3A_141 = tpu.memref_squeeze %dma_start3A_140 : memref<1x80x128xf32, #tpu.memory_space<hbm>> -> memref<80x128xf32, #tpu.memory_space<hbm>>
        tpu.enqueue_dma source(%arg17 : memref<80x128xf32, #tpu.memory_space<vmem>>) target(%dma_start3A_141 : memref<80x128xf32, #tpu.memory_space<hbm>>) target_semaphore(%run_scoped3A : memref<!tpu.dma_semaphore, #tpu.memory_space<semaphore_mem>>)
        %dma_wait3A_142 = arith.constant 0 : i32
        %dma_wait3A_143 = tpu.memref_slice %arg6[%arg0, %mul3A_136, %dma_wait3A_142] : memref<2x10000x128xf32, #tpu.memory_space<hbm>> -> memref<1x80x128xf32, #tpu.memory_space<hbm>>
        %dma_wait3A_144 = tpu.memref_squeeze %dma_wait3A_143 : memref<1x80x128xf32, #tpu.memory_space<hbm>> -> memref<80x128xf32, #tpu.memory_space<hbm>>
        %dma_wait3A_145 = arith.constant 0 : i32
        %dma_wait3A_146 = tpu.memref_slice %arg6[%arg0, %mul3A_136, %dma_wait3A_145] : memref<2x10000x128xf32, #tpu.memory_space<hbm>> -> memref<1x80x128xf32, #tpu.memory_space<hbm>>
        %dma_wait3A_147 = tpu.memref_squeeze %dma_wait3A_146 : memref<1x80x128xf32, #tpu.memory_space<hbm>> -> memref<80x128xf32, #tpu.memory_space<hbm>>
        tpu.wait_dma2 semaphore(%run_scoped3A : memref<!tpu.dma_semaphore, #tpu.memory_space<semaphore_mem>>) src(%arg17 : memref<80x128xf32, #tpu.memory_space<vmem>>) dst(%dma_wait3A_147 : memref<80x128xf32, #tpu.memory_space<hbm>>)
        tpu.yield
      }) : () -> ()
    } else {
    }
    %add3A_91 = arith.constant 32 : i32
    %add3A_92 = arith.addi %arg1, %add3A_91 : i32
    %lt3A_93 = arith.constant 125 : i32
    %lt3A_94 = arith.cmpi slt, %add3A_92, %lt3A_93 : i32
    %convert_element_type3A_95 = arith.extui %lt3A_94 : i1 to i32
    %cond3A_96 = arith.constant 0 : i32
    %cond3A_97 = arith.cmpi ne, %convert_element_type3A_95, %cond3A_96 : i32
    scf.if %cond3A_97 {
      %mul3A_133 = arith.constant 80 : i32
      %mul3A_134 = arith.muli %add3A_92, %mul3A_133 : i32
      "tpu.region"() ({
        %run_scoped3A = tpu.sem_alloc : memref<!tpu.dma_semaphore, #tpu.memory_space<semaphore_mem>>
        %dma_start3A = arith.constant 0 : i32
        %dma_start3A_137 = tpu.memref_slice %arg20[%mul3A_134, %dma_start3A] : memref<10000x128xf32, #tpu.memory_space<vmem_shared>> -> memref<80x128xf32, #tpu.memory_space<vmem_shared>>
        %dma_start3A_138 = arith.constant 0 : i32
        %dma_start3A_139 = tpu.memref_slice %arg20[%mul3A_134, %dma_start3A_138] : memref<10000x128xf32, #tpu.memory_space<vmem_shared>> -> memref<80x128xf32, #tpu.memory_space<vmem_shared>>
        tpu.enqueue_dma source(%dma_start3A_139 : memref<80x128xf32, #tpu.memory_space<vmem_shared>>) target(%arg17 : memref<80x128xf32, #tpu.memory_space<vmem>>) target_semaphore(%run_scoped3A : memref<!tpu.dma_semaphore, #tpu.memory_space<semaphore_mem>>)
        %dma_wait3A_140 = arith.constant 0 : i32
        %dma_wait3A_141 = tpu.memref_slice %arg20[%mul3A_134, %dma_wait3A_140] : memref<10000x128xf32, #tpu.memory_space<vmem_shared>> -> memref<80x128xf32, #tpu.memory_space<vmem_shared>>
        %dma_wait3A_142 = arith.constant 0 : i32
        %dma_wait3A_143 = tpu.memref_slice %arg20[%mul3A_134, %dma_wait3A_142] : memref<10000x128xf32, #tpu.memory_space<vmem_shared>> -> memref<80x128xf32, #tpu.memory_space<vmem_shared>>
        tpu.wait_dma2 semaphore(%run_scoped3A : memref<!tpu.dma_semaphore, #tpu.memory_space<semaphore_mem>>) src(%dma_wait3A_143 : memref<80x128xf32, #tpu.memory_space<vmem_shared>>) dst(%arg17 : memref<80x128xf32, #tpu.memory_space<vmem>>)
        tpu.yield
      }) : () -> ()
      %mul3A_135 = arith.constant 80 : i32
      %mul3A_136 = arith.muli %add3A_92, %mul3A_135 : i32
      "tpu.region"() ({
        %run_scoped3A = tpu.sem_alloc : memref<!tpu.dma_semaphore, #tpu.memory_space<semaphore_mem>>
        %dma_start3A = arith.constant 0 : i32
        %dma_start3A_137 = tpu.memref_slice %arg6[%arg0, %mul3A_136, %dma_start3A] : memref<2x10000x128xf32, #tpu.memory_space<hbm>> -> memref<1x80x128xf32, #tpu.memory_space<hbm>>
        %dma_start3A_138 = tpu.memref_squeeze %dma_start3A_137 : memref<1x80x128xf32, #tpu.memory_space<hbm>> -> memref<80x128xf32, #tpu.memory_space<hbm>>
        %dma_start3A_139 = arith.constant 0 : i32
        %dma_start3A_140 = tpu.memref_slice %arg6[%arg0, %mul3A_136, %dma_start3A_139] : memref<2x10000x128xf32, #tpu.memory_space<hbm>> -> memref<1x80x128xf32, #tpu.memory_space<hbm>>
        %dma_start3A_141 = tpu.memref_squeeze %dma_start3A_140 : memref<1x80x128xf32, #tpu.memory_space<hbm>> -> memref<80x128xf32, #tpu.memory_space<hbm>>
        tpu.enqueue_dma source(%arg17 : memref<80x128xf32, #tpu.memory_space<vmem>>) target(%dma_start3A_141 : memref<80x128xf32, #tpu.memory_space<hbm>>) target_semaphore(%run_scoped3A : memref<!tpu.dma_semaphore, #tpu.memory_space<semaphore_mem>>)
        %dma_wait3A_142 = arith.constant 0 : i32
        %dma_wait3A_143 = tpu.memref_slice %arg6[%arg0, %mul3A_136, %dma_wait3A_142] : memref<2x10000x128xf32, #tpu.memory_space<hbm>> -> memref<1x80x128xf32, #tpu.memory_space<hbm>>
        %dma_wait3A_144 = tpu.memref_squeeze %dma_wait3A_143 : memref<1x80x128xf32, #tpu.memory_space<hbm>> -> memref<80x128xf32, #tpu.memory_space<hbm>>
        %dma_wait3A_145 = arith.constant 0 : i32
        %dma_wait3A_146 = tpu.memref_slice %arg6[%arg0, %mul3A_136, %dma_wait3A_145] : memref<2x10000x128xf32, #tpu.memory_space<hbm>> -> memref<1x80x128xf32, #tpu.memory_space<hbm>>
        %dma_wait3A_147 = tpu.memref_squeeze %dma_wait3A_146 : memref<1x80x128xf32, #tpu.memory_space<hbm>> -> memref<80x128xf32, #tpu.memory_space<hbm>>
        tpu.wait_dma2 semaphore(%run_scoped3A : memref<!tpu.dma_semaphore, #tpu.memory_space<semaphore_mem>>) src(%arg17 : memref<80x128xf32, #tpu.memory_space<vmem>>) dst(%dma_wait3A_147 : memref<80x128xf32, #tpu.memory_space<hbm>>)
        tpu.yield
      }) : () -> ()
    } else {
    }
    %add3A_98 = arith.constant 48 : i32
    %add3A_99 = arith.addi %arg1, %add3A_98 : i32
    %lt3A_100 = arith.constant 125 : i32
    %lt3A_101 = arith.cmpi slt, %add3A_99, %lt3A_100 : i32
    %convert_element_type3A_102 = arith.extui %lt3A_101 : i1 to i32
    %cond3A_103 = arith.constant 0 : i32
    %cond3A_104 = arith.cmpi ne, %convert_element_type3A_102, %cond3A_103 : i32
    scf.if %cond3A_104 {
      %mul3A_133 = arith.constant 80 : i32
      %mul3A_134 = arith.muli %add3A_99, %mul3A_133 : i32
      "tpu.region"() ({
        %run_scoped3A = tpu.sem_alloc : memref<!tpu.dma_semaphore, #tpu.memory_space<semaphore_mem>>
        %dma_start3A = arith.constant 0 : i32
        %dma_start3A_137 = tpu.memref_slice %arg20[%mul3A_134, %dma_start3A] : memref<10000x128xf32, #tpu.memory_space<vmem_shared>> -> memref<80x128xf32, #tpu.memory_space<vmem_shared>>
        %dma_start3A_138 = arith.constant 0 : i32
        %dma_start3A_139 = tpu.memref_slice %arg20[%mul3A_134, %dma_start3A_138] : memref<10000x128xf32, #tpu.memory_space<vmem_shared>> -> memref<80x128xf32, #tpu.memory_space<vmem_shared>>
        tpu.enqueue_dma source(%dma_start3A_139 : memref<80x128xf32, #tpu.memory_space<vmem_shared>>) target(%arg17 : memref<80x128xf32, #tpu.memory_space<vmem>>) target_semaphore(%run_scoped3A : memref<!tpu.dma_semaphore, #tpu.memory_space<semaphore_mem>>)
        %dma_wait3A_140 = arith.constant 0 : i32
        %dma_wait3A_141 = tpu.memref_slice %arg20[%mul3A_134, %dma_wait3A_140] : memref<10000x128xf32, #tpu.memory_space<vmem_shared>> -> memref<80x128xf32, #tpu.memory_space<vmem_shared>>
        %dma_wait3A_142 = arith.constant 0 : i32
        %dma_wait3A_143 = tpu.memref_slice %arg20[%mul3A_134, %dma_wait3A_142] : memref<10000x128xf32, #tpu.memory_space<vmem_shared>> -> memref<80x128xf32, #tpu.memory_space<vmem_shared>>
        tpu.wait_dma2 semaphore(%run_scoped3A : memref<!tpu.dma_semaphore, #tpu.memory_space<semaphore_mem>>) src(%dma_wait3A_143 : memref<80x128xf32, #tpu.memory_space<vmem_shared>>) dst(%arg17 : memref<80x128xf32, #tpu.memory_space<vmem>>)
        tpu.yield
      }) : () -> ()
      %mul3A_135 = arith.constant 80 : i32
      %mul3A_136 = arith.muli %add3A_99, %mul3A_135 : i32
      "tpu.region"() ({
        %run_scoped3A = tpu.sem_alloc : memref<!tpu.dma_semaphore, #tpu.memory_space<semaphore_mem>>
        %dma_start3A = arith.constant 0 : i32
        %dma_start3A_137 = tpu.memref_slice %arg6[%arg0, %mul3A_136, %dma_start3A] : memref<2x10000x128xf32, #tpu.memory_space<hbm>> -> memref<1x80x128xf32, #tpu.memory_space<hbm>>
        %dma_start3A_138 = tpu.memref_squeeze %dma_start3A_137 : memref<1x80x128xf32, #tpu.memory_space<hbm>> -> memref<80x128xf32, #tpu.memory_space<hbm>>
        %dma_start3A_139 = arith.constant 0 : i32
        %dma_start3A_140 = tpu.memref_slice %arg6[%arg0, %mul3A_136, %dma_start3A_139] : memref<2x10000x128xf32, #tpu.memory_space<hbm>> -> memref<1x80x128xf32, #tpu.memory_space<hbm>>
        %dma_start3A_141 = tpu.memref_squeeze %dma_start3A_140 : memref<1x80x128xf32, #tpu.memory_space<hbm>> -> memref<80x128xf32, #tpu.memory_space<hbm>>
        tpu.enqueue_dma source(%arg17 : memref<80x128xf32, #tpu.memory_space<vmem>>) target(%dma_start3A_141 : memref<80x128xf32, #tpu.memory_space<hbm>>) target_semaphore(%run_scoped3A : memref<!tpu.dma_semaphore, #tpu.memory_space<semaphore_mem>>)
        %dma_wait3A_142 = arith.constant 0 : i32
        %dma_wait3A_143 = tpu.memref_slice %arg6[%arg0, %mul3A_136, %dma_wait3A_142] : memref<2x10000x128xf32, #tpu.memory_space<hbm>> -> memref<1x80x128xf32, #tpu.memory_space<hbm>>
        %dma_wait3A_144 = tpu.memref_squeeze %dma_wait3A_143 : memref<1x80x128xf32, #tpu.memory_space<hbm>> -> memref<80x128xf32, #tpu.memory_space<hbm>>
        %dma_wait3A_145 = arith.constant 0 : i32
        %dma_wait3A_146 = tpu.memref_slice %arg6[%arg0, %mul3A_136, %dma_wait3A_145] : memref<2x10000x128xf32, #tpu.memory_space<hbm>> -> memref<1x80x128xf32, #tpu.memory_space<hbm>>
        %dma_wait3A_147 = tpu.memref_squeeze %dma_wait3A_146 : memref<1x80x128xf32, #tpu.memory_space<hbm>> -> memref<80x128xf32, #tpu.memory_space<hbm>>
        tpu.wait_dma2 semaphore(%run_scoped3A : memref<!tpu.dma_semaphore, #tpu.memory_space<semaphore_mem>>) src(%arg17 : memref<80x128xf32, #tpu.memory_space<vmem>>) dst(%dma_wait3A_147 : memref<80x128xf32, #tpu.memory_space<hbm>>)
        tpu.yield
      }) : () -> ()
    } else {
    }
    %add3A_105 = arith.constant 64 : i32
    %add3A_106 = arith.addi %arg1, %add3A_105 : i32
    %lt3A_107 = arith.constant 125 : i32
    %lt3A_108 = arith.cmpi slt, %add3A_106, %lt3A_107 : i32
    %convert_element_type3A_109 = arith.extui %lt3A_108 : i1 to i32
    %cond3A_110 = arith.constant 0 : i32
    %cond3A_111 = arith.cmpi ne, %convert_element_type3A_109, %cond3A_110 : i32
    scf.if %cond3A_111 {
      %mul3A_133 = arith.constant 80 : i32
      %mul3A_134 = arith.muli %add3A_106, %mul3A_133 : i32
      "tpu.region"() ({
        %run_scoped3A = tpu.sem_alloc : memref<!tpu.dma_semaphore, #tpu.memory_space<semaphore_mem>>
        %dma_start3A = arith.constant 0 : i32
        %dma_start3A_137 = tpu.memref_slice %arg20[%mul3A_134, %dma_start3A] : memref<10000x128xf32, #tpu.memory_space<vmem_shared>> -> memref<80x128xf32, #tpu.memory_space<vmem_shared>>
        %dma_start3A_138 = arith.constant 0 : i32
        %dma_start3A_139 = tpu.memref_slice %arg20[%mul3A_134, %dma_start3A_138] : memref<10000x128xf32, #tpu.memory_space<vmem_shared>> -> memref<80x128xf32, #tpu.memory_space<vmem_shared>>
        tpu.enqueue_dma source(%dma_start3A_139 : memref<80x128xf32, #tpu.memory_space<vmem_shared>>) target(%arg17 : memref<80x128xf32, #tpu.memory_space<vmem>>) target_semaphore(%run_scoped3A : memref<!tpu.dma_semaphore, #tpu.memory_space<semaphore_mem>>)
        %dma_wait3A_140 = arith.constant 0 : i32
        %dma_wait3A_141 = tpu.memref_slice %arg20[%mul3A_134, %dma_wait3A_140] : memref<10000x128xf32, #tpu.memory_space<vmem_shared>> -> memref<80x128xf32, #tpu.memory_space<vmem_shared>>
        %dma_wait3A_142 = arith.constant 0 : i32
        %dma_wait3A_143 = tpu.memref_slice %arg20[%mul3A_134, %dma_wait3A_142] : memref<10000x128xf32, #tpu.memory_space<vmem_shared>> -> memref<80x128xf32, #tpu.memory_space<vmem_shared>>
        tpu.wait_dma2 semaphore(%run_scoped3A : memref<!tpu.dma_semaphore, #tpu.memory_space<semaphore_mem>>) src(%dma_wait3A_143 : memref<80x128xf32, #tpu.memory_space<vmem_shared>>) dst(%arg17 : memref<80x128xf32, #tpu.memory_space<vmem>>)
        tpu.yield
      }) : () -> ()
      %mul3A_135 = arith.constant 80 : i32
      %mul3A_136 = arith.muli %add3A_106, %mul3A_135 : i32
      "tpu.region"() ({
        %run_scoped3A = tpu.sem_alloc : memref<!tpu.dma_semaphore, #tpu.memory_space<semaphore_mem>>
        %dma_start3A = arith.constant 0 : i32
        %dma_start3A_137 = tpu.memref_slice %arg6[%arg0, %mul3A_136, %dma_start3A] : memref<2x10000x128xf32, #tpu.memory_space<hbm>> -> memref<1x80x128xf32, #tpu.memory_space<hbm>>
        %dma_start3A_138 = tpu.memref_squeeze %dma_start3A_137 : memref<1x80x128xf32, #tpu.memory_space<hbm>> -> memref<80x128xf32, #tpu.memory_space<hbm>>
        %dma_start3A_139 = arith.constant 0 : i32
        %dma_start3A_140 = tpu.memref_slice %arg6[%arg0, %mul3A_136, %dma_start3A_139] : memref<2x10000x128xf32, #tpu.memory_space<hbm>> -> memref<1x80x128xf32, #tpu.memory_space<hbm>>
        %dma_start3A_141 = tpu.memref_squeeze %dma_start3A_140 : memref<1x80x128xf32, #tpu.memory_space<hbm>> -> memref<80x128xf32, #tpu.memory_space<hbm>>
        tpu.enqueue_dma source(%arg17 : memref<80x128xf32, #tpu.memory_space<vmem>>) target(%dma_start3A_141 : memref<80x128xf32, #tpu.memory_space<hbm>>) target_semaphore(%run_scoped3A : memref<!tpu.dma_semaphore, #tpu.memory_space<semaphore_mem>>)
        %dma_wait3A_142 = arith.constant 0 : i32
        %dma_wait3A_143 = tpu.memref_slice %arg6[%arg0, %mul3A_136, %dma_wait3A_142] : memref<2x10000x128xf32, #tpu.memory_space<hbm>> -> memref<1x80x128xf32, #tpu.memory_space<hbm>>
        %dma_wait3A_144 = tpu.memref_squeeze %dma_wait3A_143 : memref<1x80x128xf32, #tpu.memory_space<hbm>> -> memref<80x128xf32, #tpu.memory_space<hbm>>
        %dma_wait3A_145 = arith.constant 0 : i32
        %dma_wait3A_146 = tpu.memref_slice %arg6[%arg0, %mul3A_136, %dma_wait3A_145] : memref<2x10000x128xf32, #tpu.memory_space<hbm>> -> memref<1x80x128xf32, #tpu.memory_space<hbm>>
        %dma_wait3A_147 = tpu.memref_squeeze %dma_wait3A_146 : memref<1x80x128xf32, #tpu.memory_space<hbm>> -> memref<80x128xf32, #tpu.memory_space<hbm>>
        tpu.wait_dma2 semaphore(%run_scoped3A : memref<!tpu.dma_semaphore, #tpu.memory_space<semaphore_mem>>) src(%arg17 : memref<80x128xf32, #tpu.memory_space<vmem>>) dst(%dma_wait3A_147 : memref<80x128xf32, #tpu.memory_space<hbm>>)
        tpu.yield
      }) : () -> ()
    } else {
    }
    %add3A_112 = arith.constant 80 : i32
    %add3A_113 = arith.addi %arg1, %add3A_112 : i32
    %lt3A_114 = arith.constant 125 : i32
    %lt3A_115 = arith.cmpi slt, %add3A_113, %lt3A_114 : i32
    %convert_element_type3A_116 = arith.extui %lt3A_115 : i1 to i32
    %cond3A_117 = arith.constant 0 : i32
    %cond3A_118 = arith.cmpi ne, %convert_element_type3A_116, %cond3A_117 : i32
    scf.if %cond3A_118 {
      %mul3A_133 = arith.constant 80 : i32
      %mul3A_134 = arith.muli %add3A_113, %mul3A_133 : i32
      "tpu.region"() ({
        %run_scoped3A = tpu.sem_alloc : memref<!tpu.dma_semaphore, #tpu.memory_space<semaphore_mem>>
        %dma_start3A = arith.constant 0 : i32
        %dma_start3A_137 = tpu.memref_slice %arg20[%mul3A_134, %dma_start3A] : memref<10000x128xf32, #tpu.memory_space<vmem_shared>> -> memref<80x128xf32, #tpu.memory_space<vmem_shared>>
        %dma_start3A_138 = arith.constant 0 : i32
        %dma_start3A_139 = tpu.memref_slice %arg20[%mul3A_134, %dma_start3A_138] : memref<10000x128xf32, #tpu.memory_space<vmem_shared>> -> memref<80x128xf32, #tpu.memory_space<vmem_shared>>
        tpu.enqueue_dma source(%dma_start3A_139 : memref<80x128xf32, #tpu.memory_space<vmem_shared>>) target(%arg17 : memref<80x128xf32, #tpu.memory_space<vmem>>) target_semaphore(%run_scoped3A : memref<!tpu.dma_semaphore, #tpu.memory_space<semaphore_mem>>)
        %dma_wait3A_140 = arith.constant 0 : i32
        %dma_wait3A_141 = tpu.memref_slice %arg20[%mul3A_134, %dma_wait3A_140] : memref<10000x128xf32, #tpu.memory_space<vmem_shared>> -> memref<80x128xf32, #tpu.memory_space<vmem_shared>>
        %dma_wait3A_142 = arith.constant 0 : i32
        %dma_wait3A_143 = tpu.memref_slice %arg20[%mul3A_134, %dma_wait3A_142] : memref<10000x128xf32, #tpu.memory_space<vmem_shared>> -> memref<80x128xf32, #tpu.memory_space<vmem_shared>>
        tpu.wait_dma2 semaphore(%run_scoped3A : memref<!tpu.dma_semaphore, #tpu.memory_space<semaphore_mem>>) src(%dma_wait3A_143 : memref<80x128xf32, #tpu.memory_space<vmem_shared>>) dst(%arg17 : memref<80x128xf32, #tpu.memory_space<vmem>>)
        tpu.yield
      }) : () -> ()
      %mul3A_135 = arith.constant 80 : i32
      %mul3A_136 = arith.muli %add3A_113, %mul3A_135 : i32
      "tpu.region"() ({
        %run_scoped3A = tpu.sem_alloc : memref<!tpu.dma_semaphore, #tpu.memory_space<semaphore_mem>>
        %dma_start3A = arith.constant 0 : i32
        %dma_start3A_137 = tpu.memref_slice %arg6[%arg0, %mul3A_136, %dma_start3A] : memref<2x10000x128xf32, #tpu.memory_space<hbm>> -> memref<1x80x128xf32, #tpu.memory_space<hbm>>
        %dma_start3A_138 = tpu.memref_squeeze %dma_start3A_137 : memref<1x80x128xf32, #tpu.memory_space<hbm>> -> memref<80x128xf32, #tpu.memory_space<hbm>>
        %dma_start3A_139 = arith.constant 0 : i32
        %dma_start3A_140 = tpu.memref_slice %arg6[%arg0, %mul3A_136, %dma_start3A_139] : memref<2x10000x128xf32, #tpu.memory_space<hbm>> -> memref<1x80x128xf32, #tpu.memory_space<hbm>>
        %dma_start3A_141 = tpu.memref_squeeze %dma_start3A_140 : memref<1x80x128xf32, #tpu.memory_space<hbm>> -> memref<80x128xf32, #tpu.memory_space<hbm>>
        tpu.enqueue_dma source(%arg17 : memref<80x128xf32, #tpu.memory_space<vmem>>) target(%dma_start3A_141 : memref<80x128xf32, #tpu.memory_space<hbm>>) target_semaphore(%run_scoped3A : memref<!tpu.dma_semaphore, #tpu.memory_space<semaphore_mem>>)
        %dma_wait3A_142 = arith.constant 0 : i32
        %dma_wait3A_143 = tpu.memref_slice %arg6[%arg0, %mul3A_136, %dma_wait3A_142] : memref<2x10000x128xf32, #tpu.memory_space<hbm>> -> memref<1x80x128xf32, #tpu.memory_space<hbm>>
        %dma_wait3A_144 = tpu.memref_squeeze %dma_wait3A_143 : memref<1x80x128xf32, #tpu.memory_space<hbm>> -> memref<80x128xf32, #tpu.memory_space<hbm>>
        %dma_wait3A_145 = arith.constant 0 : i32
        %dma_wait3A_146 = tpu.memref_slice %arg6[%arg0, %mul3A_136, %dma_wait3A_145] : memref<2x10000x128xf32, #tpu.memory_space<hbm>> -> memref<1x80x128xf32, #tpu.memory_space<hbm>>
        %dma_wait3A_147 = tpu.memref_squeeze %dma_wait3A_146 : memref<1x80x128xf32, #tpu.memory_space<hbm>> -> memref<80x128xf32, #tpu.memory_space<hbm>>
        tpu.wait_dma2 semaphore(%run_scoped3A : memref<!tpu.dma_semaphore, #tpu.memory_space<semaphore_mem>>) src(%arg17 : memref<80x128xf32, #tpu.memory_space<vmem>>) dst(%dma_wait3A_147 : memref<80x128xf32, #tpu.memory_space<hbm>>)
        tpu.yield
      }) : () -> ()
    } else {
    }
    %add3A_119 = arith.constant 96 : i32
    %add3A_120 = arith.addi %arg1, %add3A_119 : i32
    %lt3A_121 = arith.constant 125 : i32
    %lt3A_122 = arith.cmpi slt, %add3A_120, %lt3A_121 : i32
    %convert_element_type3A_123 = arith.extui %lt3A_122 : i1 to i32
    %cond3A_124 = arith.constant 0 : i32
    %cond3A_125 = arith.cmpi ne, %convert_element_type3A_123, %cond3A_124 : i32
    scf.if %cond3A_125 {
      %mul3A_133 = arith.constant 80 : i32
      %mul3A_134 = arith.muli %add3A_120, %mul3A_133 : i32
      "tpu.region"() ({
        %run_scoped3A = tpu.sem_alloc : memref<!tpu.dma_semaphore, #tpu.memory_space<semaphore_mem>>
        %dma_start3A = arith.constant 0 : i32
        %dma_start3A_137 = tpu.memref_slice %arg20[%mul3A_134, %dma_start3A] : memref<10000x128xf32, #tpu.memory_space<vmem_shared>> -> memref<80x128xf32, #tpu.memory_space<vmem_shared>>
        %dma_start3A_138 = arith.constant 0 : i32
        %dma_start3A_139 = tpu.memref_slice %arg20[%mul3A_134, %dma_start3A_138] : memref<10000x128xf32, #tpu.memory_space<vmem_shared>> -> memref<80x128xf32, #tpu.memory_space<vmem_shared>>
        tpu.enqueue_dma source(%dma_start3A_139 : memref<80x128xf32, #tpu.memory_space<vmem_shared>>) target(%arg17 : memref<80x128xf32, #tpu.memory_space<vmem>>) target_semaphore(%run_scoped3A : memref<!tpu.dma_semaphore, #tpu.memory_space<semaphore_mem>>)
        %dma_wait3A_140 = arith.constant 0 : i32
        %dma_wait3A_141 = tpu.memref_slice %arg20[%mul3A_134, %dma_wait3A_140] : memref<10000x128xf32, #tpu.memory_space<vmem_shared>> -> memref<80x128xf32, #tpu.memory_space<vmem_shared>>
        %dma_wait3A_142 = arith.constant 0 : i32
        %dma_wait3A_143 = tpu.memref_slice %arg20[%mul3A_134, %dma_wait3A_142] : memref<10000x128xf32, #tpu.memory_space<vmem_shared>> -> memref<80x128xf32, #tpu.memory_space<vmem_shared>>
        tpu.wait_dma2 semaphore(%run_scoped3A : memref<!tpu.dma_semaphore, #tpu.memory_space<semaphore_mem>>) src(%dma_wait3A_143 : memref<80x128xf32, #tpu.memory_space<vmem_shared>>) dst(%arg17 : memref<80x128xf32, #tpu.memory_space<vmem>>)
        tpu.yield
      }) : () -> ()
      %mul3A_135 = arith.constant 80 : i32
      %mul3A_136 = arith.muli %add3A_120, %mul3A_135 : i32
      "tpu.region"() ({
        %run_scoped3A = tpu.sem_alloc : memref<!tpu.dma_semaphore, #tpu.memory_space<semaphore_mem>>
        %dma_start3A = arith.constant 0 : i32
        %dma_start3A_137 = tpu.memref_slice %arg6[%arg0, %mul3A_136, %dma_start3A] : memref<2x10000x128xf32, #tpu.memory_space<hbm>> -> memref<1x80x128xf32, #tpu.memory_space<hbm>>
        %dma_start3A_138 = tpu.memref_squeeze %dma_start3A_137 : memref<1x80x128xf32, #tpu.memory_space<hbm>> -> memref<80x128xf32, #tpu.memory_space<hbm>>
        %dma_start3A_139 = arith.constant 0 : i32
        %dma_start3A_140 = tpu.memref_slice %arg6[%arg0, %mul3A_136, %dma_start3A_139] : memref<2x10000x128xf32, #tpu.memory_space<hbm>> -> memref<1x80x128xf32, #tpu.memory_space<hbm>>
        %dma_start3A_141 = tpu.memref_squeeze %dma_start3A_140 : memref<1x80x128xf32, #tpu.memory_space<hbm>> -> memref<80x128xf32, #tpu.memory_space<hbm>>
        tpu.enqueue_dma source(%arg17 : memref<80x128xf32, #tpu.memory_space<vmem>>) target(%dma_start3A_141 : memref<80x128xf32, #tpu.memory_space<hbm>>) target_semaphore(%run_scoped3A : memref<!tpu.dma_semaphore, #tpu.memory_space<semaphore_mem>>)
        %dma_wait3A_142 = arith.constant 0 : i32
        %dma_wait3A_143 = tpu.memref_slice %arg6[%arg0, %mul3A_136, %dma_wait3A_142] : memref<2x10000x128xf32, #tpu.memory_space<hbm>> -> memref<1x80x128xf32, #tpu.memory_space<hbm>>
        %dma_wait3A_144 = tpu.memref_squeeze %dma_wait3A_143 : memref<1x80x128xf32, #tpu.memory_space<hbm>> -> memref<80x128xf32, #tpu.memory_space<hbm>>
        %dma_wait3A_145 = arith.constant 0 : i32
        %dma_wait3A_146 = tpu.memref_slice %arg6[%arg0, %mul3A_136, %dma_wait3A_145] : memref<2x10000x128xf32, #tpu.memory_space<hbm>> -> memref<1x80x128xf32, #tpu.memory_space<hbm>>
        %dma_wait3A_147 = tpu.memref_squeeze %dma_wait3A_146 : memref<1x80x128xf32, #tpu.memory_space<hbm>> -> memref<80x128xf32, #tpu.memory_space<hbm>>
        tpu.wait_dma2 semaphore(%run_scoped3A : memref<!tpu.dma_semaphore, #tpu.memory_space<semaphore_mem>>) src(%arg17 : memref<80x128xf32, #tpu.memory_space<vmem>>) dst(%dma_wait3A_147 : memref<80x128xf32, #tpu.memory_space<hbm>>)
        tpu.yield
      }) : () -> ()
    } else {
    }
    %add3A_126 = arith.constant 112 : i32
    %add3A_127 = arith.addi %arg1, %add3A_126 : i32
    %lt3A_128 = arith.constant 125 : i32
    %lt3A_129 = arith.cmpi slt, %add3A_127, %lt3A_128 : i32
    %convert_element_type3A_130 = arith.extui %lt3A_129 : i1 to i32
    %cond3A_131 = arith.constant 0 : i32
    %cond3A_132 = arith.cmpi ne, %convert_element_type3A_130, %cond3A_131 : i32
    scf.if %cond3A_132 {
      %mul3A_133 = arith.constant 80 : i32
      %mul3A_134 = arith.muli %add3A_127, %mul3A_133 : i32
      "tpu.region"() ({
        %run_scoped3A = tpu.sem_alloc : memref<!tpu.dma_semaphore, #tpu.memory_space<semaphore_mem>>
        %dma_start3A = arith.constant 0 : i32
        %dma_start3A_137 = tpu.memref_slice %arg20[%mul3A_134, %dma_start3A] : memref<10000x128xf32, #tpu.memory_space<vmem_shared>> -> memref<80x128xf32, #tpu.memory_space<vmem_shared>>
        %dma_start3A_138 = arith.constant 0 : i32
        %dma_start3A_139 = tpu.memref_slice %arg20[%mul3A_134, %dma_start3A_138] : memref<10000x128xf32, #tpu.memory_space<vmem_shared>> -> memref<80x128xf32, #tpu.memory_space<vmem_shared>>
        tpu.enqueue_dma source(%dma_start3A_139 : memref<80x128xf32, #tpu.memory_space<vmem_shared>>) target(%arg17 : memref<80x128xf32, #tpu.memory_space<vmem>>) target_semaphore(%run_scoped3A : memref<!tpu.dma_semaphore, #tpu.memory_space<semaphore_mem>>)
        %dma_wait3A_140 = arith.constant 0 : i32
        %dma_wait3A_141 = tpu.memref_slice %arg20[%mul3A_134, %dma_wait3A_140] : memref<10000x128xf32, #tpu.memory_space<vmem_shared>> -> memref<80x128xf32, #tpu.memory_space<vmem_shared>>
        %dma_wait3A_142 = arith.constant 0 : i32
        %dma_wait3A_143 = tpu.memref_slice %arg20[%mul3A_134, %dma_wait3A_142] : memref<10000x128xf32, #tpu.memory_space<vmem_shared>> -> memref<80x128xf32, #tpu.memory_space<vmem_shared>>
        tpu.wait_dma2 semaphore(%run_scoped3A : memref<!tpu.dma_semaphore, #tpu.memory_space<semaphore_mem>>) src(%dma_wait3A_143 : memref<80x128xf32, #tpu.memory_space<vmem_shared>>) dst(%arg17 : memref<80x128xf32, #tpu.memory_space<vmem>>)
        tpu.yield
      }) : () -> ()
      %mul3A_135 = arith.constant 80 : i32
      %mul3A_136 = arith.muli %add3A_127, %mul3A_135 : i32
      "tpu.region"() ({
        %run_scoped3A = tpu.sem_alloc : memref<!tpu.dma_semaphore, #tpu.memory_space<semaphore_mem>>
        %dma_start3A = arith.constant 0 : i32
        %dma_start3A_137 = tpu.memref_slice %arg6[%arg0, %mul3A_136, %dma_start3A] : memref<2x10000x128xf32, #tpu.memory_space<hbm>> -> memref<1x80x128xf32, #tpu.memory_space<hbm>>
        %dma_start3A_138 = tpu.memref_squeeze %dma_start3A_137 : memref<1x80x128xf32, #tpu.memory_space<hbm>> -> memref<80x128xf32, #tpu.memory_space<hbm>>
        %dma_start3A_139 = arith.constant 0 : i32
        %dma_start3A_140 = tpu.memref_slice %arg6[%arg0, %mul3A_136, %dma_start3A_139] : memref<2x10000x128xf32, #tpu.memory_space<hbm>> -> memref<1x80x128xf32, #tpu.memory_space<hbm>>
        %dma_start3A_141 = tpu.memref_squeeze %dma_start3A_140 : memref<1x80x128xf32, #tpu.memory_space<hbm>> -> memref<80x128xf32, #tpu.memory_space<hbm>>
        tpu.enqueue_dma source(%arg17 : memref<80x128xf32, #tpu.memory_space<vmem>>) target(%dma_start3A_141 : memref<80x128xf32, #tpu.memory_space<hbm>>) target_semaphore(%run_scoped3A : memref<!tpu.dma_semaphore, #tpu.memory_space<semaphore_mem>>)
        %dma_wait3A_142 = arith.constant 0 : i32
        %dma_wait3A_143 = tpu.memref_slice %arg6[%arg0, %mul3A_136, %dma_wait3A_142] : memref<2x10000x128xf32, #tpu.memory_space<hbm>> -> memref<1x80x128xf32, #tpu.memory_space<hbm>>
        %dma_wait3A_144 = tpu.memref_squeeze %dma_wait3A_143 : memref<1x80x128xf32, #tpu.memory_space<hbm>> -> memref<80x128xf32, #tpu.memory_space<hbm>>
        %dma_wait3A_145 = arith.constant 0 : i32
        %dma_wait3A_146 = tpu.memref_slice %arg6[%arg0, %mul3A_136, %dma_wait3A_145] : memref<2x10000x128xf32, #tpu.memory_space<hbm>> -> memref<1x80x128xf32, #tpu.memory_space<hbm>>
        %dma_wait3A_147 = tpu.memref_squeeze %dma_wait3A_146 : memref<1x80x128xf32, #tpu.memory_space<hbm>> -> memref<80x128xf32, #tpu.memory_space<hbm>>
        tpu.wait_dma2 semaphore(%run_scoped3A : memref<!tpu.dma_semaphore, #tpu.memory_space<semaphore_mem>>) src(%arg17 : memref<80x128xf32, #tpu.memory_space<vmem>>) dst(%dma_wait3A_147 : memref<80x128xf32, #tpu.memory_space<hbm>>)
        tpu.yield
      }) : () -> ()
    } else {
    }
    return
  }
}

module attributes {stable_mosaic.version = 14 : i64} {
  func.func @_phase_a_body(%arg0: i32, %arg1: memref<1000x128xf32, #tpu.memory_space<vmem>>, %arg2: memref<1x128xf32, #tpu.memory_space<vmem>>, %arg3: memref<1x128xf32, #tpu.memory_space<vmem>>, %arg4: memref<8x128x128xf32, #tpu.memory_space<vmem>>, %arg5: memref<128x128xf32, #tpu.memory_space<vmem>>, %arg6: memref<1x128xf32, #tpu.memory_space<vmem>>, %arg7: memref<2500x128xi32, #tpu.memory_space<vmem>>, %arg8: memref<2500x128xi32, #tpu.memory_space<vmem>>, %arg9: memref<2500x128xi32, #tpu.memory_space<vmem>>, %arg10: memref<1000x1024xf32, #tpu.memory_space<vmem>>, %arg11: memref<1000x128xf32, #tpu.memory_space<vmem>>, %arg12: memref<2500x128xi32, #tpu.memory_space<vmem>>, %arg13: memref<2500x128xi32, #tpu.memory_space<vmem>>) attributes {dimension_semantics = [#tpu.dimension_semantics<arbitrary>], iteration_bounds = array<i64: 10>, scalar_prefetch = 0 : i64, scratch_operands = 0 : i64, tpu.core_type = #tpu.core_type<tc>, window_params = [{transform_indices = @transform_0, window_bounds = array<i64: 1000, 128>}, {pipeline_mode = #tpu.pipeline_mode<synchronous>, transform_indices = @transform_1, window_bounds = array<i64: 1, 128>}, {pipeline_mode = #tpu.pipeline_mode<synchronous>, transform_indices = @transform_2, window_bounds = array<i64: 1, 128>}, {pipeline_mode = #tpu.pipeline_mode<synchronous>, transform_indices = @transform_3, window_bounds = array<i64: 8, 128, 128>}, {pipeline_mode = #tpu.pipeline_mode<synchronous>, transform_indices = @transform_4, window_bounds = array<i64: 128, 128>}, {pipeline_mode = #tpu.pipeline_mode<synchronous>, transform_indices = @transform_5, window_bounds = array<i64: 1, 128>}, {pipeline_mode = #tpu.pipeline_mode<synchronous>, transform_indices = @transform_6, window_bounds = array<i64: 2500, 128>}, {pipeline_mode = #tpu.pipeline_mode<synchronous>, transform_indices = @transform_7, window_bounds = array<i64: 2500, 128>}, {pipeline_mode = #tpu.pipeline_mode<synchronous>, transform_indices = @transform_8, window_bounds = array<i64: 2500, 128>}, {transform_indices = @transform_9, window_bounds = array<i64: 1000, 1024>}, {transform_indices = @transform_10, window_bounds = array<i64: 1000, 128>}, {pipeline_mode = #tpu.pipeline_mode<synchronous>, transform_indices = @transform_11, window_bounds = array<i64: 2500, 128>}, {pipeline_mode = #tpu.pipeline_mode<synchronous>, transform_indices = @transform_12, window_bounds = array<i64: 2500, 128>}]} {
    %eq3A = arith.constant 0 : i32
    %eq3A_0 = arith.cmpi eq, %arg0, %eq3A : i32
    %convert_element_type3A = arith.extui %eq3A_0 : i1 to i32
    %cond3A = arith.constant 0 : i32
    %cond3A_1 = arith.cmpi ne, %convert_element_type3A, %cond3A : i32
    scf.if %cond3A_1 {
      %get3A_123 = arith.constant 0 : index
      %get3A_124 = arith.constant 0 : index
      %get3A_125 = vector.load %arg9[%get3A_123, %get3A_124] : memref<2500x128xi32, #tpu.memory_space<vmem>>, vector<2500x128xi32>
      %get3A_126 = arith.constant 0 : index
      %get3A_127 = arith.constant 0 : index
      %get3A_128 = vector.load %arg7[%get3A_126, %get3A_127] : memref<2500x128xi32, #tpu.memory_space<vmem>>, vector<2500x128xi32>
      %mul3A_129 = arith.constant 8 : i32
      %mul3A_130 = vector.broadcast %mul3A_129 : i32 to vector<2500x128xi32>
      %mul3A_131 = arith.muli %get3A_128, %mul3A_130 : vector<2500x128xi32>
      %add3A_132 = arith.addi %mul3A_131, %get3A_125 : vector<2500x128xi32>
      %swap3A_133 = arith.constant 0 : index
      %swap3A_134 = arith.constant 0 : index
      %swap3A_135 = vector.load %arg12[%swap3A_133, %swap3A_134] : memref<2500x128xi32, #tpu.memory_space<vmem>>, vector<2500x128xi32>
      tpu.vector_store %arg12[%swap3A_133, %swap3A_134], %add3A_132 {strides = array<i32>} : memref<2500x128xi32, #tpu.memory_space<vmem>>, vector<2500x128xi32>,
      %get3A_136 = arith.constant 0 : index
      %get3A_137 = arith.constant 0 : index
      %get3A_138 = vector.load %arg8[%get3A_136, %get3A_137] : memref<2500x128xi32, #tpu.memory_space<vmem>>, vector<2500x128xi32>
      %mul3A_139 = arith.constant 8 : i32
      %mul3A_140 = vector.broadcast %mul3A_139 : i32 to vector<2500x128xi32>
      %mul3A_141 = arith.muli %get3A_138, %mul3A_140 : vector<2500x128xi32>
      %add3A_142 = arith.addi %mul3A_141, %get3A_125 : vector<2500x128xi32>
      %swap3A_143 = arith.constant 0 : index
      %swap3A_144 = arith.constant 0 : index
      %swap3A_145 = vector.load %arg13[%swap3A_143, %swap3A_144] : memref<2500x128xi32, #tpu.memory_space<vmem>>, vector<2500x128xi32>
      tpu.vector_store %arg13[%swap3A_143, %swap3A_144], %add3A_142 {strides = array<i32>} : memref<2500x128xi32, #tpu.memory_space<vmem>>, vector<2500x128xi32>,
    } else {
    }
    %get3A = arith.constant 0 : index
    %get3A_2 = arith.constant 0 : index
    %get3A_3 = vector.load %arg1[%get3A, %get3A_2] : memref<1000x128xf32, #tpu.memory_space<vmem>>, vector<1000x128xf32>
    %reduce_sum3A = arith.constant dense<0.000000e+00> : vector<1000xf32>
    %reduce_sum3A_4 = vector.multi_reduction <add>, %get3A_3, %reduce_sum3A [1] : vector<1000x128xf32> to vector<1000xf32>
    %broadcast_in_dim3A = vector.shape_cast %reduce_sum3A_4 : vector<1000xf32> to vector<1000x1xf32>
    %div3A = arith.constant 1.280000e+02 : f32
    %div3A_5 = vector.broadcast %div3A : f32 to vector<1000x1xf32>
    %div3A_6 = arith.divf %broadcast_in_dim3A, %div3A_5 : vector<1000x1xf32>
    %sub3A = vector.broadcast %div3A_6 : vector<1000x1xf32> to vector<1000x128xf32>
    %sub3A_7 = arith.subf %get3A_3, %sub3A : vector<1000x128xf32>
    %sub3A_8 = vector.broadcast %div3A_6 : vector<1000x1xf32> to vector<1000x128xf32>
    %sub3A_9 = arith.subf %get3A_3, %sub3A_8 : vector<1000x128xf32>
    %mul3A = arith.mulf %sub3A_7, %sub3A_9 : vector<1000x128xf32>
    %reduce_sum3A_10 = arith.constant dense<0.000000e+00> : vector<1000xf32>
    %reduce_sum3A_11 = vector.multi_reduction <add>, %mul3A, %reduce_sum3A_10 [1] : vector<1000x128xf32> to vector<1000xf32>
    %broadcast_in_dim3A_12 = vector.shape_cast %reduce_sum3A_11 : vector<1000xf32> to vector<1000x1xf32>
    %div3A_13 = arith.constant 1.280000e+02 : f32
    %div3A_14 = vector.broadcast %div3A_13 : f32 to vector<1000x1xf32>
    %div3A_15 = arith.divf %broadcast_in_dim3A_12, %div3A_14 : vector<1000x1xf32>
    %sub3A_16 = vector.broadcast %div3A_6 : vector<1000x1xf32> to vector<1000x128xf32>
    %sub3A_17 = arith.subf %get3A_3, %sub3A_16 : vector<1000x128xf32>
    %add3A = arith.constant 9.99999974E-6 : f32
    %add3A_18 = vector.broadcast %add3A : f32 to vector<1000x1xf32>
    %add3A_19 = arith.addf %div3A_15, %add3A_18 : vector<1000x1xf32>
    %rsqrt3A = math.rsqrt %add3A_19 : vector<1000x1xf32>
    %mul3A_20 = vector.broadcast %rsqrt3A : vector<1000x1xf32> to vector<1000x128xf32>
    %mul3A_21 = arith.mulf %sub3A_17, %mul3A_20 : vector<1000x128xf32>
    %get3A_22 = arith.constant 0 : index
    %get3A_23 = arith.constant 0 : index
    %get3A_24 = vector.load %arg2[%get3A_22, %get3A_23] : memref<1x128xf32, #tpu.memory_space<vmem>>, vector<1x128xf32>
    %mul3A_25 = vector.broadcast %get3A_24 : vector<1x128xf32> to vector<1000x128xf32>
    %mul3A_26 = arith.mulf %mul3A_21, %mul3A_25 : vector<1000x128xf32>
    %get3A_27 = arith.constant 0 : index
    %get3A_28 = arith.constant 0 : index
    %get3A_29 = vector.load %arg3[%get3A_27, %get3A_28] : memref<1x128xf32, #tpu.memory_space<vmem>>, vector<1x128xf32>
    %add3A_30 = vector.broadcast %get3A_29 : vector<1x128xf32> to vector<1000x128xf32>
    %add3A_31 = arith.addf %mul3A_26, %add3A_30 : vector<1000x128xf32>
    %get3A_32 = arith.constant 0 : index
    %get3A_33 = arith.constant 0 : index
    %get3A_34 = vector.load %arg5[%get3A_32, %get3A_33] : memref<128x128xf32, #tpu.memory_space<vmem>>, vector<128x128xf32>
    %dot_general3A = arith.constant dense<0.000000e+00> : vector<1000x128xf32>
    %dot_general3A_35 = tpu.matmul %add3A_31, %get3A_34, %dot_general3A {dimension_numbers = #tpu.dot_dimension_numbers<[1], [0], [0], [1], [0, 0, 1, 1], [], []>, precision = #tpu.contract_precision<fp32>, transpose_lhs_hint = false} : vector<1000x128xf32>, vector<128x128xf32>, vector<1000x128xf32> -> vector<1000x128xf32>
    %get3A_36 = arith.constant 0 : index
    %get3A_37 = arith.constant 0 : index
    %get3A_38 = vector.load %arg6[%get3A_36, %get3A_37] : memref<1x128xf32, #tpu.memory_space<vmem>>, vector<1x128xf32>
    %add3A_39 = vector.broadcast %get3A_38 : vector<1x128xf32> to vector<1000x128xf32>
    %add3A_40 = arith.addf %dot_general3A_35, %add3A_39 : vector<1000x128xf32>
    %swap3A = arith.constant 0 : index
    %swap3A_41 = arith.constant 0 : index
    %swap3A_42 = vector.load %arg11[%swap3A, %swap3A_41] : memref<1000x128xf32, #tpu.memory_space<vmem>>, vector<1000x128xf32>
    tpu.vector_store %arg11[%swap3A, %swap3A_41], %add3A_40 {strides = array<i32>} : memref<1000x128xf32, #tpu.memory_space<vmem>>, vector<1000x128xf32>,
    %get3A_43 = arith.constant 0 : index
    %get3A_44 = arith.constant 0 : index
    %get3A_45 = arith.constant 0 : index
    %get3A_46 = vector.load %arg4[%get3A_43, %get3A_44, %get3A_45] : memref<8x128x128xf32, #tpu.memory_space<vmem>>, vector<1x128x128xf32>
    %get3A_47 = vector.shape_cast %get3A_46 : vector<1x128x128xf32> to vector<128x128xf32>
    %dot_general3A_48 = arith.constant dense<0.000000e+00> : vector<1000x128xf32>
    %dot_general3A_49 = tpu.matmul %add3A_31, %get3A_47, %dot_general3A_48 {dimension_numbers = #tpu.dot_dimension_numbers<[1], [0], [0], [1], [0, 0, 1, 1], [], []>, precision = #tpu.contract_precision<fp32>, transpose_lhs_hint = false} : vector<1000x128xf32>, vector<128x128xf32>, vector<1000x128xf32> -> vector<1000x128xf32>
    %swap3A_50 = arith.constant 0 : index
    %swap3A_51 = arith.constant 0 : index
    %swap3A_52 = vector.load %arg10[%swap3A_50, %swap3A_51] : memref<1000x1024xf32, #tpu.memory_space<vmem>>, vector<1000x128xf32>
    tpu.vector_store %arg10[%swap3A_50, %swap3A_51], %dot_general3A_49 {strides = array<i32>} : memref<1000x1024xf32, #tpu.memory_space<vmem>>, vector<1000x128xf32>,
    %get3A_53 = arith.constant 1 : index
    %get3A_54 = arith.constant 0 : index
    %get3A_55 = arith.constant 0 : index
    %get3A_56 = vector.load %arg4[%get3A_53, %get3A_54, %get3A_55] : memref<8x128x128xf32, #tpu.memory_space<vmem>>, vector<1x128x128xf32>
    %get3A_57 = vector.shape_cast %get3A_56 : vector<1x128x128xf32> to vector<128x128xf32>
    %dot_general3A_58 = arith.constant dense<0.000000e+00> : vector<1000x128xf32>
    %dot_general3A_59 = tpu.matmul %add3A_31, %get3A_57, %dot_general3A_58 {dimension_numbers = #tpu.dot_dimension_numbers<[1], [0], [0], [1], [0, 0, 1, 1], [], []>, precision = #tpu.contract_precision<fp32>, transpose_lhs_hint = false} : vector<1000x128xf32>, vector<128x128xf32>, vector<1000x128xf32> -> vector<1000x128xf32>
    %swap3A_60 = arith.constant 0 : index
    %swap3A_61 = arith.constant 128 : index
    %swap3A_62 = vector.load %arg10[%swap3A_60, %swap3A_61] : memref<1000x1024xf32, #tpu.memory_space<vmem>>, vector<1000x128xf32>
    tpu.vector_store %arg10[%swap3A_60, %swap3A_61], %dot_general3A_59 {strides = array<i32>} : memref<1000x1024xf32, #tpu.memory_space<vmem>>, vector<1000x128xf32>,
    %get3A_63 = arith.constant 2 : index
    %get3A_64 = arith.constant 0 : index
    %get3A_65 = arith.constant 0 : index
    %get3A_66 = vector.load %arg4[%get3A_63, %get3A_64, %get3A_65] : memref<8x128x128xf32, #tpu.memory_space<vmem>>, vector<1x128x128xf32>
    %get3A_67 = vector.shape_cast %get3A_66 : vector<1x128x128xf32> to vector<128x128xf32>
    %dot_general3A_68 = arith.constant dense<0.000000e+00> : vector<1000x128xf32>
    %dot_general3A_69 = tpu.matmul %add3A_31, %get3A_67, %dot_general3A_68 {dimension_numbers = #tpu.dot_dimension_numbers<[1], [0], [0], [1], [0, 0, 1, 1], [], []>, precision = #tpu.contract_precision<fp32>, transpose_lhs_hint = false} : vector<1000x128xf32>, vector<128x128xf32>, vector<1000x128xf32> -> vector<1000x128xf32>
    %swap3A_70 = arith.constant 0 : index
    %swap3A_71 = arith.constant 256 : index
    %swap3A_72 = vector.load %arg10[%swap3A_70, %swap3A_71] : memref<1000x1024xf32, #tpu.memory_space<vmem>>, vector<1000x128xf32>
    tpu.vector_store %arg10[%swap3A_70, %swap3A_71], %dot_general3A_69 {strides = array<i32>} : memref<1000x1024xf32, #tpu.memory_space<vmem>>, vector<1000x128xf32>,
    %get3A_73 = arith.constant 3 : index
    %get3A_74 = arith.constant 0 : index
    %get3A_75 = arith.constant 0 : index
    %get3A_76 = vector.load %arg4[%get3A_73, %get3A_74, %get3A_75] : memref<8x128x128xf32, #tpu.memory_space<vmem>>, vector<1x128x128xf32>
    %get3A_77 = vector.shape_cast %get3A_76 : vector<1x128x128xf32> to vector<128x128xf32>
    %dot_general3A_78 = arith.constant dense<0.000000e+00> : vector<1000x128xf32>
    %dot_general3A_79 = tpu.matmul %add3A_31, %get3A_77, %dot_general3A_78 {dimension_numbers = #tpu.dot_dimension_numbers<[1], [0], [0], [1], [0, 0, 1, 1], [], []>, precision = #tpu.contract_precision<fp32>, transpose_lhs_hint = false} : vector<1000x128xf32>, vector<128x128xf32>, vector<1000x128xf32> -> vector<1000x128xf32>
    %swap3A_80 = arith.constant 0 : index
    %swap3A_81 = arith.constant 384 : index
    %swap3A_82 = vector.load %arg10[%swap3A_80, %swap3A_81] : memref<1000x1024xf32, #tpu.memory_space<vmem>>, vector<1000x128xf32>
    tpu.vector_store %arg10[%swap3A_80, %swap3A_81], %dot_general3A_79 {strides = array<i32>} : memref<1000x1024xf32, #tpu.memory_space<vmem>>, vector<1000x128xf32>,
    %get3A_83 = arith.constant 4 : index
    %get3A_84 = arith.constant 0 : index
    %get3A_85 = arith.constant 0 : index
    %get3A_86 = vector.load %arg4[%get3A_83, %get3A_84, %get3A_85] : memref<8x128x128xf32, #tpu.memory_space<vmem>>, vector<1x128x128xf32>
    %get3A_87 = vector.shape_cast %get3A_86 : vector<1x128x128xf32> to vector<128x128xf32>
    %dot_general3A_88 = arith.constant dense<0.000000e+00> : vector<1000x128xf32>
    %dot_general3A_89 = tpu.matmul %add3A_31, %get3A_87, %dot_general3A_88 {dimension_numbers = #tpu.dot_dimension_numbers<[1], [0], [0], [1], [0, 0, 1, 1], [], []>, precision = #tpu.contract_precision<fp32>, transpose_lhs_hint = false} : vector<1000x128xf32>, vector<128x128xf32>, vector<1000x128xf32> -> vector<1000x128xf32>
    %swap3A_90 = arith.constant 0 : index
    %swap3A_91 = arith.constant 512 : index
    %swap3A_92 = vector.load %arg10[%swap3A_90, %swap3A_91] : memref<1000x1024xf32, #tpu.memory_space<vmem>>, vector<1000x128xf32>
    tpu.vector_store %arg10[%swap3A_90, %swap3A_91], %dot_general3A_89 {strides = array<i32>} : memref<1000x1024xf32, #tpu.memory_space<vmem>>, vector<1000x128xf32>,
    %get3A_93 = arith.constant 5 : index
    %get3A_94 = arith.constant 0 : index
    %get3A_95 = arith.constant 0 : index
    %get3A_96 = vector.load %arg4[%get3A_93, %get3A_94, %get3A_95] : memref<8x128x128xf32, #tpu.memory_space<vmem>>, vector<1x128x128xf32>
    %get3A_97 = vector.shape_cast %get3A_96 : vector<1x128x128xf32> to vector<128x128xf32>
    %dot_general3A_98 = arith.constant dense<0.000000e+00> : vector<1000x128xf32>
    %dot_general3A_99 = tpu.matmul %add3A_31, %get3A_97, %dot_general3A_98 {dimension_numbers = #tpu.dot_dimension_numbers<[1], [0], [0], [1], [0, 0, 1, 1], [], []>, precision = #tpu.contract_precision<fp32>, transpose_lhs_hint = false} : vector<1000x128xf32>, vector<128x128xf32>, vector<1000x128xf32> -> vector<1000x128xf32>
    %swap3A_100 = arith.constant 0 : index
    %swap3A_101 = arith.constant 640 : index
    %swap3A_102 = vector.load %arg10[%swap3A_100, %swap3A_101] : memref<1000x1024xf32, #tpu.memory_space<vmem>>, vector<1000x128xf32>
    tpu.vector_store %arg10[%swap3A_100, %swap3A_101], %dot_general3A_99 {strides = array<i32>} : memref<1000x1024xf32, #tpu.memory_space<vmem>>, vector<1000x128xf32>,
    %get3A_103 = arith.constant 6 : index
    %get3A_104 = arith.constant 0 : index
    %get3A_105 = arith.constant 0 : index
    %get3A_106 = vector.load %arg4[%get3A_103, %get3A_104, %get3A_105] : memref<8x128x128xf32, #tpu.memory_space<vmem>>, vector<1x128x128xf32>
    %get3A_107 = vector.shape_cast %get3A_106 : vector<1x128x128xf32> to vector<128x128xf32>
    %dot_general3A_108 = arith.constant dense<0.000000e+00> : vector<1000x128xf32>
    %dot_general3A_109 = tpu.matmul %add3A_31, %get3A_107, %dot_general3A_108 {dimension_numbers = #tpu.dot_dimension_numbers<[1], [0], [0], [1], [0, 0, 1, 1], [], []>, precision = #tpu.contract_precision<fp32>, transpose_lhs_hint = false} : vector<1000x128xf32>, vector<128x128xf32>, vector<1000x128xf32> -> vector<1000x128xf32>
    %swap3A_110 = arith.constant 0 : index
    %swap3A_111 = arith.constant 768 : index
    %swap3A_112 = vector.load %arg10[%swap3A_110, %swap3A_111] : memref<1000x1024xf32, #tpu.memory_space<vmem>>, vector<1000x128xf32>
    tpu.vector_store %arg10[%swap3A_110, %swap3A_111], %dot_general3A_109 {strides = array<i32>} : memref<1000x1024xf32, #tpu.memory_space<vmem>>, vector<1000x128xf32>,
    %get3A_113 = arith.constant 7 : index
    %get3A_114 = arith.constant 0 : index
    %get3A_115 = arith.constant 0 : index
    %get3A_116 = vector.load %arg4[%get3A_113, %get3A_114, %get3A_115] : memref<8x128x128xf32, #tpu.memory_space<vmem>>, vector<1x128x128xf32>
    %get3A_117 = vector.shape_cast %get3A_116 : vector<1x128x128xf32> to vector<128x128xf32>
    %dot_general3A_118 = arith.constant dense<0.000000e+00> : vector<1000x128xf32>
    %dot_general3A_119 = tpu.matmul %add3A_31, %get3A_117, %dot_general3A_118 {dimension_numbers = #tpu.dot_dimension_numbers<[1], [0], [0], [1], [0, 0, 1, 1], [], []>, precision = #tpu.contract_precision<fp32>, transpose_lhs_hint = false} : vector<1000x128xf32>, vector<128x128xf32>, vector<1000x128xf32> -> vector<1000x128xf32>
    %swap3A_120 = arith.constant 0 : index
    %swap3A_121 = arith.constant 896 : index
    %swap3A_122 = vector.load %arg10[%swap3A_120, %swap3A_121] : memref<1000x1024xf32, #tpu.memory_space<vmem>>, vector<1000x128xf32>
    tpu.vector_store %arg10[%swap3A_120, %swap3A_121], %dot_general3A_119 {strides = array<i32>} : memref<1000x1024xf32, #tpu.memory_space<vmem>>, vector<1000x128xf32>,
    return
  }
  func.func @transform_0(%arg0: i32) -> (i32, i32) {
    %c0_i32 = arith.constant 0 : i32
    %c0_i32_0 = arith.constant 0 : i32
    return %arg0, %c0_i32 : i32, i32
  }
  func.func @transform_1(%arg0: i32) -> (i32, i32) {
    %c0_i32 = arith.constant 0 : i32
    %c0_i32_0 = arith.constant 0 : i32
    %c0_i32_1 = arith.constant 0 : i32
    return %c0_i32, %c0_i32_0 : i32, i32
  }
  func.func @transform_2(%arg0: i32) -> (i32, i32) {
    %c0_i32 = arith.constant 0 : i32
    %c0_i32_0 = arith.constant 0 : i32
    %c0_i32_1 = arith.constant 0 : i32
    return %c0_i32, %c0_i32_0 : i32, i32
  }
  func.func @transform_3(%arg0: i32) -> (i32, i32, i32) {
    %c0_i32 = arith.constant 0 : i32
    %c0_i32_0 = arith.constant 0 : i32
    %c0_i32_1 = arith.constant 0 : i32
    %c0_i32_2 = arith.constant 0 : i32
    return %c0_i32, %c0_i32_0, %c0_i32_1 : i32, i32, i32
  }
  func.func @transform_4(%arg0: i32) -> (i32, i32) {
    %c0_i32 = arith.constant 0 : i32
    %c0_i32_0 = arith.constant 0 : i32
    %c0_i32_1 = arith.constant 0 : i32
    return %c0_i32, %c0_i32_0 : i32, i32
  }
  func.func @transform_5(%arg0: i32) -> (i32, i32) {
    %c0_i32 = arith.constant 0 : i32
    %c0_i32_0 = arith.constant 0 : i32
    %c0_i32_1 = arith.constant 0 : i32
    return %c0_i32, %c0_i32_0 : i32, i32
  }
  func.func @transform_6(%arg0: i32) -> (i32, i32) {
    %c0_i32 = arith.constant 0 : i32
    %c0_i32_0 = arith.constant 0 : i32
    %c0_i32_1 = arith.constant 0 : i32
    return %c0_i32, %c0_i32_0 : i32, i32
  }
  func.func @transform_7(%arg0: i32) -> (i32, i32) {
    %c0_i32 = arith.constant 0 : i32
    %c0_i32_0 = arith.constant 0 : i32
    %c0_i32_1 = arith.constant 0 : i32
    return %c0_i32, %c0_i32_0 : i32, i32
  }
  func.func @transform_8(%arg0: i32) -> (i32, i32) {
    %c0_i32 = arith.constant 0 : i32
    %c0_i32_0 = arith.constant 0 : i32
    %c0_i32_1 = arith.constant 0 : i32
    return %c0_i32, %c0_i32_0 : i32, i32
  }
  func.func @transform_9(%arg0: i32) -> (i32, i32) {
    %c0_i32 = arith.constant 0 : i32
    %c0_i32_0 = arith.constant 0 : i32
    return %arg0, %c0_i32 : i32, i32
  }
  func.func @transform_10(%arg0: i32) -> (i32, i32) {
    %c0_i32 = arith.constant 0 : i32
    %c0_i32_0 = arith.constant 0 : i32
    return %arg0, %c0_i32 : i32, i32
  }
  func.func @transform_11(%arg0: i32) -> (i32, i32) {
    %c0_i32 = arith.constant 0 : i32
    %c0_i32_0 = arith.constant 0 : i32
    %c0_i32_1 = arith.constant 0 : i32
    return %c0_i32, %c0_i32_0 : i32, i32
  }
  func.func @transform_12(%arg0: i32) -> (i32, i32) {
    %c0_i32 = arith.constant 0 : i32
    %c0_i32_0 = arith.constant 0 : i32
    %c0_i32_1 = arith.constant 0 : i32
    return %c0_i32, %c0_i32_0 : i32, i32
  }
}

module attributes {stable_mosaic.version = 14 : i64} {
  func.func @_phase_c_body(%arg0: i32, %arg1: memref<2000x128xf32, #tpu.memory_space<vmem>>, %arg2: memref<2x2000x128xf32, #tpu.memory_space<vmem>>, %arg3: memref<1x128xf32, #tpu.memory_space<vmem>>, %arg4: memref<1x128xf32, #tpu.memory_space<vmem>>, %arg5: memref<128x128xf32, #tpu.memory_space<vmem>>, %arg6: memref<1x128xf32, #tpu.memory_space<vmem>>, %arg7: memref<5x128xf32, #tpu.memory_space<vmem>>) attributes {dimension_semantics = [#tpu.dimension_semantics<arbitrary>], iteration_bounds = array<i64: 5>, scalar_prefetch = 0 : i64, scratch_operands = 0 : i64, tpu.core_type = #tpu.core_type<tc>, window_params = [{transform_indices = @transform_0, window_bounds = array<i64: 2000, 128>}, {transform_indices = @transform_1, window_bounds = array<i64: 2, 2000, 128>}, {pipeline_mode = #tpu.pipeline_mode<synchronous>, transform_indices = @transform_2, window_bounds = array<i64: 1, 128>}, {pipeline_mode = #tpu.pipeline_mode<synchronous>, transform_indices = @transform_3, window_bounds = array<i64: 1, 128>}, {pipeline_mode = #tpu.pipeline_mode<synchronous>, transform_indices = @transform_4, window_bounds = array<i64: 128, 128>}, {pipeline_mode = #tpu.pipeline_mode<synchronous>, transform_indices = @transform_5, window_bounds = array<i64: 1, 128>}, {pipeline_mode = #tpu.pipeline_mode<synchronous>, transform_indices = @transform_6, window_bounds = array<i64: 5, 128>}]} {
    %get3A = arith.constant 0 : index
    %get3A_0 = arith.constant 0 : index
    %get3A_1 = vector.load %arg1[%get3A, %get3A_0] : memref<2000x128xf32, #tpu.memory_space<vmem>>, vector<2000x128xf32>
    %get3A_2 = arith.constant 0 : index
    %get3A_3 = arith.constant 0 : index
    %get3A_4 = arith.constant 0 : index
    %get3A_5 = vector.load %arg2[%get3A_2, %get3A_3, %get3A_4] : memref<2x2000x128xf32, #tpu.memory_space<vmem>>, vector<1x2000x128xf32>
    %get3A_6 = vector.shape_cast %get3A_5 : vector<1x2000x128xf32> to vector<2000x128xf32>
    %add3A = arith.addf %get3A_1, %get3A_6 : vector<2000x128xf32>
    %get3A_7 = arith.constant 1 : index
    %get3A_8 = arith.constant 0 : index
    %get3A_9 = arith.constant 0 : index
    %get3A_10 = vector.load %arg2[%get3A_7, %get3A_8, %get3A_9] : memref<2x2000x128xf32, #tpu.memory_space<vmem>>, vector<1x2000x128xf32>
    %get3A_11 = vector.shape_cast %get3A_10 : vector<1x2000x128xf32> to vector<2000x128xf32>
    %add3A_12 = arith.addf %add3A, %get3A_11 : vector<2000x128xf32>
    %reduce_sum3A = arith.constant dense<0.000000e+00> : vector<2000xf32>
    %reduce_sum3A_13 = vector.multi_reduction <add>, %add3A_12, %reduce_sum3A [1] : vector<2000x128xf32> to vector<2000xf32>
    %broadcast_in_dim3A = vector.shape_cast %reduce_sum3A_13 : vector<2000xf32> to vector<2000x1xf32>
    %div3A = arith.constant 1.280000e+02 : f32
    %div3A_14 = vector.broadcast %div3A : f32 to vector<2000x1xf32>
    %div3A_15 = arith.divf %broadcast_in_dim3A, %div3A_14 : vector<2000x1xf32>
    %sub3A = vector.broadcast %div3A_15 : vector<2000x1xf32> to vector<2000x128xf32>
    %sub3A_16 = arith.subf %add3A_12, %sub3A : vector<2000x128xf32>
    %sub3A_17 = vector.broadcast %div3A_15 : vector<2000x1xf32> to vector<2000x128xf32>
    %sub3A_18 = arith.subf %add3A_12, %sub3A_17 : vector<2000x128xf32>
    %mul3A = arith.mulf %sub3A_16, %sub3A_18 : vector<2000x128xf32>
    %reduce_sum3A_19 = arith.constant dense<0.000000e+00> : vector<2000xf32>
    %reduce_sum3A_20 = vector.multi_reduction <add>, %mul3A, %reduce_sum3A_19 [1] : vector<2000x128xf32> to vector<2000xf32>
    %broadcast_in_dim3A_21 = vector.shape_cast %reduce_sum3A_20 : vector<2000xf32> to vector<2000x1xf32>
    %div3A_22 = arith.constant 1.280000e+02 : f32
    %div3A_23 = vector.broadcast %div3A_22 : f32 to vector<2000x1xf32>
    %div3A_24 = arith.divf %broadcast_in_dim3A_21, %div3A_23 : vector<2000x1xf32>
    %sub3A_25 = vector.broadcast %div3A_15 : vector<2000x1xf32> to vector<2000x128xf32>
    %sub3A_26 = arith.subf %add3A_12, %sub3A_25 : vector<2000x128xf32>
    %add3A_27 = arith.constant 9.99999974E-6 : f32
    %add3A_28 = vector.broadcast %add3A_27 : f32 to vector<2000x1xf32>
    %add3A_29 = arith.addf %div3A_24, %add3A_28 : vector<2000x1xf32>
    %rsqrt3A = math.rsqrt %add3A_29 : vector<2000x1xf32>
    %mul3A_30 = vector.broadcast %rsqrt3A : vector<2000x1xf32> to vector<2000x128xf32>
    %mul3A_31 = arith.mulf %sub3A_26, %mul3A_30 : vector<2000x128xf32>
    %get3A_32 = arith.constant 0 : index
    %get3A_33 = arith.constant 0 : index
    %get3A_34 = vector.load %arg3[%get3A_32, %get3A_33] : memref<1x128xf32, #tpu.memory_space<vmem>>, vector<1x128xf32>
    %mul3A_35 = vector.broadcast %get3A_34 : vector<1x128xf32> to vector<2000x128xf32>
    %mul3A_36 = arith.mulf %mul3A_31, %mul3A_35 : vector<2000x128xf32>
    %get3A_37 = arith.constant 0 : index
    %get3A_38 = arith.constant 0 : index
    %get3A_39 = vector.load %arg4[%get3A_37, %get3A_38] : memref<1x128xf32, #tpu.memory_space<vmem>>, vector<1x128xf32>
    %add3A_40 = vector.broadcast %get3A_39 : vector<1x128xf32> to vector<2000x128xf32>
    %add3A_41 = arith.addf %mul3A_36, %add3A_40 : vector<2000x128xf32>
    %max3A = arith.constant 0.000000e+00 : f32
    %max3A_42 = vector.broadcast %max3A : f32 to vector<2000x128xf32>
    %max3A_43 = arith.maximumf %add3A_41, %max3A_42 : vector<2000x128xf32>
    %reduce_sum3A_44 = arith.constant dense<0.000000e+00> : vector<128xf32>
    %reduce_sum3A_45 = vector.multi_reduction <add>, %max3A_43, %reduce_sum3A_44 [0] : vector<2000x128xf32> to vector<128xf32>
    %broadcast_in_dim3A_46 = vector.shape_cast %reduce_sum3A_45 : vector<128xf32> to vector<1x128xf32>
    %div3A_47 = arith.constant 2.000000e+03 : f32
    %div3A_48 = vector.broadcast %div3A_47 : f32 to vector<1x128xf32>
    %div3A_49 = arith.divf %broadcast_in_dim3A_46, %div3A_48 : vector<1x128xf32>
    %get3A_50 = arith.constant 0 : index
    %get3A_51 = arith.constant 0 : index
    %get3A_52 = vector.load %arg5[%get3A_50, %get3A_51] : memref<128x128xf32, #tpu.memory_space<vmem>>, vector<128x128xf32>
    %dot_general3A = arith.constant dense<0.000000e+00> : vector<1x128xf32>
    %dot_general3A_53 = tpu.matmul %div3A_49, %get3A_52, %dot_general3A {dimension_numbers = #tpu.dot_dimension_numbers<[1], [0], [0], [1], [0, 0, 1, 1], [], []>, precision = #tpu.contract_precision<fp32>, transpose_lhs_hint = false} : vector<1x128xf32>, vector<128x128xf32>, vector<1x128xf32> -> vector<1x128xf32>
    %get3A_54 = arith.constant 0 : index
    %get3A_55 = arith.constant 0 : index
    %get3A_56 = vector.load %arg6[%get3A_54, %get3A_55] : memref<1x128xf32, #tpu.memory_space<vmem>>, vector<1x128xf32>
    %add3A_57 = arith.addf %dot_general3A_53, %get3A_56 : vector<1x128xf32>
    %swap3A = arith.index_cast %arg0 : i32 to index
    %swap3A_58 = arith.constant 0 : index
    %swap3A_59 = vector.load %arg7[%swap3A, %swap3A_58] : memref<5x128xf32, #tpu.memory_space<vmem>>, vector<1x128xf32>
    tpu.vector_store %arg7[%swap3A, %swap3A_58], %add3A_57 {strides = array<i32>} : memref<5x128xf32, #tpu.memory_space<vmem>>, vector<1x128xf32>,
    return
  }
  func.func @transform_0(%arg0: i32) -> (i32, i32) {
    %c0_i32 = arith.constant 0 : i32
    %c0_i32_0 = arith.constant 0 : i32
    return %arg0, %c0_i32 : i32, i32
  }
  func.func @transform_1(%arg0: i32) -> (i32, i32, i32) {
    %c0_i32 = arith.constant 0 : i32
    %c0_i32_0 = arith.constant 0 : i32
    %c0_i32_1 = arith.constant 0 : i32
    return %c0_i32, %arg0, %c0_i32_0 : i32, i32, i32
  }
  func.func @transform_2(%arg0: i32) -> (i32, i32) {
    %c0_i32 = arith.constant 0 : i32
    %c0_i32_0 = arith.constant 0 : i32
    %c0_i32_1 = arith.constant 0 : i32
    return %c0_i32, %c0_i32_0 : i32, i32
  }
  func.func @transform_3(%arg0: i32) -> (i32, i32) {
    %c0_i32 = arith.constant 0 : i32
    %c0_i32_0 = arith.constant 0 : i32
    %c0_i32_1 = arith.constant 0 : i32
    return %c0_i32, %c0_i32_0 : i32, i32
  }
  func.func @transform_4(%arg0: i32) -> (i32, i32) {
    %c0_i32 = arith.constant 0 : i32
    %c0_i32_0 = arith.constant 0 : i32
    %c0_i32_1 = arith.constant 0 : i32
    return %c0_i32, %c0_i32_0 : i32, i32
  }
  func.func @transform_5(%arg0: i32) -> (i32, i32) {
    %c0_i32 = arith.constant 0 : i32
    %c0_i32_0 = arith.constant 0 : i32
    %c0_i32_1 = arith.constant 0 : i32
    return %c0_i32, %c0_i32_0 : i32, i32
  }
  func.func @transform_6(%arg0: i32) -> (i32, i32) {
    %c0_i32 = arith.constant 0 : i32
    %c0_i32_0 = arith.constant 0 : i32
    %c0_i32_1 = arith.constant 0 : i32
    return %c0_i32, %c0_i32_0 : i32, i32
  }
}

</mosaic_0001>

<sc_bundles>
// kernel: kernel.6.cloned.1.call-start
scs
__scs_entry_jumppad:
0x0: {  	(pc) =	sbr.rel $0x88, $3  }
0x1: {  	(tag) =	ssettag $0x0;
	lr =	simm.s32 $0x1  }
0x2: {  	[smem:$0x3F95] =	sst lr;
	_ =	strace $0xD0000000  }
0x3: {  	_ = 	snop  }
0x4: {  	_ = 	snop  }
0x5: {  	_ = 	snop  }
0x6: {  	_ = 	snop  }
0x7: {  	_ = 	snop  }
__scs_overlays_trampoline_lowered:
0x8: {  	[smem:$0x3FA4] =	sst s0  }
0x9: {  	[smem:$0x3FA5] =	sst s1  }
0xa: {  	[smem:$0x3FA6] =	sst s2  }
0xb: {  	[smem:$0x3FA7] =	sst s3  }
0xc: {  	[smem:$0x3FA8] =	sst s4  }
0xd: {  	[smem:$0x3FA9] =	sst s5  }
0xe: {  	[smem:$0x3FAA] =	sst s6  }
0xf: {  	[smem:$0x3FAB] =	sst s7  }
0x10: {  	[smem:$0x3FAC] =	sst s8  }
0x11: {  	[smem:$0x3FAD] =	sst s9;
	s0 =	simm.s32 @!p0 $0x0  }
0x12: {  	s1 =	sld [smem:$0x3F93];
	s0 =	simm.s32 @p0 $0x1  }
0x13: {  	[smem:$0x3FAE] =	sst s0;
	s0 =	simm.s32 @!p1 $0x0  }
0x14: {  	s2 =	sld [smem:$0x3F92];
	s0 =	simm.s32 @p1 $0x1  }
0x15: {  	[smem:$0x3FAF] =	sst s0;
	s0 =	simm.s32 @!p2 $0x0  }
0x16: {  	s3 =	sld [smem:$0x3FDB];
	s0 =	simm.s32 @p2 $0x1  }
0x17: {  	s4 =	simm.s32 $0x1BF5;
	[smem:$0x3FB1] =	sst s0  }
0x18: {  	s0 =	sld [smem:$0x3F94];
	_ =	swait.ge [sflag:s4], $0x0  }
0x19: {  	s7 =	sld [smem:$0x3F95]  }
0x1a: {  	s8 =	sadd.s32 $0xFFFFE003, lr  }
0x1b: {  	s9 =	sadd.s32 $0xFFFFFEF7, lr;
	s5 =	simm.s32 $0xFFFFFFFF;
	p2 =	slt.u32 s8, $0xFFFFF086  }
0x1c: {  	p1 =	slt.u32 s9, $0xF7A;
	s5 =	simm.s32 @!p2 $0x0  }
0x1d: {  	s5 =	simm.s32 @p1 $0x1;
	p0 =	seq.s32 s7, s2  }
0x1e: {  	s7 =	smul.u32 @!p0 $0xF7A, s2;
	p2 =	seq.s32 @!p0 s5, $0x0  }
0x1f: {  	s9 =	smul.u32 $0xF7A, s1;
	s8 =	simm.s32 @!p0 $0x1BF5;
	p2 =	por !p2, p0  }
0x20: {  	[sflag:s8] =	ssyncset.s32 @!p0 $0xFFFFF086;
	s6 =	sadd.s32 @!p0 s3, s7;
	s7 =	simm.s32 @!p0 $0x108  }
0x21: {  	s3 =	sadd.s32 s3, s9;
	s6 =	sadd.s32 @!p0 $0x88, s6;
	s7 =	simm.s32 @p2 $0x1082  }
0x22: {  	[simem:s7], [sflag:s8] =	dma.local @!p0 [hbm:s6], $0xF7A  }
0x23: {  	s9 =	sor.u32 $0xD0000000, s2;
	s6 =	simm.s32 $0x108;
	_ =	swait.ge @!p0 [sflag:s8], $0x0  }
0x24: {  	s3 =	sadd.s32 $0x88, s3;
	s6 =	simm.s32 @!p1 $0x1082;
	[sflag:s4] =	ssyncset.s32 $0xFFFFF086  }
0x25: {  	[simem:s6], [sflag:s4] =	dma.local [hbm:s3], $0xF7A  }
0x26: {  	[smem:$0x3F95] =	sst s1;
	(tag) =	ssettag s2;
	_ =	strace s9  }
0x27: {  	s1 =	sld [smem:$0x3FA5]  }
0x28: {  	s2 =	sld [smem:$0x3FA6]  }
0x29: {  	s4 =	sld [smem:$0x3FA8]  }
0x2a: {  	p0 =	seq.s32 s5, $0x0;
	s5 =	sld [smem:$0x3FA9]  }
0x2b: {  	s6 =	sld [smem:$0x3FAA]  }
0x2c: {  	s7 =	sld [smem:$0x3FAB]  }
0x2d: {  	s3 =	simm.s32 $0x108;
	s8 =	sld [smem:$0x3FAC]  }
0x2e: {  	s3 =	simm.s32 @!p0 $0x1082;
	s9 =	sld [smem:$0x3FAD]  }
0x2f: {  	lr =	sadd.s32 s0, s3;
	s0 =	sld [smem:$0x3FA4]  }
0x30: {  	s3 =	sld [smem:$0x3FA7]  }
0x31: {  	[smem:$0x3FB0] =	sst s10  }
0x32: {  	s10 =	sld [smem:$0x3FAE];
	_ =	sdelay $0x3  }
0x33: {  	p0 =	seq.s32 s10, $0x1;
	s10 =	sld [smem:$0x3FB0];
	_ =	sdelay $0x3  }
0x34: {  	[smem:$0x3FB0] =	sst s10  }
0x35: {  	s10 =	sld [smem:$0x3FAF];
	_ =	sdelay $0x3  }
0x36: {  	p1 =	seq.s32 s10, $0x1;
	s10 =	sld [smem:$0x3FB0];
	_ =	sdelay $0x3  }
0x37: {  	[smem:$0x3FB0] =	sst s10  }
0x38: {  	s10 =	sld [smem:$0x3FB1]  }
0x39: {  	_ = 	snop;
	(pc) =	sbr.ind lr, $3  }
0x3a: {  	_ = 	snop  }
0x3b: {  	_ = 	snop  }
0x3c: {  	p2 =	seq.s32 s10, $0x1;
	s10 =	sld [smem:$0x3FB0]  }
0x3d: {  	_ =	shalt  }
0x3e: {  	_ =	shalt  }
0x3f: {  	_ =	shalt  }
0x40: {  	_ =	shalt  }
0x41: {  	_ =	shalt  }
0x42: {  	_ =	shalt  }
0x43: {  	_ =	shalt  }
0x44: {  	_ =	shalt  }
0x45: {  	_ =	shalt  }
0x46: {  	_ =	shalt  }
0x47: {  	_ =	shalt  }
0x48: {  	_ =	shalt  }
0x49: {  	_ =	shalt  }
0x4a: {  	_ =	shalt  }
0x4b: {  	_ =	shalt  }
0x4c: {  	_ =	shalt  }
0x4d: {  	_ =	shalt  }
0x4e: {  	_ =	shalt  }
0x4f: {  	_ =	shalt  }
0x50: {  	_ =	shalt  }
0x51: {  	_ =	shalt  }
0x52: {  	_ =	shalt  }
0x53: {  	_ =	shalt  }
0x54: {  	_ =	shalt  }
0x55: {  	_ =	shalt  }
0x56: {  	_ =	shalt  }
0x57: {  	_ =	shalt  }
0x58: {  	_ =	shalt  }
0x59: {  	_ =	shalt  }
0x5a: {  	_ =	shalt  }
0x5b: {  	_ =	shalt  }
0x5c: {  	_ =	shalt  }
0x5d: {  	_ =	shalt  }
0x5e: {  	_ =	shalt  }
0x5f: {  	_ =	shalt  }
0x60: {  	_ =	shalt  }
0x61: {  	_ =	shalt  }
0x62: {  	_ =	shalt  }
0x63: {  	_ =	shalt  }
0x64: {  	_ =	shalt  }
0x65: {  	_ =	shalt  }
0x66: {  	_ =	shalt  }
0x67: {  	_ =	shalt  }
0x68: {  	_ =	shalt  }
0x69: {  	_ =	shalt  }
0x6a: {  	_ =	shalt  }
0x6b: {  	_ =	shalt  }
0x6c: {  	_ =	shalt  }
0x6d: {  	_ =	shalt  }
0x6e: {  	_ =	shalt  }
0x6f: {  	_ =	shalt  }
0x70: {  	_ =	shalt  }
0x71: {  	_ =	shalt  }
0x72: {  	_ =	shalt  }
0x73: {  	_ =	shalt  }
0x74: {  	_ =	shalt  }
0x75: {  	_ =	shalt  }
0x76: {  	_ =	shalt  }
0x77: {  	_ =	shalt  }
0x78: {  	_ =	shalt  }
0x79: {  	_ =	shalt  }
0x7a: {  	_ =	shalt  }
0x7b: {  	_ =	shalt  }
0x7c: {  	_ =	shalt  }
0x7d: {  	_ =	shalt  }
0x7e: {  	_ =	shalt  }
0x7f: {  	_ =	shalt  }
0x80: {  	_ =	shalt  }
0x81: {  	_ =	shalt  }
0x82: {  	_ =	shalt  }
0x83: {  	_ =	shalt  }
0x84: {  	_ =	shalt  }
0x85: {  	_ =	shalt  }
0x86: {  	_ =	shalt  }
0x87: {  	_ =	shalt  }
.Lfunc_end0:
.L_simem_size_0:
called_computation_lowered:
.L_overlay_start_0:
0x88: {  	s2 =	sld [smem:$0x3FD9]  }
0x89: {  	s3 =	sld [smem:$0x3FFE];
	_ =	sdelay $0x1  }
0x8a: {  	s1 =	srdreg.scid  }
0x8b: {  	s0 =	sand.u32 $0x1, s1  }
0x8c: {  	s16 =	sshll.u32 s0, $0xA;
	s2 =	sadd.s32 s3, s2  }
0x8d: {  	s2 =	sadd.s32 s2, s16  }
0x8e: {  	[smem:$0x3FBC] =	sst s2  }
0x8f: {  	_ = 	snop  }
0x90: {  	(tm) =	ssettm $0x1  }
0x91: {  	s17 =	sld [smem:$0x3FFB];
	_ =	sdelay $0x3  }
0x92: {  	_ =	strace s17  }
0x93: {  	s2 =	sld [smem:$0x3FFC];
	_ =	sdelay $0x3  }
0x94: {  	_ =	strace s2  }
0x95: {  	s2 =	sld [smem:$0x3FFD];
	_ =	sdelay $0x3  }
0x96: {  	_ =	strace s2  }
0x97: {  	_ =	strace $0x8FFFFFFF  }
0x98: {  	s18 =	sld [smem:$0x3FDB];
	_ =	sdelay $0x1  }
0x99: {  	s19 =	simm.s32 $_scs_section_size  }
0x9a: {  	s4 =	simm.s32 $_size__tile_overlayer_lowered;
	s5 =	simm.s32 $_tile_overlayer_lowered  }
0x9b: {  	s22 =	simm.s32 $0x1BFF;
	s21 =	sshll.u32 s5, $0x1;
	s2 =	sadd.s32 s19, s18  }
0x9c: {  	s6 =	simm.s32 $0x0;
	s20 =	sshll.u32 s4, $0x1;
	s4 =	sadd.s32 s21, s2  }
0x9d: {  	[timem:s6], [sflag:s22] =	dma.local [hbm:s4], s20  }
0x9e: {  	_ =	swait.ge [sflag:s22], s20  }
0x9f: {  	s3 =	ssub.s32 $0x0, s20;
	[sflag:s22] =	ssyncset.done $0x0  }
0xa0: {  	[sflag:s22] =	ssyncadd.s32 s3;
	_ =	sdelay $0x1  }
0xa1: {  	s23 =	simm.s32 $0x1B8B  }
0xa2: {  	_ =	swait.ge [sflag:s23], $0x1  }
0xa3: {  	[sflag:s23] =	ssyncset.done $0x0  }
0xa4: {  	s25 =	simm.s32 $0x1B8E;
	s24 =	sld [smem:$0x3FFE];
	[sflag:s23] =	ssyncadd.s32 $0xFFFFFFFF  }
0xa5: {  	s26 =	simm.s32 $execute0_lowered;
	[smem:$0x3FD2] =	sst s25  }
0xa6: {  	s4 =	sshll.u32 s26, $0x1;
	_ =	strace $0x80000046;
	[dreg:$0x1] =	wrdreg $0xFFFFFFFF  }
0xa7: {  	s28 =	simm.s32 $_size_execute0_lowered;
	s2 =	sadd.s32 s2, s4;
	[dreg:$0x0] =	wrdreg $0x0  }
0xa8: {  	s4 =	sshll.u32 s28, $0x1;
	[dreg:$0x2] =	wrdreg s2  }
0xa9: {  	[dreg:$0x3] =	wrdreg s4  }
0xaa: {  	[dreg:$0x4] =	wrdreg $0xC0  }
0xab: {  	_ =	task [dreg:s6], $0x5FFFF  }
0xac: {  	[dreg:$0x1] =	wrdreg $0xFFFFFFFF  }
0xad: {  	[dreg:$0x0] =	wrdreg $0x60  }
0xae: {  	[dreg:$0x2] =	wrdreg s24  }
0xaf: {  	[dreg:$0x3] =	wrdreg $0x1A5000  }
0xb0: {  	[dreg:$0x4] =	wrdreg $0x9  }
0xb1: {  	_ =	task.clear_ibuf [dreg:s6], $0x5FFFF;
	_ =	strace $0x90000046  }
0xb2: {  	s29 =	simm.s32 $0x9;
	_ =	strace $0x80000048  }
0xb3: {  	_ =	swait.ge [sflag:s29], $0x1  }
0xb4: {  	[sflag:s29] =	ssyncadd.s32 $0xFFFFFFFF  }
0xb5: {  	_ =	strace $0x90000048  }
0xb6: {  	_ =	sfence  }
0xb7: {  	s30 =	sld [smem:$0x0];
	_ =	sdelay $0x2  }
0xb8: {  	s31 =	sshll.u32 s1, $0xD;
	s1 =	sshrl.u32 s1, $0x2  }
0xb9: {  	s3 =	sand.u32 $0x4000, s31;
	s1 =	sadd.s32 s1, s30  }
0xba: {  	s0 =	sor.u32 s3, s0;
	s1 =	sshll.u32 s1, $0x11  }
0xbb: {  	s0 =	sor.u32 s1, s0  }
0xbc: {  	s0 =	sadd.s32 $0x8F2B, s0  }
0xbd: {  	[sflag:s0] =	ssyncadd.remote.s32 $0x1  }
0xbe: {  	_ =	sfence.sel $0xFFFF  }
0xbf: {  	[dreg:$0x0] =	wrdreg $0xFFFFFFFF;
	(pc) =	sbr.abs _section_cstart, $3  }
0xc0: {  	[dreg:$0x1] =	wrdreg $0xFFFFFFFF  }
0xc1: {  	_ =	task.clear_ibuf [dreg:s6], $0x2FFFF;
	_ =	strace $0x9FFFFFFF  }
0xc2: {  	(tm) =	ssettm $0x7FFFFFFF  }
0xc3: {  	_ =	shalt  }
tec
execute0_lowered:
.L_overlay_start_1:
0x0: {  	(tag) =	ssettag $0x1  }
0x1: {  	v0 =	vlaneseq.u32  }
0x2: {  	s4 =	rddreg [dreg:$0x0];
	v40 =	vimm.f32 $0.0e+00;
	v1 =	vor.u32 $0x10, v0  }
0x3: {  	s0 =	srdreg.scid;
	s2 =	rddreg [dreg:$0x1];
	v2 =	vor.u32 $0x20, v0;
	v3 =	vor.u32 $0x30, v0;
	v4 =	vor.u32 $0x40, v0  }
0x4: {  	s1 =	rddreg [dreg:$0x2];
	s3 =	simm.s32 $0x0;
	s10 =	simm.s32 $0x80;
	v5 =	vor.u32 $0x50, v0;
	v6 =	vor.u32 $0x60, v0;
	v7 =	vor.u32 $0x70, v0  }
0x5: {  	s11 =	simm.s32 $0x1A280;
	s12 =	simm.s32 $0x1A300;
	s13 =	simm.s32 $0x8E80;
	v8 =	vor.u32 $0x80, v0;
	v9 =	vor.u32 $0x90, v0;
	v10 =	vor.u32 $0xA0, v0  }
0x6: {  	s14 =	simm.s32 $0x1A380;
	s15 =	simm.s32 $0xCE80;
	s5 =	sand.u32 $0x1, s0;
	v11 =	vor.u32 $0xB0, v0;
	v12 =	vor.u32 $0xC0, v0;
	v13 =	vor.u32 $0xD0, v0  }
0x7: {  	s16 =	simm.s32 $0x1A400;
	s0 =	stileid.u32;
	v14 =	vor.u32 $0xE0, v0;
	v15 =	vor.u32 $0xF0, v0;
	v16 =	vor.u32 $0x100, v0;
	s6 =	smul.u32 $0x14000, s5  }
0x8: {  	s17 =	simm.s32 $0x10E80;
	s18 =	simm.s32 $0x1A480;
	v17 =	vor.u32 $0x110, v0;
	v18 =	vor.u32 $0x120, v0;
	v19 =	vor.u32 $0x130, v0;
	s7 =	smul.u32 $0x1400, s0  }
0x9: {  	s19 =	simm.s32 $0x14E80;
	s20 =	simm.s32 $0x18E80;
	v20 =	vor.u32 $0x140, v0;
	v21 =	vor.u32 $0x150, v0;
	v22 =	vor.u32 $0x160, v0;
	s8 =	smul.u32 $0x9C4, s0  }
0xa: {  	[smem:$0x7FF] =	sst s3;
	v23 =	vor.u32 $0x170, v0;
	v24 =	vor.u32 $0x180, v0;
	v25 =	vor.u32 $0x190, v0;
	s30 =	smul.u32 $0x5000, s0;
	s5 =	ssub.s32 $0x2, s5  }
0xb: {  	s21 =	simm.s32 $0x0;
	v26 =	vor.u32 $0x1A0, v0;
	v27 =	vor.u32 $0x1B0, v0;
	v28 =	vor.u32 $0x1C0, v0;
	_ =	strace $0x80000047;
	s9 =	sshrl.u32 s5, $0x1  }
0xc: {  	v29 =	vor.u32 $0x1D0, v0;
	v30 =	vor.u32 $0x1E0, v0;
	v31 =	vor.u32 $0x1F0, v0;
	s6 =	sadd.s32 s7, s6;
	s8 =	sadd.s32 s8, s4;
	s7 =	sshrl.u32 s30, $0x2  }
0xd: {  	v32 =	vor.u32 $0x200, v0;
	v33 =	vor.u32 $0x210, v0;
	v34 =	vor.u32 $0x220, v0;
	s31 =	ssub.s32 s5, s9;
	s9 =	simm.s32 $0x4E80;
	s6 =	sshrl.u32 s6, $0x3  }
0xe: {  	v35 =	vor.u32 $0x230, v0;
	v36 =	vor.u32 $0x240, v0;
	v37 =	vor.u32 $0x250, v0;
	s5 =	sadd.s32 s7, s2;
	s7 =	smax.u32 s31, $0x1;
	s6 =	sadd.s32 s6, s4  }
0xf: {  	v41 =	vimm.f32 $1.000000000e+00;
	v38 =	vor.u32 $0x260, v0;
	v39 =	vor.u32 $0x270, v0;
	s4 =	sadd.s32 $0x13A600, s8;
	s8 =	simm.s32 $0x1;
	s6 =	sadd.s32 $0x14E200, s6  }
.LBB2_1:
0x10: {  	[tilespmem:s3], [sflag:$0x1] =	stream.linear.gather [hbm4b:s4+s3], $0x4E20, $0x38;
	[tilespmem:$0x1B900] =	vst v63  }
0x11: {  	_ =	swait.ge [sflag:s8], $0x4E20  }
0x12: {  	[sflag:s8] =	ssyncset.done $0x0  }
0x13: {  	[sflag:s8] =	ssyncadd.s32 $0xFFFFB1E0  }
0x14: {  	[tilespmem:$0x1A280] =	vst v0  }
0x15: {  	[tilespmem:$0x1A290] =	vst v1  }
0x16: {  	[tilespmem:$0x1A2A0] =	vst v2  }
0x17: {  	[tilespmem:$0x1A2B0] =	vst v3  }
0x18: {  	[tilespmem:$0x1A2C0] =	vst v4  }
0x19: {  	[tilespmem:$0x1A2D0] =	vst v5  }
0x1a: {  	[tilespmem:$0x1A2E0] =	vst v6  }
0x1b: {  	[tilespmem:$0x1A2F0] =	vst v7  }
0x1c: {  	[tilespmem:$0x1A300] =	vst v8  }
0x1d: {  	[tilespmem:$0x1A310] =	vst v9  }
0x1e: {  	[tilespmem:$0x1A320] =	vst v10  }
0x1f: {  	[tilespmem:$0x1A330] =	vst v11  }
0x20: {  	[tilespmem:$0x1A340] =	vst v12  }
0x21: {  	[tilespmem:$0x1A350] =	vst v13  }
0x22: {  	[tilespmem:$0x1A360] =	vst v14  }
0x23: {  	[tilespmem:$0x1A370] =	vst v15  }
0x24: {  	[tilespmem:$0x1A380] =	vst v16  }
0x25: {  	[tilespmem:$0x1A390] =	vst v17  }
0x26: {  	[tilespmem:$0x1A3A0] =	vst v18  }
0x27: {  	[tilespmem:$0x1A3B0] =	vst v19  }
0x28: {  	[tilespmem:$0x1A3C0] =	vst v20  }
0x29: {  	[tilespmem:$0x1A3D0] =	vst v21  }
0x2a: {  	[tilespmem:$0x1A3E0] =	vst v22  }
0x2b: {  	[tilespmem:$0x1A3F0] =	vst v23  }
0x2c: {  	[tilespmem:$0x1A400] =	vst v24  }
0x2d: {  	[tilespmem:$0x1A410] =	vst v25  }
0x2e: {  	[tilespmem:$0x1A420] =	vst v26  }
0x2f: {  	[tilespmem:$0x1A430] =	vst v27  }
0x30: {  	[tilespmem:$0x1A440] =	vst v28  }
0x31: {  	[tilespmem:$0x1A450] =	vst v29  }
0x32: {  	[tilespmem:$0x1A460] =	vst v30  }
0x33: {  	[tilespmem:$0x1A470] =	vst v31  }
0x34: {  	[tilespmem:$0x1A480] =	vst v32  }
0x35: {  	[tilespmem:$0x1A490] =	vst v33  }
0x36: {  	[tilespmem:$0x1A4A0] =	vst v34  }
0x37: {  	[tilespmem:$0x1A4B0] =	vst v35  }
0x38: {  	[tilespmem:$0x1A4C0] =	vst v36  }
0x39: {  	[tilespmem:$0x1A4D0] =	vst v37  }
0x3a: {  	[tilespmem:$0x1A4E0] =	vst v38  }
0x3b: {  	s22 =	simm.s32 $0x0;
	s23 =	simm.s32 $0x200;
	[tilespmem:$0x1A4F0] =	vst v39  }
.LBB2_2:
0x3c: {  	p0 =	sne.s32 s23, $0x4FE00;
	[tilespmem:s22+$0x4EF0] =	vst v40  }
0x3d: {  	[tilespmem:s22+$0x4E80] =	vst v40  }
0x3e: {  	[tilespmem:s22+$0x4E90] =	vst v40  }
.Ltmp0:
0x3f: {  	[tilespmem:s22+$0x4EA0] =	vst v40;
	(pc) =	sbr.rel @p0 .LBB2_2-.Ltmp0, $4  }
0x40: {  	[tilespmem:s22+$0x4EB0] =	vst v40  }
0x41: {  	[tilespmem:s22+$0x4EC0] =	vst v40  }
0x42: {  	[tilespmem:s22+$0x4ED0] =	vst v40  }
0x43: {  	[tilespmem:s22+$0x4EE0] =	vst v40;
	s22 =	sshra.s32 s23, $0x2;
	s23 =	sadd.s32 $0x200, s23  }
0x44: {  	[tilespmem:s22+$0x4EF0] =	vst v40  }
0x45: {  	[tilespmem:s22+$0x4E80] =	vst v40  }
0x46: {  	[tilespmem:s22+$0x4E90] =	vst v40  }
0x47: {  	[tilespmem:s22+$0x4EA0] =	vst v40  }
0x48: {  	[tilespmem:s22+$0x4EB0] =	vst v40  }
0x49: {  	[tilespmem:s22+$0x4EC0] =	vst v40  }
0x4a: {  	[tilespmem:s22+$0x4ED0] =	vst v40  }
0x4b: {  	[tilespmem:s22+$0x4EE0] =	vst v40  }
0x4c: {  	[spmem:s5] =	stream.linear.scatter [tilespmem:s9], [sflag:$0x1], $0x1400, $0x38;
	[tilespmem:$0x1B900] =	vst v63  }
0x4d: {  	_ =	swait.ge [sflag:s8], $0x1400  }
0x4e: {  	[sflag:s8] =	ssyncset.done $0x0  }
0x4f: {  	[sflag:s8] =	ssyncadd.s32 $0xFFFFEC00  }
0x50: {  	s23 =	simm.s32 $0x0;
	s22 =	simm.s32 $0x40;
	[bflag:$0x0] =	sbarrier.arrive $0xFFFF  }
.LBB2_4:
0x51: {  	p0 =	sne.s32 s22, $0x13840;
	v42 =	vld [tilespmem:s23+$0x0];
	_ =	sdelay $0x3  }
.Ltmp1:
0x52: {  	(pc) =	sbr.rel @p0 .LBB2_4-.Ltmp1, $2  }
0x53: {  	_ =	sdelay $0x2  }
0x54: {  	s23 =	sshra.s32 s22, $0x2;
	s22 =	sadd.s32 $0x40, s22;
	[tilespmem:v42+s9+$0x0] =	vst.idx.add.f32.msk $0xffff, v41  }
0x55: {  	v42 =	vld [tilespmem:s23+$0x0];
	_ =	sdelay $0x7  }
0x56: {  	[tilespmem:v42+s9+$0x0] =	vst.idx.add.f32.msk $0xffff, v41  }
0x57: {  	[spmem:s2] =	stream.indirect.scatter.add.f32 [tilespmem:s9], [sflag:$0x1], $0x80, s11, s10, $0xb8;
	[tilespmem:$0x1B900] =	vst v63  }
0x58: {  	_ =	swait.ge [sflag:s8], $0x4000  }
0x59: {  	[sflag:s8] =	ssyncset.done $0x0  }
0x5a: {  	[sflag:s8] =	ssyncadd.s32 $0xFFFFC000  }
0x5b: {  	[spmem:s2] =	stream.indirect.scatter.add.f32 [tilespmem:s13], [sflag:$0x1], $0x80, s12, s10, $0xb8;
	[tilespmem:$0x1B900] =	vst v63  }
0x5c: {  	_ =	swait.ge [sflag:s8], $0x4000  }
0x5d: {  	[sflag:s8] =	ssyncset.done $0x0  }
0x5e: {  	[sflag:s8] =	ssyncadd.s32 $0xFFFFC000  }
0x5f: {  	[spmem:s2] =	stream.indirect.scatter.add.f32 [tilespmem:s15], [sflag:$0x1], $0x80, s14, s10, $0xb8;
	[tilespmem:$0x1B900] =	vst v63  }
0x60: {  	_ =	swait.ge [sflag:s8], $0x4000  }
0x61: {  	[sflag:s8] =	ssyncset.done $0x0  }
0x62: {  	[sflag:s8] =	ssyncadd.s32 $0xFFFFC000  }
0x63: {  	[spmem:s2] =	stream.indirect.scatter.add.f32 [tilespmem:s17], [sflag:$0x1], $0x80, s16, s10, $0xb8;
	[tilespmem:$0x1B900] =	vst v63  }
0x64: {  	_ =	swait.ge [sflag:s8], $0x4000  }
0x65: {  	[sflag:s8] =	ssyncset.done $0x0  }
0x66: {  	[sflag:s8] =	ssyncadd.s32 $0xFFFFC000  }
0x67: {  	[spmem:s2] =	stream.indirect.scatter.add.f32 [tilespmem:s19], [sflag:$0x1], $0x80, s18, s10, $0xb8;
	[tilespmem:$0x1B900] =	vst v63  }
0x68: {  	_ =	swait.ge [sflag:s8], $0x4000  }
0x69: {  	[sflag:s8] =	ssyncset.done $0x0  }
0x6a: {  	[sflag:s8] =	ssyncadd.s32 $0xFFFFC000  }
0x6b: {  	[bflag:$0x0] =	sbarrier.arrive $0xFFFF  }
0x6c: {  	[tilespmem:s20], [sflag:$0x1] =	stream.linear.gather [spmem:s5], $0x1400, $0x38;
	[tilespmem:$0x1B900] =	vst v63  }
0x6d: {  	s21 =	sadd.s32 $0x1, s21;
	_ =	swait.ge [sflag:s8], $0x1400  }
0x6e: {  	p0 =	sne.s32 s21, s7;
	[sflag:s8] =	ssyncset.done $0x0  }
.Ltmp2:
0x6f: {  	[sflag:s8] =	ssyncadd.s32 $0xFFFFEC00;
	(pc) =	sbr.rel @p0 .LBB2_1-.Ltmp2, $4  }
0x70: {  	[hbm4b:s6+s3] =	stream.linear.scatter [tilespmem:s20], [sflag:$0x1], $0x1400, $0x38;
	[tilespmem:$0x1B900] =	vst v63  }
0x71: {  	_ =	swait.ge [sflag:s8], $0x1400  }
0x72: {  	[sflag:s8] =	ssyncset.done $0x0  }
0x73: {  	[sflag:s8] =	ssyncadd.s32 $0xFFFFEC00  }
0x74: {  	_ =	sfence.sel $0x180000  }
0x75: {  	[bflag:$0x0] =	sbarrier.arrive $0xFFFF  }
0x76: {  	p0 =	sne.s32 s0, $0x0;
	_ =	strace $0x90000047  }
0x77: {  	s0 =	sadd.s32 @!p0 $0x100000, s1;
	[bflag:$0x2] =	sbarrier.arrive $0xFFFF  }
0x78: {  	[sflag:s0] =	ssyncadd.tile.s32 @!p0 $0x1;
	_ =	shalt  }
.Lfunc_end2:
_tile_overlayer_lowered:
.L_overlay_start_2:
0x79: {  	(tag) =	ssettag $0x2  }
0x7a: {  	s0 =	rddreg [dreg:$0x0];
	s2 =	stileid.u32  }
0x7b: {  	s1 =	rddreg [dreg:$0x1];
	p0 =	sne.s32 s2, $0x0  }
0x7c: {  	s3 =	rddreg [dreg:$0x2];
	[bflag:$0x3] =	sbarrier.arrive $0xFFFF;
	s2 =	simm.s32 @!p0 $0x1C01  }
0x7d: {  	[timem:s3], [sflag:s2] =	dma.local @!p0 [hbm:s0], s1  }
0x7e: {  	s0 =	simm.s32 @!p0 $0x1  }
0x7f: {  	_ =	swait.ge @!p0 [sflag:s0], s1  }
0x80: {  	s1 =	ssub.s32 @!p0 $0x0, s1;
	[sflag:s0] =	ssyncset.done @!p0 $0x0  }
0x81: {  	[sflag:s0] =	ssyncadd.s32 @!p0 s1  }
0x82: {  	[bflag:$0x3] =	sbarrier.arrive $0xFFFF  }
0x83: {  	_ =	shalt  }

// kernel: kernel.9.cloned.1.call-start
scs
__scs_entry_jumppad:
0x0: {  	(pc) =	sbr.rel $0x88, $3  }
0x1: {  	(tag) =	ssettag $0x0;
	lr =	simm.s32 $0x1  }
0x2: {  	[smem:$0x3F95] =	sst lr;
	_ =	strace $0xD0000000  }
0x3: {  	_ = 	snop  }
0x4: {  	_ = 	snop  }
0x5: {  	_ = 	snop  }
0x6: {  	_ = 	snop  }
0x7: {  	_ = 	snop  }
__scs_overlays_trampoline_lowered:
0x8: {  	[smem:$0x3FA4] =	sst s0  }
0x9: {  	[smem:$0x3FA5] =	sst s1  }
0xa: {  	[smem:$0x3FA6] =	sst s2  }
0xb: {  	[smem:$0x3FA7] =	sst s3  }
0xc: {  	[smem:$0x3FA8] =	sst s4  }
0xd: {  	[smem:$0x3FA9] =	sst s5  }
0xe: {  	[smem:$0x3FAA] =	sst s6  }
0xf: {  	[smem:$0x3FAB] =	sst s7  }
0x10: {  	[smem:$0x3FAC] =	sst s8  }
0x11: {  	[smem:$0x3FAD] =	sst s9;
	s0 =	simm.s32 @!p0 $0x0  }
0x12: {  	s1 =	sld [smem:$0x3F93];
	s0 =	simm.s32 @p0 $0x1  }
0x13: {  	[smem:$0x3FAE] =	sst s0;
	s0 =	simm.s32 @!p1 $0x0  }
0x14: {  	s2 =	sld [smem:$0x3F92];
	s0 =	simm.s32 @p1 $0x1  }
0x15: {  	[smem:$0x3FAF] =	sst s0;
	s0 =	simm.s32 @!p2 $0x0  }
0x16: {  	s3 =	sld [smem:$0x3FDB];
	s0 =	simm.s32 @p2 $0x1  }
0x17: {  	s4 =	simm.s32 $0x1BF5;
	[smem:$0x3FB1] =	sst s0  }
0x18: {  	s0 =	sld [smem:$0x3F94];
	_ =	swait.ge [sflag:s4], $0x0  }
0x19: {  	s7 =	sld [smem:$0x3F95]  }
0x1a: {  	s8 =	sadd.s32 $0xFFFFE003, lr  }
0x1b: {  	s9 =	sadd.s32 $0xFFFFFEF7, lr;
	s5 =	simm.s32 $0xFFFFFFFF;
	p2 =	slt.u32 s8, $0xFFFFF086  }
0x1c: {  	p1 =	slt.u32 s9, $0xF7A;
	s5 =	simm.s32 @!p2 $0x0  }
0x1d: {  	s5 =	simm.s32 @p1 $0x1;
	p0 =	seq.s32 s7, s2  }
0x1e: {  	s7 =	smul.u32 @!p0 $0xF7A, s2;
	p2 =	seq.s32 @!p0 s5, $0x0  }
0x1f: {  	s9 =	smul.u32 $0xF7A, s1;
	s8 =	simm.s32 @!p0 $0x1BF5;
	p2 =	por !p2, p0  }
0x20: {  	[sflag:s8] =	ssyncset.s32 @!p0 $0xFFFFF086;
	s6 =	sadd.s32 @!p0 s3, s7;
	s7 =	simm.s32 @!p0 $0x108  }
0x21: {  	s3 =	sadd.s32 s3, s9;
	s6 =	sadd.s32 @!p0 $0x88, s6;
	s7 =	simm.s32 @p2 $0x1082  }
0x22: {  	[simem:s7], [sflag:s8] =	dma.local @!p0 [hbm:s6], $0xF7A  }
0x23: {  	s9 =	sor.u32 $0xD0000000, s2;
	s6 =	simm.s32 $0x108;
	_ =	swait.ge @!p0 [sflag:s8], $0x0  }
0x24: {  	s3 =	sadd.s32 $0x88, s3;
	s6 =	simm.s32 @!p1 $0x1082;
	[sflag:s4] =	ssyncset.s32 $0xFFFFF086  }
0x25: {  	[simem:s6], [sflag:s4] =	dma.local [hbm:s3], $0xF7A  }
0x26: {  	[smem:$0x3F95] =	sst s1;
	(tag) =	ssettag s2;
	_ =	strace s9  }
0x27: {  	s1 =	sld [smem:$0x3FA5]  }
0x28: {  	s2 =	sld [smem:$0x3FA6]  }
0x29: {  	s4 =	sld [smem:$0x3FA8]  }
0x2a: {  	p0 =	seq.s32 s5, $0x0;
	s5 =	sld [smem:$0x3FA9]  }
0x2b: {  	s6 =	sld [smem:$0x3FAA]  }
0x2c: {  	s7 =	sld [smem:$0x3FAB]  }
0x2d: {  	s3 =	simm.s32 $0x108;
	s8 =	sld [smem:$0x3FAC]  }
0x2e: {  	s3 =	simm.s32 @!p0 $0x1082;
	s9 =	sld [smem:$0x3FAD]  }
0x2f: {  	lr =	sadd.s32 s0, s3;
	s0 =	sld [smem:$0x3FA4]  }
0x30: {  	s3 =	sld [smem:$0x3FA7]  }
0x31: {  	[smem:$0x3FB0] =	sst s10  }
0x32: {  	s10 =	sld [smem:$0x3FAE];
	_ =	sdelay $0x3  }
0x33: {  	p0 =	seq.s32 s10, $0x1;
	s10 =	sld [smem:$0x3FB0];
	_ =	sdelay $0x3  }
0x34: {  	[smem:$0x3FB0] =	sst s10  }
0x35: {  	s10 =	sld [smem:$0x3FAF];
	_ =	sdelay $0x3  }
0x36: {  	p1 =	seq.s32 s10, $0x1;
	s10 =	sld [smem:$0x3FB0];
	_ =	sdelay $0x3  }
0x37: {  	[smem:$0x3FB0] =	sst s10  }
0x38: {  	s10 =	sld [smem:$0x3FB1]  }
0x39: {  	_ = 	snop;
	(pc) =	sbr.ind lr, $3  }
0x3a: {  	_ = 	snop  }
0x3b: {  	_ = 	snop  }
0x3c: {  	p2 =	seq.s32 s10, $0x1;
	s10 =	sld [smem:$0x3FB0]  }
0x3d: {  	_ =	shalt  }
0x3e: {  	_ =	shalt  }
0x3f: {  	_ =	shalt  }
0x40: {  	_ =	shalt  }
0x41: {  	_ =	shalt  }
0x42: {  	_ =	shalt  }
0x43: {  	_ =	shalt  }
0x44: {  	_ =	shalt  }
0x45: {  	_ =	shalt  }
0x46: {  	_ =	shalt  }
0x47: {  	_ =	shalt  }
0x48: {  	_ =	shalt  }
0x49: {  	_ =	shalt  }
0x4a: {  	_ =	shalt  }
0x4b: {  	_ =	shalt  }
0x4c: {  	_ =	shalt  }
0x4d: {  	_ =	shalt  }
0x4e: {  	_ =	shalt  }
0x4f: {  	_ =	shalt  }
0x50: {  	_ =	shalt  }
0x51: {  	_ =	shalt  }
0x52: {  	_ =	shalt  }
0x53: {  	_ =	shalt  }
0x54: {  	_ =	shalt  }
0x55: {  	_ =	shalt  }
0x56: {  	_ =	shalt  }
0x57: {  	_ =	shalt  }
0x58: {  	_ =	shalt  }
0x59: {  	_ =	shalt  }
0x5a: {  	_ =	shalt  }
0x5b: {  	_ =	shalt  }
0x5c: {  	_ =	shalt  }
0x5d: {  	_ =	shalt  }
0x5e: {  	_ =	shalt  }
0x5f: {  	_ =	shalt  }
0x60: {  	_ =	shalt  }
0x61: {  	_ =	shalt  }
0x62: {  	_ =	shalt  }
0x63: {  	_ =	shalt  }
0x64: {  	_ =	shalt  }
0x65: {  	_ =	shalt  }
0x66: {  	_ =	shalt  }
0x67: {  	_ =	shalt  }
0x68: {  	_ =	shalt  }
0x69: {  	_ =	shalt  }
0x6a: {  	_ =	shalt  }
0x6b: {  	_ =	shalt  }
0x6c: {  	_ =	shalt  }
0x6d: {  	_ =	shalt  }
0x6e: {  	_ =	shalt  }
0x6f: {  	_ =	shalt  }
0x70: {  	_ =	shalt  }
0x71: {  	_ =	shalt  }
0x72: {  	_ =	shalt  }
0x73: {  	_ =	shalt  }
0x74: {  	_ =	shalt  }
0x75: {  	_ =	shalt  }
0x76: {  	_ =	shalt  }
0x77: {  	_ =	shalt  }
0x78: {  	_ =	shalt  }
0x79: {  	_ =	shalt  }
0x7a: {  	_ =	shalt  }
0x7b: {  	_ =	shalt  }
0x7c: {  	_ =	shalt  }
0x7d: {  	_ =	shalt  }
0x7e: {  	_ =	shalt  }
0x7f: {  	_ =	shalt  }
0x80: {  	_ =	shalt  }
0x81: {  	_ =	shalt  }
0x82: {  	_ =	shalt  }
0x83: {  	_ =	shalt  }
0x84: {  	_ =	shalt  }
0x85: {  	_ =	shalt  }
0x86: {  	_ =	shalt  }
0x87: {  	_ =	shalt  }
.Lfunc_end0:
.L_simem_size_0:
called_computation.1_lowered:
.L_overlay_start_0:
0x88: {  	s2 =	sld [smem:$0x3FD9]  }
0x89: {  	s3 =	sld [smem:$0x3FFE];
	_ =	sdelay $0x1  }
0x8a: {  	s1 =	srdreg.scid  }
0x8b: {  	s0 =	sand.u32 $0x1, s1  }
0x8c: {  	s16 =	sshll.u32 s0, $0xA;
	s2 =	sadd.s32 s3, s2  }
0x8d: {  	s2 =	sadd.s32 s2, s16  }
0x8e: {  	[smem:$0x3FBC] =	sst s2  }
0x8f: {  	_ = 	snop  }
0x90: {  	(tm) =	ssettm $0x1  }
0x91: {  	s17 =	sld [smem:$0x3FFB];
	_ =	sdelay $0x3  }
0x92: {  	_ =	strace s17  }
0x93: {  	s2 =	sld [smem:$0x3FFC];
	_ =	sdelay $0x3  }
0x94: {  	_ =	strace s2  }
0x95: {  	s2 =	sld [smem:$0x3FFD];
	_ =	sdelay $0x3  }
0x96: {  	_ =	strace s2  }
0x97: {  	_ =	strace $0x8FFFFFFF  }
0x98: {  	s18 =	sld [smem:$0x3FDB];
	_ =	sdelay $0x1  }
0x99: {  	s19 =	simm.s32 $_scs_section_size  }
0x9a: {  	s4 =	simm.s32 $_size__tile_overlayer_lowered;
	s5 =	simm.s32 $_tile_overlayer_lowered  }
0x9b: {  	s22 =	simm.s32 $0x1BFF;
	s21 =	sshll.u32 s5, $0x1;
	s2 =	sadd.s32 s19, s18  }
0x9c: {  	s6 =	simm.s32 $0x0;
	s20 =	sshll.u32 s4, $0x1;
	s4 =	sadd.s32 s21, s2  }
0x9d: {  	[timem:s6], [sflag:s22] =	dma.local [hbm:s4], s20  }
0x9e: {  	_ =	swait.ge [sflag:s22], s20  }
0x9f: {  	s3 =	ssub.s32 $0x0, s20;
	[sflag:s22] =	ssyncset.done $0x0  }
0xa0: {  	[sflag:s22] =	ssyncadd.s32 s3;
	_ =	sdelay $0x1  }
0xa1: {  	s23 =	simm.s32 $0x1B8B  }
0xa2: {  	_ =	swait.ge [sflag:s23], $0x1  }
0xa3: {  	[sflag:s23] =	ssyncset.done $0x0  }
0xa4: {  	s25 =	simm.s32 $0x1B8E;
	s24 =	sld [smem:$0x3FFE];
	[sflag:s23] =	ssyncadd.s32 $0xFFFFFFFF  }
0xa5: {  	s26 =	simm.s32 $execute0_lowered;
	[smem:$0x3FD2] =	sst s25  }
0xa6: {  	s4 =	sshll.u32 s26, $0x1;
	_ =	strace $0x80000049;
	[dreg:$0x1] =	wrdreg $0xFFFFFFFF  }
0xa7: {  	s28 =	simm.s32 $_size_execute0_lowered;
	s2 =	sadd.s32 s2, s4;
	[dreg:$0x0] =	wrdreg $0x0  }
0xa8: {  	s4 =	sshll.u32 s28, $0x1;
	[dreg:$0x2] =	wrdreg s2  }
0xa9: {  	[dreg:$0x3] =	wrdreg s4  }
0xaa: {  	[dreg:$0x4] =	wrdreg $0xC0  }
0xab: {  	_ =	task [dreg:s6], $0x5FFFF  }
0xac: {  	[dreg:$0x1] =	wrdreg $0xFFFFFFFF  }
0xad: {  	[dreg:$0x0] =	wrdreg $0x60  }
0xae: {  	[dreg:$0x2] =	wrdreg s24  }
0xaf: {  	[dreg:$0x3] =	wrdreg $0xB7000  }
0xb0: {  	[dreg:$0x4] =	wrdreg $0xA3000  }
0xb1: {  	[dreg:$0x5] =	wrdreg $0x9  }
0xb2: {  	_ =	task.clear_ibuf [dreg:s6], $0x6FFFF;
	_ =	strace $0x90000049  }
0xb3: {  	s29 =	simm.s32 $0x9;
	_ =	strace $0x8000004B  }
0xb4: {  	_ =	swait.ge [sflag:s29], $0x1  }
0xb5: {  	[sflag:s29] =	ssyncadd.s32 $0xFFFFFFFF  }
0xb6: {  	_ =	strace $0x9000004B  }
0xb7: {  	_ =	sfence  }
0xb8: {  	s30 =	sld [smem:$0x0];
	_ =	sdelay $0x2  }
0xb9: {  	s31 =	sshll.u32 s1, $0xD;
	s1 =	sshrl.u32 s1, $0x2  }
0xba: {  	s3 =	sand.u32 $0x4000, s31;
	s1 =	sadd.s32 s1, s30  }
0xbb: {  	s0 =	sor.u32 s3, s0;
	s1 =	sshll.u32 s1, $0x11  }
0xbc: {  	s0 =	sor.u32 s1, s0  }
0xbd: {  	s0 =	sadd.s32 $0x8F2B, s0  }
0xbe: {  	[sflag:s0] =	ssyncadd.remote.s32 $0x1  }
0xbf: {  	_ =	sfence.sel $0xFFFF  }
0xc0: {  	[dreg:$0x0] =	wrdreg $0xFFFFFFFF;
	(pc) =	sbr.abs _section_cstart, $3  }
0xc1: {  	[dreg:$0x1] =	wrdreg $0xFFFFFFFF  }
0xc2: {  	_ =	task.clear_ibuf [dreg:s6], $0x2FFFF;
	_ =	strace $0x9FFFFFFF  }
0xc3: {  	(tm) =	ssettm $0x7FFFFFFF  }
tec
execute0_lowered:
.L_overlay_start_1:
0x0: {  	(tag) =	ssettag $0x1  }
0x1: {  	s5 =	rddreg [dreg:$0x0]  }
0x2: {  	s0 =	rddreg [dreg:$0x1]  }
0x3: {  	s3 =	srdreg.scid;
	s1 =	stileid.u32  }
0x4: {  	s2 =	rddreg [dreg:$0x2];
	s28 =	simm.s32 $0x5300;
	s29 =	simm.s32 $0x1  }
0x5: {  	s30 =	simm.s32 $0x50;
	s6 =	sand.u32 $0x1, s3;
	s11 =	smul.u32 $0x2800, s1  }
0x6: {  	s31 =	simm.s32 $0x5100;
	s10 =	sor.u32 $0x10, s1;
	s8 =	smul.u32 $0x138800, s6  }
0x7: {  	s4 =	sshll.u32 s1, $0x1;
	s12 =	sor.u32 $0x20, s1;
	s13 =	smul.u32 $0x2800, s10  }
0x8: {  	s3 =	simm.s32 $0x0;
	s15 =	sor.u32 $0x30, s1;
	s14 =	smul.u32 $0x2800, s12  }
0x9: {  	s16 =	sor.u32 $0x40, s1;
	s19 =	sor.u32 $0x50, s1;
	s17 =	smul.u32 $0x2800, s15  }
0xa: {  	s22 =	sor.u32 $0x70, s1;
	p0 =	sne.s32 s1, $0x0;
	s20 =	smul.u32 $0x2800, s16  }
0xb: {  	p1 =	sgt.u32 s1, $0xC;
	s4 =	sor.u32 s6, s4;
	s21 =	smul.u32 $0x2800, s19  }
0xc: {  	s25 =	sshll.u32 s6, $0x4;
	s6 =	ssub.s32 $0x2, s6;
	s24 =	smul.u32 $0x2800, s22  }
0xd: {  	[smem:$0x7FF] =	sst s3;
	s4 =	smul.u32 $0x4E2, s4;
	s18 =	sshrl.u32 s6, $0x1  }
0xe: {  	_ =	strace $0x8000004A;
	s9 =	sadd.s32 s25, s5;
	s6 =	ssub.s32 s6, s18  }
0xf: {  	s18 =	sor.u32 $0x60, s1;
	s11 =	sadd.s32 s11, s8;
	s13 =	sadd.s32 s8, s13  }
0x10: {  	s14 =	sadd.s32 s8, s14;
	s17 =	sadd.s32 s8, s17;
	s20 =	sadd.s32 s8, s20  }
0x11: {  	s21 =	sadd.s32 s8, s21;
	s9 =	sadd.s32 $0x1E00, s9;
	s7 =	sadd.s32 s4, s5  }
0x12: {  	s4 =	sadd.s32 $0x153200, s5;
	s5 =	sadd.s32 $0x6E00, s5;
	s23 =	smul.u32 $0x2800, s18  }
0x13: {  	[dreg:$0x4] =	wrdreg s9;
	s9 =	smul.u32 $0xA000, s10;
	s26 =	sshrl.u32 s11, $0x3  }
0x14: {  	s11 =	smul.u32 $0xA000, s12;
	s12 =	sshrl.u32 s13, $0x3;
	s13 =	sshrl.u32 s14, $0x3  }
0x15: {  	s14 =	sshrl.u32 s17, $0x3;
	s20 =	sshrl.u32 s20, $0x3;
	s21 =	sshrl.u32 s21, $0x3  }
0x16: {  	s10 =	sadd.s32 s5, s26;
	s17 =	sadd.s32 s5, s14;
	s26 =	sadd.s32 $0x144400, s7  }
0x17: {  	s14 =	smul.u32 $0xA000, s19;
	s23 =	sadd.s32 s8, s23;
	[dreg:$0x5] =	wrdreg s10  }
0x18: {  	s8 =	sadd.s32 s8, s24;
	s24 =	smul.u32 $0xA000, s1;
	[dreg:$0x8] =	wrdreg s17  }
0x19: {  	s10 =	sadd.s32 s5, s12;
	[dreg:$0xd] =	wrdreg s26;
	s12 =	smul.u32 $0xA000, s16  }
0x1a: {  	s1 =	simm.s32 $0x2;
	[dreg:$0x6] =	wrdreg s10;
	s10 =	sadd.s32 s5, s13  }
0x1b: {  	s23 =	sshrl.u32 s23, $0x3;
	s8 =	sshrl.u32 s8, $0x3;
	s13 =	sshrl.u32 s9, $0x2  }
0x1c: {  	[dreg:$0x7] =	wrdreg s10;
	s10 =	sadd.s32 s5, s20;
	s25 =	sadd.s32 s5, s23  }
0x1d: {  	s17 =	sadd.s32 s13, s0;
	s20 =	sshrl.u32 s11, $0x2;
	[dreg:$0x9] =	wrdreg s10  }
0x1e: {  	s23 =	smul.u32 $0xA000, s22;
	s10 =	sadd.s32 s5, s21;
	[dreg:$0xb] =	wrdreg s25  }
0x1f: {  	s5 =	sadd.s32 s5, s8;
	s8 =	smul.u32 $0xA000, s15;
	s15 =	sadd.s32 $0x13A600, s7  }
0x20: {  	s21 =	smul.u32 $0xA000, s18;
	s18 =	sadd.s32 s20, s0;
	[dreg:$0xa] =	wrdreg s10  }
0x21: {  	s7 =	simm.s32 $0x4;
	[dreg:$0xc] =	wrdreg s5;
	s10 =	sshrl.u32 s24, $0x2  }
0x22: {  	s24 =	sshrl.u32 s14, $0x2;
	s26 =	sshrl.u32 s23, $0x2;
	s16 =	sadd.s32 s10, s0  }
.Ltmp0:
0x23: {  	s5 =	sshrl.u32 s8, $0x2;
	s8 =	sshrl.u32 s12, $0x2;
	(pc) =	sbr.rel .LBB2_1-.Ltmp0, $4  }
0x24: {  	s25 =	sshrl.u32 s21, $0x2;
	s21 =	sadd.s32 s24, s0;
	s23 =	sadd.s32 s26, s0  }
0x25: {  	s24 =	smax.u32 s6, $0x1;
	s26 =	simm.s32 $0x5180;
	s6 =	simm.s32 $0x3  }
0x26: {  	s19 =	sadd.s32 s5, s0;
	s20 =	sadd.s32 s8, s0;
	s22 =	sadd.s32 s25, s0  }
0x27: {  	v0 =	vimm.f32 $0.0e+00;
	s25 =	simm.s32 $0x5;
	s5 =	simm.s32 $0x7B00;
	s8 =	simm.s32 $0x0  }
.LBB2_13:
0x28: {  	_ =	swait.ge [sflag:s6], $0x2800  }
0x29: {  	[sflag:s6] =	ssyncset.done $0x0  }
0x2a: {  	[sflag:s6] =	ssyncadd.s32 $0xFFFFD800  }
0x2b: {  	_ =	swait.ge [sflag:s7], $0x2800  }
0x2c: {  	[sflag:s7] =	ssyncset.done $0x0  }
0x2d: {  	[sflag:s7] =	ssyncadd.s32 $0xFFFFD800  }
0x2e: {  	[bflag:$0x0] =	sbarrier.arrive $0xFFFF  }
0x2f: {  	[tilespmem:s28], [sflag:$0x5] =	stream.linear.gather [spmem:s16], $0x2800, $0x38;
	[tilespmem:$0x1EF80] =	vst v63  }
0x30: {  	_ =	swait.ge [sflag:s25], $0x2800  }
0x31: {  	[sflag:s25] =	ssyncset.done $0x0  }
0x32: {  	s9 =	rddreg [dreg:$0x5];
	[sflag:s25] =	ssyncadd.s32 $0xFFFFD800  }
0x33: {  	[hbm4b:s9+s3] =	stream.linear.scatter [tilespmem:s28], [sflag:$0x5], $0x2800, $0x38;
	[tilespmem:$0x1EF80] =	vst v63  }
0x34: {  	_ =	swait.ge [sflag:s25], $0x2800  }
0x35: {  	[sflag:s25] =	ssyncset.done $0x0  }
0x36: {  	[sflag:s25] =	ssyncadd.s32 $0xFFFFD800  }
0x37: {  	[tilespmem:s28], [sflag:$0x5] =	stream.linear.gather [spmem:s17], $0x2800, $0x38;
	[tilespmem:$0x1EF80] =	vst v63  }
0x38: {  	_ =	swait.ge [sflag:s25], $0x2800  }
0x39: {  	[sflag:s25] =	ssyncset.done $0x0  }
0x3a: {  	s14 =	rddreg [dreg:$0x6];
	[sflag:s25] =	ssyncadd.s32 $0xFFFFD800  }
0x3b: {  	[hbm4b:s14+s3] =	stream.linear.scatter [tilespmem:s28], [sflag:$0x5], $0x2800, $0x38;
	[tilespmem:$0x1EF80] =	vst v63  }
0x3c: {  	_ =	swait.ge [sflag:s25], $0x2800  }
0x3d: {  	[sflag:s25] =	ssyncset.done $0x0  }
0x3e: {  	[sflag:s25] =	ssyncadd.s32 $0xFFFFD800  }
0x3f: {  	[tilespmem:s28], [sflag:$0x5] =	stream.linear.gather [spmem:s18], $0x2800, $0x38;
	[tilespmem:$0x1EF80] =	vst v63  }
0x40: {  	_ =	swait.ge [sflag:s25], $0x2800  }
0x41: {  	[sflag:s25] =	ssyncset.done $0x0  }
0x42: {  	s10 =	rddreg [dreg:$0x7];
	[sflag:s25] =	ssyncadd.s32 $0xFFFFD800  }
0x43: {  	[hbm4b:s10+s3] =	stream.linear.scatter [tilespmem:s28], [sflag:$0x5], $0x2800, $0x38;
	[tilespmem:$0x1EF80] =	vst v63  }
0x44: {  	_ =	swait.ge [sflag:s25], $0x2800  }
0x45: {  	[sflag:s25] =	ssyncset.done $0x0  }
0x46: {  	[sflag:s25] =	ssyncadd.s32 $0xFFFFD800  }
0x47: {  	[tilespmem:s28], [sflag:$0x5] =	stream.linear.gather [spmem:s19], $0x2800, $0x38;
	[tilespmem:$0x1EF80] =	vst v63  }
0x48: {  	_ =	swait.ge [sflag:s25], $0x2800  }
0x49: {  	[sflag:s25] =	ssyncset.done $0x0  }
0x4a: {  	s11 =	rddreg [dreg:$0x8];
	[sflag:s25] =	ssyncadd.s32 $0xFFFFD800  }
0x4b: {  	[hbm4b:s11+s3] =	stream.linear.scatter [tilespmem:s28], [sflag:$0x5], $0x2800, $0x38;
	[tilespmem:$0x1EF80] =	vst v63  }
0x4c: {  	_ =	swait.ge [sflag:s25], $0x2800  }
0x4d: {  	[sflag:s25] =	ssyncset.done $0x0  }
0x4e: {  	[sflag:s25] =	ssyncadd.s32 $0xFFFFD800  }
0x4f: {  	[tilespmem:s28], [sflag:$0x5] =	stream.linear.gather [spmem:s20], $0x2800, $0x38;
	[tilespmem:$0x1EF80] =	vst v63  }
0x50: {  	_ =	swait.ge [sflag:s25], $0x2800  }
0x51: {  	[sflag:s25] =	ssyncset.done $0x0  }
0x52: {  	s12 =	rddreg [dreg:$0x9];
	[sflag:s25] =	ssyncadd.s32 $0xFFFFD800  }
0x53: {  	[hbm4b:s12+s3] =	stream.linear.scatter [tilespmem:s28], [sflag:$0x5], $0x2800, $0x38;
	[tilespmem:$0x1EF80] =	vst v63  }
0x54: {  	_ =	swait.ge [sflag:s25], $0x2800  }
0x55: {  	[sflag:s25] =	ssyncset.done $0x0  }
0x56: {  	[sflag:s25] =	ssyncadd.s32 $0xFFFFD800  }
0x57: {  	[tilespmem:s28], [sflag:$0x5] =	stream.linear.gather [spmem:s21], $0x2800, $0x38;
	[tilespmem:$0x1EF80] =	vst v63  }
0x58: {  	_ =	swait.ge [sflag:s25], $0x2800  }
0x59: {  	[sflag:s25] =	ssyncset.done $0x0  }
0x5a: {  	s13 =	rddreg [dreg:$0xa];
	[sflag:s25] =	ssyncadd.s32 $0xFFFFD800  }
0x5b: {  	[hbm4b:s13+s3] =	stream.linear.scatter [tilespmem:s28], [sflag:$0x5], $0x2800, $0x38;
	[tilespmem:$0x1EF80] =	vst v63  }
0x5c: {  	_ =	swait.ge [sflag:s25], $0x2800  }
0x5d: {  	[sflag:s25] =	ssyncset.done $0x0  }
0x5e: {  	[sflag:s25] =	ssyncadd.s32 $0xFFFFD800  }
0x5f: {  	[tilespmem:s28], [sflag:$0x5] =	stream.linear.gather [spmem:s22], $0x2800, $0x38;
	[tilespmem:$0x1EF80] =	vst v63  }
0x60: {  	_ =	swait.ge [sflag:s25], $0x2800  }
0x61: {  	[sflag:s25] =	ssyncset.done $0x0  }
0x62: {  	s14 =	rddreg [dreg:$0xb];
	[sflag:s25] =	ssyncadd.s32 $0xFFFFD800  }
0x63: {  	[hbm4b:s14+s3] =	stream.linear.scatter [tilespmem:s28], [sflag:$0x5], $0x2800, $0x38;
	[tilespmem:$0x1EF80] =	vst v63  }
0x64: {  	_ =	swait.ge [sflag:s25], $0x2800  }
0x65: {  	[sflag:s25] =	ssyncset.done $0x0  }
0x66: {  	s9 =	simm.s32 @!p1 $0x5300;
	s10 =	simm.s32 @!p1 $0x5;
	[sflag:s25] =	ssyncadd.s32 $0xFFFFD800  }
0x67: {  	[tilespmem:s9], [sflag:$0x5] =	stream.linear.gather @!p1 [spmem:s23], $0x2800, $0x38;
	[tilespmem:$0x1EF80] =	vst v63  }
0x68: {  	s8 =	sadd.s32 $0x1, s8;
	_ =	swait.ge @!p1 [sflag:s10], $0x2800  }
0x69: {  	p2 =	sne.s32 s8, s24;
	s11 =	simm.s32 @!p1 $0x0;
	[sflag:s10] =	ssyncset.done @!p1 $0x0  }
.Ltmp1:
0x6a: {  	s12 =	rddreg [dreg:$0xc];
	[sflag:s10] =	ssyncadd.s32 @!p1 $0xFFFFD800;
	(pc) =	sbr.rel @!p2 .LBB2_14-.Ltmp1, $4  }
0x6b: {  	[hbm4b:s12+s11] =	stream.linear.scatter @!p1 [tilespmem:s9], [sflag:$0x5], $0x2800, $0x38;
	[tilespmem:$0x1EF80] =	vst v63  }
0x6c: {  	_ =	swait.ge @!p1 [sflag:s10], $0x2800  }
0x6d: {  	[sflag:s10] =	ssyncset.done @!p1 $0x0  }
0x6e: {  	[sflag:s10] =	ssyncadd.s32 @!p1 $0xFFFFD800  }
.LBB2_1:
0x6f: {  	s9 =	sshrl.u32 @!p0 s2, $0x3;
	s10 =	simm.s32 @!p0 $0x1;
	s11 =	simm.s32 @!p0 $0x10  }
0x70: {  	s12 =	simm.s32 @!p0 $0x20;
	s13 =	simm.s32 @!p0 $0x1C05;
	s14 =	rddreg [dreg:$0x4]  }
0x71: {  	[spmem:s9@s11], [sflag:s13] =	dma.strided @!p0 [hbm:s14@s12], $0x2800, s10, $0x10   }
0x72: {  	s9 =	simm.s32 @!p0 $0x5  }
0x73: {  	_ =	swait.ge @!p0 [sflag:s9], $0x2800  }
0x74: {  	[sflag:s9] =	ssyncset.done @!p0 $0x0  }
0x75: {  	s13 =	rddreg [dreg:$0xd];
	[sflag:s9] =	ssyncadd.s32 @!p0 $0xFFFFD800  }
0x76: {  	[tilespmem:s3], [sflag:$0x5] =	stream.linear.gather [hbm4b:s13+s3], $0x2710, $0x38;
	[tilespmem:$0x1EF80] =	vst v63  }
0x77: {  	_ =	swait.ge [sflag:s25], $0x2710  }
0x78: {  	[sflag:s25] =	ssyncset.done $0x0  }
0x79: {  	s14 =	simm.s32 $0x2780;
	[sflag:s25] =	ssyncadd.s32 $0xFFFFD8F0  }
0x7a: {  	[tilespmem:s14], [sflag:$0x5] =	stream.linear.gather [hbm4b:s15+s3], $0x2710, $0x38;
	[tilespmem:$0x1EF80] =	vst v63  }
0x7b: {  	_ =	swait.ge [sflag:s25], $0x2710  }
0x7c: {  	[sflag:s25] =	ssyncset.done $0x0  }
0x7d: {  	s10 =	simm.s32 $0x200;
	s9 =	simm.s32 $0x0;
	[sflag:s25] =	ssyncadd.s32 $0xFFFFD8F0  }
.LBB2_2:
0x7e: {  	p2 =	sne.s32 s10, $0x9E00;
	[tilespmem:s9+$0x5370] =	vst v0  }
0x7f: {  	[tilespmem:s9+$0x5300] =	vst v0  }
0x80: {  	[tilespmem:s9+$0x5310] =	vst v0  }
.Ltmp2:
0x81: {  	[tilespmem:s9+$0x5320] =	vst v0;
	(pc) =	sbr.rel @p2 .LBB2_2-.Ltmp2, $4  }
0x82: {  	[tilespmem:s9+$0x5330] =	vst v0  }
0x83: {  	[tilespmem:s9+$0x5340] =	vst v0  }
0x84: {  	[tilespmem:s9+$0x5350] =	vst v0  }
0x85: {  	[tilespmem:s9+$0x5360] =	vst v0;
	s9 =	sshra.s32 s10, $0x2;
	s10 =	sadd.s32 $0x200, s10  }
0x86: {  	[tilespmem:s9+$0x5370] =	vst v0  }
0x87: {  	[tilespmem:s9+$0x5300] =	vst v0  }
0x88: {  	[tilespmem:s9+$0x5310] =	vst v0  }
0x89: {  	[tilespmem:s9+$0x5320] =	vst v0  }
0x8a: {  	[tilespmem:s9+$0x5330] =	vst v0  }
0x8b: {  	[tilespmem:s9+$0x5340] =	vst v0  }
0x8c: {  	[tilespmem:s9+$0x5350] =	vst v0  }
0x8d: {  	[tilespmem:s9+$0x5360] =	vst v0  }
0x8e: {  	[spmem:s16] =	stream.linear.scatter [tilespmem:s28], [sflag:$0x5], $0x2800, $0x38;
	[tilespmem:$0x1EF80] =	vst v63  }
0x8f: {  	_ =	swait.ge [sflag:s25], $0x2800  }
0x90: {  	[sflag:s25] =	ssyncset.done $0x0  }
0x91: {  	[sflag:s25] =	ssyncadd.s32 $0xFFFFD800  }
0x92: {  	[spmem:s17] =	stream.linear.scatter [tilespmem:s28], [sflag:$0x5], $0x2800, $0x38;
	[tilespmem:$0x1EF80] =	vst v63  }
0x93: {  	_ =	swait.ge [sflag:s25], $0x2800  }
0x94: {  	[sflag:s25] =	ssyncset.done $0x0  }
0x95: {  	[sflag:s25] =	ssyncadd.s32 $0xFFFFD800  }
0x96: {  	[spmem:s18] =	stream.linear.scatter [tilespmem:s28], [sflag:$0x5], $0x2800, $0x38;
	[tilespmem:$0x1EF80] =	vst v63  }
0x97: {  	_ =	swait.ge [sflag:s25], $0x2800  }
0x98: {  	[sflag:s25] =	ssyncset.done $0x0  }
0x99: {  	[sflag:s25] =	ssyncadd.s32 $0xFFFFD800  }
0x9a: {  	[spmem:s19] =	stream.linear.scatter [tilespmem:s28], [sflag:$0x5], $0x2800, $0x38;
	[tilespmem:$0x1EF80] =	vst v63  }
0x9b: {  	_ =	swait.ge [sflag:s25], $0x2800  }
0x9c: {  	[sflag:s25] =	ssyncset.done $0x0  }
0x9d: {  	[sflag:s25] =	ssyncadd.s32 $0xFFFFD800  }
0x9e: {  	[spmem:s20] =	stream.linear.scatter [tilespmem:s28], [sflag:$0x5], $0x2800, $0x38;
	[tilespmem:$0x1EF80] =	vst v63  }
0x9f: {  	_ =	swait.ge [sflag:s25], $0x2800  }
0xa0: {  	[sflag:s25] =	ssyncset.done $0x0  }
0xa1: {  	[sflag:s25] =	ssyncadd.s32 $0xFFFFD800  }
0xa2: {  	[spmem:s21] =	stream.linear.scatter [tilespmem:s28], [sflag:$0x5], $0x2800, $0x38;
	[tilespmem:$0x1EF80] =	vst v63  }
0xa3: {  	_ =	swait.ge [sflag:s25], $0x2800  }
0xa4: {  	[sflag:s25] =	ssyncset.done $0x0  }
0xa5: {  	[sflag:s25] =	ssyncadd.s32 $0xFFFFD800  }
0xa6: {  	[spmem:s22] =	stream.linear.scatter [tilespmem:s28], [sflag:$0x5], $0x2800, $0x38;
	[tilespmem:$0x1EF80] =	vst v63  }
0xa7: {  	_ =	swait.ge [sflag:s25], $0x2800  }
0xa8: {  	[sflag:s25] =	ssyncset.done $0x0  }
0xa9: {  	s9 =	simm.s32 @!p1 $0x5300;
	[sflag:s25] =	ssyncadd.s32 $0xFFFFD800  }
0xaa: {  	[spmem:s23] =	stream.linear.scatter @!p1 [tilespmem:s9], [sflag:$0x5], $0x2800, $0x38;
	[tilespmem:$0x1EF80] =	vst v63  }
0xab: {  	s9 =	simm.s32 @!p1 $0x5  }
.Ltmp3:
0xac: {  	_ =	swait.ge @!p1 [sflag:s9], $0x2800;
	(pc) =	sbr.rel .LBB2_4-.Ltmp3, $4  }
0xad: {  	[sflag:s9] =	ssyncset.done @!p1 $0x0  }
0xae: {  	[sflag:s9] =	ssyncadd.s32 @!p1 $0xFFFFD800  }
0xaf: {  	[bflag:$0x0] =	sbarrier.arrive $0xFFFF  }
0xb0: {  	s9 =	simm.s32 $0x0  }
.LBB2_12:
0xb1: {  	s9 =	sadd.s32 $0x1, s9  }
0xb2: {  	p2 =	sne.s32 s9, $0x7E  }
.Ltmp4:
0xb3: {  	_ = 	snop;
	(pc) =	sbr.rel @!p2 .LBB2_13-.Ltmp4, $1  }
0xb4: {  	_ =	sdelay $0x3  }
.LBB2_4:
0xb5: {  	s10 =	sand.u32 $0x1, s9  }
0xb6: {  	p2 =	seq.s32 s10, $0x1  }
0xb7: {  	p3 =	slt.u32 @!p2 s9, $0x2  }
0xb8: {  	p3 =	por p3, p2  }
0xb9: {  	s11 =	simm.s32 @!p3 $0x3  }
0xba: {  	_ =	swait.ge @!p3 [sflag:s11], $0x2800  }
0xbb: {  	s12 =	smul.u32 @!p2 $0x50, s9;
	[sflag:s11] =	ssyncset.done @!p3 $0x0  }
0xbc: {  	[sflag:s11] =	ssyncadd.s32 @!p3 $0xFFFFD800  }
0xbd: {  	v1 =	vld @!p2 [tilespmem:s12+$0x0]  }
0xbe: {  	v2 =	vld @!p2 [tilespmem:s12+$0x2780];
	_ =	sdelay $0x3  }
0xbf: {  	[tilespmem:$0x4F00] =	vst @!p2 v1  }
0xc0: {  	[tilespmem:$0x5000] =	vst @!p2 v2;
	v1 =	vshrl.u32 @!p2 v2, $0x3  }
0xc1: {  	s11 =	sor.u32 @!p2 $0x10, s12;
	[tilespmem:$0x5100] =	vst @!p2 v1  }
0xc2: {  	v1 =	vld @!p2 [tilespmem:s11+$0x0]  }
0xc3: {  	v2 =	vld @!p2 [tilespmem:s12+$0x2790];
	_ =	sdelay $0x3  }
0xc4: {  	[tilespmem:$0x4F10] =	vst @!p2 v1  }
0xc5: {  	[tilespmem:$0x5010] =	vst @!p2 v2;
	v1 =	vshrl.u32 @!p2 v2, $0x3  }
0xc6: {  	[tilespmem:$0x5110] =	vst @!p2 v1  }
0xc7: {  	v1 =	vld @!p2 [tilespmem:s12+$0x20]  }
0xc8: {  	v2 =	vld @!p2 [tilespmem:s12+$0x27A0];
	_ =	sdelay $0x3  }
0xc9: {  	[tilespmem:$0x4F20] =	vst @!p2 v1  }
0xca: {  	[tilespmem:$0x5020] =	vst @!p2 v2;
	v1 =	vshrl.u32 @!p2 v2, $0x3  }
0xcb: {  	[tilespmem:$0x5120] =	vst @!p2 v1  }
0xcc: {  	v1 =	vld @!p2 [tilespmem:s12+$0x30]  }
0xcd: {  	v2 =	vld @!p2 [tilespmem:s12+$0x27B0];
	_ =	sdelay $0x3  }
0xce: {  	[tilespmem:$0x4F30] =	vst @!p2 v1  }
0xcf: {  	[tilespmem:$0x5030] =	vst @!p2 v2;
	v1 =	vshrl.u32 @!p2 v2, $0x3  }
0xd0: {  	[tilespmem:$0x5130] =	vst @!p2 v1  }
0xd1: {  	v1 =	vld @!p2 [tilespmem:s12+$0x40]  }
0xd2: {  	v2 =	vld @!p2 [tilespmem:s12+$0x27C0];
	_ =	sdelay $0x3  }
0xd3: {  	[tilespmem:$0x4F40] =	vst @!p2 v1  }
0xd4: {  	p4 =	seq.s32 s9, $0x7D;
	s13 =	simm.s32 @!p2 $0x5200;
	[tilespmem:$0x5040] =	vst @!p2 v2;
	v1 =	vshrl.u32 @!p2 v2, $0x3  }
0xd5: {  	p3 =	por !p2, p4;
	s11 =	simm.s32 @!p2 $0x50;
	s12 =	simm.s32 @!p2 $0x5000;
	[tilespmem:$0x5140] =	vst @!p2 v1  }
0xd6: {  	[tilespmem:s13], [sflag:$0x5] =	stream.indirect.gather @!p2 [spmem:s2], $0x1, s12, s11, $0xb8;
	[tilespmem:$0x1EF80] =	vst v63  }
0xd7: {  	p5 =	slt.u32 @!p3 s9, $0x2;
	s12 =	simm.s32 @!p2 $0x5  }
0xd8: {  	p5 =	por @!p4 p5, !p2;
	_ =	swait.ge @!p2 [sflag:s12], $0x50  }
0xd9: {  	p4 =	por p5, p4;
	[sflag:s12] =	ssyncset.done @!p2 $0x0  }
0xda: {  	s13 =	simm.s32 @!p2 $0x5300;
	[sflag:s12] =	ssyncadd.s32 @!p2 $0xFFFFFFB0;
	s12 =	simm.s32 @!p2 $0x4F00  }
0xdb: {  	[tilespmem:s13], [sflag:$0x1] =	stream.indirect.gather @!p2 [hbm4b:s4+s11], $0x80, s12, s11, $0xb8;
	[tilespmem:$0x1EF80] =	vst v63  }
0xdc: {  	s11 =	simm.s32 @!p4 $0x4  }
0xdd: {  	_ =	swait.ge @!p4 [sflag:s11], $0x2800  }
0xde: {  	s12 =	smul.u32 @!p3 $0x50, s9;
	[sflag:s11] =	ssyncset.done @!p4 $0x0  }
0xdf: {  	[sflag:s11] =	ssyncadd.s32 @!p4 $0xFFFFD800  }
0xe0: {  	v1 =	vld @!p3 [tilespmem:s12+$0x0]  }
0xe1: {  	v2 =	vld @!p3 [tilespmem:s12+$0x2780];
	_ =	sdelay $0x3  }
0xe2: {  	[tilespmem:$0x4F80] =	vst @!p3 v1  }
0xe3: {  	[tilespmem:$0x5080] =	vst @!p3 v2;
	v1 =	vshrl.u32 @!p3 v2, $0x3  }
0xe4: {  	[tilespmem:$0x5180] =	vst @!p3 v1  }
0xe5: {  	v1 =	vld @!p3 [tilespmem:s12+$0x10]  }
0xe6: {  	v2 =	vld @!p3 [tilespmem:s12+$0x2790];
	_ =	sdelay $0x3  }
0xe7: {  	[tilespmem:$0x4F90] =	vst @!p3 v1  }
0xe8: {  	[tilespmem:$0x5090] =	vst @!p3 v2;
	v1 =	vshrl.u32 @!p3 v2, $0x3  }
0xe9: {  	[tilespmem:$0x5190] =	vst @!p3 v1  }
0xea: {  	v1 =	vld @!p3 [tilespmem:s12+$0x20]  }
0xeb: {  	v2 =	vld @!p3 [tilespmem:s12+$0x27A0];
	_ =	sdelay $0x3  }
0xec: {  	[tilespmem:$0x4FA0] =	vst @!p3 v1  }
0xed: {  	[tilespmem:$0x50A0] =	vst @!p3 v2;
	v1 =	vshrl.u32 @!p3 v2, $0x3  }
0xee: {  	[tilespmem:$0x51A0] =	vst @!p3 v1  }
0xef: {  	v1 =	vld @!p3 [tilespmem:s12+$0x30]  }
0xf0: {  	v2 =	vld @!p3 [tilespmem:s12+$0x27B0];
	_ =	sdelay $0x3  }
0xf1: {  	[tilespmem:$0x4FB0] =	vst @!p3 v1  }
0xf2: {  	[tilespmem:$0x50B0] =	vst @!p3 v2;
	v1 =	vshrl.u32 @!p3 v2, $0x3  }
0xf3: {  	[tilespmem:$0x51B0] =	vst @!p3 v1  }
0xf4: {  	v1 =	vld @!p3 [tilespmem:s12+$0x40]  }
0xf5: {  	v2 =	vld @!p3 [tilespmem:s12+$0x27C0];
	_ =	sdelay $0x3  }
0xf6: {  	[tilespmem:$0x4FC0] =	vst @!p3 v1  }
0xf7: {  	[tilespmem:$0x50C0] =	vst @!p3 v2;
	v1 =	vshrl.u32 @!p3 v2, $0x3  }
0xf8: {  	s13 =	simm.s32 @!p3 $0x5280;
	s11 =	simm.s32 @!p3 $0x50;
	s12 =	simm.s32 @!p3 $0x5080;
	[tilespmem:$0x51C0] =	vst @!p3 v1  }
0xf9: {  	[tilespmem:s13], [sflag:$0x5] =	stream.indirect.gather @!p3 [spmem:s2], $0x1, s12, s11, $0xb8;
	[tilespmem:$0x1EF80] =	vst v63  }
.Ltmp5:
0xfa: {  	s12 =	simm.s32 @!p3 $0x5;
	(pc) =	sbr.rel @!p2 .LBB2_8-.Ltmp5, $4  }
0xfb: {  	_ =	swait.ge @!p3 [sflag:s12], $0x50  }
0xfc: {  	[sflag:s12] =	ssyncset.done @!p3 $0x0  }
0xfd: {  	s13 =	simm.s32 @!p3 $0x7B00;
	[sflag:s12] =	ssyncadd.s32 @!p3 $0xFFFFFFB0;
	s12 =	simm.s32 @!p3 $0x4F80  }
0xfe: {  	[tilespmem:s13], [sflag:$0x2] =	stream.indirect.gather @!p3 [hbm4b:s4+s11], $0x80, s12, s11, $0xb8;
	[tilespmem:$0x1EF80] =	vst v63  }
0xff: {  	_ =	swait.ge [sflag:s29], $0x2800  }
0x100: {  	[sflag:s29] =	ssyncset.done $0x0  }
0x101: {  	s11 =	simm.s32 $0x0;
	[sflag:s29] =	ssyncadd.s32 $0xFFFFD800  }
.LBB2_6:
0x102: {  	s12 =	sshll.u32 s11, $0x4  }
0x103: {  	s12 =	sand.u32 $0x3FFFFFF0, s12  }
0x104: {  	v1 =	vld [tilespmem:s12+$0x5200];
	_ =	sdelay $0x4  }
0x105: {  	v1 =	vmax.f32 v1, $1.000000000e+00  }
0x106: {  	(erf) = vrcp.f32 v1;
	_ =	sdelay $0x4  }
0x107: {  	s14 =	sshll.u32 s11, $0xB  }
0x108: {  	s12 =	sand.u32 $0x3FFFF800, s14  }
0x109: {  	v2 =	vld [tilespmem:s12+$0x5300]  }
0x10a: {  	v3 =	vld [tilespmem:s12+$0x5310]  }
0x10b: {  	v4 =	vld [tilespmem:s12+$0x5320];
	v1 =	vpop (erf)  }
0x10c: {  	v6 =	vld [tilespmem:s12+$0x5330];
	v5 =	vbroadcast v1, $0x0  }
0x10d: {  	v7 =	vld [tilespmem:s12+$0x5340]  }
0x10e: {  	v8 =	vld [tilespmem:s12+$0x5350];
	v2 =	vmul.f32 v5, v2  }
0x10f: {  	v9 =	vld [tilespmem:s12+$0x5360];
	v3 =	vmul.f32 v5, v3  }
0x110: {  	v34 =	vld [tilespmem:s12+$0x5370];
	[tilespmem:s12+$0x5300] =	vst v2;
	v2 =	vmul.f32 v4, v5  }
0x111: {  	v35 =	vld [tilespmem:s12+$0x5380];
	[tilespmem:s12+$0x5310] =	vst v3;
	v3 =	vmul.f32 v6, v5  }
0x112: {  	v36 =	vld [tilespmem:s12+$0x5390];
	[tilespmem:s12+$0x5320] =	vst v2;
	v2 =	vmul.f32 v7, v5  }
0x113: {  	v37 =	vld [tilespmem:s12+$0x53A0];
	[tilespmem:s12+$0x5330] =	vst v3;
	v3 =	vmul.f32 v8, v5  }
0x114: {  	v10 =	vld [tilespmem:s12+$0x53B0];
	v38 =	vbroadcast v1, $0x1;
	[tilespmem:s12+$0x5340] =	vst v2;
	v2 =	vmul.f32 v9, v5  }
0x115: {  	v39 =	vld [tilespmem:s12+$0x53C0];
	[tilespmem:s12+$0x5350] =	vst v3;
	v3 =	vmul.f32 v34, v5  }
0x116: {  	v40 =	vld [tilespmem:s12+$0x53D0];
	[tilespmem:s12+$0x5360] =	vst v2;
	v2 =	vmul.f32 v35, v38  }
0x117: {  	v41 =	vld [tilespmem:s12+$0x53E0];
	[tilespmem:s12+$0x5370] =	vst v3;
	v3 =	vmul.f32 v36, v38  }
0x118: {  	v42 =	vld [tilespmem:s12+$0x53F0];
	[tilespmem:s12+$0x5380] =	vst v2;
	v2 =	vmul.f32 v37, v38  }
0x119: {  	v43 =	vld [tilespmem:s12+$0x5400];
	[tilespmem:s12+$0x5390] =	vst v3;
	v3 =	vmul.f32 v10, v38  }
0x11a: {  	v44 =	vld [tilespmem:s12+$0x5410];
	[tilespmem:s12+$0x53A0] =	vst v2;
	v2 =	vmul.f32 v39, v38  }
0x11b: {  	v45 =	vld [tilespmem:s12+$0x5420];
	[tilespmem:s12+$0x53B0] =	vst v3;
	v3 =	vmul.f32 v40, v38  }
0x11c: {  	v47 =	vld [tilespmem:s12+$0x5430];
	v46 =	vbroadcast v1, $0x2;
	[tilespmem:s12+$0x53C0] =	vst v2;
	v2 =	vmul.f32 v41, v38  }
0x11d: {  	v48 =	vld [tilespmem:s12+$0x5440];
	[tilespmem:s12+$0x53D0] =	vst v3;
	v3 =	vmul.f32 v42, v38  }
0x11e: {  	v49 =	vld [tilespmem:s12+$0x5450];
	[tilespmem:s12+$0x53E0] =	vst v2;
	v2 =	vmul.f32 v43, v46  }
0x11f: {  	v50 =	vld [tilespmem:s12+$0x5460];
	[tilespmem:s12+$0x53F0] =	vst v3;
	v3 =	vmul.f32 v44, v46  }
0x120: {  	v51 =	vld [tilespmem:s12+$0x5470];
	[tilespmem:s12+$0x5400] =	vst v2;
	v2 =	vmul.f32 v45, v46  }
0x121: {  	v52 =	vld [tilespmem:s12+$0x5480];
	[tilespmem:s12+$0x5410] =	vst v3;
	v3 =	vmul.f32 v47, v46  }
0x122: {  	v53 =	vld [tilespmem:s12+$0x5490];
	[tilespmem:s12+$0x5420] =	vst v2;
	v2 =	vmul.f32 v48, v46  }
0x123: {  	v54 =	vld [tilespmem:s12+$0x54A0];
	[tilespmem:s12+$0x5430] =	vst v3;
	v3 =	vmul.f32 v49, v46  }
0x124: {  	v56 =	vld [tilespmem:s12+$0x54B0];
	v55 =	vbroadcast v1, $0x3;
	[tilespmem:s12+$0x5440] =	vst v2;
	v2 =	vmul.f32 v50, v46  }
0x125: {  	v57 =	vld [tilespmem:s12+$0x54C0];
	[tilespmem:s12+$0x5450] =	vst v3;
	v3 =	vmul.f32 v51, v46  }
0x126: {  	v58 =	vld [tilespmem:s12+$0x54D0];
	[tilespmem:s12+$0x5460] =	vst v2;
	v2 =	vmul.f32 v52, v55  }
0x127: {  	v59 =	vld [tilespmem:s12+$0x54E0];
	[tilespmem:s12+$0x5470] =	vst v3;
	v3 =	vmul.f32 v53, v55  }
0x128: {  	v60 =	vld [tilespmem:s12+$0x54F0];
	[tilespmem:s12+$0x5480] =	vst v2;
	v2 =	vmul.f32 v54, v55  }
0x129: {  	v61 =	vld [tilespmem:s12+$0x5500];
	[tilespmem:s12+$0x5490] =	vst v3;
	v3 =	vmul.f32 v56, v55  }
0x12a: {  	v62 =	vld [tilespmem:s12+$0x5510];
	[tilespmem:s12+$0x54A0] =	vst v2;
	v2 =	vmul.f32 v57, v55  }
0x12b: {  	v63 =	vld [tilespmem:s12+$0x5520];
	[tilespmem:s12+$0x54B0] =	vst v3;
	v3 =	vmul.f32 v58, v55  }
0x12c: {  	v13 =	vld [tilespmem:s12+$0x5530];
	v12 =	vbroadcast v1, $0x4;
	[tilespmem:s12+$0x54C0] =	vst v2;
	v2 =	vmul.f32 v59, v55  }
0x12d: {  	v14 =	vld [tilespmem:s12+$0x5540];
	[tilespmem:s12+$0x54D0] =	vst v3;
	v3 =	vmul.f32 v60, v55  }
0x12e: {  	v15 =	vld [tilespmem:s12+$0x5550];
	[tilespmem:s12+$0x54E0] =	vst v2;
	v2 =	vmul.f32 v61, v12  }
0x12f: {  	v16 =	vld [tilespmem:s12+$0x5560];
	[tilespmem:s12+$0x54F0] =	vst v3;
	v3 =	vmul.f32 v62, v12  }
0x130: {  	v17 =	vld [tilespmem:s12+$0x5570];
	[tilespmem:s12+$0x5500] =	vst v2;
	v2 =	vmul.f32 v63, v12  }
0x131: {  	v18 =	vld [tilespmem:s12+$0x5580];
	[tilespmem:s12+$0x5510] =	vst v3;
	v3 =	vmul.f32 v13, v12  }
0x132: {  	v19 =	vld [tilespmem:s12+$0x5590];
	[tilespmem:s12+$0x5520] =	vst v2;
	v2 =	vmul.f32 v14, v12  }
0x133: {  	v20 =	vld [tilespmem:s12+$0x55A0];
	[tilespmem:s12+$0x5530] =	vst v3;
	v3 =	vmul.f32 v15, v12  }
0x134: {  	v22 =	vld [tilespmem:s12+$0x55B0];
	v21 =	vbroadcast v1, $0x5;
	[tilespmem:s12+$0x5540] =	vst v2;
	v2 =	vmul.f32 v16, v12  }
0x135: {  	v23 =	vld [tilespmem:s12+$0x55C0];
	[tilespmem:s12+$0x5550] =	vst v3;
	v3 =	vmul.f32 v17, v12  }
0x136: {  	v24 =	vld [tilespmem:s12+$0x55D0];
	[tilespmem:s12+$0x5560] =	vst v2;
	v2 =	vmul.f32 v18, v21  }
0x137: {  	v25 =	vld [tilespmem:s12+$0x55E0];
	[tilespmem:s12+$0x5570] =	vst v3;
	v3 =	vmul.f32 v19, v21  }
0x138: {  	v26 =	vld [tilespmem:s12+$0x55F0];
	[tilespmem:s12+$0x5580] =	vst v2;
	v2 =	vmul.f32 v20, v21  }
0x139: {  	v27 =	vld [tilespmem:s12+$0x5600];
	[tilespmem:s12+$0x5590] =	vst v3;
	v3 =	vmul.f32 v22, v21  }
0x13a: {  	v28 =	vld [tilespmem:s12+$0x5610];
	[tilespmem:s12+$0x55A0] =	vst v2;
	v2 =	vmul.f32 v23, v21  }
0x13b: {  	v29 =	vld [tilespmem:s12+$0x5620];
	[tilespmem:s12+$0x55B0] =	vst v3;
	v3 =	vmul.f32 v24, v21  }
0x13c: {  	v31 =	vld [tilespmem:s12+$0x5630];
	v30 =	vbroadcast v1, $0x6;
	[tilespmem:s12+$0x55C0] =	vst v2;
	v2 =	vmul.f32 v25, v21  }
0x13d: {  	v32 =	vld [tilespmem:s12+$0x5640];
	[tilespmem:s12+$0x55D0] =	vst v3;
	v3 =	vmul.f32 v26, v21  }
0x13e: {  	v33 =	vld [tilespmem:s12+$0x5650];
	[tilespmem:s12+$0x55E0] =	vst v2;
	v2 =	vmul.f32 v27, v30  }
0x13f: {  	v34 =	vld [tilespmem:s12+$0x5660];
	[tilespmem:s12+$0x55F0] =	vst v3;
	v3 =	vmul.f32 v28, v30  }
0x140: {  	v35 =	vld [tilespmem:s12+$0x5670];
	[tilespmem:s12+$0x5600] =	vst v2;
	v2 =	vmul.f32 v29, v30  }
0x141: {  	v36 =	vld [tilespmem:s12+$0x5680];
	[tilespmem:s12+$0x5610] =	vst v3;
	v3 =	vmul.f32 v31, v30  }
0x142: {  	v37 =	vld [tilespmem:s12+$0x5690];
	[tilespmem:s12+$0x5620] =	vst v2;
	v2 =	vmul.f32 v32, v30  }
0x143: {  	v38 =	vld [tilespmem:s12+$0x56A0];
	[tilespmem:s12+$0x5630] =	vst v3;
	v3 =	vmul.f32 v33, v30  }
0x144: {  	v39 =	vbroadcast v1, $0x7;
	v40 =	vld [tilespmem:s12+$0x56B0];
	[tilespmem:s12+$0x5640] =	vst v2;
	v2 =	vmul.f32 v34, v30  }
0x145: {  	v41 =	vld [tilespmem:s12+$0x56C0];
	[tilespmem:s12+$0x5650] =	vst v3;
	v3 =	vmul.f32 v35, v30  }
0x146: {  	v42 =	vld [tilespmem:s12+$0x56D0];
	[tilespmem:s12+$0x5660] =	vst v2;
	v2 =	vmul.f32 v36, v39  }
0x147: {  	v43 =	vld [tilespmem:s12+$0x56E0];
	[tilespmem:s12+$0x5670] =	vst v3;
	v3 =	vmul.f32 v37, v39  }
0x148: {  	v44 =	vld [tilespmem:s12+$0x56F0];
	[tilespmem:s12+$0x5680] =	vst v2;
	v2 =	vmul.f32 v38, v39  }
0x149: {  	v45 =	vld [tilespmem:s12+$0x5700];
	[tilespmem:s12+$0x5690] =	vst v3;
	v3 =	vmul.f32 v40, v39  }
0x14a: {  	v46 =	vld [tilespmem:s12+$0x5710];
	[tilespmem:s12+$0x56A0] =	vst v2;
	v2 =	vmul.f32 v41, v39  }
0x14b: {  	v47 =	vld [tilespmem:s12+$0x5720];
	[tilespmem:s12+$0x56B0] =	vst v3;
	v3 =	vmul.f32 v42, v39  }
0x14c: {  	v48 =	vbroadcast v1, $0x8;
	v49 =	vld [tilespmem:s12+$0x5730];
	[tilespmem:s12+$0x56C0] =	vst v2;
	v2 =	vmul.f32 v43, v39  }
0x14d: {  	v50 =	vld [tilespmem:s12+$0x5740];
	[tilespmem:s12+$0x56D0] =	vst v3;
	v3 =	vmul.f32 v44, v39  }
0x14e: {  	v51 =	vld [tilespmem:s12+$0x5750];
	[tilespmem:s12+$0x56E0] =	vst v2;
	v2 =	vmul.f32 v45, v48  }
0x14f: {  	v52 =	vld [tilespmem:s12+$0x5760];
	[tilespmem:s12+$0x56F0] =	vst v3;
	v3 =	vmul.f32 v46, v48  }
0x150: {  	v53 =	vld [tilespmem:s12+$0x5770];
	[tilespmem:s12+$0x5700] =	vst v2;
	v2 =	vmul.f32 v47, v48  }
0x151: {  	v54 =	vld [tilespmem:s12+$0x5780];
	[tilespmem:s12+$0x5710] =	vst v3;
	v3 =	vmul.f32 v49, v48  }
0x152: {  	v55 =	vld [tilespmem:s12+$0x5790];
	[tilespmem:s12+$0x5720] =	vst v2;
	v2 =	vmul.f32 v50, v48  }
0x153: {  	v56 =	vld [tilespmem:s12+$0x57A0];
	[tilespmem:s12+$0x5730] =	vst v3;
	v3 =	vmul.f32 v51, v48  }
0x154: {  	v57 =	vbroadcast v1, $0x9;
	v58 =	vld [tilespmem:s12+$0x57B0];
	[tilespmem:s12+$0x5740] =	vst v2;
	v2 =	vmul.f32 v52, v48  }
0x155: {  	v59 =	vld [tilespmem:s12+$0x57C0];
	[tilespmem:s12+$0x5750] =	vst v3;
	v3 =	vmul.f32 v53, v48  }
0x156: {  	v60 =	vld [tilespmem:s12+$0x57D0];
	[tilespmem:s12+$0x5760] =	vst v2;
	v2 =	vmul.f32 v54, v57  }
0x157: {  	v61 =	vld [tilespmem:s12+$0x57E0];
	[tilespmem:s12+$0x5770] =	vst v3;
	v3 =	vmul.f32 v55, v57  }
0x158: {  	v62 =	vld [tilespmem:s12+$0x57F0];
	[tilespmem:s12+$0x5780] =	vst v2;
	v2 =	vmul.f32 v56, v57  }
0x159: {  	v63 =	vld [tilespmem:s12+$0x5800];
	[tilespmem:s12+$0x5790] =	vst v3;
	v3 =	vmul.f32 v58, v57  }
0x15a: {  	v12 =	vld [tilespmem:s12+$0x5810];
	[tilespmem:s12+$0x57A0] =	vst v2;
	v2 =	vmul.f32 v59, v57  }
0x15b: {  	v13 =	vld [tilespmem:s12+$0x5820];
	[tilespmem:s12+$0x57B0] =	vst v3;
	v3 =	vmul.f32 v60, v57  }
0x15c: {  	v14 =	vbroadcast v1, $0xA;
	v15 =	vld [tilespmem:s12+$0x5830];
	[tilespmem:s12+$0x57C0] =	vst v2;
	v2 =	vmul.f32 v61, v57  }
0x15d: {  	v16 =	vld [tilespmem:s12+$0x5840];
	[tilespmem:s12+$0x57D0] =	vst v3;
	v3 =	vmul.f32 v62, v57  }
0x15e: {  	v17 =	vld [tilespmem:s12+$0x5850];
	[tilespmem:s12+$0x57E0] =	vst v2;
	v2 =	vmul.f32 v63, v14  }
0x15f: {  	v18 =	vld [tilespmem:s12+$0x5860];
	[tilespmem:s12+$0x57F0] =	vst v3;
	v3 =	vmul.f32 v12, v14  }
0x160: {  	v19 =	vld [tilespmem:s12+$0x5870];
	[tilespmem:s12+$0x5800] =	vst v2;
	v2 =	vmul.f32 v13, v14  }
0x161: {  	v20 =	vld [tilespmem:s12+$0x5880];
	[tilespmem:s12+$0x5810] =	vst v3;
	v3 =	vmul.f32 v15, v14  }
0x162: {  	v21 =	vld [tilespmem:s12+$0x5890];
	[tilespmem:s12+$0x5820] =	vst v2;
	v2 =	vmul.f32 v16, v14  }
0x163: {  	v22 =	vld [tilespmem:s12+$0x58A0];
	[tilespmem:s12+$0x5830] =	vst v3;
	v3 =	vmul.f32 v17, v14  }
0x164: {  	v23 =	vbroadcast v1, $0xB;
	v24 =	vld [tilespmem:s12+$0x58B0];
	[tilespmem:s12+$0x5840] =	vst v2;
	v2 =	vmul.f32 v18, v14  }
0x165: {  	v25 =	vld [tilespmem:s12+$0x58C0];
	[tilespmem:s12+$0x5850] =	vst v3;
	v3 =	vmul.f32 v19, v14  }
0x166: {  	v26 =	vld [tilespmem:s12+$0x58D0];
	[tilespmem:s12+$0x5860] =	vst v2;
	v2 =	vmul.f32 v20, v23  }
0x167: {  	v27 =	vld [tilespmem:s12+$0x58E0];
	[tilespmem:s12+$0x5870] =	vst v3;
	v3 =	vmul.f32 v21, v23  }
0x168: {  	v28 =	vld [tilespmem:s12+$0x58F0];
	[tilespmem:s12+$0x5880] =	vst v2;
	v2 =	vmul.f32 v22, v23  }
0x169: {  	v29 =	vld [tilespmem:s12+$0x5900];
	[tilespmem:s12+$0x5890] =	vst v3;
	v3 =	vmul.f32 v24, v23  }
0x16a: {  	v30 =	vld [tilespmem:s12+$0x5910];
	[tilespmem:s12+$0x58A0] =	vst v2;
	v2 =	vmul.f32 v25, v23  }
0x16b: {  	v31 =	vld [tilespmem:s12+$0x5920];
	[tilespmem:s12+$0x58B0] =	vst v3;
	v3 =	vmul.f32 v26, v23  }
0x16c: {  	v32 =	vbroadcast v1, $0xC;
	v33 =	vld [tilespmem:s12+$0x5930];
	[tilespmem:s12+$0x58C0] =	vst v2;
	v2 =	vmul.f32 v27, v23  }
0x16d: {  	v34 =	vld [tilespmem:s12+$0x5940];
	[tilespmem:s12+$0x58D0] =	vst v3;
	v3 =	vmul.f32 v28, v23  }
0x16e: {  	v35 =	vld [tilespmem:s12+$0x5950];
	[tilespmem:s12+$0x58E0] =	vst v2;
	v2 =	vmul.f32 v29, v32  }
0x16f: {  	v36 =	vld [tilespmem:s12+$0x5960];
	[tilespmem:s12+$0x58F0] =	vst v3;
	v3 =	vmul.f32 v30, v32  }
0x170: {  	v37 =	vld [tilespmem:s12+$0x5970];
	[tilespmem:s12+$0x5900] =	vst v2;
	v2 =	vmul.f32 v31, v32  }
0x171: {  	v38 =	vld [tilespmem:s12+$0x5980];
	[tilespmem:s12+$0x5910] =	vst v3;
	v3 =	vmul.f32 v33, v32  }
0x172: {  	v39 =	vld [tilespmem:s12+$0x5990];
	[tilespmem:s12+$0x5920] =	vst v2;
	v2 =	vmul.f32 v34, v32  }
0x173: {  	v40 =	vld [tilespmem:s12+$0x59A0];
	[tilespmem:s12+$0x5930] =	vst v3;
	v3 =	vmul.f32 v35, v32  }
0x174: {  	v41 =	vbroadcast v1, $0xD;
	v42 =	vld [tilespmem:s12+$0x59B0];
	[tilespmem:s12+$0x5940] =	vst v2;
	v2 =	vmul.f32 v36, v32  }
0x175: {  	v43 =	vld [tilespmem:s12+$0x59C0];
	[tilespmem:s12+$0x5950] =	vst v3;
	v3 =	vmul.f32 v37, v32  }
0x176: {  	v44 =	vld [tilespmem:s12+$0x59D0];
	[tilespmem:s12+$0x5960] =	vst v2;
	v2 =	vmul.f32 v38, v41  }
0x177: {  	v45 =	vld [tilespmem:s12+$0x59E0];
	[tilespmem:s12+$0x5970] =	vst v3;
	v3 =	vmul.f32 v39, v41  }
0x178: {  	v46 =	vld [tilespmem:s12+$0x59F0];
	[tilespmem:s12+$0x5980] =	vst v2;
	v2 =	vmul.f32 v40, v41  }
0x179: {  	v47 =	vld [tilespmem:s12+$0x5A00];
	[tilespmem:s12+$0x5990] =	vst v3;
	v3 =	vmul.f32 v42, v41  }
0x17a: {  	v48 =	vld [tilespmem:s12+$0x5A10];
	[tilespmem:s12+$0x59A0] =	vst v2;
	v2 =	vmul.f32 v43, v41  }
0x17b: {  	v49 =	vld [tilespmem:s12+$0x5A20];
	[tilespmem:s12+$0x59B0] =	vst v3;
	v3 =	vmul.f32 v44, v41  }
0x17c: {  	v50 =	vbroadcast v1, $0xE;
	v51 =	vld [tilespmem:s12+$0x5A30];
	[tilespmem:s12+$0x59C0] =	vst v2;
	v2 =	vmul.f32 v45, v41  }
0x17d: {  	v52 =	vld [tilespmem:s12+$0x5A40];
	[tilespmem:s12+$0x59D0] =	vst v3;
	v3 =	vmul.f32 v46, v41  }
0x17e: {  	v53 =	vld [tilespmem:s12+$0x5A50];
	[tilespmem:s12+$0x59E0] =	vst v2;
	v2 =	vmul.f32 v47, v50  }
0x17f: {  	v54 =	vld [tilespmem:s12+$0x5A60];
	[tilespmem:s12+$0x59F0] =	vst v3;
	v3 =	vmul.f32 v48, v50  }
0x180: {  	v55 =	vld [tilespmem:s12+$0x5A70];
	[tilespmem:s12+$0x5A00] =	vst v2;
	v2 =	vmul.f32 v49, v50  }
0x181: {  	v56 =	vld [tilespmem:s12+$0x5A80];
	[tilespmem:s12+$0x5A10] =	vst v3;
	v3 =	vmul.f32 v51, v50  }
0x182: {  	v57 =	vld [tilespmem:s12+$0x5A90];
	[tilespmem:s12+$0x5A20] =	vst v2;
	v2 =	vmul.f32 v52, v50  }
0x183: {  	v58 =	vld [tilespmem:s12+$0x5AA0];
	[tilespmem:s12+$0x5A30] =	vst v3;
	v3 =	vmul.f32 v53, v50  }
0x184: {  	v1 =	vbroadcast v1, $0xF;
	v59 =	vld [tilespmem:s12+$0x5AB0];
	[tilespmem:s12+$0x5A40] =	vst v2;
	v2 =	vmul.f32 v54, v50  }
0x185: {  	v60 =	vld [tilespmem:s12+$0x5AC0];
	[tilespmem:s12+$0x5A50] =	vst v3;
	v3 =	vmul.f32 v55, v50  }
0x186: {  	v61 =	vld [tilespmem:s12+$0x5AD0];
	[tilespmem:s12+$0x5A60] =	vst v2;
	v2 =	vmul.f32 v56, v1  }
0x187: {  	v62 =	vld [tilespmem:s12+$0x5AE0];
	[tilespmem:s12+$0x5A70] =	vst v3;
	v3 =	vmul.f32 v57, v1  }
0x188: {  	v63 =	vld [tilespmem:s12+$0x5AF0];
	[tilespmem:s12+$0x5A80] =	vst v2;
	v2 =	vmul.f32 v58, v1  }
0x189: {  	[tilespmem:s12+$0x5A90] =	vst v3;
	v3 =	vmul.f32 v59, v1  }
0x18a: {  	p2 =	sne.s32 s11, $0x4;
	[tilespmem:s12+$0x5AA0] =	vst v2;
	v2 =	vmul.f32 v60, v1  }
.Ltmp6:
0x18b: {  	[tilespmem:s12+$0x5AB0] =	vst v3;
	v3 =	vmul.f32 v61, v1;
	(pc) =	sbr.rel @p2 .LBB2_6-.Ltmp6, $4  }
0x18c: {  	[tilespmem:s12+$0x5AC0] =	vst v2;
	v2 =	vmul.f32 v62, v1  }
0x18d: {  	[tilespmem:s12+$0x5AD0] =	vst v3;
	v1 =	vmul.f32 v63, v1  }
0x18e: {  	[tilespmem:s12+$0x5AE0] =	vst v2  }
0x18f: {  	s11 =	sadd.s32 $0x1, s11;
	[tilespmem:s12+$0x5AF0] =	vst v1  }
0x190: {  	[spmem:s0] =	stream.indirect.scatter.add.f32 [tilespmem:s28], [sflag:$0x3], $0x80, s31, s30, $0xb8;
	[tilespmem:$0x1EF80] =	vst v63  }
.LBB2_8:
0x191: {  	p2 =	seq.s32 s9, $0x0  }
0x192: {  	p3 =	sne.s32 @!p2 s10, $0x0  }
0x193: {  	p2 =	por p2, p3  }
.Ltmp7:
0x194: {  	_ = 	snop;
	(pc) =	sbr.rel @p2 .LBB2_12-.Ltmp7, $1  }
0x195: {  	_ =	sdelay $0x3  }
0x196: {  	_ =	swait.ge [sflag:s1], $0x2800  }
0x197: {  	[sflag:s1] =	ssyncset.done $0x0  }
0x198: {  	s10 =	simm.s32 $0x0;
	[sflag:s1] =	ssyncadd.s32 $0xFFFFD800  }
.LBB2_10:
0x199: {  	s11 =	sshll.u32 s10, $0x4  }
0x19a: {  	s11 =	sand.u32 $0x3FFFFFF0, s11  }
0x19b: {  	v1 =	vld [tilespmem:s11+$0x5280];
	_ =	sdelay $0x4  }
0x19c: {  	v1 =	vmax.f32 v1, $1.000000000e+00  }
0x19d: {  	(erf) = vrcp.f32 v1;
	_ =	sdelay $0x4  }
0x19e: {  	s14 =	sshll.u32 s10, $0xB  }
0x19f: {  	s11 =	sand.u32 $0x3FFFF800, s14  }
0x1a0: {  	v2 =	vld [tilespmem:s11+$0x7B00]  }
0x1a1: {  	v3 =	vld [tilespmem:s11+$0x7B10]  }
0x1a2: {  	v4 =	vld [tilespmem:s11+$0x7B20];
	v1 =	vpop (erf)  }
0x1a3: {  	v6 =	vld [tilespmem:s11+$0x7B30];
	v5 =	vbroadcast v1, $0x0  }
0x1a4: {  	v7 =	vld [tilespmem:s11+$0x7B40]  }
0x1a5: {  	v8 =	vld [tilespmem:s11+$0x7B50];
	v2 =	vmul.f32 v5, v2  }
0x1a6: {  	v9 =	vld [tilespmem:s11+$0x7B60];
	v3 =	vmul.f32 v5, v3  }
0x1a7: {  	v34 =	vld [tilespmem:s11+$0x7B70];
	[tilespmem:s11+$0x7B00] =	vst v2;
	v2 =	vmul.f32 v4, v5  }
0x1a8: {  	v35 =	vld [tilespmem:s11+$0x7B80];
	[tilespmem:s11+$0x7B10] =	vst v3;
	v3 =	vmul.f32 v6, v5  }
0x1a9: {  	v36 =	vld [tilespmem:s11+$0x7B90];
	[tilespmem:s11+$0x7B20] =	vst v2;
	v2 =	vmul.f32 v7, v5  }
0x1aa: {  	v37 =	vld [tilespmem:s11+$0x7BA0];
	[tilespmem:s11+$0x7B30] =	vst v3;
	v3 =	vmul.f32 v8, v5  }
0x1ab: {  	v10 =	vld [tilespmem:s11+$0x7BB0];
	v38 =	vbroadcast v1, $0x1;
	[tilespmem:s11+$0x7B40] =	vst v2;
	v2 =	vmul.f32 v9, v5  }
0x1ac: {  	v39 =	vld [tilespmem:s11+$0x7BC0];
	[tilespmem:s11+$0x7B50] =	vst v3;
	v3 =	vmul.f32 v34, v5  }
0x1ad: {  	v40 =	vld [tilespmem:s11+$0x7BD0];
	[tilespmem:s11+$0x7B60] =	vst v2;
	v2 =	vmul.f32 v35, v38  }
0x1ae: {  	v41 =	vld [tilespmem:s11+$0x7BE0];
	[tilespmem:s11+$0x7B70] =	vst v3;
	v3 =	vmul.f32 v36, v38  }
0x1af: {  	v42 =	vld [tilespmem:s11+$0x7BF0];
	[tilespmem:s11+$0x7B80] =	vst v2;
	v2 =	vmul.f32 v37, v38  }
0x1b0: {  	v43 =	vld [tilespmem:s11+$0x7C00];
	[tilespmem:s11+$0x7B90] =	vst v3;
	v3 =	vmul.f32 v10, v38  }
0x1b1: {  	v44 =	vld [tilespmem:s11+$0x7C10];
	[tilespmem:s11+$0x7BA0] =	vst v2;
	v2 =	vmul.f32 v39, v38  }
0x1b2: {  	v45 =	vld [tilespmem:s11+$0x7C20];
	[tilespmem:s11+$0x7BB0] =	vst v3;
	v3 =	vmul.f32 v40, v38  }
0x1b3: {  	v47 =	vld [tilespmem:s11+$0x7C30];
	v46 =	vbroadcast v1, $0x2;
	[tilespmem:s11+$0x7BC0] =	vst v2;
	v2 =	vmul.f32 v41, v38  }
0x1b4: {  	v48 =	vld [tilespmem:s11+$0x7C40];
	[tilespmem:s11+$0x7BD0] =	vst v3;
	v3 =	vmul.f32 v42, v38  }
0x1b5: {  	v49 =	vld [tilespmem:s11+$0x7C50];
	[tilespmem:s11+$0x7BE0] =	vst v2;
	v2 =	vmul.f32 v43, v46  }
0x1b6: {  	v50 =	vld [tilespmem:s11+$0x7C60];
	[tilespmem:s11+$0x7BF0] =	vst v3;
	v3 =	vmul.f32 v44, v46  }
0x1b7: {  	v51 =	vld [tilespmem:s11+$0x7C70];
	[tilespmem:s11+$0x7C00] =	vst v2;
	v2 =	vmul.f32 v45, v46  }
0x1b8: {  	v52 =	vld [tilespmem:s11+$0x7C80];
	[tilespmem:s11+$0x7C10] =	vst v3;
	v3 =	vmul.f32 v47, v46  }
0x1b9: {  	v53 =	vld [tilespmem:s11+$0x7C90];
	[tilespmem:s11+$0x7C20] =	vst v2;
	v2 =	vmul.f32 v48, v46  }
0x1ba: {  	v54 =	vld [tilespmem:s11+$0x7CA0];
	[tilespmem:s11+$0x7C30] =	vst v3;
	v3 =	vmul.f32 v49, v46  }
0x1bb: {  	v56 =	vld [tilespmem:s11+$0x7CB0];
	v55 =	vbroadcast v1, $0x3;
	[tilespmem:s11+$0x7C40] =	vst v2;
	v2 =	vmul.f32 v50, v46  }
0x1bc: {  	v57 =	vld [tilespmem:s11+$0x7CC0];
	[tilespmem:s11+$0x7C50] =	vst v3;
	v3 =	vmul.f32 v51, v46  }
0x1bd: {  	v58 =	vld [tilespmem:s11+$0x7CD0];
	[tilespmem:s11+$0x7C60] =	vst v2;
	v2 =	vmul.f32 v52, v55  }
0x1be: {  	v59 =	vld [tilespmem:s11+$0x7CE0];
	[tilespmem:s11+$0x7C70] =	vst v3;
	v3 =	vmul.f32 v53, v55  }
0x1bf: {  	v60 =	vld [tilespmem:s11+$0x7CF0];
	[tilespmem:s11+$0x7C80] =	vst v2;
	v2 =	vmul.f32 v54, v55  }
0x1c0: {  	v61 =	vld [tilespmem:s11+$0x7D00];
	[tilespmem:s11+$0x7C90] =	vst v3;
	v3 =	vmul.f32 v56, v55  }
0x1c1: {  	v62 =	vld [tilespmem:s11+$0x7D10];
	[tilespmem:s11+$0x7CA0] =	vst v2;
	v2 =	vmul.f32 v57, v55  }
0x1c2: {  	v63 =	vld [tilespmem:s11+$0x7D20];
	[tilespmem:s11+$0x7CB0] =	vst v3;
	v3 =	vmul.f32 v58, v55  }
0x1c3: {  	v13 =	vld [tilespmem:s11+$0x7D30];
	v12 =	vbroadcast v1, $0x4;
	[tilespmem:s11+$0x7CC0] =	vst v2;
	v2 =	vmul.f32 v59, v55  }
0x1c4: {  	v14 =	vld [tilespmem:s11+$0x7D40];
	[tilespmem:s11+$0x7CD0] =	vst v3;
	v3 =	vmul.f32 v60, v55  }
0x1c5: {  	v15 =	vld [tilespmem:s11+$0x7D50];
	[tilespmem:s11+$0x7CE0] =	vst v2;
	v2 =	vmul.f32 v61, v12  }
0x1c6: {  	v16 =	vld [tilespmem:s11+$0x7D60];
	[tilespmem:s11+$0x7CF0] =	vst v3;
	v3 =	vmul.f32 v62, v12  }
0x1c7: {  	v17 =	vld [tilespmem:s11+$0x7D70];
	[tilespmem:s11+$0x7D00] =	vst v2;
	v2 =	vmul.f32 v63, v12  }
0x1c8: {  	v18 =	vld [tilespmem:s11+$0x7D80];
	[tilespmem:s11+$0x7D10] =	vst v3;
	v3 =	vmul.f32 v13, v12  }
0x1c9: {  	v19 =	vld [tilespmem:s11+$0x7D90];
	[tilespmem:s11+$0x7D20] =	vst v2;
	v2 =	vmul.f32 v14, v12  }
0x1ca: {  	v20 =	vld [tilespmem:s11+$0x7DA0];
	[tilespmem:s11+$0x7D30] =	vst v3;
	v3 =	vmul.f32 v15, v12  }
0x1cb: {  	v22 =	vld [tilespmem:s11+$0x7DB0];
	v21 =	vbroadcast v1, $0x5;
	[tilespmem:s11+$0x7D40] =	vst v2;
	v2 =	vmul.f32 v16, v12  }
0x1cc: {  	v23 =	vld [tilespmem:s11+$0x7DC0];
	[tilespmem:s11+$0x7D50] =	vst v3;
	v3 =	vmul.f32 v17, v12  }
0x1cd: {  	v24 =	vld [tilespmem:s11+$0x7DD0];
	[tilespmem:s11+$0x7D60] =	vst v2;
	v2 =	vmul.f32 v18, v21  }
0x1ce: {  	v25 =	vld [tilespmem:s11+$0x7DE0];
	[tilespmem:s11+$0x7D70] =	vst v3;
	v3 =	vmul.f32 v19, v21  }
0x1cf: {  	v26 =	vld [tilespmem:s11+$0x7DF0];
	[tilespmem:s11+$0x7D80] =	vst v2;
	v2 =	vmul.f32 v20, v21  }
0x1d0: {  	v27 =	vld [tilespmem:s11+$0x7E00];
	[tilespmem:s11+$0x7D90] =	vst v3;
	v3 =	vmul.f32 v22, v21  }
0x1d1: {  	v28 =	vld [tilespmem:s11+$0x7E10];
	[tilespmem:s11+$0x7DA0] =	vst v2;
	v2 =	vmul.f32 v23, v21  }
0x1d2: {  	v29 =	vld [tilespmem:s11+$0x7E20];
	[tilespmem:s11+$0x7DB0] =	vst v3;
	v3 =	vmul.f32 v24, v21  }
0x1d3: {  	v31 =	vld [tilespmem:s11+$0x7E30];
	v30 =	vbroadcast v1, $0x6;
	[tilespmem:s11+$0x7DC0] =	vst v2;
	v2 =	vmul.f32 v25, v21  }
0x1d4: {  	v32 =	vld [tilespmem:s11+$0x7E40];
	[tilespmem:s11+$0x7DD0] =	vst v3;
	v3 =	vmul.f32 v26, v21  }
0x1d5: {  	v33 =	vld [tilespmem:s11+$0x7E50];
	[tilespmem:s11+$0x7DE0] =	vst v2;
	v2 =	vmul.f32 v27, v30  }
0x1d6: {  	v34 =	vld [tilespmem:s11+$0x7E60];
	[tilespmem:s11+$0x7DF0] =	vst v3;
	v3 =	vmul.f32 v28, v30  }
0x1d7: {  	v35 =	vld [tilespmem:s11+$0x7E70];
	[tilespmem:s11+$0x7E00] =	vst v2;
	v2 =	vmul.f32 v29, v30  }
0x1d8: {  	v36 =	vld [tilespmem:s11+$0x7E80];
	[tilespmem:s11+$0x7E10] =	vst v3;
	v3 =	vmul.f32 v31, v30  }
0x1d9: {  	v37 =	vld [tilespmem:s11+$0x7E90];
	[tilespmem:s11+$0x7E20] =	vst v2;
	v2 =	vmul.f32 v32, v30  }
0x1da: {  	v38 =	vld [tilespmem:s11+$0x7EA0];
	[tilespmem:s11+$0x7E30] =	vst v3;
	v3 =	vmul.f32 v33, v30  }
0x1db: {  	v39 =	vbroadcast v1, $0x7;
	v40 =	vld [tilespmem:s11+$0x7EB0];
	[tilespmem:s11+$0x7E40] =	vst v2;
	v2 =	vmul.f32 v34, v30  }
0x1dc: {  	v41 =	vld [tilespmem:s11+$0x7EC0];
	[tilespmem:s11+$0x7E50] =	vst v3;
	v3 =	vmul.f32 v35, v30  }
0x1dd: {  	v42 =	vld [tilespmem:s11+$0x7ED0];
	[tilespmem:s11+$0x7E60] =	vst v2;
	v2 =	vmul.f32 v36, v39  }
0x1de: {  	v43 =	vld [tilespmem:s11+$0x7EE0];
	[tilespmem:s11+$0x7E70] =	vst v3;
	v3 =	vmul.f32 v37, v39  }
0x1df: {  	v44 =	vld [tilespmem:s11+$0x7EF0];
	[tilespmem:s11+$0x7E80] =	vst v2;
	v2 =	vmul.f32 v38, v39  }
0x1e0: {  	v45 =	vld [tilespmem:s11+$0x7F00];
	[tilespmem:s11+$0x7E90] =	vst v3;
	v3 =	vmul.f32 v40, v39  }
0x1e1: {  	v46 =	vld [tilespmem:s11+$0x7F10];
	[tilespmem:s11+$0x7EA0] =	vst v2;
	v2 =	vmul.f32 v41, v39  }
0x1e2: {  	v47 =	vld [tilespmem:s11+$0x7F20];
	[tilespmem:s11+$0x7EB0] =	vst v3;
	v3 =	vmul.f32 v42, v39  }
0x1e3: {  	v48 =	vbroadcast v1, $0x8;
	v49 =	vld [tilespmem:s11+$0x7F30];
	[tilespmem:s11+$0x7EC0] =	vst v2;
	v2 =	vmul.f32 v43, v39  }
0x1e4: {  	v50 =	vld [tilespmem:s11+$0x7F40];
	[tilespmem:s11+$0x7ED0] =	vst v3;
	v3 =	vmul.f32 v44, v39  }
0x1e5: {  	v51 =	vld [tilespmem:s11+$0x7F50];
	[tilespmem:s11+$0x7EE0] =	vst v2;
	v2 =	vmul.f32 v45, v48  }
0x1e6: {  	v52 =	vld [tilespmem:s11+$0x7F60];
	[tilespmem:s11+$0x7EF0] =	vst v3;
	v3 =	vmul.f32 v46, v48  }
0x1e7: {  	v53 =	vld [tilespmem:s11+$0x7F70];
	[tilespmem:s11+$0x7F00] =	vst v2;
	v2 =	vmul.f32 v47, v48  }
0x1e8: {  	v54 =	vld [tilespmem:s11+$0x7F80];
	[tilespmem:s11+$0x7F10] =	vst v3;
	v3 =	vmul.f32 v49, v48  }
0x1e9: {  	v55 =	vld [tilespmem:s11+$0x7F90];
	[tilespmem:s11+$0x7F20] =	vst v2;
	v2 =	vmul.f32 v50, v48  }
0x1ea: {  	v56 =	vld [tilespmem:s11+$0x7FA0];
	[tilespmem:s11+$0x7F30] =	vst v3;
	v3 =	vmul.f32 v51, v48  }
0x1eb: {  	v57 =	vbroadcast v1, $0x9;
	v58 =	vld [tilespmem:s11+$0x7FB0];
	[tilespmem:s11+$0x7F40] =	vst v2;
	v2 =	vmul.f32 v52, v48  }
0x1ec: {  	v59 =	vld [tilespmem:s11+$0x7FC0];
	[tilespmem:s11+$0x7F50] =	vst v3;
	v3 =	vmul.f32 v53, v48  }
0x1ed: {  	v60 =	vld [tilespmem:s11+$0x7FD0];
	[tilespmem:s11+$0x7F60] =	vst v2;
	v2 =	vmul.f32 v54, v57  }
0x1ee: {  	v61 =	vld [tilespmem:s11+$0x7FE0];
	[tilespmem:s11+$0x7F70] =	vst v3;
	v3 =	vmul.f32 v55, v57  }
0x1ef: {  	v62 =	vld [tilespmem:s11+$0x7FF0];
	[tilespmem:s11+$0x7F80] =	vst v2;
	v2 =	vmul.f32 v56, v57  }
0x1f0: {  	v63 =	vld [tilespmem:s11+$0x8000];
	[tilespmem:s11+$0x7F90] =	vst v3;
	v3 =	vmul.f32 v58, v57  }
0x1f1: {  	v12 =	vld [tilespmem:s11+$0x8010];
	[tilespmem:s11+$0x7FA0] =	vst v2;
	v2 =	vmul.f32 v59, v57  }
0x1f2: {  	v13 =	vld [tilespmem:s11+$0x8020];
	[tilespmem:s11+$0x7FB0] =	vst v3;
	v3 =	vmul.f32 v60, v57  }
0x1f3: {  	v14 =	vbroadcast v1, $0xA;
	v15 =	vld [tilespmem:s11+$0x8030];
	[tilespmem:s11+$0x7FC0] =	vst v2;
	v2 =	vmul.f32 v61, v57  }
0x1f4: {  	v16 =	vld [tilespmem:s11+$0x8040];
	[tilespmem:s11+$0x7FD0] =	vst v3;
	v3 =	vmul.f32 v62, v57  }
0x1f5: {  	v17 =	vld [tilespmem:s11+$0x8050];
	[tilespmem:s11+$0x7FE0] =	vst v2;
	v2 =	vmul.f32 v63, v14  }
0x1f6: {  	v18 =	vld [tilespmem:s11+$0x8060];
	[tilespmem:s11+$0x7FF0] =	vst v3;
	v3 =	vmul.f32 v12, v14  }
0x1f7: {  	v19 =	vld [tilespmem:s11+$0x8070];
	[tilespmem:s11+$0x8000] =	vst v2;
	v2 =	vmul.f32 v13, v14  }
0x1f8: {  	v20 =	vld [tilespmem:s11+$0x8080];
	[tilespmem:s11+$0x8010] =	vst v3;
	v3 =	vmul.f32 v15, v14  }
0x1f9: {  	v21 =	vld [tilespmem:s11+$0x8090];
	[tilespmem:s11+$0x8020] =	vst v2;
	v2 =	vmul.f32 v16, v14  }
0x1fa: {  	v22 =	vld [tilespmem:s11+$0x80A0];
	[tilespmem:s11+$0x8030] =	vst v3;
	v3 =	vmul.f32 v17, v14  }
0x1fb: {  	v23 =	vbroadcast v1, $0xB;
	v24 =	vld [tilespmem:s11+$0x80B0];
	[tilespmem:s11+$0x8040] =	vst v2;
	v2 =	vmul.f32 v18, v14  }
0x1fc: {  	v25 =	vld [tilespmem:s11+$0x80C0];
	[tilespmem:s11+$0x8050] =	vst v3;
	v3 =	vmul.f32 v19, v14  }
0x1fd: {  	v26 =	vld [tilespmem:s11+$0x80D0];
	[tilespmem:s11+$0x8060] =	vst v2;
	v2 =	vmul.f32 v20, v23  }
0x1fe: {  	v27 =	vld [tilespmem:s11+$0x80E0];
	[tilespmem:s11+$0x8070] =	vst v3;
	v3 =	vmul.f32 v21, v23  }
0x1ff: {  	v28 =	vld [tilespmem:s11+$0x80F0];
	[tilespmem:s11+$0x8080] =	vst v2;
	v2 =	vmul.f32 v22, v23  }
0x200: {  	v29 =	vld [tilespmem:s11+$0x8100];
	[tilespmem:s11+$0x8090] =	vst v3;
	v3 =	vmul.f32 v24, v23  }
0x201: {  	v30 =	vld [tilespmem:s11+$0x8110];
	[tilespmem:s11+$0x80A0] =	vst v2;
	v2 =	vmul.f32 v25, v23  }
0x202: {  	v31 =	vld [tilespmem:s11+$0x8120];
	[tilespmem:s11+$0x80B0] =	vst v3;
	v3 =	vmul.f32 v26, v23  }
0x203: {  	v32 =	vbroadcast v1, $0xC;
	v33 =	vld [tilespmem:s11+$0x8130];
	[tilespmem:s11+$0x80C0] =	vst v2;
	v2 =	vmul.f32 v27, v23  }
0x204: {  	v34 =	vld [tilespmem:s11+$0x8140];
	[tilespmem:s11+$0x80D0] =	vst v3;
	v3 =	vmul.f32 v28, v23  }
0x205: {  	v35 =	vld [tilespmem:s11+$0x8150];
	[tilespmem:s11+$0x80E0] =	vst v2;
	v2 =	vmul.f32 v29, v32  }
0x206: {  	v36 =	vld [tilespmem:s11+$0x8160];
	[tilespmem:s11+$0x80F0] =	vst v3;
	v3 =	vmul.f32 v30, v32  }
0x207: {  	v37 =	vld [tilespmem:s11+$0x8170];
	[tilespmem:s11+$0x8100] =	vst v2;
	v2 =	vmul.f32 v31, v32  }
0x208: {  	v38 =	vld [tilespmem:s11+$0x8180];
	[tilespmem:s11+$0x8110] =	vst v3;
	v3 =	vmul.f32 v33, v32  }
0x209: {  	v39 =	vld [tilespmem:s11+$0x8190];
	[tilespmem:s11+$0x8120] =	vst v2;
	v2 =	vmul.f32 v34, v32  }
0x20a: {  	v40 =	vld [tilespmem:s11+$0x81A0];
	[tilespmem:s11+$0x8130] =	vst v3;
	v3 =	vmul.f32 v35, v32  }
0x20b: {  	v41 =	vbroadcast v1, $0xD;
	v42 =	vld [tilespmem:s11+$0x81B0];
	[tilespmem:s11+$0x8140] =	vst v2;
	v2 =	vmul.f32 v36, v32  }
0x20c: {  	v43 =	vld [tilespmem:s11+$0x81C0];
	[tilespmem:s11+$0x8150] =	vst v3;
	v3 =	vmul.f32 v37, v32  }
0x20d: {  	v44 =	vld [tilespmem:s11+$0x81D0];
	[tilespmem:s11+$0x8160] =	vst v2;
	v2 =	vmul.f32 v38, v41  }
0x20e: {  	v45 =	vld [tilespmem:s11+$0x81E0];
	[tilespmem:s11+$0x8170] =	vst v3;
	v3 =	vmul.f32 v39, v41  }
0x20f: {  	v46 =	vld [tilespmem:s11+$0x81F0];
	[tilespmem:s11+$0x8180] =	vst v2;
	v2 =	vmul.f32 v40, v41  }
0x210: {  	v47 =	vld [tilespmem:s11+$0x8200];
	[tilespmem:s11+$0x8190] =	vst v3;
	v3 =	vmul.f32 v42, v41  }
0x211: {  	v48 =	vld [tilespmem:s11+$0x8210];
	[tilespmem:s11+$0x81A0] =	vst v2;
	v2 =	vmul.f32 v43, v41  }
0x212: {  	v49 =	vld [tilespmem:s11+$0x8220];
	[tilespmem:s11+$0x81B0] =	vst v3;
	v3 =	vmul.f32 v44, v41  }
0x213: {  	v50 =	vbroadcast v1, $0xE;
	v51 =	vld [tilespmem:s11+$0x8230];
	[tilespmem:s11+$0x81C0] =	vst v2;
	v2 =	vmul.f32 v45, v41  }
0x214: {  	v52 =	vld [tilespmem:s11+$0x8240];
	[tilespmem:s11+$0x81D0] =	vst v3;
	v3 =	vmul.f32 v46, v41  }
0x215: {  	v53 =	vld [tilespmem:s11+$0x8250];
	[tilespmem:s11+$0x81E0] =	vst v2;
	v2 =	vmul.f32 v47, v50  }
0x216: {  	v54 =	vld [tilespmem:s11+$0x8260];
	[tilespmem:s11+$0x81F0] =	vst v3;
	v3 =	vmul.f32 v48, v50  }
0x217: {  	v55 =	vld [tilespmem:s11+$0x8270];
	[tilespmem:s11+$0x8200] =	vst v2;
	v2 =	vmul.f32 v49, v50  }
0x218: {  	v56 =	vld [tilespmem:s11+$0x8280];
	[tilespmem:s11+$0x8210] =	vst v3;
	v3 =	vmul.f32 v51, v50  }
0x219: {  	v57 =	vld [tilespmem:s11+$0x8290];
	[tilespmem:s11+$0x8220] =	vst v2;
	v2 =	vmul.f32 v52, v50  }
0x21a: {  	v58 =	vld [tilespmem:s11+$0x82A0];
	[tilespmem:s11+$0x8230] =	vst v3;
	v3 =	vmul.f32 v53, v50  }
0x21b: {  	v1 =	vbroadcast v1, $0xF;
	v59 =	vld [tilespmem:s11+$0x82B0];
	[tilespmem:s11+$0x8240] =	vst v2;
	v2 =	vmul.f32 v54, v50  }
0x21c: {  	v60 =	vld [tilespmem:s11+$0x82C0];
	[tilespmem:s11+$0x8250] =	vst v3;
	v3 =	vmul.f32 v55, v50  }
0x21d: {  	v61 =	vld [tilespmem:s11+$0x82D0];
	[tilespmem:s11+$0x8260] =	vst v2;
	v2 =	vmul.f32 v56, v1  }
0x21e: {  	v62 =	vld [tilespmem:s11+$0x82E0];
	[tilespmem:s11+$0x8270] =	vst v3;
	v3 =	vmul.f32 v57, v1  }
0x21f: {  	v63 =	vld [tilespmem:s11+$0x82F0];
	[tilespmem:s11+$0x8280] =	vst v2;
	v2 =	vmul.f32 v58, v1  }
0x220: {  	[tilespmem:s11+$0x8290] =	vst v3;
	v3 =	vmul.f32 v59, v1  }
0x221: {  	p2 =	sne.s32 s10, $0x4;
	[tilespmem:s11+$0x82A0] =	vst v2;
	v2 =	vmul.f32 v60, v1  }
.Ltmp8:
0x222: {  	[tilespmem:s11+$0x82B0] =	vst v3;
	v3 =	vmul.f32 v61, v1;
	(pc) =	sbr.rel @p2 .LBB2_10-.Ltmp8, $4  }
0x223: {  	[tilespmem:s11+$0x82C0] =	vst v2;
	v2 =	vmul.f32 v62, v1  }
0x224: {  	[tilespmem:s11+$0x82D0] =	vst v3;
	v1 =	vmul.f32 v63, v1  }
0x225: {  	[tilespmem:s11+$0x82E0] =	vst v2  }
0x226: {  	s10 =	sadd.s32 $0x1, s10;
	[tilespmem:s11+$0x82F0] =	vst v1  }
.Ltmp9:
0x227: {  	(pc) =	sbr.rel .LBB2_12-.Ltmp9, $2  }
0x228: {  	_ =	sdelay $0x2  }
0x229: {  	[spmem:s0] =	stream.indirect.scatter.add.f32 [tilespmem:s5], [sflag:$0x4], $0x80, s26, s30, $0xb8;
	[tilespmem:$0x1EF80] =	vst v63  }
.LBB2_14:
0x22a: {  	_ =	sfence.sel $0x180000  }
0x22b: {  	[bflag:$0x0] =	sbarrier.arrive $0xFFFF  }
0x22c: {  	_ =	strace $0x9000004A  }
0x22d: {  	[bflag:$0x2] =	sbarrier.arrive $0xFFFF  }
0x22e: {  	s0 =	rddreg [dreg:$0x3]  }
0x22f: {  	s0 =	sadd.s32 @!p0 $0x100000, s0  }
0x230: {  	[sflag:s0] =	ssyncadd.tile.s32 @!p0 $0x1;
	_ =	shalt  }
.Lfunc_end2:
_tile_overlayer_lowered:
.L_overlay_start_2:
0x231: {  	(tag) =	ssettag $0x2  }
0x232: {  	s0 =	rddreg [dreg:$0x0];
	s2 =	stileid.u32  }
0x233: {  	s1 =	rddreg [dreg:$0x1];
	p0 =	sne.s32 s2, $0x0  }
0x234: {  	s3 =	rddreg [dreg:$0x2];
	[bflag:$0x3] =	sbarrier.arrive $0xFFFF;
	s2 =	simm.s32 @!p0 $0x1C05  }
0x235: {  	[timem:s3], [sflag:s2] =	dma.local @!p0 [hbm:s0], s1  }
0x236: {  	s0 =	simm.s32 @!p0 $0x5  }
0x237: {  	_ =	swait.ge @!p0 [sflag:s0], s1  }
0x238: {  	s1 =	ssub.s32 @!p0 $0x0, s1;
	[sflag:s0] =	ssyncset.done @!p0 $0x0  }
0x239: {  	[sflag:s0] =	ssyncadd.s32 @!p0 s1  }
0x23a: {  	[bflag:$0x3] =	sbarrier.arrive $0xFFFF  }
0x23b: {  	_ =	shalt  }

</sc_bundles>
